<compile_context>
chip_gen: v7x
topology: tpu7x:2x2x1
jax: 0.10.2.dev20260603
libtpu: 0.0.44.dev20260713+nightly
codegen_flags: <defaults>
</compile_context>

<pallas_src>
import functools

import jax
import jax.numpy as jnp
from jax import lax
from jax.experimental import pallas as pl
from jax.experimental.pallas import tpu as pltpu
from jax.experimental.pallas import tpu_sc as plsc

_GAMMA = 0.7
_NUM_MOLECULES = 20000

_NC = 2
_NS = 16
_CB = 4096


def _sc_invw_kernel(N, ids_hbm, invw_hbm, counts_sh, e0, e1, bi0, bv0, bi1,
                    bv1, tabv, aw0, aw1, si0, si1, ss0, ss1, so0, so1):
    M = _NUM_MOLECULES
    cid = lax.axis_index("c")
    sid = lax.axis_index("s")

    zeros16 = jnp.zeros((16,), jnp.float32)

    for q in range(80):
        aw0[pl.ds(q * 16, 16)] = zeros16
    base_bins = sid * 1248

    @pl.when(sid < 15)
    def _():
        pltpu.sync_copy(aw0.at[pl.ds(0, 1248)],
                        counts_sh.at[pl.ds(base_bins, 1248)])

    @pl.when(sid == 15)
    def _():
        pltpu.sync_copy(aw0.at[pl.ds(0, 1280)],
                        counts_sh.at[pl.ds(base_bins, 1280)])

    sent = jnp.full((16,), -1, jnp.int32)
    e0[pl.ds(0, 16)] = sent
    e1[pl.ds(0, 16)] = sent
    e0[pl.ds(16 + _CB + 16, 16)] = sent
    e1[pl.ds(16 + _CB + 16, 16)] = sent
    plsc.subcore_barrier()

    tile_chunk = 62504
    tbase = sid * tile_chunk
    tend = jnp.minimum(tbase + tile_chunk, N)
    lanes = lax.iota(jnp.int32, 16)
    win = _CB + 16

    def win_start(c):
        return pl.multiple_of(
            jnp.clip(tbase + c * _CB - 8, 0, N - win), 8)

    def in_copy(c, ebuf, sem):
        return pltpu.make_async_copy(ids_hbm.at[pl.ds(win_start(c), win)],
                                     ebuf.at[pl.ds(16, win)], sem)

    def compute(c, ebuf, bi, bv, masked):
        base = tbase + c * _CB
        off = base - win_start(c)

        def group_body(q, carry2):
            p = q * 16
            lo = 16 + off + p
            v = ebuf[pl.ds(lo, 16)]
            prev = ebuf[pl.ds(lo - 1, 16)]
            nxt = ebuf[pl.ds(lo + 1, 16)]
            g = base + p + lanes
            is_s = v != prev
            is_e = v != nxt
            val = (jnp.where(is_e, g + 1, 0) - jnp.where(is_s, g, 0))
            if masked:
                valid = g < tend
                idx = jnp.where(valid, v, 0)
                val = jnp.where(valid, val, 0)
            else:
                idx = v
            bi[pl.ds(p, 16)] = idx
            bv[pl.ds(p, 16)] = val.astype(jnp.float32)
            return carry2

        lax.fori_loop(0, _CB // 16, group_body, 0, unroll=8)

    def sc_issue(bi, bv, sem):
        pltpu.async_copy(bv, counts_sh.at[bi], sem, add=True)

    def sc_wait(bi, bv, sem):
        pltpu.make_async_copy(bv, counts_sh.at[bi], sem).wait()

    in_copy(0, e0, si0).start()

    def pair_body(j, carry):
        c0 = 2 * j
        in_copy(c0, e0, si0).wait()
        in_copy(c0 + 1, e1, si1).start()

        @pl.when(j > 0)
        def _():
            sc_wait(bi0, bv0, ss0)

        compute(c0, e0, bi0, bv0, False)
        sc_issue(bi0, bv0, ss0)

        in_copy(c0 + 1, e1, si1).wait()

        @pl.when(j < 7)
        def _():
            in_copy(c0 + 2, e0, si0).start()

        @pl.when(j > 0)
        def _():
            sc_wait(bi1, bv1, ss1)

        @pl.when(j < 7)
        def _():
            compute(c0 + 1, e1, bi1, bv1, False)

        @pl.when(j == 7)
        def _():
            compute(c0 + 1, e1, bi1, bv1, True)

        sc_issue(bi1, bv1, ss1)
        return carry

    lax.fori_loop(0, 8, pair_body, 0)
    sc_wait(bi0, bv0, ss0)
    sc_wait(bi1, bv1, ss1)
    plsc.subcore_barrier()

    with jax.named_scope("p2_table"):
        pltpu.sync_copy(counts_sh, tabv)

        def p_body(i, acc):
            cnt = tabv[pl.ds(i * 16, 16)]
            return acc + jnp.where(cnt > 0, 1.0, 0.0).astype(jnp.float32)

        pacc = lax.fori_loop(0, M // 16, p_body,
                             jnp.zeros((16,), jnp.float32), unroll=4)
        p_total = plsc.cumsum(pacc)[15]

        def inv_body(i, carry):
            cnt = tabv[pl.ds(i * 16, 16)]
            inv = jnp.where(cnt > 0, 1.0 / (cnt * p_total), 0.0)
            tabv[pl.ds(i * 16, 16)] = inv
            return carry

        lax.fori_loop(0, M // 16, inv_body, 0, unroll=4)

    half = N // 2
    tile3 = 31256
    abase = pl.multiple_of(cid * half + sid * tile3, 8)

    def in3(c, ebuf, sem):
        return pltpu.make_async_copy(
            ids_hbm.at[pl.ds(abase + c * _CB, _CB)],
            ebuf.at[pl.ds(16, _CB)], sem)

    def out3(c, awb, sem):
        return pltpu.make_async_copy(
            awb, invw_hbm.at[pl.ds(abase + c * _CB, _CB)], sem)

    def gather(ebuf, awb, ngroups):
        def g_body(q, carry2):
            idxv = ebuf[pl.ds(16 + q * 16, 16)]
            awb[pl.ds(q * 16, 16)] = plsc.load_gather(tabv, [idxv])
            return carry2

        lax.fori_loop(0, ngroups, g_body, 0, unroll=4)

    with jax.named_scope("p3_gather"):
        ebufs, awbs, sins, souts = (e0, e1), (aw0, aw1), (si0, si1), (so0, so1)
        in3(0, e0, si0).start()
        for c in range(7):
            b = c % 2
            in3(c, ebufs[b], sins[b]).wait()
            if c + 1 < 7:
                in3(c + 1, ebufs[1 - b], sins[1 - b]).start()
            if c >= 2:
                out3(c - 2, awbs[b], souts[b]).wait()
            gather(ebufs[b], awbs[b], _CB // 16)
            out3(c, awbs[b], souts[b]).start()
        out3(5, aw1, so1).wait()
        out3(6, aw0, so0).wait()

        def tail(length):
            tb = pl.multiple_of(abase + 7 * _CB, 8)
            pltpu.sync_copy(ids_hbm.at[pl.ds(tb, length)],
                            e0.at[pl.ds(16, length)])
            gather(e0, aw0, length // 16)
            pltpu.sync_copy(aw0.at[pl.ds(0, length)],
                            invw_hbm.at[pl.ds(tb, length)])

        @pl.when(sid < 15)
        def _():
            tail(2584)

        @pl.when(sid == 15)
        def _():
            tail(2488)


def _sc_invw(molecule_id):
    N = molecule_id.shape[0]
    mesh = plsc.VectorSubcoreMesh(core_axis_name="c", subcore_axis_name="s")
    return pl.kernel(
        functools.partial(_sc_invw_kernel, N),
        out_type=jax.ShapeDtypeStruct((N,), jnp.float32),
        mesh=mesh,
        compiler_params=pltpu.CompilerParams(needs_layout_passes=False),
        scratch_types=[
            pltpu.VMEM_SHARED((_NUM_MOLECULES,), jnp.float32),
            pltpu.VMEM((8192,), jnp.int32),
            pltpu.VMEM((8192,), jnp.int32),
            pltpu.VMEM((_CB,), jnp.int32),
            pltpu.VMEM((_CB,), jnp.float32),
            pltpu.VMEM((_CB,), jnp.int32),
            pltpu.VMEM((_CB,), jnp.float32),
            pltpu.VMEM((_NUM_MOLECULES,), jnp.float32),
            pltpu.VMEM((_CB,), jnp.float32),
            pltpu.VMEM((_CB,), jnp.float32),
            pltpu.SemaphoreType.DMA,
            pltpu.SemaphoreType.DMA,
            pltpu.SemaphoreType.DMA,
            pltpu.SemaphoreType.DMA,
            pltpu.SemaphoreType.DMA,
            pltpu.SemaphoreType.DMA,
        ],
    )(molecule_id)


_BL = 32768


def _tc_loss_kernel(N, weights, s1, s2, s3, s4, tgt, iw, out, acc):
    i = pl.program_id(0)
    t = tgt[...]

    def sq(s):
        return jnp.square(s[...].reshape(3, _BL) - t)

    a = weights[0] * sq(s1)
    a += weights[1] * sq(s2)
    a += weights[2] * sq(s3)
    a += weights[3] * sq(s4)
    prod = a * iw[...].reshape(1, _BL)

    @pl.when(i == 0)
    def _():
        acc[...] = jnp.zeros_like(acc)

    last = pl.num_programs(0) - 1

    @pl.when(i < last)
    def _():
        acc[...] += prod

    @pl.when(i == last)
    def _():
        cols = i * _BL + lax.broadcasted_iota(jnp.int32, (1, _BL), 1)
        acc[...] += jnp.where(cols < N, prod, 0.0)
        out[...] = jnp.sum(acc[...]).reshape(1, 1)


def _tc_loss(st, xt_t, invw, weights, N):
    grid = (N + _BL - 1) // _BL
    sspec = [pl.BlockSpec((1, 3, _BL), lambda i, k=k: (k, 0, i))
             for k in (1, 2, 3, 4)]
    return pl.pallas_call(
        functools.partial(_tc_loss_kernel, N, weights),
        grid=(grid,),
        in_specs=sspec + [pl.BlockSpec((3, _BL), lambda i: (0, i)),
                          pl.BlockSpec((_BL,), lambda i: (i,))],
        out_specs=pl.BlockSpec((1, 1), lambda i: (0, 0)),
        out_shape=jax.ShapeDtypeStruct((1, 1), jnp.float32),
        scratch_shapes=[pltpu.VMEM((3, _BL), jnp.float32)],
    )(st, st, st, st, xt_t, invw)


def kernel(states_x, x_target, molecule_id):
    N = molecule_id.shape[0]
    K = states_x.shape[0] - 1
    w = [_GAMMA ** (K - 1 - k) for k in range(K)]
    tot = sum(w)
    weights = tuple(float(x / tot) for x in w)

    invw = _sc_invw(molecule_id)

    st = jnp.transpose(states_x, (0, 2, 1))
    xt_t = jnp.transpose(x_target, (1, 0))
    loss = _tc_loss(st, xt_t, invw, weights, N)
    return loss[0, 0]

# --- scband reference (transcript-rebuilt; emitter-appended) ---
"""Pipeline reference for scband-newton-loss-8916352106646 (READ-ONLY COPY).

The authoritative reference and input builder live on the scoring server;
editing this copy changes nothing except your own understanding.
"""

import jax, jax.numpy as jnp
import numpy as np

GAMMA = 0.7
NUM_MOLECULES = 20000


def setup_inputs(seed: int = 0) -> dict:
    key = jax.random.key(seed)
    k1, k2, k3 = jax.random.split(key, 3)
    N = 1000000
    states_x = jax.random.normal(k1, (5, N, 3), dtype=jnp.float32)
    x_target = jax.random.normal(k2, (N, 3), dtype=jnp.float32)
    molecule_id = jnp.sort(jax.random.randint(k3, (N,), 0, NUM_MOLECULES, dtype=jnp.int32))
    return {"states_x": states_x, "x_target": x_target, "molecule_id": molecule_id}


def _single_state_loss(x_pred, x_target, molecule_id):
    # RMSD-like coordinate loss: per-molecule mean squared distance, then mean over
    # the molecules that are actually present (matches torch.unique loop semantics).
    squared_dist = ((x_pred - x_target) ** 2).sum(axis=-1)
    sums = jax.ops.segment_sum(squared_dist, molecule_id, num_segments=NUM_MOLECULES)
    counts = jax.ops.segment_sum(jnp.ones_like(squared_dist), molecule_id, num_segments=NUM_MOLECULES)
    present = counts > 0
    mol_means = jnp.where(present, sums / jnp.where(present, counts, 1.0), 0.0)
    return mol_means.sum() / present.sum().astype(mol_means.dtype)


def reference(states_x, x_target, molecule_id):
    loss_states = states_x[1:]  # ignore states[0]
    K = loss_states.shape[0]
    weights = jnp.array([GAMMA ** (K - 1 - k) for k in range(K)], dtype=x_target.dtype)
    weights = weights / weights.sum()
    loss = jnp.zeros((), dtype=x_target.dtype)
    for k in range(K):
        loss = loss + weights[k] * _single_state_loss(loss_states[k], x_target, molecule_id)
    return loss

if __name__ == "__main__":
    import jax
    _d = setup_inputs()
    print(jax.jit(kernel)(*tuple(_d.values())))

</pallas_src>

<mosaic_0001>
#map = affine_map<(d0, d1) -> (0)>
module attributes {stable_mosaic.version = 14 : i64} {
  func.func @_sc_invw_kernel(%arg0: i32, %arg1: i32, %arg2: memref<1000000xi32, #tpu.memory_space<hbm>>, %arg3: memref<1000000xf32, #tpu.memory_space<hbm>>, %arg4: memref<20000xf32, #tpu.memory_space<vmem_shared>>, %arg5: memref<8192xi32, #tpu.memory_space<vmem>>, %arg6: memref<8192xi32, #tpu.memory_space<vmem>>, %arg7: memref<4096xi32, #tpu.memory_space<vmem>>, %arg8: memref<4096xf32, #tpu.memory_space<vmem>>, %arg9: memref<4096xi32, #tpu.memory_space<vmem>>, %arg10: memref<4096xf32, #tpu.memory_space<vmem>>, %arg11: memref<20000xf32, #tpu.memory_space<vmem>>, %arg12: memref<4096xf32, #tpu.memory_space<vmem>>, %arg13: memref<4096xf32, #tpu.memory_space<vmem>>, %arg14: memref<!tpu.dma_semaphore, #tpu.memory_space<semaphore_mem>>, %arg15: memref<!tpu.dma_semaphore, #tpu.memory_space<semaphore_mem>>, %arg16: memref<!tpu.dma_semaphore, #tpu.memory_space<semaphore_mem>>, %arg17: memref<!tpu.dma_semaphore, #tpu.memory_space<semaphore_mem>>, %arg18: memref<!tpu.dma_semaphore, #tpu.memory_space<semaphore_mem>>, %arg19: memref<!tpu.dma_semaphore, #tpu.memory_space<semaphore_mem>>) attributes {dimension_semantics = [#tpu.dimension_semantics<core_parallel>, #tpu.dimension_semantics<subcore_parallel>], iteration_bounds = array<i64: 2, 16>, scalar_prefetch = 0 : i64, scratch_operands = 16 : i64, tpu.core_type = #tpu.core_type<sc_vector_subcore>, window_params = [{transform_indices = #map}, {transform_indices = #map}]} {
    %broadcast_in_dim3A = arith.constant 0.000000e+00 : f32
    %broadcast_in_dim3A_0 = vector.broadcast %broadcast_in_dim3A : f32 to vector<16xf32>
    %swap3A = arith.constant 0 : index
    %swap3A_1 = tpu.vector_load %arg12[%swap3A] {strides = array<i32>} : memref<4096xf32, #tpu.memory_space<vmem>>, vector<16xf32>,
    tpu.vector_store %arg12[%swap3A], %broadcast_in_dim3A_0 {strides = array<i32>} : memref<4096xf32, #tpu.memory_space<vmem>>, vector<16xf32>,
    %swap3A_2 = arith.constant 16 : index
    %swap3A_3 = tpu.vector_load %arg12[%swap3A_2] {strides = array<i32>} : memref<4096xf32, #tpu.memory_space<vmem>>, vector<16xf32>,
    tpu.vector_store %arg12[%swap3A_2], %broadcast_in_dim3A_0 {strides = array<i32>} : memref<4096xf32, #tpu.memory_space<vmem>>, vector<16xf32>,
    %swap3A_4 = arith.constant 32 : index
    %swap3A_5 = tpu.vector_load %arg12[%swap3A_4] {strides = array<i32>} : memref<4096xf32, #tpu.memory_space<vmem>>, vector<16xf32>,
    tpu.vector_store %arg12[%swap3A_4], %broadcast_in_dim3A_0 {strides = array<i32>} : memref<4096xf32, #tpu.memory_space<vmem>>, vector<16xf32>,
    %swap3A_6 = arith.constant 48 : index
    %swap3A_7 = tpu.vector_load %arg12[%swap3A_6] {strides = array<i32>} : memref<4096xf32, #tpu.memory_space<vmem>>, vector<16xf32>,
    tpu.vector_store %arg12[%swap3A_6], %broadcast_in_dim3A_0 {strides = array<i32>} : memref<4096xf32, #tpu.memory_space<vmem>>, vector<16xf32>,
    %swap3A_8 = arith.constant 64 : index
    %swap3A_9 = tpu.vector_load %arg12[%swap3A_8] {strides = array<i32>} : memref<4096xf32, #tpu.memory_space<vmem>>, vector<16xf32>,
    tpu.vector_store %arg12[%swap3A_8], %broadcast_in_dim3A_0 {strides = array<i32>} : memref<4096xf32, #tpu.memory_space<vmem>>, vector<16xf32>,
    %swap3A_10 = arith.constant 80 : index
    %swap3A_11 = tpu.vector_load %arg12[%swap3A_10] {strides = array<i32>} : memref<4096xf32, #tpu.memory_space<vmem>>, vector<16xf32>,
    tpu.vector_store %arg12[%swap3A_10], %broadcast_in_dim3A_0 {strides = array<i32>} : memref<4096xf32, #tpu.memory_space<vmem>>, vector<16xf32>,
    %swap3A_12 = arith.constant 96 : index
    %swap3A_13 = tpu.vector_load %arg12[%swap3A_12] {strides = array<i32>} : memref<4096xf32, #tpu.memory_space<vmem>>, vector<16xf32>,
    tpu.vector_store %arg12[%swap3A_12], %broadcast_in_dim3A_0 {strides = array<i32>} : memref<4096xf32, #tpu.memory_space<vmem>>, vector<16xf32>,
    %swap3A_14 = arith.constant 112 : index
    %swap3A_15 = tpu.vector_load %arg12[%swap3A_14] {strides = array<i32>} : memref<4096xf32, #tpu.memory_space<vmem>>, vector<16xf32>,
    tpu.vector_store %arg12[%swap3A_14], %broadcast_in_dim3A_0 {strides = array<i32>} : memref<4096xf32, #tpu.memory_space<vmem>>, vector<16xf32>,
    %swap3A_16 = arith.constant 128 : index
    %swap3A_17 = tpu.vector_load %arg12[%swap3A_16] {strides = array<i32>} : memref<4096xf32, #tpu.memory_space<vmem>>, vector<16xf32>,
    tpu.vector_store %arg12[%swap3A_16], %broadcast_in_dim3A_0 {strides = array<i32>} : memref<4096xf32, #tpu.memory_space<vmem>>, vector<16xf32>,
    %swap3A_18 = arith.constant 144 : index
    %swap3A_19 = tpu.vector_load %arg12[%swap3A_18] {strides = array<i32>} : memref<4096xf32, #tpu.memory_space<vmem>>, vector<16xf32>,
    tpu.vector_store %arg12[%swap3A_18], %broadcast_in_dim3A_0 {strides = array<i32>} : memref<4096xf32, #tpu.memory_space<vmem>>, vector<16xf32>,
    %swap3A_20 = arith.constant 160 : index
    %swap3A_21 = tpu.vector_load %arg12[%swap3A_20] {strides = array<i32>} : memref<4096xf32, #tpu.memory_space<vmem>>, vector<16xf32>,
    tpu.vector_store %arg12[%swap3A_20], %broadcast_in_dim3A_0 {strides = array<i32>} : memref<4096xf32, #tpu.memory_space<vmem>>, vector<16xf32>,
    %swap3A_22 = arith.constant 176 : index
    %swap3A_23 = tpu.vector_load %arg12[%swap3A_22] {strides = array<i32>} : memref<4096xf32, #tpu.memory_space<vmem>>, vector<16xf32>,
    tpu.vector_store %arg12[%swap3A_22], %broadcast_in_dim3A_0 {strides = array<i32>} : memref<4096xf32, #tpu.memory_space<vmem>>, vector<16xf32>,
    %swap3A_24 = arith.constant 192 : index
    %swap3A_25 = tpu.vector_load %arg12[%swap3A_24] {strides = array<i32>} : memref<4096xf32, #tpu.memory_space<vmem>>, vector<16xf32>,
    tpu.vector_store %arg12[%swap3A_24], %broadcast_in_dim3A_0 {strides = array<i32>} : memref<4096xf32, #tpu.memory_space<vmem>>, vector<16xf32>,
    %swap3A_26 = arith.constant 208 : index
    %swap3A_27 = tpu.vector_load %arg12[%swap3A_26] {strides = array<i32>} : memref<4096xf32, #tpu.memory_space<vmem>>, vector<16xf32>,
    tpu.vector_store %arg12[%swap3A_26], %broadcast_in_dim3A_0 {strides = array<i32>} : memref<4096xf32, #tpu.memory_space<vmem>>, vector<16xf32>,
    %swap3A_28 = arith.constant 224 : index
    %swap3A_29 = tpu.vector_load %arg12[%swap3A_28] {strides = array<i32>} : memref<4096xf32, #tpu.memory_space<vmem>>, vector<16xf32>,
    tpu.vector_store %arg12[%swap3A_28], %broadcast_in_dim3A_0 {strides = array<i32>} : memref<4096xf32, #tpu.memory_space<vmem>>, vector<16xf32>,
    %swap3A_30 = arith.constant 240 : index
    %swap3A_31 = tpu.vector_load %arg12[%swap3A_30] {strides = array<i32>} : memref<4096xf32, #tpu.memory_space<vmem>>, vector<16xf32>,
    tpu.vector_store %arg12[%swap3A_30], %broadcast_in_dim3A_0 {strides = array<i32>} : memref<4096xf32, #tpu.memory_space<vmem>>, vector<16xf32>,
    %swap3A_32 = arith.constant 256 : index
    %swap3A_33 = tpu.vector_load %arg12[%swap3A_32] {strides = array<i32>} : memref<4096xf32, #tpu.memory_space<vmem>>, vector<16xf32>,
    tpu.vector_store %arg12[%swap3A_32], %broadcast_in_dim3A_0 {strides = array<i32>} : memref<4096xf32, #tpu.memory_space<vmem>>, vector<16xf32>,
    %swap3A_34 = arith.constant 272 : index
    %swap3A_35 = tpu.vector_load %arg12[%swap3A_34] {strides = array<i32>} : memref<4096xf32, #tpu.memory_space<vmem>>, vector<16xf32>,
    tpu.vector_store %arg12[%swap3A_34], %broadcast_in_dim3A_0 {strides = array<i32>} : memref<4096xf32, #tpu.memory_space<vmem>>, vector<16xf32>,
    %swap3A_36 = arith.constant 288 : index
    %swap3A_37 = tpu.vector_load %arg12[%swap3A_36] {strides = array<i32>} : memref<4096xf32, #tpu.memory_space<vmem>>, vector<16xf32>,
    tpu.vector_store %arg12[%swap3A_36], %broadcast_in_dim3A_0 {strides = array<i32>} : memref<4096xf32, #tpu.memory_space<vmem>>, vector<16xf32>,
    %swap3A_38 = arith.constant 304 : index
    %swap3A_39 = tpu.vector_load %arg12[%swap3A_38] {strides = array<i32>} : memref<4096xf32, #tpu.memory_space<vmem>>, vector<16xf32>,
    tpu.vector_store %arg12[%swap3A_38], %broadcast_in_dim3A_0 {strides = array<i32>} : memref<4096xf32, #tpu.memory_space<vmem>>, vector<16xf32>,
    %swap3A_40 = arith.constant 320 : index
    %swap3A_41 = tpu.vector_load %arg12[%swap3A_40] {strides = array<i32>} : memref<4096xf32, #tpu.memory_space<vmem>>, vector<16xf32>,
    tpu.vector_store %arg12[%swap3A_40], %broadcast_in_dim3A_0 {strides = array<i32>} : memref<4096xf32, #tpu.memory_space<vmem>>, vector<16xf32>,
    %swap3A_42 = arith.constant 336 : index
    %swap3A_43 = tpu.vector_load %arg12[%swap3A_42] {strides = array<i32>} : memref<4096xf32, #tpu.memory_space<vmem>>, vector<16xf32>,
    tpu.vector_store %arg12[%swap3A_42], %broadcast_in_dim3A_0 {strides = array<i32>} : memref<4096xf32, #tpu.memory_space<vmem>>, vector<16xf32>,
    %swap3A_44 = arith.constant 352 : index
    %swap3A_45 = tpu.vector_load %arg12[%swap3A_44] {strides = array<i32>} : memref<4096xf32, #tpu.memory_space<vmem>>, vector<16xf32>,
    tpu.vector_store %arg12[%swap3A_44], %broadcast_in_dim3A_0 {strides = array<i32>} : memref<4096xf32, #tpu.memory_space<vmem>>, vector<16xf32>,
    %swap3A_46 = arith.constant 368 : index
    %swap3A_47 = tpu.vector_load %arg12[%swap3A_46] {strides = array<i32>} : memref<4096xf32, #tpu.memory_space<vmem>>, vector<16xf32>,
    tpu.vector_store %arg12[%swap3A_46], %broadcast_in_dim3A_0 {strides = array<i32>} : memref<4096xf32, #tpu.memory_space<vmem>>, vector<16xf32>,
    %swap3A_48 = arith.constant 384 : index
    %swap3A_49 = tpu.vector_load %arg12[%swap3A_48] {strides = array<i32>} : memref<4096xf32, #tpu.memory_space<vmem>>, vector<16xf32>,
    tpu.vector_store %arg12[%swap3A_48], %broadcast_in_dim3A_0 {strides = array<i32>} : memref<4096xf32, #tpu.memory_space<vmem>>, vector<16xf32>,
    %swap3A_50 = arith.constant 400 : index
    %swap3A_51 = tpu.vector_load %arg12[%swap3A_50] {strides = array<i32>} : memref<4096xf32, #tpu.memory_space<vmem>>, vector<16xf32>,
    tpu.vector_store %arg12[%swap3A_50], %broadcast_in_dim3A_0 {strides = array<i32>} : memref<4096xf32, #tpu.memory_space<vmem>>, vector<16xf32>,
    %swap3A_52 = arith.constant 416 : index
    %swap3A_53 = tpu.vector_load %arg12[%swap3A_52] {strides = array<i32>} : memref<4096xf32, #tpu.memory_space<vmem>>, vector<16xf32>,
    tpu.vector_store %arg12[%swap3A_52], %broadcast_in_dim3A_0 {strides = array<i32>} : memref<4096xf32, #tpu.memory_space<vmem>>, vector<16xf32>,
    %swap3A_54 = arith.constant 432 : index
    %swap3A_55 = tpu.vector_load %arg12[%swap3A_54] {strides = array<i32>} : memref<4096xf32, #tpu.memory_space<vmem>>, vector<16xf32>,
    tpu.vector_store %arg12[%swap3A_54], %broadcast_in_dim3A_0 {strides = array<i32>} : memref<4096xf32, #tpu.memory_space<vmem>>, vector<16xf32>,
    %swap3A_56 = arith.constant 448 : index
    %swap3A_57 = tpu.vector_load %arg12[%swap3A_56] {strides = array<i32>} : memref<4096xf32, #tpu.memory_space<vmem>>, vector<16xf32>,
    tpu.vector_store %arg12[%swap3A_56], %broadcast_in_dim3A_0 {strides = array<i32>} : memref<4096xf32, #tpu.memory_space<vmem>>, vector<16xf32>,
    %swap3A_58 = arith.constant 464 : index
    %swap3A_59 = tpu.vector_load %arg12[%swap3A_58] {strides = array<i32>} : memref<4096xf32, #tpu.memory_space<vmem>>, vector<16xf32>,
    tpu.vector_store %arg12[%swap3A_58], %broadcast_in_dim3A_0 {strides = array<i32>} : memref<4096xf32, #tpu.memory_space<vmem>>, vector<16xf32>,
    %swap3A_60 = arith.constant 480 : index
    %swap3A_61 = tpu.vector_load %arg12[%swap3A_60] {strides = array<i32>} : memref<4096xf32, #tpu.memory_space<vmem>>, vector<16xf32>,
    tpu.vector_store %arg12[%swap3A_60], %broadcast_in_dim3A_0 {strides = array<i32>} : memref<4096xf32, #tpu.memory_space<vmem>>, vector<16xf32>,
    %swap3A_62 = arith.constant 496 : index
    %swap3A_63 = tpu.vector_load %arg12[%swap3A_62] {strides = array<i32>} : memref<4096xf32, #tpu.memory_space<vmem>>, vector<16xf32>,
    tpu.vector_store %arg12[%swap3A_62], %broadcast_in_dim3A_0 {strides = array<i32>} : memref<4096xf32, #tpu.memory_space<vmem>>, vector<16xf32>,
    %swap3A_64 = arith.constant 512 : index
    %swap3A_65 = tpu.vector_load %arg12[%swap3A_64] {strides = array<i32>} : memref<4096xf32, #tpu.memory_space<vmem>>, vector<16xf32>,
    tpu.vector_store %arg12[%swap3A_64], %broadcast_in_dim3A_0 {strides = array<i32>} : memref<4096xf32, #tpu.memory_space<vmem>>, vector<16xf32>,
    %swap3A_66 = arith.constant 528 : index
    %swap3A_67 = tpu.vector_load %arg12[%swap3A_66] {strides = array<i32>} : memref<4096xf32, #tpu.memory_space<vmem>>, vector<16xf32>,
    tpu.vector_store %arg12[%swap3A_66], %broadcast_in_dim3A_0 {strides = array<i32>} : memref<4096xf32, #tpu.memory_space<vmem>>, vector<16xf32>,
    %swap3A_68 = arith.constant 544 : index
    %swap3A_69 = tpu.vector_load %arg12[%swap3A_68] {strides = array<i32>} : memref<4096xf32, #tpu.memory_space<vmem>>, vector<16xf32>,
    tpu.vector_store %arg12[%swap3A_68], %broadcast_in_dim3A_0 {strides = array<i32>} : memref<4096xf32, #tpu.memory_space<vmem>>, vector<16xf32>,
    %swap3A_70 = arith.constant 560 : index
    %swap3A_71 = tpu.vector_load %arg12[%swap3A_70] {strides = array<i32>} : memref<4096xf32, #tpu.memory_space<vmem>>, vector<16xf32>,
    tpu.vector_store %arg12[%swap3A_70], %broadcast_in_dim3A_0 {strides = array<i32>} : memref<4096xf32, #tpu.memory_space<vmem>>, vector<16xf32>,
    %swap3A_72 = arith.constant 576 : index
    %swap3A_73 = tpu.vector_load %arg12[%swap3A_72] {strides = array<i32>} : memref<4096xf32, #tpu.memory_space<vmem>>, vector<16xf32>,
    tpu.vector_store %arg12[%swap3A_72], %broadcast_in_dim3A_0 {strides = array<i32>} : memref<4096xf32, #tpu.memory_space<vmem>>, vector<16xf32>,
    %swap3A_74 = arith.constant 592 : index
    %swap3A_75 = tpu.vector_load %arg12[%swap3A_74] {strides = array<i32>} : memref<4096xf32, #tpu.memory_space<vmem>>, vector<16xf32>,
    tpu.vector_store %arg12[%swap3A_74], %broadcast_in_dim3A_0 {strides = array<i32>} : memref<4096xf32, #tpu.memory_space<vmem>>, vector<16xf32>,
    %swap3A_76 = arith.constant 608 : index
    %swap3A_77 = tpu.vector_load %arg12[%swap3A_76] {strides = array<i32>} : memref<4096xf32, #tpu.memory_space<vmem>>, vector<16xf32>,
    tpu.vector_store %arg12[%swap3A_76], %broadcast_in_dim3A_0 {strides = array<i32>} : memref<4096xf32, #tpu.memory_space<vmem>>, vector<16xf32>,
    %swap3A_78 = arith.constant 624 : index
    %swap3A_79 = tpu.vector_load %arg12[%swap3A_78] {strides = array<i32>} : memref<4096xf32, #tpu.memory_space<vmem>>, vector<16xf32>,
    tpu.vector_store %arg12[%swap3A_78], %broadcast_in_dim3A_0 {strides = array<i32>} : memref<4096xf32, #tpu.memory_space<vmem>>, vector<16xf32>,
    %swap3A_80 = arith.constant 640 : index
    %swap3A_81 = tpu.vector_load %arg12[%swap3A_80] {strides = array<i32>} : memref<4096xf32, #tpu.memory_space<vmem>>, vector<16xf32>,
    tpu.vector_store %arg12[%swap3A_80], %broadcast_in_dim3A_0 {strides = array<i32>} : memref<4096xf32, #tpu.memory_space<vmem>>, vector<16xf32>,
    %swap3A_82 = arith.constant 656 : index
    %swap3A_83 = tpu.vector_load %arg12[%swap3A_82] {strides = array<i32>} : memref<4096xf32, #tpu.memory_space<vmem>>, vector<16xf32>,
    tpu.vector_store %arg12[%swap3A_82], %broadcast_in_dim3A_0 {strides = array<i32>} : memref<4096xf32, #tpu.memory_space<vmem>>, vector<16xf32>,
    %swap3A_84 = arith.constant 672 : index
    %swap3A_85 = tpu.vector_load %arg12[%swap3A_84] {strides = array<i32>} : memref<4096xf32, #tpu.memory_space<vmem>>, vector<16xf32>,
    tpu.vector_store %arg12[%swap3A_84], %broadcast_in_dim3A_0 {strides = array<i32>} : memref<4096xf32, #tpu.memory_space<vmem>>, vector<16xf32>,
    %swap3A_86 = arith.constant 688 : index
    %swap3A_87 = tpu.vector_load %arg12[%swap3A_86] {strides = array<i32>} : memref<4096xf32, #tpu.memory_space<vmem>>, vector<16xf32>,
    tpu.vector_store %arg12[%swap3A_86], %broadcast_in_dim3A_0 {strides = array<i32>} : memref<4096xf32, #tpu.memory_space<vmem>>, vector<16xf32>,
    %swap3A_88 = arith.constant 704 : index
    %swap3A_89 = tpu.vector_load %arg12[%swap3A_88] {strides = array<i32>} : memref<4096xf32, #tpu.memory_space<vmem>>, vector<16xf32>,
    tpu.vector_store %arg12[%swap3A_88], %broadcast_in_dim3A_0 {strides = array<i32>} : memref<4096xf32, #tpu.memory_space<vmem>>, vector<16xf32>,
    %swap3A_90 = arith.constant 720 : index
    %swap3A_91 = tpu.vector_load %arg12[%swap3A_90] {strides = array<i32>} : memref<4096xf32, #tpu.memory_space<vmem>>, vector<16xf32>,
    tpu.vector_store %arg12[%swap3A_90], %broadcast_in_dim3A_0 {strides = array<i32>} : memref<4096xf32, #tpu.memory_space<vmem>>, vector<16xf32>,
    %swap3A_92 = arith.constant 736 : index
    %swap3A_93 = tpu.vector_load %arg12[%swap3A_92] {strides = array<i32>} : memref<4096xf32, #tpu.memory_space<vmem>>, vector<16xf32>,
    tpu.vector_store %arg12[%swap3A_92], %broadcast_in_dim3A_0 {strides = array<i32>} : memref<4096xf32, #tpu.memory_space<vmem>>, vector<16xf32>,
    %swap3A_94 = arith.constant 752 : index
    %swap3A_95 = tpu.vector_load %arg12[%swap3A_94] {strides = array<i32>} : memref<4096xf32, #tpu.memory_space<vmem>>, vector<16xf32>,
    tpu.vector_store %arg12[%swap3A_94], %broadcast_in_dim3A_0 {strides = array<i32>} : memref<4096xf32, #tpu.memory_space<vmem>>, vector<16xf32>,
    %swap3A_96 = arith.constant 768 : index
    %swap3A_97 = tpu.vector_load %arg12[%swap3A_96] {strides = array<i32>} : memref<4096xf32, #tpu.memory_space<vmem>>, vector<16xf32>,
    tpu.vector_store %arg12[%swap3A_96], %broadcast_in_dim3A_0 {strides = array<i32>} : memref<4096xf32, #tpu.memory_space<vmem>>, vector<16xf32>,
    %swap3A_98 = arith.constant 784 : index
    %swap3A_99 = tpu.vector_load %arg12[%swap3A_98] {strides = array<i32>} : memref<4096xf32, #tpu.memory_space<vmem>>, vector<16xf32>,
    tpu.vector_store %arg12[%swap3A_98], %broadcast_in_dim3A_0 {strides = array<i32>} : memref<4096xf32, #tpu.memory_space<vmem>>, vector<16xf32>,
    %swap3A_100 = arith.constant 800 : index
    %swap3A_101 = tpu.vector_load %arg12[%swap3A_100] {strides = array<i32>} : memref<4096xf32, #tpu.memory_space<vmem>>, vector<16xf32>,
    tpu.vector_store %arg12[%swap3A_100], %broadcast_in_dim3A_0 {strides = array<i32>} : memref<4096xf32, #tpu.memory_space<vmem>>, vector<16xf32>,
    %swap3A_102 = arith.constant 816 : index
    %swap3A_103 = tpu.vector_load %arg12[%swap3A_102] {strides = array<i32>} : memref<4096xf32, #tpu.memory_space<vmem>>, vector<16xf32>,
    tpu.vector_store %arg12[%swap3A_102], %broadcast_in_dim3A_0 {strides = array<i32>} : memref<4096xf32, #tpu.memory_space<vmem>>, vector<16xf32>,
    %swap3A_104 = arith.constant 832 : index
    %swap3A_105 = tpu.vector_load %arg12[%swap3A_104] {strides = array<i32>} : memref<4096xf32, #tpu.memory_space<vmem>>, vector<16xf32>,
    tpu.vector_store %arg12[%swap3A_104], %broadcast_in_dim3A_0 {strides = array<i32>} : memref<4096xf32, #tpu.memory_space<vmem>>, vector<16xf32>,
    %swap3A_106 = arith.constant 848 : index
    %swap3A_107 = tpu.vector_load %arg12[%swap3A_106] {strides = array<i32>} : memref<4096xf32, #tpu.memory_space<vmem>>, vector<16xf32>,
    tpu.vector_store %arg12[%swap3A_106], %broadcast_in_dim3A_0 {strides = array<i32>} : memref<4096xf32, #tpu.memory_space<vmem>>, vector<16xf32>,
    %swap3A_108 = arith.constant 864 : index
    %swap3A_109 = tpu.vector_load %arg12[%swap3A_108] {strides = array<i32>} : memref<4096xf32, #tpu.memory_space<vmem>>, vector<16xf32>,
    tpu.vector_store %arg12[%swap3A_108], %broadcast_in_dim3A_0 {strides = array<i32>} : memref<4096xf32, #tpu.memory_space<vmem>>, vector<16xf32>,
    %swap3A_110 = arith.constant 880 : index
    %swap3A_111 = tpu.vector_load %arg12[%swap3A_110] {strides = array<i32>} : memref<4096xf32, #tpu.memory_space<vmem>>, vector<16xf32>,
    tpu.vector_store %arg12[%swap3A_110], %broadcast_in_dim3A_0 {strides = array<i32>} : memref<4096xf32, #tpu.memory_space<vmem>>, vector<16xf32>,
    %swap3A_112 = arith.constant 896 : index
    %swap3A_113 = tpu.vector_load %arg12[%swap3A_112] {strides = array<i32>} : memref<4096xf32, #tpu.memory_space<vmem>>, vector<16xf32>,
    tpu.vector_store %arg12[%swap3A_112], %broadcast_in_dim3A_0 {strides = array<i32>} : memref<4096xf32, #tpu.memory_space<vmem>>, vector<16xf32>,
    %swap3A_114 = arith.constant 912 : index
    %swap3A_115 = tpu.vector_load %arg12[%swap3A_114] {strides = array<i32>} : memref<4096xf32, #tpu.memory_space<vmem>>, vector<16xf32>,
    tpu.vector_store %arg12[%swap3A_114], %broadcast_in_dim3A_0 {strides = array<i32>} : memref<4096xf32, #tpu.memory_space<vmem>>, vector<16xf32>,
    %swap3A_116 = arith.constant 928 : index
    %swap3A_117 = tpu.vector_load %arg12[%swap3A_116] {strides = array<i32>} : memref<4096xf32, #tpu.memory_space<vmem>>, vector<16xf32>,
    tpu.vector_store %arg12[%swap3A_116], %broadcast_in_dim3A_0 {strides = array<i32>} : memref<4096xf32, #tpu.memory_space<vmem>>, vector<16xf32>,
    %swap3A_118 = arith.constant 944 : index
    %swap3A_119 = tpu.vector_load %arg12[%swap3A_118] {strides = array<i32>} : memref<4096xf32, #tpu.memory_space<vmem>>, vector<16xf32>,
    tpu.vector_store %arg12[%swap3A_118], %broadcast_in_dim3A_0 {strides = array<i32>} : memref<4096xf32, #tpu.memory_space<vmem>>, vector<16xf32>,
    %swap3A_120 = arith.constant 960 : index
    %swap3A_121 = tpu.vector_load %arg12[%swap3A_120] {strides = array<i32>} : memref<4096xf32, #tpu.memory_space<vmem>>, vector<16xf32>,
    tpu.vector_store %arg12[%swap3A_120], %broadcast_in_dim3A_0 {strides = array<i32>} : memref<4096xf32, #tpu.memory_space<vmem>>, vector<16xf32>,
    %swap3A_122 = arith.constant 976 : index
    %swap3A_123 = tpu.vector_load %arg12[%swap3A_122] {strides = array<i32>} : memref<4096xf32, #tpu.memory_space<vmem>>, vector<16xf32>,
    tpu.vector_store %arg12[%swap3A_122], %broadcast_in_dim3A_0 {strides = array<i32>} : memref<4096xf32, #tpu.memory_space<vmem>>, vector<16xf32>,
    %swap3A_124 = arith.constant 992 : index
    %swap3A_125 = tpu.vector_load %arg12[%swap3A_124] {strides = array<i32>} : memref<4096xf32, #tpu.memory_space<vmem>>, vector<16xf32>,
    tpu.vector_store %arg12[%swap3A_124], %broadcast_in_dim3A_0 {strides = array<i32>} : memref<4096xf32, #tpu.memory_space<vmem>>, vector<16xf32>,
    %swap3A_126 = arith.constant 1008 : index
    %swap3A_127 = tpu.vector_load %arg12[%swap3A_126] {strides = array<i32>} : memref<4096xf32, #tpu.memory_space<vmem>>, vector<16xf32>,
    tpu.vector_store %arg12[%swap3A_126], %broadcast_in_dim3A_0 {strides = array<i32>} : memref<4096xf32, #tpu.memory_space<vmem>>, vector<16xf32>,
    %swap3A_128 = arith.constant 1024 : index
    %swap3A_129 = tpu.vector_load %arg12[%swap3A_128] {strides = array<i32>} : memref<4096xf32, #tpu.memory_space<vmem>>, vector<16xf32>,
    tpu.vector_store %arg12[%swap3A_128], %broadcast_in_dim3A_0 {strides = array<i32>} : memref<4096xf32, #tpu.memory_space<vmem>>, vector<16xf32>,
    %swap3A_130 = arith.constant 1040 : index
    %swap3A_131 = tpu.vector_load %arg12[%swap3A_130] {strides = array<i32>} : memref<4096xf32, #tpu.memory_space<vmem>>, vector<16xf32>,
    tpu.vector_store %arg12[%swap3A_130], %broadcast_in_dim3A_0 {strides = array<i32>} : memref<4096xf32, #tpu.memory_space<vmem>>, vector<16xf32>,
    %swap3A_132 = arith.constant 1056 : index
    %swap3A_133 = tpu.vector_load %arg12[%swap3A_132] {strides = array<i32>} : memref<4096xf32, #tpu.memory_space<vmem>>, vector<16xf32>,
    tpu.vector_store %arg12[%swap3A_132], %broadcast_in_dim3A_0 {strides = array<i32>} : memref<4096xf32, #tpu.memory_space<vmem>>, vector<16xf32>,
    %swap3A_134 = arith.constant 1072 : index
    %swap3A_135 = tpu.vector_load %arg12[%swap3A_134] {strides = array<i32>} : memref<4096xf32, #tpu.memory_space<vmem>>, vector<16xf32>,
    tpu.vector_store %arg12[%swap3A_134], %broadcast_in_dim3A_0 {strides = array<i32>} : memref<4096xf32, #tpu.memory_space<vmem>>, vector<16xf32>,
    %swap3A_136 = arith.constant 1088 : index
    %swap3A_137 = tpu.vector_load %arg12[%swap3A_136] {strides = array<i32>} : memref<4096xf32, #tpu.memory_space<vmem>>, vector<16xf32>,
    tpu.vector_store %arg12[%swap3A_136], %broadcast_in_dim3A_0 {strides = array<i32>} : memref<4096xf32, #tpu.memory_space<vmem>>, vector<16xf32>,
    %swap3A_138 = arith.constant 1104 : index
    %swap3A_139 = tpu.vector_load %arg12[%swap3A_138] {strides = array<i32>} : memref<4096xf32, #tpu.memory_space<vmem>>, vector<16xf32>,
    tpu.vector_store %arg12[%swap3A_138], %broadcast_in_dim3A_0 {strides = array<i32>} : memref<4096xf32, #tpu.memory_space<vmem>>, vector<16xf32>,
    %swap3A_140 = arith.constant 1120 : index
    %swap3A_141 = tpu.vector_load %arg12[%swap3A_140] {strides = array<i32>} : memref<4096xf32, #tpu.memory_space<vmem>>, vector<16xf32>,
    tpu.vector_store %arg12[%swap3A_140], %broadcast_in_dim3A_0 {strides = array<i32>} : memref<4096xf32, #tpu.memory_space<vmem>>, vector<16xf32>,
    %swap3A_142 = arith.constant 1136 : index
    %swap3A_143 = tpu.vector_load %arg12[%swap3A_142] {strides = array<i32>} : memref<4096xf32, #tpu.memory_space<vmem>>, vector<16xf32>,
    tpu.vector_store %arg12[%swap3A_142], %broadcast_in_dim3A_0 {strides = array<i32>} : memref<4096xf32, #tpu.memory_space<vmem>>, vector<16xf32>,
    %swap3A_144 = arith.constant 1152 : index
    %swap3A_145 = tpu.vector_load %arg12[%swap3A_144] {strides = array<i32>} : memref<4096xf32, #tpu.memory_space<vmem>>, vector<16xf32>,
    tpu.vector_store %arg12[%swap3A_144], %broadcast_in_dim3A_0 {strides = array<i32>} : memref<4096xf32, #tpu.memory_space<vmem>>, vector<16xf32>,
    %swap3A_146 = arith.constant 1168 : index
    %swap3A_147 = tpu.vector_load %arg12[%swap3A_146] {strides = array<i32>} : memref<4096xf32, #tpu.memory_space<vmem>>, vector<16xf32>,
    tpu.vector_store %arg12[%swap3A_146], %broadcast_in_dim3A_0 {strides = array<i32>} : memref<4096xf32, #tpu.memory_space<vmem>>, vector<16xf32>,
    %swap3A_148 = arith.constant 1184 : index
    %swap3A_149 = tpu.vector_load %arg12[%swap3A_148] {strides = array<i32>} : memref<4096xf32, #tpu.memory_space<vmem>>, vector<16xf32>,
    tpu.vector_store %arg12[%swap3A_148], %broadcast_in_dim3A_0 {strides = array<i32>} : memref<4096xf32, #tpu.memory_space<vmem>>, vector<16xf32>,
    %swap3A_150 = arith.constant 1200 : index
    %swap3A_151 = tpu.vector_load %arg12[%swap3A_150] {strides = array<i32>} : memref<4096xf32, #tpu.memory_space<vmem>>, vector<16xf32>,
    tpu.vector_store %arg12[%swap3A_150], %broadcast_in_dim3A_0 {strides = array<i32>} : memref<4096xf32, #tpu.memory_space<vmem>>, vector<16xf32>,
    %swap3A_152 = arith.constant 1216 : index
    %swap3A_153 = tpu.vector_load %arg12[%swap3A_152] {strides = array<i32>} : memref<4096xf32, #tpu.memory_space<vmem>>, vector<16xf32>,
    tpu.vector_store %arg12[%swap3A_152], %broadcast_in_dim3A_0 {strides = array<i32>} : memref<4096xf32, #tpu.memory_space<vmem>>, vector<16xf32>,
    %swap3A_154 = arith.constant 1232 : index
    %swap3A_155 = tpu.vector_load %arg12[%swap3A_154] {strides = array<i32>} : memref<4096xf32, #tpu.memory_space<vmem>>, vector<16xf32>,
    tpu.vector_store %arg12[%swap3A_154], %broadcast_in_dim3A_0 {strides = array<i32>} : memref<4096xf32, #tpu.memory_space<vmem>>, vector<16xf32>,
    %swap3A_156 = arith.constant 1248 : index
    %swap3A_157 = tpu.vector_load %arg12[%swap3A_156] {strides = array<i32>} : memref<4096xf32, #tpu.memory_space<vmem>>, vector<16xf32>,
    tpu.vector_store %arg12[%swap3A_156], %broadcast_in_dim3A_0 {strides = array<i32>} : memref<4096xf32, #tpu.memory_space<vmem>>, vector<16xf32>,
    %swap3A_158 = arith.constant 1264 : index
    %swap3A_159 = tpu.vector_load %arg12[%swap3A_158] {strides = array<i32>} : memref<4096xf32, #tpu.memory_space<vmem>>, vector<16xf32>,
    tpu.vector_store %arg12[%swap3A_158], %broadcast_in_dim3A_0 {strides = array<i32>} : memref<4096xf32, #tpu.memory_space<vmem>>, vector<16xf32>,
    %mul3A = arith.constant 1248 : i32
    %mul3A_160 = arith.muli %arg1, %mul3A : i32
    %lt3A = arith.constant 15 : i32
    %lt3A_161 = arith.cmpi slt, %arg1, %lt3A : i32
    %convert_element_type3A = arith.extui %lt3A_161 : i1 to i32
    %cond3A = arith.constant 0 : i32
    %cond3A_162 = arith.cmpi ne, %convert_element_type3A, %cond3A : i32
    scf.if %cond3A_162 {
      "tpu.region"() ({
        %run_scoped3A = tpu.sem_alloc : memref<!tpu.dma_semaphore, #tpu.memory_space<semaphore_mem>>
        %dma_start3A_510 = arith.constant 0 : i32
        %dma_start3A_511 = tpu.memref_slice %arg12[%dma_start3A_510] : memref<4096xf32, #tpu.memory_space<vmem>> -> memref<1248xf32, #tpu.memory_space<vmem>>
        %dma_start3A_512 = tpu.memref_slice %arg4[%mul3A_160] : memref<20000xf32, #tpu.memory_space<vmem_shared>> -> memref<1248xf32, #tpu.memory_space<vmem_shared>>
        %dma_start3A_513 = tpu.memref_slice %arg4[%mul3A_160] : memref<20000xf32, #tpu.memory_space<vmem_shared>> -> memref<1248xf32, #tpu.memory_space<vmem_shared>>
        %dma_start3A_514 = arith.constant 0 : i32
        %dma_start3A_515 = tpu.memref_slice %arg12[%dma_start3A_514] : memref<4096xf32, #tpu.memory_space<vmem>> -> memref<1248xf32, #tpu.memory_space<vmem>>
        tpu.enqueue_dma source(%dma_start3A_515 : memref<1248xf32, #tpu.memory_space<vmem>>) target(%dma_start3A_513 : memref<1248xf32, #tpu.memory_space<vmem_shared>>) target_semaphore(%run_scoped3A : memref<!tpu.dma_semaphore, #tpu.memory_space<semaphore_mem>>)
        %dma_wait3A_516 = arith.constant 0 : i32
        %dma_wait3A_517 = tpu.memref_slice %arg12[%dma_wait3A_516] : memref<4096xf32, #tpu.memory_space<vmem>> -> memref<1248xf32, #tpu.memory_space<vmem>>
        %dma_wait3A_518 = tpu.memref_slice %arg4[%mul3A_160] : memref<20000xf32, #tpu.memory_space<vmem_shared>> -> memref<1248xf32, #tpu.memory_space<vmem_shared>>
        %dma_wait3A_519 = tpu.memref_slice %arg4[%mul3A_160] : memref<20000xf32, #tpu.memory_space<vmem_shared>> -> memref<1248xf32, #tpu.memory_space<vmem_shared>>
        %dma_wait3A_520 = arith.constant 0 : i32
        %dma_wait3A_521 = tpu.memref_slice %arg12[%dma_wait3A_520] : memref<4096xf32, #tpu.memory_space<vmem>> -> memref<1248xf32, #tpu.memory_space<vmem>>
        tpu.wait_dma2 semaphore(%run_scoped3A : memref<!tpu.dma_semaphore, #tpu.memory_space<semaphore_mem>>) src(%dma_wait3A_521 : memref<1248xf32, #tpu.memory_space<vmem>>) dst(%dma_wait3A_519 : memref<1248xf32, #tpu.memory_space<vmem_shared>>)
        tpu.yield
      }) : () -> ()
    } else {
    }
    %eq3A = arith.constant 15 : i32
    %eq3A_163 = arith.cmpi eq, %arg1, %eq3A : i32
    %convert_element_type3A_164 = arith.extui %eq3A_163 : i1 to i32
    %cond3A_165 = arith.constant 0 : i32
    %cond3A_166 = arith.cmpi ne, %convert_element_type3A_164, %cond3A_165 : i32
    scf.if %cond3A_166 {
      "tpu.region"() ({
        %run_scoped3A = tpu.sem_alloc : memref<!tpu.dma_semaphore, #tpu.memory_space<semaphore_mem>>
        %dma_start3A_510 = arith.constant 0 : i32
        %dma_start3A_511 = tpu.memref_slice %arg12[%dma_start3A_510] : memref<4096xf32, #tpu.memory_space<vmem>> -> memref<1280xf32, #tpu.memory_space<vmem>>
        %dma_start3A_512 = tpu.memref_slice %arg4[%mul3A_160] : memref<20000xf32, #tpu.memory_space<vmem_shared>> -> memref<1280xf32, #tpu.memory_space<vmem_shared>>
        %dma_start3A_513 = tpu.memref_slice %arg4[%mul3A_160] : memref<20000xf32, #tpu.memory_space<vmem_shared>> -> memref<1280xf32, #tpu.memory_space<vmem_shared>>
        %dma_start3A_514 = arith.constant 0 : i32
        %dma_start3A_515 = tpu.memref_slice %arg12[%dma_start3A_514] : memref<4096xf32, #tpu.memory_space<vmem>> -> memref<1280xf32, #tpu.memory_space<vmem>>
        tpu.enqueue_dma source(%dma_start3A_515 : memref<1280xf32, #tpu.memory_space<vmem>>) target(%dma_start3A_513 : memref<1280xf32, #tpu.memory_space<vmem_shared>>) target_semaphore(%run_scoped3A : memref<!tpu.dma_semaphore, #tpu.memory_space<semaphore_mem>>)
        %dma_wait3A_516 = arith.constant 0 : i32
        %dma_wait3A_517 = tpu.memref_slice %arg12[%dma_wait3A_516] : memref<4096xf32, #tpu.memory_space<vmem>> -> memref<1280xf32, #tpu.memory_space<vmem>>
        %dma_wait3A_518 = tpu.memref_slice %arg4[%mul3A_160] : memref<20000xf32, #tpu.memory_space<vmem_shared>> -> memref<1280xf32, #tpu.memory_space<vmem_shared>>
        %dma_wait3A_519 = tpu.memref_slice %arg4[%mul3A_160] : memref<20000xf32, #tpu.memory_space<vmem_shared>> -> memref<1280xf32, #tpu.memory_space<vmem_shared>>
        %dma_wait3A_520 = arith.constant 0 : i32
        %dma_wait3A_521 = tpu.memref_slice %arg12[%dma_wait3A_520] : memref<4096xf32, #tpu.memory_space<vmem>> -> memref<1280xf32, #tpu.memory_space<vmem>>
        tpu.wait_dma2 semaphore(%run_scoped3A : memref<!tpu.dma_semaphore, #tpu.memory_space<semaphore_mem>>) src(%dma_wait3A_521 : memref<1280xf32, #tpu.memory_space<vmem>>) dst(%dma_wait3A_519 : memref<1280xf32, #tpu.memory_space<vmem_shared>>)
        tpu.yield
      }) : () -> ()
    } else {
    }
    %broadcast_in_dim3A_167 = arith.constant -1 : i32
    %broadcast_in_dim3A_168 = vector.broadcast %broadcast_in_dim3A_167 : i32 to vector<16xi32>
    %swap3A_169 = arith.constant 0 : index
    %swap3A_170 = tpu.vector_load %arg5[%swap3A_169] {strides = array<i32>} : memref<8192xi32, #tpu.memory_space<vmem>>, vector<16xi32>,
    tpu.vector_store %arg5[%swap3A_169], %broadcast_in_dim3A_168 {strides = array<i32>} : memref<8192xi32, #tpu.memory_space<vmem>>, vector<16xi32>,
    %swap3A_171 = arith.constant 0 : index
    %swap3A_172 = tpu.vector_load %arg6[%swap3A_171] {strides = array<i32>} : memref<8192xi32, #tpu.memory_space<vmem>>, vector<16xi32>,
    tpu.vector_store %arg6[%swap3A_171], %broadcast_in_dim3A_168 {strides = array<i32>} : memref<8192xi32, #tpu.memory_space<vmem>>, vector<16xi32>,
    %swap3A_173 = arith.constant 4128 : index
    %swap3A_174 = tpu.vector_load %arg5[%swap3A_173] {strides = array<i32>} : memref<8192xi32, #tpu.memory_space<vmem>>, vector<16xi32>,
    tpu.vector_store %arg5[%swap3A_173], %broadcast_in_dim3A_168 {strides = array<i32>} : memref<8192xi32, #tpu.memory_space<vmem>>, vector<16xi32>,
    %swap3A_175 = arith.constant 4128 : index
    %swap3A_176 = tpu.vector_load %arg6[%swap3A_175] {strides = array<i32>} : memref<8192xi32, #tpu.memory_space<vmem>>, vector<16xi32>,
    tpu.vector_store %arg6[%swap3A_175], %broadcast_in_dim3A_168 {strides = array<i32>} : memref<8192xi32, #tpu.memory_space<vmem>>, vector<16xi32>,
    %barrier3A = arith.constant 0 : index
    tpu.barrier barrier_id(%barrier3A)
    %mul3A_177 = arith.constant 62504 : i32
    %mul3A_178 = arith.muli %arg1, %mul3A_177 : i32
    %add3A = arith.constant 62504 : i32
    %add3A_179 = arith.addi %mul3A_178, %add3A : i32
    %min3A = arith.constant 1000000 : i32
    %min3A_180 = arith.minsi %add3A_179, %min3A : i32
    %iota3A = tpu.iota {dimensions = array<i32: 0>} : vector<16xi32>
    %add3A_181 = arith.constant 0 : i32
    %add3A_182 = arith.addi %mul3A_178, %add3A_181 : i32
    %sub3A = arith.constant 8 : i32
    %sub3A_183 = arith.subi %add3A_182, %sub3A : i32
    %jit3A = arith.constant 0 : i32
    %jit3A_184 = arith.constant 995888 : i32
    %max3A = arith.maxsi %jit3A, %sub3A_183 : i32
    %min3A_185 = arith.minsi %jit3A_184, %max3A : i32
    %multiple_of3A = tpu.assume_multiple %min3A_185, 8 : i32
    %dma_start3A = arith.constant 16 : i32
    %dma_start3A_186 = tpu.memref_slice %arg5[%dma_start3A] : memref<8192xi32, #tpu.memory_space<vmem>> -> memref<4112xi32, #tpu.memory_space<vmem>>
    %dma_start3A_187 = tpu.memref_slice %arg2[%multiple_of3A] : memref<1000000xi32, #tpu.memory_space<hbm>> -> memref<4112xi32, #tpu.memory_space<hbm>>
    %dma_start3A_188 = arith.constant 16 : i32
    %dma_start3A_189 = tpu.memref_slice %arg5[%dma_start3A_188] : memref<8192xi32, #tpu.memory_space<vmem>> -> memref<4112xi32, #tpu.memory_space<vmem>>
    %dma_start3A_190 = tpu.memref_slice %arg2[%multiple_of3A] : memref<1000000xi32, #tpu.memory_space<hbm>> -> memref<4112xi32, #tpu.memory_space<hbm>>
    tpu.enqueue_dma source(%dma_start3A_190 : memref<4112xi32, #tpu.memory_space<hbm>>) target(%dma_start3A_189 : memref<4112xi32, #tpu.memory_space<vmem>>) target_semaphore(%arg14 : memref<!tpu.dma_semaphore, #tpu.memory_space<semaphore_mem>>)
    %scan3A = arith.constant 0 : i32
    %scan3A_191 = arith.constant 0 : i32
    %scan3A_192 = arith.constant 8 : i32
    %scan3A_193 = arith.addi %scan3A_191, %scan3A_192 : i32
    %scan3A_194 = arith.constant 1 : i32
    scf.for %scan3A_510 = %scan3A_191 to %scan3A_193 step %scan3A_194  : i32 {
      %mul3A_511 = arith.constant 2 : i32
      %mul3A_512 = arith.muli %mul3A_511, %scan3A_510 : i32
      %mul3A_513 = arith.constant 4096 : i32
      %mul3A_514 = arith.muli %mul3A_512, %mul3A_513 : i32
      %add3A_515 = arith.addi %mul3A_178, %mul3A_514 : i32
      %sub3A_516 = arith.constant 8 : i32
      %sub3A_517 = arith.subi %add3A_515, %sub3A_516 : i32
      %jit3A_518 = arith.constant 0 : i32
      %jit3A_519 = arith.constant 995888 : i32
      %max3A_520 = arith.maxsi %jit3A_518, %sub3A_517 : i32
      %min3A_521 = arith.minsi %jit3A_519, %max3A_520 : i32
      %multiple_of3A_522 = tpu.assume_multiple %min3A_521, 8 : i32
      %dma_wait3A_523 = arith.constant 16 : i32
      %dma_wait3A_524 = tpu.memref_slice %arg5[%dma_wait3A_523] : memref<8192xi32, #tpu.memory_space<vmem>> -> memref<4112xi32, #tpu.memory_space<vmem>>
      %dma_wait3A_525 = tpu.memref_slice %arg2[%multiple_of3A_522] : memref<1000000xi32, #tpu.memory_space<hbm>> -> memref<4112xi32, #tpu.memory_space<hbm>>
      %dma_wait3A_526 = arith.constant 16 : i32
      %dma_wait3A_527 = tpu.memref_slice %arg5[%dma_wait3A_526] : memref<8192xi32, #tpu.memory_space<vmem>> -> memref<4112xi32, #tpu.memory_space<vmem>>
      %dma_wait3A_528 = tpu.memref_slice %arg2[%multiple_of3A_522] : memref<1000000xi32, #tpu.memory_space<hbm>> -> memref<4112xi32, #tpu.memory_space<hbm>>
      tpu.wait_dma2 semaphore(%arg14 : memref<!tpu.dma_semaphore, #tpu.memory_space<semaphore_mem>>) src(%dma_wait3A_528 : memref<4112xi32, #tpu.memory_space<hbm>>) dst(%dma_wait3A_527 : memref<4112xi32, #tpu.memory_space<vmem>>)
      %add3A_529 = arith.constant 1 : i32
      %add3A_530 = arith.addi %mul3A_512, %add3A_529 : i32
      %mul3A_531 = arith.constant 4096 : i32
      %mul3A_532 = arith.muli %add3A_530, %mul3A_531 : i32
      %add3A_533 = arith.addi %mul3A_178, %mul3A_532 : i32
      %sub3A_534 = arith.constant 8 : i32
      %sub3A_535 = arith.subi %add3A_533, %sub3A_534 : i32
      %jit3A_536 = arith.constant 0 : i32
      %jit3A_537 = arith.constant 995888 : i32
      %max3A_538 = arith.maxsi %jit3A_536, %sub3A_535 : i32
      %min3A_539 = arith.minsi %jit3A_537, %max3A_538 : i32
      %multiple_of3A_540 = tpu.assume_multiple %min3A_539, 8 : i32
      %dma_start3A_541 = arith.constant 16 : i32
      %dma_start3A_542 = tpu.memref_slice %arg6[%dma_start3A_541] : memref<8192xi32, #tpu.memory_space<vmem>> -> memref<4112xi32, #tpu.memory_space<vmem>>
      %dma_start3A_543 = tpu.memref_slice %arg2[%multiple_of3A_540] : memref<1000000xi32, #tpu.memory_space<hbm>> -> memref<4112xi32, #tpu.memory_space<hbm>>
      %dma_start3A_544 = arith.constant 16 : i32
      %dma_start3A_545 = tpu.memref_slice %arg6[%dma_start3A_544] : memref<8192xi32, #tpu.memory_space<vmem>> -> memref<4112xi32, #tpu.memory_space<vmem>>
      %dma_start3A_546 = tpu.memref_slice %arg2[%multiple_of3A_540] : memref<1000000xi32, #tpu.memory_space<hbm>> -> memref<4112xi32, #tpu.memory_space<hbm>>
      tpu.enqueue_dma source(%dma_start3A_546 : memref<4112xi32, #tpu.memory_space<hbm>>) target(%dma_start3A_545 : memref<4112xi32, #tpu.memory_space<vmem>>) target_semaphore(%arg15 : memref<!tpu.dma_semaphore, #tpu.memory_space<semaphore_mem>>)
      %gt3A_547 = arith.constant 0 : i32
      %gt3A_548 = arith.cmpi sgt, %scan3A_510, %gt3A_547 : i32
      %convert_element_type3A_549 = arith.extui %gt3A_548 : i1 to i32
      %cond3A_550 = arith.constant 0 : i32
      %cond3A_551 = arith.cmpi ne, %convert_element_type3A_549, %cond3A_550 : i32
      scf.if %cond3A_551 {
        %dma_wait3A_614 = arith.constant 0 : i32
        %dma_wait3A_615 = tpu.memref_slice %arg4[%dma_wait3A_614] : memref<20000xf32, #tpu.memory_space<vmem_shared>> -> memref<20000xf32, #tpu.memory_space<vmem_shared>>
        tpu.wait_indirect_dma semaphore(%arg16 : memref<!tpu.dma_semaphore, #tpu.memory_space<semaphore_mem>>) src(%arg8 : memref<4096xf32, #tpu.memory_space<vmem>>) dst(%dma_wait3A_615 : memref<20000xf32, #tpu.memory_space<vmem_shared>>)
      } else {
      }
      %mul3A_552 = arith.constant 4096 : i32
      %mul3A_553 = arith.muli %mul3A_512, %mul3A_552 : i32
      %add3A_554 = arith.addi %mul3A_178, %mul3A_553 : i32
      %mul3A_555 = arith.constant 4096 : i32
      %mul3A_556 = arith.muli %mul3A_512, %mul3A_555 : i32
      %add3A_557 = arith.addi %mul3A_178, %mul3A_556 : i32
      %sub3A_558 = arith.constant 8 : i32
      %sub3A_559 = arith.subi %add3A_557, %sub3A_558 : i32
      %jit3A_560 = arith.constant 0 : i32
      %jit3A_561 = arith.constant 995888 : i32
      %max3A_562 = arith.maxsi %jit3A_560, %sub3A_559 : i32
      %min3A_563 = arith.minsi %jit3A_561, %max3A_562 : i32
      %multiple_of3A_564 = tpu.assume_multiple %min3A_563, 8 : i32
      %sub3A_565 = arith.subi %add3A_554, %multiple_of3A_564 : i32
      %scan3A_566 = arith.constant 0 : i32
      %scan3A_567 = arith.constant 0 : i32
      %scan3A_568 = arith.constant 256 : i32
      %scan3A_569 = arith.addi %scan3A_567, %scan3A_568 : i32
      %scan3A_570 = arith.constant 8 : i32
      scf.for %scan3A_614 = %scan3A_567 to %scan3A_569 step %scan3A_570  : i32 {
        %mul3A_615 = arith.constant 16 : i32
        %mul3A_616 = arith.muli %scan3A_614, %mul3A_615 : i32
        %add3A_617 = arith.constant 16 : i32
        %add3A_618 = arith.addi %add3A_617, %sub3A_565 : i32
        %add3A_619 = arith.addi %add3A_618, %mul3A_616 : i32
        %get3A_620 = arith.index_cast %add3A_619 : i32 to index
        %get3A_621 = tpu.vector_load %arg5[%get3A_620] {strides = array<i32>} : memref<8192xi32, #tpu.memory_space<vmem>>, vector<16xi32>,
        %sub3A_622 = arith.constant 1 : i32
        %sub3A_623 = arith.subi %add3A_619, %sub3A_622 : i32
        %get3A_624 = arith.index_cast %sub3A_623 : i32 to index
        %get3A_625 = tpu.vector_load %arg5[%get3A_624] {strides = array<i32>} : memref<8192xi32, #tpu.memory_space<vmem>>, vector<16xi32>,
        %add3A_626 = arith.constant 1 : i32
        %add3A_627 = arith.addi %add3A_619, %add3A_626 : i32
        %get3A_628 = arith.index_cast %add3A_627 : i32 to index
        %get3A_629 = tpu.vector_load %arg5[%get3A_628] {strides = array<i32>} : memref<8192xi32, #tpu.memory_space<vmem>>, vector<16xi32>,
        %add3A_630 = arith.addi %add3A_554, %mul3A_616 : i32
        %add3A_631 = vector.broadcast %add3A_630 : i32 to vector<16xi32>
        %add3A_632 = arith.addi %add3A_631, %iota3A : vector<16xi32>
        %ne3A = arith.cmpi ne, %get3A_621, %get3A_625 : vector<16xi32>
        %ne3A_633 = arith.cmpi ne, %get3A_621, %get3A_629 : vector<16xi32>
        %add3A_634 = arith.constant 1 : i32
        %add3A_635 = vector.broadcast %add3A_634 : i32 to vector<16xi32>
        %add3A_636 = arith.addi %add3A_632, %add3A_635 : vector<16xi32>
        %jit3A_637 = arith.constant 0 : i32
        %broadcast_in_dim3A_638 = vector.broadcast %jit3A_637 : i32 to vector<16xi32>
        %select_n3A_639 = arith.select %ne3A_633, %add3A_636, %broadcast_in_dim3A_638 : vector<16xi1>, vector<16xi32>
        %jit3A_640 = arith.constant 0 : i32
        %broadcast_in_dim3A_641 = vector.broadcast %jit3A_640 : i32 to vector<16xi32>
        %select_n3A_642 = arith.select %ne3A, %add3A_632, %broadcast_in_dim3A_641 : vector<16xi1>, vector<16xi32>
        %sub3A_643 = arith.subi %select_n3A_639, %select_n3A_642 : vector<16xi32>
        %swap3A_644 = arith.index_cast %mul3A_616 : i32 to index
        %swap3A_645 = tpu.vector_load %arg7[%swap3A_644] {strides = array<i32>} : memref<4096xi32, #tpu.memory_space<vmem>>, vector<16xi32>,
        tpu.vector_store %arg7[%swap3A_644], %get3A_621 {strides = array<i32>} : memref<4096xi32, #tpu.memory_space<vmem>>, vector<16xi32>,
        %convert_element_type3A_646 = arith.sitofp %sub3A_643 : vector<16xi32> to vector<16xf32>
        %swap3A_647 = arith.index_cast %mul3A_616 : i32 to index
        %swap3A_648 = tpu.vector_load %arg8[%swap3A_647] {strides = array<i32>} : memref<4096xf32, #tpu.memory_space<vmem>>, vector<16xf32>,
        tpu.vector_store %arg8[%swap3A_647], %convert_element_type3A_646 {strides = array<i32>} : memref<4096xf32, #tpu.memory_space<vmem>>, vector<16xf32>,
        %scan3A_649 = arith.constant 1 : i32
        %scan3A_650 = arith.addi %scan3A_614, %scan3A_649 : i32
        %mul3A_651 = arith.constant 16 : i32
        %mul3A_652 = arith.muli %scan3A_650, %mul3A_651 : i32
        %add3A_653 = arith.constant 16 : i32
        %add3A_654 = arith.addi %add3A_653, %sub3A_565 : i32
        %add3A_655 = arith.addi %add3A_654, %mul3A_652 : i32
        %get3A_656 = arith.index_cast %add3A_655 : i32 to index
        %get3A_657 = tpu.vector_load %arg5[%get3A_656] {strides = array<i32>} : memref<8192xi32, #tpu.memory_space<vmem>>, vector<16xi32>,
        %sub3A_658 = arith.constant 1 : i32
        %sub3A_659 = arith.subi %add3A_655, %sub3A_658 : i32
        %get3A_660 = arith.index_cast %sub3A_659 : i32 to index
        %get3A_661 = tpu.vector_load %arg5[%get3A_660] {strides = array<i32>} : memref<8192xi32, #tpu.memory_space<vmem>>, vector<16xi32>,
        %add3A_662 = arith.constant 1 : i32
        %add3A_663 = arith.addi %add3A_655, %add3A_662 : i32
        %get3A_664 = arith.index_cast %add3A_663 : i32 to index
        %get3A_665 = tpu.vector_load %arg5[%get3A_664] {strides = array<i32>} : memref<8192xi32, #tpu.memory_space<vmem>>, vector<16xi32>,
        %add3A_666 = arith.addi %add3A_554, %mul3A_652 : i32
        %add3A_667 = vector.broadcast %add3A_666 : i32 to vector<16xi32>
        %add3A_668 = arith.addi %add3A_667, %iota3A : vector<16xi32>
        %ne3A_669 = arith.cmpi ne, %get3A_657, %get3A_661 : vector<16xi32>
        %ne3A_670 = arith.cmpi ne, %get3A_657, %get3A_665 : vector<16xi32>
        %add3A_671 = arith.constant 1 : i32
        %add3A_672 = vector.broadcast %add3A_671 : i32 to vector<16xi32>
        %add3A_673 = arith.addi %add3A_668, %add3A_672 : vector<16xi32>
        %jit3A_674 = arith.constant 0 : i32
        %broadcast_in_dim3A_675 = vector.broadcast %jit3A_674 : i32 to vector<16xi32>
        %select_n3A_676 = arith.select %ne3A_670, %add3A_673, %broadcast_in_dim3A_675 : vector<16xi1>, vector<16xi32>
        %jit3A_677 = arith.constant 0 : i32
        %broadcast_in_dim3A_678 = vector.broadcast %jit3A_677 : i32 to vector<16xi32>
        %select_n3A_679 = arith.select %ne3A_669, %add3A_668, %broadcast_in_dim3A_678 : vector<16xi1>, vector<16xi32>
        %sub3A_680 = arith.subi %select_n3A_676, %select_n3A_679 : vector<16xi32>
        %swap3A_681 = arith.index_cast %mul3A_652 : i32 to index
        %swap3A_682 = tpu.vector_load %arg7[%swap3A_681] {strides = array<i32>} : memref<4096xi32, #tpu.memory_space<vmem>>, vector<16xi32>,
        tpu.vector_store %arg7[%swap3A_681], %get3A_657 {strides = array<i32>} : memref<4096xi32, #tpu.memory_space<vmem>>, vector<16xi32>,
        %convert_element_type3A_683 = arith.sitofp %sub3A_680 : vector<16xi32> to vector<16xf32>
        %swap3A_684 = arith.index_cast %mul3A_652 : i32 to index
        %swap3A_685 = tpu.vector_load %arg8[%swap3A_684] {strides = array<i32>} : memref<4096xf32, #tpu.memory_space<vmem>>, vector<16xf32>,
        tpu.vector_store %arg8[%swap3A_684], %convert_element_type3A_683 {strides = array<i32>} : memref<4096xf32, #tpu.memory_space<vmem>>, vector<16xf32>,
        %scan3A_686 = arith.constant 2 : i32
        %scan3A_687 = arith.addi %scan3A_614, %scan3A_686 : i32
        %mul3A_688 = arith.constant 16 : i32
        %mul3A_689 = arith.muli %scan3A_687, %mul3A_688 : i32
        %add3A_690 = arith.constant 16 : i32
        %add3A_691 = arith.addi %add3A_690, %sub3A_565 : i32
        %add3A_692 = arith.addi %add3A_691, %mul3A_689 : i32
        %get3A_693 = arith.index_cast %add3A_692 : i32 to index
        %get3A_694 = tpu.vector_load %arg5[%get3A_693] {strides = array<i32>} : memref<8192xi32, #tpu.memory_space<vmem>>, vector<16xi32>,
        %sub3A_695 = arith.constant 1 : i32
        %sub3A_696 = arith.subi %add3A_692, %sub3A_695 : i32
        %get3A_697 = arith.index_cast %sub3A_696 : i32 to index
        %get3A_698 = tpu.vector_load %arg5[%get3A_697] {strides = array<i32>} : memref<8192xi32, #tpu.memory_space<vmem>>, vector<16xi32>,
        %add3A_699 = arith.constant 1 : i32
        %add3A_700 = arith.addi %add3A_692, %add3A_699 : i32
        %get3A_701 = arith.index_cast %add3A_700 : i32 to index
        %get3A_702 = tpu.vector_load %arg5[%get3A_701] {strides = array<i32>} : memref<8192xi32, #tpu.memory_space<vmem>>, vector<16xi32>,
        %add3A_703 = arith.addi %add3A_554, %mul3A_689 : i32
        %add3A_704 = vector.broadcast %add3A_703 : i32 to vector<16xi32>
        %add3A_705 = arith.addi %add3A_704, %iota3A : vector<16xi32>
        %ne3A_706 = arith.cmpi ne, %get3A_694, %get3A_698 : vector<16xi32>
        %ne3A_707 = arith.cmpi ne, %get3A_694, %get3A_702 : vector<16xi32>
        %add3A_708 = arith.constant 1 : i32
        %add3A_709 = vector.broadcast %add3A_708 : i32 to vector<16xi32>
        %add3A_710 = arith.addi %add3A_705, %add3A_709 : vector<16xi32>
        %jit3A_711 = arith.constant 0 : i32
        %broadcast_in_dim3A_712 = vector.broadcast %jit3A_711 : i32 to vector<16xi32>
        %select_n3A_713 = arith.select %ne3A_707, %add3A_710, %broadcast_in_dim3A_712 : vector<16xi1>, vector<16xi32>
        %jit3A_714 = arith.constant 0 : i32
        %broadcast_in_dim3A_715 = vector.broadcast %jit3A_714 : i32 to vector<16xi32>
        %select_n3A_716 = arith.select %ne3A_706, %add3A_705, %broadcast_in_dim3A_715 : vector<16xi1>, vector<16xi32>
        %sub3A_717 = arith.subi %select_n3A_713, %select_n3A_716 : vector<16xi32>
        %swap3A_718 = arith.index_cast %mul3A_689 : i32 to index
        %swap3A_719 = tpu.vector_load %arg7[%swap3A_718] {strides = array<i32>} : memref<4096xi32, #tpu.memory_space<vmem>>, vector<16xi32>,
        tpu.vector_store %arg7[%swap3A_718], %get3A_694 {strides = array<i32>} : memref<4096xi32, #tpu.memory_space<vmem>>, vector<16xi32>,
        %convert_element_type3A_720 = arith.sitofp %sub3A_717 : vector<16xi32> to vector<16xf32>
        %swap3A_721 = arith.index_cast %mul3A_689 : i32 to index
        %swap3A_722 = tpu.vector_load %arg8[%swap3A_721] {strides = array<i32>} : memref<4096xf32, #tpu.memory_space<vmem>>, vector<16xf32>,
        tpu.vector_store %arg8[%swap3A_721], %convert_element_type3A_720 {strides = array<i32>} : memref<4096xf32, #tpu.memory_space<vmem>>, vector<16xf32>,
        %scan3A_723 = arith.constant 3 : i32
        %scan3A_724 = arith.addi %scan3A_614, %scan3A_723 : i32
        %mul3A_725 = arith.constant 16 : i32
        %mul3A_726 = arith.muli %scan3A_724, %mul3A_725 : i32
        %add3A_727 = arith.constant 16 : i32
        %add3A_728 = arith.addi %add3A_727, %sub3A_565 : i32
        %add3A_729 = arith.addi %add3A_728, %mul3A_726 : i32
        %get3A_730 = arith.index_cast %add3A_729 : i32 to index
        %get3A_731 = tpu.vector_load %arg5[%get3A_730] {strides = array<i32>} : memref<8192xi32, #tpu.memory_space<vmem>>, vector<16xi32>,
        %sub3A_732 = arith.constant 1 : i32
        %sub3A_733 = arith.subi %add3A_729, %sub3A_732 : i32
        %get3A_734 = arith.index_cast %sub3A_733 : i32 to index
        %get3A_735 = tpu.vector_load %arg5[%get3A_734] {strides = array<i32>} : memref<8192xi32, #tpu.memory_space<vmem>>, vector<16xi32>,
        %add3A_736 = arith.constant 1 : i32
        %add3A_737 = arith.addi %add3A_729, %add3A_736 : i32
        %get3A_738 = arith.index_cast %add3A_737 : i32 to index
        %get3A_739 = tpu.vector_load %arg5[%get3A_738] {strides = array<i32>} : memref<8192xi32, #tpu.memory_space<vmem>>, vector<16xi32>,
        %add3A_740 = arith.addi %add3A_554, %mul3A_726 : i32
        %add3A_741 = vector.broadcast %add3A_740 : i32 to vector<16xi32>
        %add3A_742 = arith.addi %add3A_741, %iota3A : vector<16xi32>
        %ne3A_743 = arith.cmpi ne, %get3A_731, %get3A_735 : vector<16xi32>
        %ne3A_744 = arith.cmpi ne, %get3A_731, %get3A_739 : vector<16xi32>
        %add3A_745 = arith.constant 1 : i32
        %add3A_746 = vector.broadcast %add3A_745 : i32 to vector<16xi32>
        %add3A_747 = arith.addi %add3A_742, %add3A_746 : vector<16xi32>
        %jit3A_748 = arith.constant 0 : i32
        %broadcast_in_dim3A_749 = vector.broadcast %jit3A_748 : i32 to vector<16xi32>
        %select_n3A_750 = arith.select %ne3A_744, %add3A_747, %broadcast_in_dim3A_749 : vector<16xi1>, vector<16xi32>
        %jit3A_751 = arith.constant 0 : i32
        %broadcast_in_dim3A_752 = vector.broadcast %jit3A_751 : i32 to vector<16xi32>
        %select_n3A_753 = arith.select %ne3A_743, %add3A_742, %broadcast_in_dim3A_752 : vector<16xi1>, vector<16xi32>
        %sub3A_754 = arith.subi %select_n3A_750, %select_n3A_753 : vector<16xi32>
        %swap3A_755 = arith.index_cast %mul3A_726 : i32 to index
        %swap3A_756 = tpu.vector_load %arg7[%swap3A_755] {strides = array<i32>} : memref<4096xi32, #tpu.memory_space<vmem>>, vector<16xi32>,
        tpu.vector_store %arg7[%swap3A_755], %get3A_731 {strides = array<i32>} : memref<4096xi32, #tpu.memory_space<vmem>>, vector<16xi32>,
        %convert_element_type3A_757 = arith.sitofp %sub3A_754 : vector<16xi32> to vector<16xf32>
        %swap3A_758 = arith.index_cast %mul3A_726 : i32 to index
        %swap3A_759 = tpu.vector_load %arg8[%swap3A_758] {strides = array<i32>} : memref<4096xf32, #tpu.memory_space<vmem>>, vector<16xf32>,
        tpu.vector_store %arg8[%swap3A_758], %convert_element_type3A_757 {strides = array<i32>} : memref<4096xf32, #tpu.memory_space<vmem>>, vector<16xf32>,
        %scan3A_760 = arith.constant 4 : i32
        %scan3A_761 = arith.addi %scan3A_614, %scan3A_760 : i32
        %mul3A_762 = arith.constant 16 : i32
        %mul3A_763 = arith.muli %scan3A_761, %mul3A_762 : i32
        %add3A_764 = arith.constant 16 : i32
        %add3A_765 = arith.addi %add3A_764, %sub3A_565 : i32
        %add3A_766 = arith.addi %add3A_765, %mul3A_763 : i32
        %get3A_767 = arith.index_cast %add3A_766 : i32 to index
        %get3A_768 = tpu.vector_load %arg5[%get3A_767] {strides = array<i32>} : memref<8192xi32, #tpu.memory_space<vmem>>, vector<16xi32>,
        %sub3A_769 = arith.constant 1 : i32
        %sub3A_770 = arith.subi %add3A_766, %sub3A_769 : i32
        %get3A_771 = arith.index_cast %sub3A_770 : i32 to index
        %get3A_772 = tpu.vector_load %arg5[%get3A_771] {strides = array<i32>} : memref<8192xi32, #tpu.memory_space<vmem>>, vector<16xi32>,
        %add3A_773 = arith.constant 1 : i32
        %add3A_774 = arith.addi %add3A_766, %add3A_773 : i32
        %get3A_775 = arith.index_cast %add3A_774 : i32 to index
        %get3A_776 = tpu.vector_load %arg5[%get3A_775] {strides = array<i32>} : memref<8192xi32, #tpu.memory_space<vmem>>, vector<16xi32>,
        %add3A_777 = arith.addi %add3A_554, %mul3A_763 : i32
        %add3A_778 = vector.broadcast %add3A_777 : i32 to vector<16xi32>
        %add3A_779 = arith.addi %add3A_778, %iota3A : vector<16xi32>
        %ne3A_780 = arith.cmpi ne, %get3A_768, %get3A_772 : vector<16xi32>
        %ne3A_781 = arith.cmpi ne, %get3A_768, %get3A_776 : vector<16xi32>
        %add3A_782 = arith.constant 1 : i32
        %add3A_783 = vector.broadcast %add3A_782 : i32 to vector<16xi32>
        %add3A_784 = arith.addi %add3A_779, %add3A_783 : vector<16xi32>
        %jit3A_785 = arith.constant 0 : i32
        %broadcast_in_dim3A_786 = vector.broadcast %jit3A_785 : i32 to vector<16xi32>
        %select_n3A_787 = arith.select %ne3A_781, %add3A_784, %broadcast_in_dim3A_786 : vector<16xi1>, vector<16xi32>
        %jit3A_788 = arith.constant 0 : i32
        %broadcast_in_dim3A_789 = vector.broadcast %jit3A_788 : i32 to vector<16xi32>
        %select_n3A_790 = arith.select %ne3A_780, %add3A_779, %broadcast_in_dim3A_789 : vector<16xi1>, vector<16xi32>
        %sub3A_791 = arith.subi %select_n3A_787, %select_n3A_790 : vector<16xi32>
        %swap3A_792 = arith.index_cast %mul3A_763 : i32 to index
        %swap3A_793 = tpu.vector_load %arg7[%swap3A_792] {strides = array<i32>} : memref<4096xi32, #tpu.memory_space<vmem>>, vector<16xi32>,
        tpu.vector_store %arg7[%swap3A_792], %get3A_768 {strides = array<i32>} : memref<4096xi32, #tpu.memory_space<vmem>>, vector<16xi32>,
        %convert_element_type3A_794 = arith.sitofp %sub3A_791 : vector<16xi32> to vector<16xf32>
        %swap3A_795 = arith.index_cast %mul3A_763 : i32 to index
        %swap3A_796 = tpu.vector_load %arg8[%swap3A_795] {strides = array<i32>} : memref<4096xf32, #tpu.memory_space<vmem>>, vector<16xf32>,
        tpu.vector_store %arg8[%swap3A_795], %convert_element_type3A_794 {strides = array<i32>} : memref<4096xf32, #tpu.memory_space<vmem>>, vector<16xf32>,
        %scan3A_797 = arith.constant 5 : i32
        %scan3A_798 = arith.addi %scan3A_614, %scan3A_797 : i32
        %mul3A_799 = arith.constant 16 : i32
        %mul3A_800 = arith.muli %scan3A_798, %mul3A_799 : i32
        %add3A_801 = arith.constant 16 : i32
        %add3A_802 = arith.addi %add3A_801, %sub3A_565 : i32
        %add3A_803 = arith.addi %add3A_802, %mul3A_800 : i32
        %get3A_804 = arith.index_cast %add3A_803 : i32 to index
        %get3A_805 = tpu.vector_load %arg5[%get3A_804] {strides = array<i32>} : memref<8192xi32, #tpu.memory_space<vmem>>, vector<16xi32>,
        %sub3A_806 = arith.constant 1 : i32
        %sub3A_807 = arith.subi %add3A_803, %sub3A_806 : i32
        %get3A_808 = arith.index_cast %sub3A_807 : i32 to index
        %get3A_809 = tpu.vector_load %arg5[%get3A_808] {strides = array<i32>} : memref<8192xi32, #tpu.memory_space<vmem>>, vector<16xi32>,
        %add3A_810 = arith.constant 1 : i32
        %add3A_811 = arith.addi %add3A_803, %add3A_810 : i32
        %get3A_812 = arith.index_cast %add3A_811 : i32 to index
        %get3A_813 = tpu.vector_load %arg5[%get3A_812] {strides = array<i32>} : memref<8192xi32, #tpu.memory_space<vmem>>, vector<16xi32>,
        %add3A_814 = arith.addi %add3A_554, %mul3A_800 : i32
        %add3A_815 = vector.broadcast %add3A_814 : i32 to vector<16xi32>
        %add3A_816 = arith.addi %add3A_815, %iota3A : vector<16xi32>
        %ne3A_817 = arith.cmpi ne, %get3A_805, %get3A_809 : vector<16xi32>
        %ne3A_818 = arith.cmpi ne, %get3A_805, %get3A_813 : vector<16xi32>
        %add3A_819 = arith.constant 1 : i32
        %add3A_820 = vector.broadcast %add3A_819 : i32 to vector<16xi32>
        %add3A_821 = arith.addi %add3A_816, %add3A_820 : vector<16xi32>
        %jit3A_822 = arith.constant 0 : i32
        %broadcast_in_dim3A_823 = vector.broadcast %jit3A_822 : i32 to vector<16xi32>
        %select_n3A_824 = arith.select %ne3A_818, %add3A_821, %broadcast_in_dim3A_823 : vector<16xi1>, vector<16xi32>
        %jit3A_825 = arith.constant 0 : i32
        %broadcast_in_dim3A_826 = vector.broadcast %jit3A_825 : i32 to vector<16xi32>
        %select_n3A_827 = arith.select %ne3A_817, %add3A_816, %broadcast_in_dim3A_826 : vector<16xi1>, vector<16xi32>
        %sub3A_828 = arith.subi %select_n3A_824, %select_n3A_827 : vector<16xi32>
        %swap3A_829 = arith.index_cast %mul3A_800 : i32 to index
        %swap3A_830 = tpu.vector_load %arg7[%swap3A_829] {strides = array<i32>} : memref<4096xi32, #tpu.memory_space<vmem>>, vector<16xi32>,
        tpu.vector_store %arg7[%swap3A_829], %get3A_805 {strides = array<i32>} : memref<4096xi32, #tpu.memory_space<vmem>>, vector<16xi32>,
        %convert_element_type3A_831 = arith.sitofp %sub3A_828 : vector<16xi32> to vector<16xf32>
        %swap3A_832 = arith.index_cast %mul3A_800 : i32 to index
        %swap3A_833 = tpu.vector_load %arg8[%swap3A_832] {strides = array<i32>} : memref<4096xf32, #tpu.memory_space<vmem>>, vector<16xf32>,
        tpu.vector_store %arg8[%swap3A_832], %convert_element_type3A_831 {strides = array<i32>} : memref<4096xf32, #tpu.memory_space<vmem>>, vector<16xf32>,
        %scan3A_834 = arith.constant 6 : i32
        %scan3A_835 = arith.addi %scan3A_614, %scan3A_834 : i32
        %mul3A_836 = arith.constant 16 : i32
        %mul3A_837 = arith.muli %scan3A_835, %mul3A_836 : i32
        %add3A_838 = arith.constant 16 : i32
        %add3A_839 = arith.addi %add3A_838, %sub3A_565 : i32
        %add3A_840 = arith.addi %add3A_839, %mul3A_837 : i32
        %get3A_841 = arith.index_cast %add3A_840 : i32 to index
        %get3A_842 = tpu.vector_load %arg5[%get3A_841] {strides = array<i32>} : memref<8192xi32, #tpu.memory_space<vmem>>, vector<16xi32>,
        %sub3A_843 = arith.constant 1 : i32
        %sub3A_844 = arith.subi %add3A_840, %sub3A_843 : i32
        %get3A_845 = arith.index_cast %sub3A_844 : i32 to index
        %get3A_846 = tpu.vector_load %arg5[%get3A_845] {strides = array<i32>} : memref<8192xi32, #tpu.memory_space<vmem>>, vector<16xi32>,
        %add3A_847 = arith.constant 1 : i32
        %add3A_848 = arith.addi %add3A_840, %add3A_847 : i32
        %get3A_849 = arith.index_cast %add3A_848 : i32 to index
        %get3A_850 = tpu.vector_load %arg5[%get3A_849] {strides = array<i32>} : memref<8192xi32, #tpu.memory_space<vmem>>, vector<16xi32>,
        %add3A_851 = arith.addi %add3A_554, %mul3A_837 : i32
        %add3A_852 = vector.broadcast %add3A_851 : i32 to vector<16xi32>
        %add3A_853 = arith.addi %add3A_852, %iota3A : vector<16xi32>
        %ne3A_854 = arith.cmpi ne, %get3A_842, %get3A_846 : vector<16xi32>
        %ne3A_855 = arith.cmpi ne, %get3A_842, %get3A_850 : vector<16xi32>
        %add3A_856 = arith.constant 1 : i32
        %add3A_857 = vector.broadcast %add3A_856 : i32 to vector<16xi32>
        %add3A_858 = arith.addi %add3A_853, %add3A_857 : vector<16xi32>
        %jit3A_859 = arith.constant 0 : i32
        %broadcast_in_dim3A_860 = vector.broadcast %jit3A_859 : i32 to vector<16xi32>
        %select_n3A_861 = arith.select %ne3A_855, %add3A_858, %broadcast_in_dim3A_860 : vector<16xi1>, vector<16xi32>
        %jit3A_862 = arith.constant 0 : i32
        %broadcast_in_dim3A_863 = vector.broadcast %jit3A_862 : i32 to vector<16xi32>
        %select_n3A_864 = arith.select %ne3A_854, %add3A_853, %broadcast_in_dim3A_863 : vector<16xi1>, vector<16xi32>
        %sub3A_865 = arith.subi %select_n3A_861, %select_n3A_864 : vector<16xi32>
        %swap3A_866 = arith.index_cast %mul3A_837 : i32 to index
        %swap3A_867 = tpu.vector_load %arg7[%swap3A_866] {strides = array<i32>} : memref<4096xi32, #tpu.memory_space<vmem>>, vector<16xi32>,
        tpu.vector_store %arg7[%swap3A_866], %get3A_842 {strides = array<i32>} : memref<4096xi32, #tpu.memory_space<vmem>>, vector<16xi32>,
        %convert_element_type3A_868 = arith.sitofp %sub3A_865 : vector<16xi32> to vector<16xf32>
        %swap3A_869 = arith.index_cast %mul3A_837 : i32 to index
        %swap3A_870 = tpu.vector_load %arg8[%swap3A_869] {strides = array<i32>} : memref<4096xf32, #tpu.memory_space<vmem>>, vector<16xf32>,
        tpu.vector_store %arg8[%swap3A_869], %convert_element_type3A_868 {strides = array<i32>} : memref<4096xf32, #tpu.memory_space<vmem>>, vector<16xf32>,
        %scan3A_871 = arith.constant 7 : i32
        %scan3A_872 = arith.addi %scan3A_614, %scan3A_871 : i32
        %mul3A_873 = arith.constant 16 : i32
        %mul3A_874 = arith.muli %scan3A_872, %mul3A_873 : i32
        %add3A_875 = arith.constant 16 : i32
        %add3A_876 = arith.addi %add3A_875, %sub3A_565 : i32
        %add3A_877 = arith.addi %add3A_876, %mul3A_874 : i32
        %get3A_878 = arith.index_cast %add3A_877 : i32 to index
        %get3A_879 = tpu.vector_load %arg5[%get3A_878] {strides = array<i32>} : memref<8192xi32, #tpu.memory_space<vmem>>, vector<16xi32>,
        %sub3A_880 = arith.constant 1 : i32
        %sub3A_881 = arith.subi %add3A_877, %sub3A_880 : i32
        %get3A_882 = arith.index_cast %sub3A_881 : i32 to index
        %get3A_883 = tpu.vector_load %arg5[%get3A_882] {strides = array<i32>} : memref<8192xi32, #tpu.memory_space<vmem>>, vector<16xi32>,
        %add3A_884 = arith.constant 1 : i32
        %add3A_885 = arith.addi %add3A_877, %add3A_884 : i32
        %get3A_886 = arith.index_cast %add3A_885 : i32 to index
        %get3A_887 = tpu.vector_load %arg5[%get3A_886] {strides = array<i32>} : memref<8192xi32, #tpu.memory_space<vmem>>, vector<16xi32>,
        %add3A_888 = arith.addi %add3A_554, %mul3A_874 : i32
        %add3A_889 = vector.broadcast %add3A_888 : i32 to vector<16xi32>
        %add3A_890 = arith.addi %add3A_889, %iota3A : vector<16xi32>
        %ne3A_891 = arith.cmpi ne, %get3A_879, %get3A_883 : vector<16xi32>
        %ne3A_892 = arith.cmpi ne, %get3A_879, %get3A_887 : vector<16xi32>
        %add3A_893 = arith.constant 1 : i32
        %add3A_894 = vector.broadcast %add3A_893 : i32 to vector<16xi32>
        %add3A_895 = arith.addi %add3A_890, %add3A_894 : vector<16xi32>
        %jit3A_896 = arith.constant 0 : i32
        %broadcast_in_dim3A_897 = vector.broadcast %jit3A_896 : i32 to vector<16xi32>
        %select_n3A_898 = arith.select %ne3A_892, %add3A_895, %broadcast_in_dim3A_897 : vector<16xi1>, vector<16xi32>
        %jit3A_899 = arith.constant 0 : i32
        %broadcast_in_dim3A_900 = vector.broadcast %jit3A_899 : i32 to vector<16xi32>
        %select_n3A_901 = arith.select %ne3A_891, %add3A_890, %broadcast_in_dim3A_900 : vector<16xi1>, vector<16xi32>
        %sub3A_902 = arith.subi %select_n3A_898, %select_n3A_901 : vector<16xi32>
        %swap3A_903 = arith.index_cast %mul3A_874 : i32 to index
        %swap3A_904 = tpu.vector_load %arg7[%swap3A_903] {strides = array<i32>} : memref<4096xi32, #tpu.memory_space<vmem>>, vector<16xi32>,
        tpu.vector_store %arg7[%swap3A_903], %get3A_879 {strides = array<i32>} : memref<4096xi32, #tpu.memory_space<vmem>>, vector<16xi32>,
        %convert_element_type3A_905 = arith.sitofp %sub3A_902 : vector<16xi32> to vector<16xf32>
        %swap3A_906 = arith.index_cast %mul3A_874 : i32 to index
        %swap3A_907 = tpu.vector_load %arg8[%swap3A_906] {strides = array<i32>} : memref<4096xf32, #tpu.memory_space<vmem>>, vector<16xf32>,
        tpu.vector_store %arg8[%swap3A_906], %convert_element_type3A_905 {strides = array<i32>} : memref<4096xf32, #tpu.memory_space<vmem>>, vector<16xf32>,
      }
      %scan3A_571 = arith.constant 256 : i32
      %dma_start3A_572 = arith.constant 0 : i32
      %dma_start3A_573 = tpu.memref_slice %arg4[%dma_start3A_572] : memref<20000xf32, #tpu.memory_space<vmem_shared>> -> memref<20000xf32, #tpu.memory_space<vmem_shared>>
      tpu.enqueue_indirect_dma source(%arg8 : memref<4096xf32, #tpu.memory_space<vmem>>) target(%dma_start3A_573 : memref<20000xf32, #tpu.memory_space<vmem_shared>>) offsets(%arg7 : memref<4096xi32, #tpu.memory_space<vmem>>) semaphore(%arg16 : memref<!tpu.dma_semaphore, #tpu.memory_space<semaphore_mem>>) {add = true}
      %add3A_574 = arith.constant 1 : i32
      %add3A_575 = arith.addi %mul3A_512, %add3A_574 : i32
      %mul3A_576 = arith.constant 4096 : i32
      %mul3A_577 = arith.muli %add3A_575, %mul3A_576 : i32
      %add3A_578 = arith.addi %mul3A_178, %mul3A_577 : i32
      %sub3A_579 = arith.constant 8 : i32
      %sub3A_580 = arith.subi %add3A_578, %sub3A_579 : i32
      %jit3A_581 = arith.constant 0 : i32
      %jit3A_582 = arith.constant 995888 : i32
      %max3A_583 = arith.maxsi %jit3A_581, %sub3A_580 : i32
      %min3A_584 = arith.minsi %jit3A_582, %max3A_583 : i32
      %multiple_of3A_585 = tpu.assume_multiple %min3A_584, 8 : i32
      %dma_wait3A_586 = arith.constant 16 : i32
      %dma_wait3A_587 = tpu.memref_slice %arg6[%dma_wait3A_586] : memref<8192xi32, #tpu.memory_space<vmem>> -> memref<4112xi32, #tpu.memory_space<vmem>>
      %dma_wait3A_588 = tpu.memref_slice %arg2[%multiple_of3A_585] : memref<1000000xi32, #tpu.memory_space<hbm>> -> memref<4112xi32, #tpu.memory_space<hbm>>
      %dma_wait3A_589 = arith.constant 16 : i32
      %dma_wait3A_590 = tpu.memref_slice %arg6[%dma_wait3A_589] : memref<8192xi32, #tpu.memory_space<vmem>> -> memref<4112xi32, #tpu.memory_space<vmem>>
      %dma_wait3A_591 = tpu.memref_slice %arg2[%multiple_of3A_585] : memref<1000000xi32, #tpu.memory_space<hbm>> -> memref<4112xi32, #tpu.memory_space<hbm>>
      tpu.wait_dma2 semaphore(%arg15 : memref<!tpu.dma_semaphore, #tpu.memory_space<semaphore_mem>>) src(%dma_wait3A_591 : memref<4112xi32, #tpu.memory_space<hbm>>) dst(%dma_wait3A_590 : memref<4112xi32, #tpu.memory_space<vmem>>)
      %lt3A_592 = arith.constant 7 : i32
      %lt3A_593 = arith.cmpi slt, %scan3A_510, %lt3A_592 : i32
      %convert_element_type3A_594 = arith.extui %lt3A_593 : i1 to i32
      %cond3A_595 = arith.constant 0 : i32
      %cond3A_596 = arith.cmpi ne, %convert_element_type3A_594, %cond3A_595 : i32
      scf.if %cond3A_596 {
        %add3A_614 = arith.constant 2 : i32
        %add3A_615 = arith.addi %mul3A_512, %add3A_614 : i32
        %mul3A_616 = arith.constant 4096 : i32
        %mul3A_617 = arith.muli %add3A_615, %mul3A_616 : i32
        %add3A_618 = arith.addi %mul3A_178, %mul3A_617 : i32
        %sub3A_619 = arith.constant 8 : i32
        %sub3A_620 = arith.subi %add3A_618, %sub3A_619 : i32
        %jit3A_621 = arith.constant 0 : i32
        %jit3A_622 = arith.constant 995888 : i32
        %max3A_623 = arith.maxsi %jit3A_621, %sub3A_620 : i32
        %min3A_624 = arith.minsi %jit3A_622, %max3A_623 : i32
        %multiple_of3A_625 = tpu.assume_multiple %min3A_624, 8 : i32
        %dma_start3A_626 = arith.constant 16 : i32
        %dma_start3A_627 = tpu.memref_slice %arg5[%dma_start3A_626] : memref<8192xi32, #tpu.memory_space<vmem>> -> memref<4112xi32, #tpu.memory_space<vmem>>
        %dma_start3A_628 = tpu.memref_slice %arg2[%multiple_of3A_625] : memref<1000000xi32, #tpu.memory_space<hbm>> -> memref<4112xi32, #tpu.memory_space<hbm>>
        %dma_start3A_629 = arith.constant 16 : i32
        %dma_start3A_630 = tpu.memref_slice %arg5[%dma_start3A_629] : memref<8192xi32, #tpu.memory_space<vmem>> -> memref<4112xi32, #tpu.memory_space<vmem>>
        %dma_start3A_631 = tpu.memref_slice %arg2[%multiple_of3A_625] : memref<1000000xi32, #tpu.memory_space<hbm>> -> memref<4112xi32, #tpu.memory_space<hbm>>
        tpu.enqueue_dma source(%dma_start3A_631 : memref<4112xi32, #tpu.memory_space<hbm>>) target(%dma_start3A_630 : memref<4112xi32, #tpu.memory_space<vmem>>) target_semaphore(%arg14 : memref<!tpu.dma_semaphore, #tpu.memory_space<semaphore_mem>>)
      } else {
      }
      %gt3A_597 = arith.constant 0 : i32
      %gt3A_598 = arith.cmpi sgt, %scan3A_510, %gt3A_597 : i32
      %convert_element_type3A_599 = arith.extui %gt3A_598 : i1 to i32
      %cond3A_600 = arith.constant 0 : i32
      %cond3A_601 = arith.cmpi ne, %convert_element_type3A_599, %cond3A_600 : i32
      scf.if %cond3A_601 {
        %dma_wait3A_614 = arith.constant 0 : i32
        %dma_wait3A_615 = tpu.memref_slice %arg4[%dma_wait3A_614] : memref<20000xf32, #tpu.memory_space<vmem_shared>> -> memref<20000xf32, #tpu.memory_space<vmem_shared>>
        tpu.wait_indirect_dma semaphore(%arg17 : memref<!tpu.dma_semaphore, #tpu.memory_space<semaphore_mem>>) src(%arg10 : memref<4096xf32, #tpu.memory_space<vmem>>) dst(%dma_wait3A_615 : memref<20000xf32, #tpu.memory_space<vmem_shared>>)
      } else {
      }
      %lt3A_602 = arith.constant 7 : i32
      %lt3A_603 = arith.cmpi slt, %scan3A_510, %lt3A_602 : i32
      %convert_element_type3A_604 = arith.extui %lt3A_603 : i1 to i32
      %cond3A_605 = arith.constant 0 : i32
      %cond3A_606 = arith.cmpi ne, %convert_element_type3A_604, %cond3A_605 : i32
      scf.if %cond3A_606 {
        %add3A_614 = arith.constant 1 : i32
        %add3A_615 = arith.addi %mul3A_512, %add3A_614 : i32
        %mul3A_616 = arith.constant 4096 : i32
        %mul3A_617 = arith.muli %add3A_615, %mul3A_616 : i32
        %add3A_618 = arith.addi %mul3A_178, %mul3A_617 : i32
        %mul3A_619 = arith.constant 4096 : i32
        %mul3A_620 = arith.muli %add3A_615, %mul3A_619 : i32
        %add3A_621 = arith.addi %mul3A_178, %mul3A_620 : i32
        %sub3A_622 = arith.constant 8 : i32
        %sub3A_623 = arith.subi %add3A_621, %sub3A_622 : i32
        %jit3A_624 = arith.constant 0 : i32
        %jit3A_625 = arith.constant 995888 : i32
        %max3A_626 = arith.maxsi %jit3A_624, %sub3A_623 : i32
        %min3A_627 = arith.minsi %jit3A_625, %max3A_626 : i32
        %multiple_of3A_628 = tpu.assume_multiple %min3A_627, 8 : i32
        %sub3A_629 = arith.subi %add3A_618, %multiple_of3A_628 : i32
        %scan3A_630 = arith.constant 0 : i32
        %scan3A_631 = arith.constant 0 : i32
        %scan3A_632 = arith.constant 256 : i32
        %scan3A_633 = arith.addi %scan3A_631, %scan3A_632 : i32
        %scan3A_634 = arith.constant 8 : i32
        scf.for %scan3A_636 = %scan3A_631 to %scan3A_633 step %scan3A_634  : i32 {
          %mul3A_637 = arith.constant 16 : i32
          %mul3A_638 = arith.muli %scan3A_636, %mul3A_637 : i32
          %add3A_639 = arith.constant 16 : i32
          %add3A_640 = arith.addi %add3A_639, %sub3A_629 : i32
          %add3A_641 = arith.addi %add3A_640, %mul3A_638 : i32
          %get3A_642 = arith.index_cast %add3A_641 : i32 to index
          %get3A_643 = tpu.vector_load %arg6[%get3A_642] {strides = array<i32>} : memref<8192xi32, #tpu.memory_space<vmem>>, vector<16xi32>,
          %sub3A_644 = arith.constant 1 : i32
          %sub3A_645 = arith.subi %add3A_641, %sub3A_644 : i32
          %get3A_646 = arith.index_cast %sub3A_645 : i32 to index
          %get3A_647 = tpu.vector_load %arg6[%get3A_646] {strides = array<i32>} : memref<8192xi32, #tpu.memory_space<vmem>>, vector<16xi32>,
          %add3A_648 = arith.constant 1 : i32
          %add3A_649 = arith.addi %add3A_641, %add3A_648 : i32
          %get3A_650 = arith.index_cast %add3A_649 : i32 to index
          %get3A_651 = tpu.vector_load %arg6[%get3A_650] {strides = array<i32>} : memref<8192xi32, #tpu.memory_space<vmem>>, vector<16xi32>,
          %add3A_652 = arith.addi %add3A_618, %mul3A_638 : i32
          %add3A_653 = vector.broadcast %add3A_652 : i32 to vector<16xi32>
          %add3A_654 = arith.addi %add3A_653, %iota3A : vector<16xi32>
          %ne3A = arith.cmpi ne, %get3A_643, %get3A_647 : vector<16xi32>
          %ne3A_655 = arith.cmpi ne, %get3A_643, %get3A_651 : vector<16xi32>
          %add3A_656 = arith.constant 1 : i32
          %add3A_657 = vector.broadcast %add3A_656 : i32 to vector<16xi32>
          %add3A_658 = arith.addi %add3A_654, %add3A_657 : vector<16xi32>
          %jit3A_659 = arith.constant 0 : i32
          %broadcast_in_dim3A_660 = vector.broadcast %jit3A_659 : i32 to vector<16xi32>
          %select_n3A_661 = arith.select %ne3A_655, %add3A_658, %broadcast_in_dim3A_660 : vector<16xi1>, vector<16xi32>
          %jit3A_662 = arith.constant 0 : i32
          %broadcast_in_dim3A_663 = vector.broadcast %jit3A_662 : i32 to vector<16xi32>
          %select_n3A_664 = arith.select %ne3A, %add3A_654, %broadcast_in_dim3A_663 : vector<16xi1>, vector<16xi32>
          %sub3A_665 = arith.subi %select_n3A_661, %select_n3A_664 : vector<16xi32>
          %swap3A_666 = arith.index_cast %mul3A_638 : i32 to index
          %swap3A_667 = tpu.vector_load %arg9[%swap3A_666] {strides = array<i32>} : memref<4096xi32, #tpu.memory_space<vmem>>, vector<16xi32>,
          tpu.vector_store %arg9[%swap3A_666], %get3A_643 {strides = array<i32>} : memref<4096xi32, #tpu.memory_space<vmem>>, vector<16xi32>,
          %convert_element_type3A_668 = arith.sitofp %sub3A_665 : vector<16xi32> to vector<16xf32>
          %swap3A_669 = arith.index_cast %mul3A_638 : i32 to index
          %swap3A_670 = tpu.vector_load %arg10[%swap3A_669] {strides = array<i32>} : memref<4096xf32, #tpu.memory_space<vmem>>, vector<16xf32>,
          tpu.vector_store %arg10[%swap3A_669], %convert_element_type3A_668 {strides = array<i32>} : memref<4096xf32, #tpu.memory_space<vmem>>, vector<16xf32>,
          %scan3A_671 = arith.constant 1 : i32
          %scan3A_672 = arith.addi %scan3A_636, %scan3A_671 : i32
          %mul3A_673 = arith.constant 16 : i32
          %mul3A_674 = arith.muli %scan3A_672, %mul3A_673 : i32
          %add3A_675 = arith.constant 16 : i32
          %add3A_676 = arith.addi %add3A_675, %sub3A_629 : i32
          %add3A_677 = arith.addi %add3A_676, %mul3A_674 : i32
          %get3A_678 = arith.index_cast %add3A_677 : i32 to index
          %get3A_679 = tpu.vector_load %arg6[%get3A_678] {strides = array<i32>} : memref<8192xi32, #tpu.memory_space<vmem>>, vector<16xi32>,
          %sub3A_680 = arith.constant 1 : i32
          %sub3A_681 = arith.subi %add3A_677, %sub3A_680 : i32
          %get3A_682 = arith.index_cast %sub3A_681 : i32 to index
          %get3A_683 = tpu.vector_load %arg6[%get3A_682] {strides = array<i32>} : memref<8192xi32, #tpu.memory_space<vmem>>, vector<16xi32>,
          %add3A_684 = arith.constant 1 : i32
          %add3A_685 = arith.addi %add3A_677, %add3A_684 : i32
          %get3A_686 = arith.index_cast %add3A_685 : i32 to index
          %get3A_687 = tpu.vector_load %arg6[%get3A_686] {strides = array<i32>} : memref<8192xi32, #tpu.memory_space<vmem>>, vector<16xi32>,
          %add3A_688 = arith.addi %add3A_618, %mul3A_674 : i32
          %add3A_689 = vector.broadcast %add3A_688 : i32 to vector<16xi32>
          %add3A_690 = arith.addi %add3A_689, %iota3A : vector<16xi32>
          %ne3A_691 = arith.cmpi ne, %get3A_679, %get3A_683 : vector<16xi32>
          %ne3A_692 = arith.cmpi ne, %get3A_679, %get3A_687 : vector<16xi32>
          %add3A_693 = arith.constant 1 : i32
          %add3A_694 = vector.broadcast %add3A_693 : i32 to vector<16xi32>
          %add3A_695 = arith.addi %add3A_690, %add3A_694 : vector<16xi32>
          %jit3A_696 = arith.constant 0 : i32
          %broadcast_in_dim3A_697 = vector.broadcast %jit3A_696 : i32 to vector<16xi32>
          %select_n3A_698 = arith.select %ne3A_692, %add3A_695, %broadcast_in_dim3A_697 : vector<16xi1>, vector<16xi32>
          %jit3A_699 = arith.constant 0 : i32
          %broadcast_in_dim3A_700 = vector.broadcast %jit3A_699 : i32 to vector<16xi32>
          %select_n3A_701 = arith.select %ne3A_691, %add3A_690, %broadcast_in_dim3A_700 : vector<16xi1>, vector<16xi32>
          %sub3A_702 = arith.subi %select_n3A_698, %select_n3A_701 : vector<16xi32>
          %swap3A_703 = arith.index_cast %mul3A_674 : i32 to index
          %swap3A_704 = tpu.vector_load %arg9[%swap3A_703] {strides = array<i32>} : memref<4096xi32, #tpu.memory_space<vmem>>, vector<16xi32>,
          tpu.vector_store %arg9[%swap3A_703], %get3A_679 {strides = array<i32>} : memref<4096xi32, #tpu.memory_space<vmem>>, vector<16xi32>,
          %convert_element_type3A_705 = arith.sitofp %sub3A_702 : vector<16xi32> to vector<16xf32>
          %swap3A_706 = arith.index_cast %mul3A_674 : i32 to index
          %swap3A_707 = tpu.vector_load %arg10[%swap3A_706] {strides = array<i32>} : memref<4096xf32, #tpu.memory_space<vmem>>, vector<16xf32>,
          tpu.vector_store %arg10[%swap3A_706], %convert_element_type3A_705 {strides = array<i32>} : memref<4096xf32, #tpu.memory_space<vmem>>, vector<16xf32>,
          %scan3A_708 = arith.constant 2 : i32
          %scan3A_709 = arith.addi %scan3A_636, %scan3A_708 : i32
          %mul3A_710 = arith.constant 16 : i32
          %mul3A_711 = arith.muli %scan3A_709, %mul3A_710 : i32
          %add3A_712 = arith.constant 16 : i32
          %add3A_713 = arith.addi %add3A_712, %sub3A_629 : i32
          %add3A_714 = arith.addi %add3A_713, %mul3A_711 : i32
          %get3A_715 = arith.index_cast %add3A_714 : i32 to index
          %get3A_716 = tpu.vector_load %arg6[%get3A_715] {strides = array<i32>} : memref<8192xi32, #tpu.memory_space<vmem>>, vector<16xi32>,
          %sub3A_717 = arith.constant 1 : i32
          %sub3A_718 = arith.subi %add3A_714, %sub3A_717 : i32
          %get3A_719 = arith.index_cast %sub3A_718 : i32 to index
          %get3A_720 = tpu.vector_load %arg6[%get3A_719] {strides = array<i32>} : memref<8192xi32, #tpu.memory_space<vmem>>, vector<16xi32>,
          %add3A_721 = arith.constant 1 : i32
          %add3A_722 = arith.addi %add3A_714, %add3A_721 : i32
          %get3A_723 = arith.index_cast %add3A_722 : i32 to index
          %get3A_724 = tpu.vector_load %arg6[%get3A_723] {strides = array<i32>} : memref<8192xi32, #tpu.memory_space<vmem>>, vector<16xi32>,
          %add3A_725 = arith.addi %add3A_618, %mul3A_711 : i32
          %add3A_726 = vector.broadcast %add3A_725 : i32 to vector<16xi32>
          %add3A_727 = arith.addi %add3A_726, %iota3A : vector<16xi32>
          %ne3A_728 = arith.cmpi ne, %get3A_716, %get3A_720 : vector<16xi32>
          %ne3A_729 = arith.cmpi ne, %get3A_716, %get3A_724 : vector<16xi32>
          %add3A_730 = arith.constant 1 : i32
          %add3A_731 = vector.broadcast %add3A_730 : i32 to vector<16xi32>
          %add3A_732 = arith.addi %add3A_727, %add3A_731 : vector<16xi32>
          %jit3A_733 = arith.constant 0 : i32
          %broadcast_in_dim3A_734 = vector.broadcast %jit3A_733 : i32 to vector<16xi32>
          %select_n3A_735 = arith.select %ne3A_729, %add3A_732, %broadcast_in_dim3A_734 : vector<16xi1>, vector<16xi32>
          %jit3A_736 = arith.constant 0 : i32
          %broadcast_in_dim3A_737 = vector.broadcast %jit3A_736 : i32 to vector<16xi32>
          %select_n3A_738 = arith.select %ne3A_728, %add3A_727, %broadcast_in_dim3A_737 : vector<16xi1>, vector<16xi32>
          %sub3A_739 = arith.subi %select_n3A_735, %select_n3A_738 : vector<16xi32>
          %swap3A_740 = arith.index_cast %mul3A_711 : i32 to index
          %swap3A_741 = tpu.vector_load %arg9[%swap3A_740] {strides = array<i32>} : memref<4096xi32, #tpu.memory_space<vmem>>, vector<16xi32>,
          tpu.vector_store %arg9[%swap3A_740], %get3A_716 {strides = array<i32>} : memref<4096xi32, #tpu.memory_space<vmem>>, vector<16xi32>,
          %convert_element_type3A_742 = arith.sitofp %sub3A_739 : vector<16xi32> to vector<16xf32>
          %swap3A_743 = arith.index_cast %mul3A_711 : i32 to index
          %swap3A_744 = tpu.vector_load %arg10[%swap3A_743] {strides = array<i32>} : memref<4096xf32, #tpu.memory_space<vmem>>, vector<16xf32>,
          tpu.vector_store %arg10[%swap3A_743], %convert_element_type3A_742 {strides = array<i32>} : memref<4096xf32, #tpu.memory_space<vmem>>, vector<16xf32>,
          %scan3A_745 = arith.constant 3 : i32
          %scan3A_746 = arith.addi %scan3A_636, %scan3A_745 : i32
          %mul3A_747 = arith.constant 16 : i32
          %mul3A_748 = arith.muli %scan3A_746, %mul3A_747 : i32
          %add3A_749 = arith.constant 16 : i32
          %add3A_750 = arith.addi %add3A_749, %sub3A_629 : i32
          %add3A_751 = arith.addi %add3A_750, %mul3A_748 : i32
          %get3A_752 = arith.index_cast %add3A_751 : i32 to index
          %get3A_753 = tpu.vector_load %arg6[%get3A_752] {strides = array<i32>} : memref<8192xi32, #tpu.memory_space<vmem>>, vector<16xi32>,
          %sub3A_754 = arith.constant 1 : i32
          %sub3A_755 = arith.subi %add3A_751, %sub3A_754 : i32
          %get3A_756 = arith.index_cast %sub3A_755 : i32 to index
          %get3A_757 = tpu.vector_load %arg6[%get3A_756] {strides = array<i32>} : memref<8192xi32, #tpu.memory_space<vmem>>, vector<16xi32>,
          %add3A_758 = arith.constant 1 : i32
          %add3A_759 = arith.addi %add3A_751, %add3A_758 : i32
          %get3A_760 = arith.index_cast %add3A_759 : i32 to index
          %get3A_761 = tpu.vector_load %arg6[%get3A_760] {strides = array<i32>} : memref<8192xi32, #tpu.memory_space<vmem>>, vector<16xi32>,
          %add3A_762 = arith.addi %add3A_618, %mul3A_748 : i32
          %add3A_763 = vector.broadcast %add3A_762 : i32 to vector<16xi32>
          %add3A_764 = arith.addi %add3A_763, %iota3A : vector<16xi32>
          %ne3A_765 = arith.cmpi ne, %get3A_753, %get3A_757 : vector<16xi32>
          %ne3A_766 = arith.cmpi ne, %get3A_753, %get3A_761 : vector<16xi32>
          %add3A_767 = arith.constant 1 : i32
          %add3A_768 = vector.broadcast %add3A_767 : i32 to vector<16xi32>
          %add3A_769 = arith.addi %add3A_764, %add3A_768 : vector<16xi32>
          %jit3A_770 = arith.constant 0 : i32
          %broadcast_in_dim3A_771 = vector.broadcast %jit3A_770 : i32 to vector<16xi32>
          %select_n3A_772 = arith.select %ne3A_766, %add3A_769, %broadcast_in_dim3A_771 : vector<16xi1>, vector<16xi32>
          %jit3A_773 = arith.constant 0 : i32
          %broadcast_in_dim3A_774 = vector.broadcast %jit3A_773 : i32 to vector<16xi32>
          %select_n3A_775 = arith.select %ne3A_765, %add3A_764, %broadcast_in_dim3A_774 : vector<16xi1>, vector<16xi32>
          %sub3A_776 = arith.subi %select_n3A_772, %select_n3A_775 : vector<16xi32>
          %swap3A_777 = arith.index_cast %mul3A_748 : i32 to index
          %swap3A_778 = tpu.vector_load %arg9[%swap3A_777] {strides = array<i32>} : memref<4096xi32, #tpu.memory_space<vmem>>, vector<16xi32>,
          tpu.vector_store %arg9[%swap3A_777], %get3A_753 {strides = array<i32>} : memref<4096xi32, #tpu.memory_space<vmem>>, vector<16xi32>,
          %convert_element_type3A_779 = arith.sitofp %sub3A_776 : vector<16xi32> to vector<16xf32>
          %swap3A_780 = arith.index_cast %mul3A_748 : i32 to index
          %swap3A_781 = tpu.vector_load %arg10[%swap3A_780] {strides = array<i32>} : memref<4096xf32, #tpu.memory_space<vmem>>, vector<16xf32>,
          tpu.vector_store %arg10[%swap3A_780], %convert_element_type3A_779 {strides = array<i32>} : memref<4096xf32, #tpu.memory_space<vmem>>, vector<16xf32>,
          %scan3A_782 = arith.constant 4 : i32
          %scan3A_783 = arith.addi %scan3A_636, %scan3A_782 : i32
          %mul3A_784 = arith.constant 16 : i32
          %mul3A_785 = arith.muli %scan3A_783, %mul3A_784 : i32
          %add3A_786 = arith.constant 16 : i32
          %add3A_787 = arith.addi %add3A_786, %sub3A_629 : i32
          %add3A_788 = arith.addi %add3A_787, %mul3A_785 : i32
          %get3A_789 = arith.index_cast %add3A_788 : i32 to index
          %get3A_790 = tpu.vector_load %arg6[%get3A_789] {strides = array<i32>} : memref<8192xi32, #tpu.memory_space<vmem>>, vector<16xi32>,
          %sub3A_791 = arith.constant 1 : i32
          %sub3A_792 = arith.subi %add3A_788, %sub3A_791 : i32
          %get3A_793 = arith.index_cast %sub3A_792 : i32 to index
          %get3A_794 = tpu.vector_load %arg6[%get3A_793] {strides = array<i32>} : memref<8192xi32, #tpu.memory_space<vmem>>, vector<16xi32>,
          %add3A_795 = arith.constant 1 : i32
          %add3A_796 = arith.addi %add3A_788, %add3A_795 : i32
          %get3A_797 = arith.index_cast %add3A_796 : i32 to index
          %get3A_798 = tpu.vector_load %arg6[%get3A_797] {strides = array<i32>} : memref<8192xi32, #tpu.memory_space<vmem>>, vector<16xi32>,
          %add3A_799 = arith.addi %add3A_618, %mul3A_785 : i32
          %add3A_800 = vector.broadcast %add3A_799 : i32 to vector<16xi32>
          %add3A_801 = arith.addi %add3A_800, %iota3A : vector<16xi32>
          %ne3A_802 = arith.cmpi ne, %get3A_790, %get3A_794 : vector<16xi32>
          %ne3A_803 = arith.cmpi ne, %get3A_790, %get3A_798 : vector<16xi32>
          %add3A_804 = arith.constant 1 : i32
          %add3A_805 = vector.broadcast %add3A_804 : i32 to vector<16xi32>
          %add3A_806 = arith.addi %add3A_801, %add3A_805 : vector<16xi32>
          %jit3A_807 = arith.constant 0 : i32
          %broadcast_in_dim3A_808 = vector.broadcast %jit3A_807 : i32 to vector<16xi32>
          %select_n3A_809 = arith.select %ne3A_803, %add3A_806, %broadcast_in_dim3A_808 : vector<16xi1>, vector<16xi32>
          %jit3A_810 = arith.constant 0 : i32
          %broadcast_in_dim3A_811 = vector.broadcast %jit3A_810 : i32 to vector<16xi32>
          %select_n3A_812 = arith.select %ne3A_802, %add3A_801, %broadcast_in_dim3A_811 : vector<16xi1>, vector<16xi32>
          %sub3A_813 = arith.subi %select_n3A_809, %select_n3A_812 : vector<16xi32>
          %swap3A_814 = arith.index_cast %mul3A_785 : i32 to index
          %swap3A_815 = tpu.vector_load %arg9[%swap3A_814] {strides = array<i32>} : memref<4096xi32, #tpu.memory_space<vmem>>, vector<16xi32>,
          tpu.vector_store %arg9[%swap3A_814], %get3A_790 {strides = array<i32>} : memref<4096xi32, #tpu.memory_space<vmem>>, vector<16xi32>,
          %convert_element_type3A_816 = arith.sitofp %sub3A_813 : vector<16xi32> to vector<16xf32>
          %swap3A_817 = arith.index_cast %mul3A_785 : i32 to index
          %swap3A_818 = tpu.vector_load %arg10[%swap3A_817] {strides = array<i32>} : memref<4096xf32, #tpu.memory_space<vmem>>, vector<16xf32>,
          tpu.vector_store %arg10[%swap3A_817], %convert_element_type3A_816 {strides = array<i32>} : memref<4096xf32, #tpu.memory_space<vmem>>, vector<16xf32>,
          %scan3A_819 = arith.constant 5 : i32
          %scan3A_820 = arith.addi %scan3A_636, %scan3A_819 : i32
          %mul3A_821 = arith.constant 16 : i32
          %mul3A_822 = arith.muli %scan3A_820, %mul3A_821 : i32
          %add3A_823 = arith.constant 16 : i32
          %add3A_824 = arith.addi %add3A_823, %sub3A_629 : i32
          %add3A_825 = arith.addi %add3A_824, %mul3A_822 : i32
          %get3A_826 = arith.index_cast %add3A_825 : i32 to index
          %get3A_827 = tpu.vector_load %arg6[%get3A_826] {strides = array<i32>} : memref<8192xi32, #tpu.memory_space<vmem>>, vector<16xi32>,
          %sub3A_828 = arith.constant 1 : i32
          %sub3A_829 = arith.subi %add3A_825, %sub3A_828 : i32
          %get3A_830 = arith.index_cast %sub3A_829 : i32 to index
          %get3A_831 = tpu.vector_load %arg6[%get3A_830] {strides = array<i32>} : memref<8192xi32, #tpu.memory_space<vmem>>, vector<16xi32>,
          %add3A_832 = arith.constant 1 : i32
          %add3A_833 = arith.addi %add3A_825, %add3A_832 : i32
          %get3A_834 = arith.index_cast %add3A_833 : i32 to index
          %get3A_835 = tpu.vector_load %arg6[%get3A_834] {strides = array<i32>} : memref<8192xi32, #tpu.memory_space<vmem>>, vector<16xi32>,
          %add3A_836 = arith.addi %add3A_618, %mul3A_822 : i32
          %add3A_837 = vector.broadcast %add3A_836 : i32 to vector<16xi32>
          %add3A_838 = arith.addi %add3A_837, %iota3A : vector<16xi32>
          %ne3A_839 = arith.cmpi ne, %get3A_827, %get3A_831 : vector<16xi32>
          %ne3A_840 = arith.cmpi ne, %get3A_827, %get3A_835 : vector<16xi32>
          %add3A_841 = arith.constant 1 : i32
          %add3A_842 = vector.broadcast %add3A_841 : i32 to vector<16xi32>
          %add3A_843 = arith.addi %add3A_838, %add3A_842 : vector<16xi32>
          %jit3A_844 = arith.constant 0 : i32
          %broadcast_in_dim3A_845 = vector.broadcast %jit3A_844 : i32 to vector<16xi32>
          %select_n3A_846 = arith.select %ne3A_840, %add3A_843, %broadcast_in_dim3A_845 : vector<16xi1>, vector<16xi32>
          %jit3A_847 = arith.constant 0 : i32
          %broadcast_in_dim3A_848 = vector.broadcast %jit3A_847 : i32 to vector<16xi32>
          %select_n3A_849 = arith.select %ne3A_839, %add3A_838, %broadcast_in_dim3A_848 : vector<16xi1>, vector<16xi32>
          %sub3A_850 = arith.subi %select_n3A_846, %select_n3A_849 : vector<16xi32>
          %swap3A_851 = arith.index_cast %mul3A_822 : i32 to index
          %swap3A_852 = tpu.vector_load %arg9[%swap3A_851] {strides = array<i32>} : memref<4096xi32, #tpu.memory_space<vmem>>, vector<16xi32>,
          tpu.vector_store %arg9[%swap3A_851], %get3A_827 {strides = array<i32>} : memref<4096xi32, #tpu.memory_space<vmem>>, vector<16xi32>,
          %convert_element_type3A_853 = arith.sitofp %sub3A_850 : vector<16xi32> to vector<16xf32>
          %swap3A_854 = arith.index_cast %mul3A_822 : i32 to index
          %swap3A_855 = tpu.vector_load %arg10[%swap3A_854] {strides = array<i32>} : memref<4096xf32, #tpu.memory_space<vmem>>, vector<16xf32>,
          tpu.vector_store %arg10[%swap3A_854], %convert_element_type3A_853 {strides = array<i32>} : memref<4096xf32, #tpu.memory_space<vmem>>, vector<16xf32>,
          %scan3A_856 = arith.constant 6 : i32
          %scan3A_857 = arith.addi %scan3A_636, %scan3A_856 : i32
          %mul3A_858 = arith.constant 16 : i32
          %mul3A_859 = arith.muli %scan3A_857, %mul3A_858 : i32
          %add3A_860 = arith.constant 16 : i32
          %add3A_861 = arith.addi %add3A_860, %sub3A_629 : i32
          %add3A_862 = arith.addi %add3A_861, %mul3A_859 : i32
          %get3A_863 = arith.index_cast %add3A_862 : i32 to index
          %get3A_864 = tpu.vector_load %arg6[%get3A_863] {strides = array<i32>} : memref<8192xi32, #tpu.memory_space<vmem>>, vector<16xi32>,
          %sub3A_865 = arith.constant 1 : i32
          %sub3A_866 = arith.subi %add3A_862, %sub3A_865 : i32
          %get3A_867 = arith.index_cast %sub3A_866 : i32 to index
          %get3A_868 = tpu.vector_load %arg6[%get3A_867] {strides = array<i32>} : memref<8192xi32, #tpu.memory_space<vmem>>, vector<16xi32>,
          %add3A_869 = arith.constant 1 : i32
          %add3A_870 = arith.addi %add3A_862, %add3A_869 : i32
          %get3A_871 = arith.index_cast %add3A_870 : i32 to index
          %get3A_872 = tpu.vector_load %arg6[%get3A_871] {strides = array<i32>} : memref<8192xi32, #tpu.memory_space<vmem>>, vector<16xi32>,
          %add3A_873 = arith.addi %add3A_618, %mul3A_859 : i32
          %add3A_874 = vector.broadcast %add3A_873 : i32 to vector<16xi32>
          %add3A_875 = arith.addi %add3A_874, %iota3A : vector<16xi32>
          %ne3A_876 = arith.cmpi ne, %get3A_864, %get3A_868 : vector<16xi32>
          %ne3A_877 = arith.cmpi ne, %get3A_864, %get3A_872 : vector<16xi32>
          %add3A_878 = arith.constant 1 : i32
          %add3A_879 = vector.broadcast %add3A_878 : i32 to vector<16xi32>
          %add3A_880 = arith.addi %add3A_875, %add3A_879 : vector<16xi32>
          %jit3A_881 = arith.constant 0 : i32
          %broadcast_in_dim3A_882 = vector.broadcast %jit3A_881 : i32 to vector<16xi32>
          %select_n3A_883 = arith.select %ne3A_877, %add3A_880, %broadcast_in_dim3A_882 : vector<16xi1>, vector<16xi32>
          %jit3A_884 = arith.constant 0 : i32
          %broadcast_in_dim3A_885 = vector.broadcast %jit3A_884 : i32 to vector<16xi32>
          %select_n3A_886 = arith.select %ne3A_876, %add3A_875, %broadcast_in_dim3A_885 : vector<16xi1>, vector<16xi32>
          %sub3A_887 = arith.subi %select_n3A_883, %select_n3A_886 : vector<16xi32>
          %swap3A_888 = arith.index_cast %mul3A_859 : i32 to index
          %swap3A_889 = tpu.vector_load %arg9[%swap3A_888] {strides = array<i32>} : memref<4096xi32, #tpu.memory_space<vmem>>, vector<16xi32>,
          tpu.vector_store %arg9[%swap3A_888], %get3A_864 {strides = array<i32>} : memref<4096xi32, #tpu.memory_space<vmem>>, vector<16xi32>,
          %convert_element_type3A_890 = arith.sitofp %sub3A_887 : vector<16xi32> to vector<16xf32>
          %swap3A_891 = arith.index_cast %mul3A_859 : i32 to index
          %swap3A_892 = tpu.vector_load %arg10[%swap3A_891] {strides = array<i32>} : memref<4096xf32, #tpu.memory_space<vmem>>, vector<16xf32>,
          tpu.vector_store %arg10[%swap3A_891], %convert_element_type3A_890 {strides = array<i32>} : memref<4096xf32, #tpu.memory_space<vmem>>, vector<16xf32>,
          %scan3A_893 = arith.constant 7 : i32
          %scan3A_894 = arith.addi %scan3A_636, %scan3A_893 : i32
          %mul3A_895 = arith.constant 16 : i32
          %mul3A_896 = arith.muli %scan3A_894, %mul3A_895 : i32
          %add3A_897 = arith.constant 16 : i32
          %add3A_898 = arith.addi %add3A_897, %sub3A_629 : i32
          %add3A_899 = arith.addi %add3A_898, %mul3A_896 : i32
          %get3A_900 = arith.index_cast %add3A_899 : i32 to index
          %get3A_901 = tpu.vector_load %arg6[%get3A_900] {strides = array<i32>} : memref<8192xi32, #tpu.memory_space<vmem>>, vector<16xi32>,
          %sub3A_902 = arith.constant 1 : i32
          %sub3A_903 = arith.subi %add3A_899, %sub3A_902 : i32
          %get3A_904 = arith.index_cast %sub3A_903 : i32 to index
          %get3A_905 = tpu.vector_load %arg6[%get3A_904] {strides = array<i32>} : memref<8192xi32, #tpu.memory_space<vmem>>, vector<16xi32>,
          %add3A_906 = arith.constant 1 : i32
          %add3A_907 = arith.addi %add3A_899, %add3A_906 : i32
          %get3A_908 = arith.index_cast %add3A_907 : i32 to index
          %get3A_909 = tpu.vector_load %arg6[%get3A_908] {strides = array<i32>} : memref<8192xi32, #tpu.memory_space<vmem>>, vector<16xi32>,
          %add3A_910 = arith.addi %add3A_618, %mul3A_896 : i32
          %add3A_911 = vector.broadcast %add3A_910 : i32 to vector<16xi32>
          %add3A_912 = arith.addi %add3A_911, %iota3A : vector<16xi32>
          %ne3A_913 = arith.cmpi ne, %get3A_901, %get3A_905 : vector<16xi32>
          %ne3A_914 = arith.cmpi ne, %get3A_901, %get3A_909 : vector<16xi32>
          %add3A_915 = arith.constant 1 : i32
          %add3A_916 = vector.broadcast %add3A_915 : i32 to vector<16xi32>
          %add3A_917 = arith.addi %add3A_912, %add3A_916 : vector<16xi32>
          %jit3A_918 = arith.constant 0 : i32
          %broadcast_in_dim3A_919 = vector.broadcast %jit3A_918 : i32 to vector<16xi32>
          %select_n3A_920 = arith.select %ne3A_914, %add3A_917, %broadcast_in_dim3A_919 : vector<16xi1>, vector<16xi32>
          %jit3A_921 = arith.constant 0 : i32
          %broadcast_in_dim3A_922 = vector.broadcast %jit3A_921 : i32 to vector<16xi32>
          %select_n3A_923 = arith.select %ne3A_913, %add3A_912, %broadcast_in_dim3A_922 : vector<16xi1>, vector<16xi32>
          %sub3A_924 = arith.subi %select_n3A_920, %select_n3A_923 : vector<16xi32>
          %swap3A_925 = arith.index_cast %mul3A_896 : i32 to index
          %swap3A_926 = tpu.vector_load %arg9[%swap3A_925] {strides = array<i32>} : memref<4096xi32, #tpu.memory_space<vmem>>, vector<16xi32>,
          tpu.vector_store %arg9[%swap3A_925], %get3A_901 {strides = array<i32>} : memref<4096xi32, #tpu.memory_space<vmem>>, vector<16xi32>,
          %convert_element_type3A_927 = arith.sitofp %sub3A_924 : vector<16xi32> to vector<16xf32>
          %swap3A_928 = arith.index_cast %mul3A_896 : i32 to index
          %swap3A_929 = tpu.vector_load %arg10[%swap3A_928] {strides = array<i32>} : memref<4096xf32, #tpu.memory_space<vmem>>, vector<16xf32>,
          tpu.vector_store %arg10[%swap3A_928], %convert_element_type3A_927 {strides = array<i32>} : memref<4096xf32, #tpu.memory_space<vmem>>, vector<16xf32>,
        }
        %scan3A_635 = arith.constant 256 : i32
      } else {
      }
      %eq3A_607 = arith.constant 7 : i32
      %eq3A_608 = arith.cmpi eq, %scan3A_510, %eq3A_607 : i32
      %convert_element_type3A_609 = arith.extui %eq3A_608 : i1 to i32
      %cond3A_610 = arith.constant 0 : i32
      %cond3A_611 = arith.cmpi ne, %convert_element_type3A_609, %cond3A_610 : i32
      scf.if %cond3A_611 {
        %add3A_614 = arith.constant 1 : i32
        %add3A_615 = arith.addi %mul3A_512, %add3A_614 : i32
        %mul3A_616 = arith.constant 4096 : i32
        %mul3A_617 = arith.muli %add3A_615, %mul3A_616 : i32
        %add3A_618 = arith.addi %mul3A_178, %mul3A_617 : i32
        %mul3A_619 = arith.constant 4096 : i32
        %mul3A_620 = arith.muli %add3A_615, %mul3A_619 : i32
        %add3A_621 = arith.addi %mul3A_178, %mul3A_620 : i32
        %sub3A_622 = arith.constant 8 : i32
        %sub3A_623 = arith.subi %add3A_621, %sub3A_622 : i32
        %jit3A_624 = arith.constant 0 : i32
        %jit3A_625 = arith.constant 995888 : i32
        %max3A_626 = arith.maxsi %jit3A_624, %sub3A_623 : i32
        %min3A_627 = arith.minsi %jit3A_625, %max3A_626 : i32
        %multiple_of3A_628 = tpu.assume_multiple %min3A_627, 8 : i32
        %sub3A_629 = arith.subi %add3A_618, %multiple_of3A_628 : i32
        %scan3A_630 = arith.constant 0 : i32
        %scan3A_631 = arith.constant 0 : i32
        %scan3A_632 = arith.constant 256 : i32
        %scan3A_633 = arith.addi %scan3A_631, %scan3A_632 : i32
        %scan3A_634 = arith.constant 8 : i32
        scf.for %scan3A_636 = %scan3A_631 to %scan3A_633 step %scan3A_634  : i32 {
          %mul3A_637 = arith.constant 16 : i32
          %mul3A_638 = arith.muli %scan3A_636, %mul3A_637 : i32
          %add3A_639 = arith.constant 16 : i32
          %add3A_640 = arith.addi %add3A_639, %sub3A_629 : i32
          %add3A_641 = arith.addi %add3A_640, %mul3A_638 : i32
          %get3A_642 = arith.index_cast %add3A_641 : i32 to index
          %get3A_643 = tpu.vector_load %arg6[%get3A_642] {strides = array<i32>} : memref<8192xi32, #tpu.memory_space<vmem>>, vector<16xi32>,
          %sub3A_644 = arith.constant 1 : i32
          %sub3A_645 = arith.subi %add3A_641, %sub3A_644 : i32
          %get3A_646 = arith.index_cast %sub3A_645 : i32 to index
          %get3A_647 = tpu.vector_load %arg6[%get3A_646] {strides = array<i32>} : memref<8192xi32, #tpu.memory_space<vmem>>, vector<16xi32>,
          %add3A_648 = arith.constant 1 : i32
          %add3A_649 = arith.addi %add3A_641, %add3A_648 : i32
          %get3A_650 = arith.index_cast %add3A_649 : i32 to index
          %get3A_651 = tpu.vector_load %arg6[%get3A_650] {strides = array<i32>} : memref<8192xi32, #tpu.memory_space<vmem>>, vector<16xi32>,
          %add3A_652 = arith.addi %add3A_618, %mul3A_638 : i32
          %add3A_653 = vector.broadcast %add3A_652 : i32 to vector<16xi32>
          %add3A_654 = arith.addi %add3A_653, %iota3A : vector<16xi32>
          %ne3A = arith.cmpi ne, %get3A_643, %get3A_647 : vector<16xi32>
          %ne3A_655 = arith.cmpi ne, %get3A_643, %get3A_651 : vector<16xi32>
          %add3A_656 = arith.constant 1 : i32
          %add3A_657 = vector.broadcast %add3A_656 : i32 to vector<16xi32>
          %add3A_658 = arith.addi %add3A_654, %add3A_657 : vector<16xi32>
          %jit3A_659 = arith.constant 0 : i32
          %broadcast_in_dim3A_660 = vector.broadcast %jit3A_659 : i32 to vector<16xi32>
          %select_n3A_661 = arith.select %ne3A_655, %add3A_658, %broadcast_in_dim3A_660 : vector<16xi1>, vector<16xi32>
          %jit3A_662 = arith.constant 0 : i32
          %broadcast_in_dim3A_663 = vector.broadcast %jit3A_662 : i32 to vector<16xi32>
          %select_n3A_664 = arith.select %ne3A, %add3A_654, %broadcast_in_dim3A_663 : vector<16xi1>, vector<16xi32>
          %sub3A_665 = arith.subi %select_n3A_661, %select_n3A_664 : vector<16xi32>
          %lt3A_666 = vector.broadcast %min3A_180 : i32 to vector<16xi32>
          %lt3A_667 = arith.cmpi slt, %add3A_654, %lt3A_666 : vector<16xi32>
          %jit3A_668 = arith.constant 0 : i32
          %broadcast_in_dim3A_669 = vector.broadcast %jit3A_668 : i32 to vector<16xi32>
          %select_n3A_670 = arith.select %lt3A_667, %get3A_643, %broadcast_in_dim3A_669 : vector<16xi1>, vector<16xi32>
          %jit3A_671 = arith.constant 0 : i32
          %broadcast_in_dim3A_672 = vector.broadcast %jit3A_671 : i32 to vector<16xi32>
          %select_n3A_673 = arith.select %lt3A_667, %sub3A_665, %broadcast_in_dim3A_672 : vector<16xi1>, vector<16xi32>
          %swap3A_674 = arith.index_cast %mul3A_638 : i32 to index
          %swap3A_675 = tpu.vector_load %arg9[%swap3A_674] {strides = array<i32>} : memref<4096xi32, #tpu.memory_space<vmem>>, vector<16xi32>,
          tpu.vector_store %arg9[%swap3A_674], %select_n3A_670 {strides = array<i32>} : memref<4096xi32, #tpu.memory_space<vmem>>, vector<16xi32>,
          %convert_element_type3A_676 = arith.sitofp %select_n3A_673 : vector<16xi32> to vector<16xf32>
          %swap3A_677 = arith.index_cast %mul3A_638 : i32 to index
          %swap3A_678 = tpu.vector_load %arg10[%swap3A_677] {strides = array<i32>} : memref<4096xf32, #tpu.memory_space<vmem>>, vector<16xf32>,
          tpu.vector_store %arg10[%swap3A_677], %convert_element_type3A_676 {strides = array<i32>} : memref<4096xf32, #tpu.memory_space<vmem>>, vector<16xf32>,
          %scan3A_679 = arith.constant 1 : i32
          %scan3A_680 = arith.addi %scan3A_636, %scan3A_679 : i32
          %mul3A_681 = arith.constant 16 : i32
          %mul3A_682 = arith.muli %scan3A_680, %mul3A_681 : i32
          %add3A_683 = arith.constant 16 : i32
          %add3A_684 = arith.addi %add3A_683, %sub3A_629 : i32
          %add3A_685 = arith.addi %add3A_684, %mul3A_682 : i32
          %get3A_686 = arith.index_cast %add3A_685 : i32 to index
          %get3A_687 = tpu.vector_load %arg6[%get3A_686] {strides = array<i32>} : memref<8192xi32, #tpu.memory_space<vmem>>, vector<16xi32>,
          %sub3A_688 = arith.constant 1 : i32
          %sub3A_689 = arith.subi %add3A_685, %sub3A_688 : i32
          %get3A_690 = arith.index_cast %sub3A_689 : i32 to index
          %get3A_691 = tpu.vector_load %arg6[%get3A_690] {strides = array<i32>} : memref<8192xi32, #tpu.memory_space<vmem>>, vector<16xi32>,
          %add3A_692 = arith.constant 1 : i32
          %add3A_693 = arith.addi %add3A_685, %add3A_692 : i32
          %get3A_694 = arith.index_cast %add3A_693 : i32 to index
          %get3A_695 = tpu.vector_load %arg6[%get3A_694] {strides = array<i32>} : memref<8192xi32, #tpu.memory_space<vmem>>, vector<16xi32>,
          %add3A_696 = arith.addi %add3A_618, %mul3A_682 : i32
          %add3A_697 = vector.broadcast %add3A_696 : i32 to vector<16xi32>
          %add3A_698 = arith.addi %add3A_697, %iota3A : vector<16xi32>
          %ne3A_699 = arith.cmpi ne, %get3A_687, %get3A_691 : vector<16xi32>
          %ne3A_700 = arith.cmpi ne, %get3A_687, %get3A_695 : vector<16xi32>
          %add3A_701 = arith.constant 1 : i32
          %add3A_702 = vector.broadcast %add3A_701 : i32 to vector<16xi32>
          %add3A_703 = arith.addi %add3A_698, %add3A_702 : vector<16xi32>
          %jit3A_704 = arith.constant 0 : i32
          %broadcast_in_dim3A_705 = vector.broadcast %jit3A_704 : i32 to vector<16xi32>
          %select_n3A_706 = arith.select %ne3A_700, %add3A_703, %broadcast_in_dim3A_705 : vector<16xi1>, vector<16xi32>
          %jit3A_707 = arith.constant 0 : i32
          %broadcast_in_dim3A_708 = vector.broadcast %jit3A_707 : i32 to vector<16xi32>
          %select_n3A_709 = arith.select %ne3A_699, %add3A_698, %broadcast_in_dim3A_708 : vector<16xi1>, vector<16xi32>
          %sub3A_710 = arith.subi %select_n3A_706, %select_n3A_709 : vector<16xi32>
          %lt3A_711 = vector.broadcast %min3A_180 : i32 to vector<16xi32>
          %lt3A_712 = arith.cmpi slt, %add3A_698, %lt3A_711 : vector<16xi32>
          %jit3A_713 = arith.constant 0 : i32
          %broadcast_in_dim3A_714 = vector.broadcast %jit3A_713 : i32 to vector<16xi32>
          %select_n3A_715 = arith.select %lt3A_712, %get3A_687, %broadcast_in_dim3A_714 : vector<16xi1>, vector<16xi32>
          %jit3A_716 = arith.constant 0 : i32
          %broadcast_in_dim3A_717 = vector.broadcast %jit3A_716 : i32 to vector<16xi32>
          %select_n3A_718 = arith.select %lt3A_712, %sub3A_710, %broadcast_in_dim3A_717 : vector<16xi1>, vector<16xi32>
          %swap3A_719 = arith.index_cast %mul3A_682 : i32 to index
          %swap3A_720 = tpu.vector_load %arg9[%swap3A_719] {strides = array<i32>} : memref<4096xi32, #tpu.memory_space<vmem>>, vector<16xi32>,
          tpu.vector_store %arg9[%swap3A_719], %select_n3A_715 {strides = array<i32>} : memref<4096xi32, #tpu.memory_space<vmem>>, vector<16xi32>,
          %convert_element_type3A_721 = arith.sitofp %select_n3A_718 : vector<16xi32> to vector<16xf32>
          %swap3A_722 = arith.index_cast %mul3A_682 : i32 to index
          %swap3A_723 = tpu.vector_load %arg10[%swap3A_722] {strides = array<i32>} : memref<4096xf32, #tpu.memory_space<vmem>>, vector<16xf32>,
          tpu.vector_store %arg10[%swap3A_722], %convert_element_type3A_721 {strides = array<i32>} : memref<4096xf32, #tpu.memory_space<vmem>>, vector<16xf32>,
          %scan3A_724 = arith.constant 2 : i32
          %scan3A_725 = arith.addi %scan3A_636, %scan3A_724 : i32
          %mul3A_726 = arith.constant 16 : i32
          %mul3A_727 = arith.muli %scan3A_725, %mul3A_726 : i32
          %add3A_728 = arith.constant 16 : i32
          %add3A_729 = arith.addi %add3A_728, %sub3A_629 : i32
          %add3A_730 = arith.addi %add3A_729, %mul3A_727 : i32
          %get3A_731 = arith.index_cast %add3A_730 : i32 to index
          %get3A_732 = tpu.vector_load %arg6[%get3A_731] {strides = array<i32>} : memref<8192xi32, #tpu.memory_space<vmem>>, vector<16xi32>,
          %sub3A_733 = arith.constant 1 : i32
          %sub3A_734 = arith.subi %add3A_730, %sub3A_733 : i32
          %get3A_735 = arith.index_cast %sub3A_734 : i32 to index
          %get3A_736 = tpu.vector_load %arg6[%get3A_735] {strides = array<i32>} : memref<8192xi32, #tpu.memory_space<vmem>>, vector<16xi32>,
          %add3A_737 = arith.constant 1 : i32
          %add3A_738 = arith.addi %add3A_730, %add3A_737 : i32
          %get3A_739 = arith.index_cast %add3A_738 : i32 to index
          %get3A_740 = tpu.vector_load %arg6[%get3A_739] {strides = array<i32>} : memref<8192xi32, #tpu.memory_space<vmem>>, vector<16xi32>,
          %add3A_741 = arith.addi %add3A_618, %mul3A_727 : i32
          %add3A_742 = vector.broadcast %add3A_741 : i32 to vector<16xi32>
          %add3A_743 = arith.addi %add3A_742, %iota3A : vector<16xi32>
          %ne3A_744 = arith.cmpi ne, %get3A_732, %get3A_736 : vector<16xi32>
          %ne3A_745 = arith.cmpi ne, %get3A_732, %get3A_740 : vector<16xi32>
          %add3A_746 = arith.constant 1 : i32
          %add3A_747 = vector.broadcast %add3A_746 : i32 to vector<16xi32>
          %add3A_748 = arith.addi %add3A_743, %add3A_747 : vector<16xi32>
          %jit3A_749 = arith.constant 0 : i32
          %broadcast_in_dim3A_750 = vector.broadcast %jit3A_749 : i32 to vector<16xi32>
          %select_n3A_751 = arith.select %ne3A_745, %add3A_748, %broadcast_in_dim3A_750 : vector<16xi1>, vector<16xi32>
          %jit3A_752 = arith.constant 0 : i32
          %broadcast_in_dim3A_753 = vector.broadcast %jit3A_752 : i32 to vector<16xi32>
          %select_n3A_754 = arith.select %ne3A_744, %add3A_743, %broadcast_in_dim3A_753 : vector<16xi1>, vector<16xi32>
          %sub3A_755 = arith.subi %select_n3A_751, %select_n3A_754 : vector<16xi32>
          %lt3A_756 = vector.broadcast %min3A_180 : i32 to vector<16xi32>
          %lt3A_757 = arith.cmpi slt, %add3A_743, %lt3A_756 : vector<16xi32>
          %jit3A_758 = arith.constant 0 : i32
          %broadcast_in_dim3A_759 = vector.broadcast %jit3A_758 : i32 to vector<16xi32>
          %select_n3A_760 = arith.select %lt3A_757, %get3A_732, %broadcast_in_dim3A_759 : vector<16xi1>, vector<16xi32>
          %jit3A_761 = arith.constant 0 : i32
          %broadcast_in_dim3A_762 = vector.broadcast %jit3A_761 : i32 to vector<16xi32>
          %select_n3A_763 = arith.select %lt3A_757, %sub3A_755, %broadcast_in_dim3A_762 : vector<16xi1>, vector<16xi32>
          %swap3A_764 = arith.index_cast %mul3A_727 : i32 to index
          %swap3A_765 = tpu.vector_load %arg9[%swap3A_764] {strides = array<i32>} : memref<4096xi32, #tpu.memory_space<vmem>>, vector<16xi32>,
          tpu.vector_store %arg9[%swap3A_764], %select_n3A_760 {strides = array<i32>} : memref<4096xi32, #tpu.memory_space<vmem>>, vector<16xi32>,
          %convert_element_type3A_766 = arith.sitofp %select_n3A_763 : vector<16xi32> to vector<16xf32>
          %swap3A_767 = arith.index_cast %mul3A_727 : i32 to index
          %swap3A_768 = tpu.vector_load %arg10[%swap3A_767] {strides = array<i32>} : memref<4096xf32, #tpu.memory_space<vmem>>, vector<16xf32>,
          tpu.vector_store %arg10[%swap3A_767], %convert_element_type3A_766 {strides = array<i32>} : memref<4096xf32, #tpu.memory_space<vmem>>, vector<16xf32>,
          %scan3A_769 = arith.constant 3 : i32
          %scan3A_770 = arith.addi %scan3A_636, %scan3A_769 : i32
          %mul3A_771 = arith.constant 16 : i32
          %mul3A_772 = arith.muli %scan3A_770, %mul3A_771 : i32
          %add3A_773 = arith.constant 16 : i32
          %add3A_774 = arith.addi %add3A_773, %sub3A_629 : i32
          %add3A_775 = arith.addi %add3A_774, %mul3A_772 : i32
          %get3A_776 = arith.index_cast %add3A_775 : i32 to index
          %get3A_777 = tpu.vector_load %arg6[%get3A_776] {strides = array<i32>} : memref<8192xi32, #tpu.memory_space<vmem>>, vector<16xi32>,
          %sub3A_778 = arith.constant 1 : i32
          %sub3A_779 = arith.subi %add3A_775, %sub3A_778 : i32
          %get3A_780 = arith.index_cast %sub3A_779 : i32 to index
          %get3A_781 = tpu.vector_load %arg6[%get3A_780] {strides = array<i32>} : memref<8192xi32, #tpu.memory_space<vmem>>, vector<16xi32>,
          %add3A_782 = arith.constant 1 : i32
          %add3A_783 = arith.addi %add3A_775, %add3A_782 : i32
          %get3A_784 = arith.index_cast %add3A_783 : i32 to index
          %get3A_785 = tpu.vector_load %arg6[%get3A_784] {strides = array<i32>} : memref<8192xi32, #tpu.memory_space<vmem>>, vector<16xi32>,
          %add3A_786 = arith.addi %add3A_618, %mul3A_772 : i32
          %add3A_787 = vector.broadcast %add3A_786 : i32 to vector<16xi32>
          %add3A_788 = arith.addi %add3A_787, %iota3A : vector<16xi32>
          %ne3A_789 = arith.cmpi ne, %get3A_777, %get3A_781 : vector<16xi32>
          %ne3A_790 = arith.cmpi ne, %get3A_777, %get3A_785 : vector<16xi32>
          %add3A_791 = arith.constant 1 : i32
          %add3A_792 = vector.broadcast %add3A_791 : i32 to vector<16xi32>
          %add3A_793 = arith.addi %add3A_788, %add3A_792 : vector<16xi32>
          %jit3A_794 = arith.constant 0 : i32
          %broadcast_in_dim3A_795 = vector.broadcast %jit3A_794 : i32 to vector<16xi32>
          %select_n3A_796 = arith.select %ne3A_790, %add3A_793, %broadcast_in_dim3A_795 : vector<16xi1>, vector<16xi32>
          %jit3A_797 = arith.constant 0 : i32
          %broadcast_in_dim3A_798 = vector.broadcast %jit3A_797 : i32 to vector<16xi32>
          %select_n3A_799 = arith.select %ne3A_789, %add3A_788, %broadcast_in_dim3A_798 : vector<16xi1>, vector<16xi32>
          %sub3A_800 = arith.subi %select_n3A_796, %select_n3A_799 : vector<16xi32>
          %lt3A_801 = vector.broadcast %min3A_180 : i32 to vector<16xi32>
          %lt3A_802 = arith.cmpi slt, %add3A_788, %lt3A_801 : vector<16xi32>
          %jit3A_803 = arith.constant 0 : i32
          %broadcast_in_dim3A_804 = vector.broadcast %jit3A_803 : i32 to vector<16xi32>
          %select_n3A_805 = arith.select %lt3A_802, %get3A_777, %broadcast_in_dim3A_804 : vector<16xi1>, vector<16xi32>
          %jit3A_806 = arith.constant 0 : i32
          %broadcast_in_dim3A_807 = vector.broadcast %jit3A_806 : i32 to vector<16xi32>
          %select_n3A_808 = arith.select %lt3A_802, %sub3A_800, %broadcast_in_dim3A_807 : vector<16xi1>, vector<16xi32>
          %swap3A_809 = arith.index_cast %mul3A_772 : i32 to index
          %swap3A_810 = tpu.vector_load %arg9[%swap3A_809] {strides = array<i32>} : memref<4096xi32, #tpu.memory_space<vmem>>, vector<16xi32>,
          tpu.vector_store %arg9[%swap3A_809], %select_n3A_805 {strides = array<i32>} : memref<4096xi32, #tpu.memory_space<vmem>>, vector<16xi32>,
          %convert_element_type3A_811 = arith.sitofp %select_n3A_808 : vector<16xi32> to vector<16xf32>
          %swap3A_812 = arith.index_cast %mul3A_772 : i32 to index
          %swap3A_813 = tpu.vector_load %arg10[%swap3A_812] {strides = array<i32>} : memref<4096xf32, #tpu.memory_space<vmem>>, vector<16xf32>,
          tpu.vector_store %arg10[%swap3A_812], %convert_element_type3A_811 {strides = array<i32>} : memref<4096xf32, #tpu.memory_space<vmem>>, vector<16xf32>,
          %scan3A_814 = arith.constant 4 : i32
          %scan3A_815 = arith.addi %scan3A_636, %scan3A_814 : i32
          %mul3A_816 = arith.constant 16 : i32
          %mul3A_817 = arith.muli %scan3A_815, %mul3A_816 : i32
          %add3A_818 = arith.constant 16 : i32
          %add3A_819 = arith.addi %add3A_818, %sub3A_629 : i32
          %add3A_820 = arith.addi %add3A_819, %mul3A_817 : i32
          %get3A_821 = arith.index_cast %add3A_820 : i32 to index
          %get3A_822 = tpu.vector_load %arg6[%get3A_821] {strides = array<i32>} : memref<8192xi32, #tpu.memory_space<vmem>>, vector<16xi32>,
          %sub3A_823 = arith.constant 1 : i32
          %sub3A_824 = arith.subi %add3A_820, %sub3A_823 : i32
          %get3A_825 = arith.index_cast %sub3A_824 : i32 to index
          %get3A_826 = tpu.vector_load %arg6[%get3A_825] {strides = array<i32>} : memref<8192xi32, #tpu.memory_space<vmem>>, vector<16xi32>,
          %add3A_827 = arith.constant 1 : i32
          %add3A_828 = arith.addi %add3A_820, %add3A_827 : i32
          %get3A_829 = arith.index_cast %add3A_828 : i32 to index
          %get3A_830 = tpu.vector_load %arg6[%get3A_829] {strides = array<i32>} : memref<8192xi32, #tpu.memory_space<vmem>>, vector<16xi32>,
          %add3A_831 = arith.addi %add3A_618, %mul3A_817 : i32
          %add3A_832 = vector.broadcast %add3A_831 : i32 to vector<16xi32>
          %add3A_833 = arith.addi %add3A_832, %iota3A : vector<16xi32>
          %ne3A_834 = arith.cmpi ne, %get3A_822, %get3A_826 : vector<16xi32>
          %ne3A_835 = arith.cmpi ne, %get3A_822, %get3A_830 : vector<16xi32>
          %add3A_836 = arith.constant 1 : i32
          %add3A_837 = vector.broadcast %add3A_836 : i32 to vector<16xi32>
          %add3A_838 = arith.addi %add3A_833, %add3A_837 : vector<16xi32>
          %jit3A_839 = arith.constant 0 : i32
          %broadcast_in_dim3A_840 = vector.broadcast %jit3A_839 : i32 to vector<16xi32>
          %select_n3A_841 = arith.select %ne3A_835, %add3A_838, %broadcast_in_dim3A_840 : vector<16xi1>, vector<16xi32>
          %jit3A_842 = arith.constant 0 : i32
          %broadcast_in_dim3A_843 = vector.broadcast %jit3A_842 : i32 to vector<16xi32>
          %select_n3A_844 = arith.select %ne3A_834, %add3A_833, %broadcast_in_dim3A_843 : vector<16xi1>, vector<16xi32>
          %sub3A_845 = arith.subi %select_n3A_841, %select_n3A_844 : vector<16xi32>
          %lt3A_846 = vector.broadcast %min3A_180 : i32 to vector<16xi32>
          %lt3A_847 = arith.cmpi slt, %add3A_833, %lt3A_846 : vector<16xi32>
          %jit3A_848 = arith.constant 0 : i32
          %broadcast_in_dim3A_849 = vector.broadcast %jit3A_848 : i32 to vector<16xi32>
          %select_n3A_850 = arith.select %lt3A_847, %get3A_822, %broadcast_in_dim3A_849 : vector<16xi1>, vector<16xi32>
          %jit3A_851 = arith.constant 0 : i32
          %broadcast_in_dim3A_852 = vector.broadcast %jit3A_851 : i32 to vector<16xi32>
          %select_n3A_853 = arith.select %lt3A_847, %sub3A_845, %broadcast_in_dim3A_852 : vector<16xi1>, vector<16xi32>
          %swap3A_854 = arith.index_cast %mul3A_817 : i32 to index
          %swap3A_855 = tpu.vector_load %arg9[%swap3A_854] {strides = array<i32>} : memref<4096xi32, #tpu.memory_space<vmem>>, vector<16xi32>,
          tpu.vector_store %arg9[%swap3A_854], %select_n3A_850 {strides = array<i32>} : memref<4096xi32, #tpu.memory_space<vmem>>, vector<16xi32>,
          %convert_element_type3A_856 = arith.sitofp %select_n3A_853 : vector<16xi32> to vector<16xf32>
          %swap3A_857 = arith.index_cast %mul3A_817 : i32 to index
          %swap3A_858 = tpu.vector_load %arg10[%swap3A_857] {strides = array<i32>} : memref<4096xf32, #tpu.memory_space<vmem>>, vector<16xf32>,
          tpu.vector_store %arg10[%swap3A_857], %convert_element_type3A_856 {strides = array<i32>} : memref<4096xf32, #tpu.memory_space<vmem>>, vector<16xf32>,
          %scan3A_859 = arith.constant 5 : i32
          %scan3A_860 = arith.addi %scan3A_636, %scan3A_859 : i32
          %mul3A_861 = arith.constant 16 : i32
          %mul3A_862 = arith.muli %scan3A_860, %mul3A_861 : i32
          %add3A_863 = arith.constant 16 : i32
          %add3A_864 = arith.addi %add3A_863, %sub3A_629 : i32
          %add3A_865 = arith.addi %add3A_864, %mul3A_862 : i32
          %get3A_866 = arith.index_cast %add3A_865 : i32 to index
          %get3A_867 = tpu.vector_load %arg6[%get3A_866] {strides = array<i32>} : memref<8192xi32, #tpu.memory_space<vmem>>, vector<16xi32>,
          %sub3A_868 = arith.constant 1 : i32
          %sub3A_869 = arith.subi %add3A_865, %sub3A_868 : i32
          %get3A_870 = arith.index_cast %sub3A_869 : i32 to index
          %get3A_871 = tpu.vector_load %arg6[%get3A_870] {strides = array<i32>} : memref<8192xi32, #tpu.memory_space<vmem>>, vector<16xi32>,
          %add3A_872 = arith.constant 1 : i32
          %add3A_873 = arith.addi %add3A_865, %add3A_872 : i32
          %get3A_874 = arith.index_cast %add3A_873 : i32 to index
          %get3A_875 = tpu.vector_load %arg6[%get3A_874] {strides = array<i32>} : memref<8192xi32, #tpu.memory_space<vmem>>, vector<16xi32>,
          %add3A_876 = arith.addi %add3A_618, %mul3A_862 : i32
          %add3A_877 = vector.broadcast %add3A_876 : i32 to vector<16xi32>
          %add3A_878 = arith.addi %add3A_877, %iota3A : vector<16xi32>
          %ne3A_879 = arith.cmpi ne, %get3A_867, %get3A_871 : vector<16xi32>
          %ne3A_880 = arith.cmpi ne, %get3A_867, %get3A_875 : vector<16xi32>
          %add3A_881 = arith.constant 1 : i32
          %add3A_882 = vector.broadcast %add3A_881 : i32 to vector<16xi32>
          %add3A_883 = arith.addi %add3A_878, %add3A_882 : vector<16xi32>
          %jit3A_884 = arith.constant 0 : i32
          %broadcast_in_dim3A_885 = vector.broadcast %jit3A_884 : i32 to vector<16xi32>
          %select_n3A_886 = arith.select %ne3A_880, %add3A_883, %broadcast_in_dim3A_885 : vector<16xi1>, vector<16xi32>
          %jit3A_887 = arith.constant 0 : i32
          %broadcast_in_dim3A_888 = vector.broadcast %jit3A_887 : i32 to vector<16xi32>
          %select_n3A_889 = arith.select %ne3A_879, %add3A_878, %broadcast_in_dim3A_888 : vector<16xi1>, vector<16xi32>
          %sub3A_890 = arith.subi %select_n3A_886, %select_n3A_889 : vector<16xi32>
          %lt3A_891 = vector.broadcast %min3A_180 : i32 to vector<16xi32>
          %lt3A_892 = arith.cmpi slt, %add3A_878, %lt3A_891 : vector<16xi32>
          %jit3A_893 = arith.constant 0 : i32
          %broadcast_in_dim3A_894 = vector.broadcast %jit3A_893 : i32 to vector<16xi32>
          %select_n3A_895 = arith.select %lt3A_892, %get3A_867, %broadcast_in_dim3A_894 : vector<16xi1>, vector<16xi32>
          %jit3A_896 = arith.constant 0 : i32
          %broadcast_in_dim3A_897 = vector.broadcast %jit3A_896 : i32 to vector<16xi32>
          %select_n3A_898 = arith.select %lt3A_892, %sub3A_890, %broadcast_in_dim3A_897 : vector<16xi1>, vector<16xi32>
          %swap3A_899 = arith.index_cast %mul3A_862 : i32 to index
          %swap3A_900 = tpu.vector_load %arg9[%swap3A_899] {strides = array<i32>} : memref<4096xi32, #tpu.memory_space<vmem>>, vector<16xi32>,
          tpu.vector_store %arg9[%swap3A_899], %select_n3A_895 {strides = array<i32>} : memref<4096xi32, #tpu.memory_space<vmem>>, vector<16xi32>,
          %convert_element_type3A_901 = arith.sitofp %select_n3A_898 : vector<16xi32> to vector<16xf32>
          %swap3A_902 = arith.index_cast %mul3A_862 : i32 to index
          %swap3A_903 = tpu.vector_load %arg10[%swap3A_902] {strides = array<i32>} : memref<4096xf32, #tpu.memory_space<vmem>>, vector<16xf32>,
          tpu.vector_store %arg10[%swap3A_902], %convert_element_type3A_901 {strides = array<i32>} : memref<4096xf32, #tpu.memory_space<vmem>>, vector<16xf32>,
          %scan3A_904 = arith.constant 6 : i32
          %scan3A_905 = arith.addi %scan3A_636, %scan3A_904 : i32
          %mul3A_906 = arith.constant 16 : i32
          %mul3A_907 = arith.muli %scan3A_905, %mul3A_906 : i32
          %add3A_908 = arith.constant 16 : i32
          %add3A_909 = arith.addi %add3A_908, %sub3A_629 : i32
          %add3A_910 = arith.addi %add3A_909, %mul3A_907 : i32
          %get3A_911 = arith.index_cast %add3A_910 : i32 to index
          %get3A_912 = tpu.vector_load %arg6[%get3A_911] {strides = array<i32>} : memref<8192xi32, #tpu.memory_space<vmem>>, vector<16xi32>,
          %sub3A_913 = arith.constant 1 : i32
          %sub3A_914 = arith.subi %add3A_910, %sub3A_913 : i32
          %get3A_915 = arith.index_cast %sub3A_914 : i32 to index
          %get3A_916 = tpu.vector_load %arg6[%get3A_915] {strides = array<i32>} : memref<8192xi32, #tpu.memory_space<vmem>>, vector<16xi32>,
          %add3A_917 = arith.constant 1 : i32
          %add3A_918 = arith.addi %add3A_910, %add3A_917 : i32
          %get3A_919 = arith.index_cast %add3A_918 : i32 to index
          %get3A_920 = tpu.vector_load %arg6[%get3A_919] {strides = array<i32>} : memref<8192xi32, #tpu.memory_space<vmem>>, vector<16xi32>,
          %add3A_921 = arith.addi %add3A_618, %mul3A_907 : i32
          %add3A_922 = vector.broadcast %add3A_921 : i32 to vector<16xi32>
          %add3A_923 = arith.addi %add3A_922, %iota3A : vector<16xi32>
          %ne3A_924 = arith.cmpi ne, %get3A_912, %get3A_916 : vector<16xi32>
          %ne3A_925 = arith.cmpi ne, %get3A_912, %get3A_920 : vector<16xi32>
          %add3A_926 = arith.constant 1 : i32
          %add3A_927 = vector.broadcast %add3A_926 : i32 to vector<16xi32>
          %add3A_928 = arith.addi %add3A_923, %add3A_927 : vector<16xi32>
          %jit3A_929 = arith.constant 0 : i32
          %broadcast_in_dim3A_930 = vector.broadcast %jit3A_929 : i32 to vector<16xi32>
          %select_n3A_931 = arith.select %ne3A_925, %add3A_928, %broadcast_in_dim3A_930 : vector<16xi1>, vector<16xi32>
          %jit3A_932 = arith.constant 0 : i32
          %broadcast_in_dim3A_933 = vector.broadcast %jit3A_932 : i32 to vector<16xi32>
          %select_n3A_934 = arith.select %ne3A_924, %add3A_923, %broadcast_in_dim3A_933 : vector<16xi1>, vector<16xi32>
          %sub3A_935 = arith.subi %select_n3A_931, %select_n3A_934 : vector<16xi32>
          %lt3A_936 = vector.broadcast %min3A_180 : i32 to vector<16xi32>
          %lt3A_937 = arith.cmpi slt, %add3A_923, %lt3A_936 : vector<16xi32>
          %jit3A_938 = arith.constant 0 : i32
          %broadcast_in_dim3A_939 = vector.broadcast %jit3A_938 : i32 to vector<16xi32>
          %select_n3A_940 = arith.select %lt3A_937, %get3A_912, %broadcast_in_dim3A_939 : vector<16xi1>, vector<16xi32>
          %jit3A_941 = arith.constant 0 : i32
          %broadcast_in_dim3A_942 = vector.broadcast %jit3A_941 : i32 to vector<16xi32>
          %select_n3A_943 = arith.select %lt3A_937, %sub3A_935, %broadcast_in_dim3A_942 : vector<16xi1>, vector<16xi32>
          %swap3A_944 = arith.index_cast %mul3A_907 : i32 to index
          %swap3A_945 = tpu.vector_load %arg9[%swap3A_944] {strides = array<i32>} : memref<4096xi32, #tpu.memory_space<vmem>>, vector<16xi32>,
          tpu.vector_store %arg9[%swap3A_944], %select_n3A_940 {strides = array<i32>} : memref<4096xi32, #tpu.memory_space<vmem>>, vector<16xi32>,
          %convert_element_type3A_946 = arith.sitofp %select_n3A_943 : vector<16xi32> to vector<16xf32>
          %swap3A_947 = arith.index_cast %mul3A_907 : i32 to index
          %swap3A_948 = tpu.vector_load %arg10[%swap3A_947] {strides = array<i32>} : memref<4096xf32, #tpu.memory_space<vmem>>, vector<16xf32>,
          tpu.vector_store %arg10[%swap3A_947], %convert_element_type3A_946 {strides = array<i32>} : memref<4096xf32, #tpu.memory_space<vmem>>, vector<16xf32>,
          %scan3A_949 = arith.constant 7 : i32
          %scan3A_950 = arith.addi %scan3A_636, %scan3A_949 : i32
          %mul3A_951 = arith.constant 16 : i32
          %mul3A_952 = arith.muli %scan3A_950, %mul3A_951 : i32
          %add3A_953 = arith.constant 16 : i32
          %add3A_954 = arith.addi %add3A_953, %sub3A_629 : i32
          %add3A_955 = arith.addi %add3A_954, %mul3A_952 : i32
          %get3A_956 = arith.index_cast %add3A_955 : i32 to index
          %get3A_957 = tpu.vector_load %arg6[%get3A_956] {strides = array<i32>} : memref<8192xi32, #tpu.memory_space<vmem>>, vector<16xi32>,
          %sub3A_958 = arith.constant 1 : i32
          %sub3A_959 = arith.subi %add3A_955, %sub3A_958 : i32
          %get3A_960 = arith.index_cast %sub3A_959 : i32 to index
          %get3A_961 = tpu.vector_load %arg6[%get3A_960] {strides = array<i32>} : memref<8192xi32, #tpu.memory_space<vmem>>, vector<16xi32>,
          %add3A_962 = arith.constant 1 : i32
          %add3A_963 = arith.addi %add3A_955, %add3A_962 : i32
          %get3A_964 = arith.index_cast %add3A_963 : i32 to index
          %get3A_965 = tpu.vector_load %arg6[%get3A_964] {strides = array<i32>} : memref<8192xi32, #tpu.memory_space<vmem>>, vector<16xi32>,
          %add3A_966 = arith.addi %add3A_618, %mul3A_952 : i32
          %add3A_967 = vector.broadcast %add3A_966 : i32 to vector<16xi32>
          %add3A_968 = arith.addi %add3A_967, %iota3A : vector<16xi32>
          %ne3A_969 = arith.cmpi ne, %get3A_957, %get3A_961 : vector<16xi32>
          %ne3A_970 = arith.cmpi ne, %get3A_957, %get3A_965 : vector<16xi32>
          %add3A_971 = arith.constant 1 : i32
          %add3A_972 = vector.broadcast %add3A_971 : i32 to vector<16xi32>
          %add3A_973 = arith.addi %add3A_968, %add3A_972 : vector<16xi32>
          %jit3A_974 = arith.constant 0 : i32
          %broadcast_in_dim3A_975 = vector.broadcast %jit3A_974 : i32 to vector<16xi32>
          %select_n3A_976 = arith.select %ne3A_970, %add3A_973, %broadcast_in_dim3A_975 : vector<16xi1>, vector<16xi32>
          %jit3A_977 = arith.constant 0 : i32
          %broadcast_in_dim3A_978 = vector.broadcast %jit3A_977 : i32 to vector<16xi32>
          %select_n3A_979 = arith.select %ne3A_969, %add3A_968, %broadcast_in_dim3A_978 : vector<16xi1>, vector<16xi32>
          %sub3A_980 = arith.subi %select_n3A_976, %select_n3A_979 : vector<16xi32>
          %lt3A_981 = vector.broadcast %min3A_180 : i32 to vector<16xi32>
          %lt3A_982 = arith.cmpi slt, %add3A_968, %lt3A_981 : vector<16xi32>
          %jit3A_983 = arith.constant 0 : i32
          %broadcast_in_dim3A_984 = vector.broadcast %jit3A_983 : i32 to vector<16xi32>
          %select_n3A_985 = arith.select %lt3A_982, %get3A_957, %broadcast_in_dim3A_984 : vector<16xi1>, vector<16xi32>
          %jit3A_986 = arith.constant 0 : i32
          %broadcast_in_dim3A_987 = vector.broadcast %jit3A_986 : i32 to vector<16xi32>
          %select_n3A_988 = arith.select %lt3A_982, %sub3A_980, %broadcast_in_dim3A_987 : vector<16xi1>, vector<16xi32>
          %swap3A_989 = arith.index_cast %mul3A_952 : i32 to index
          %swap3A_990 = tpu.vector_load %arg9[%swap3A_989] {strides = array<i32>} : memref<4096xi32, #tpu.memory_space<vmem>>, vector<16xi32>,
          tpu.vector_store %arg9[%swap3A_989], %select_n3A_985 {strides = array<i32>} : memref<4096xi32, #tpu.memory_space<vmem>>, vector<16xi32>,
          %convert_element_type3A_991 = arith.sitofp %select_n3A_988 : vector<16xi32> to vector<16xf32>
          %swap3A_992 = arith.index_cast %mul3A_952 : i32 to index
          %swap3A_993 = tpu.vector_load %arg10[%swap3A_992] {strides = array<i32>} : memref<4096xf32, #tpu.memory_space<vmem>>, vector<16xf32>,
          tpu.vector_store %arg10[%swap3A_992], %convert_element_type3A_991 {strides = array<i32>} : memref<4096xf32, #tpu.memory_space<vmem>>, vector<16xf32>,
        }
        %scan3A_635 = arith.constant 256 : i32
      } else {
      }
      %dma_start3A_612 = arith.constant 0 : i32
      %dma_start3A_613 = tpu.memref_slice %arg4[%dma_start3A_612] : memref<20000xf32, #tpu.memory_space<vmem_shared>> -> memref<20000xf32, #tpu.memory_space<vmem_shared>>
      tpu.enqueue_indirect_dma source(%arg10 : memref<4096xf32, #tpu.memory_space<vmem>>) target(%dma_start3A_613 : memref<20000xf32, #tpu.memory_space<vmem_shared>>) offsets(%arg9 : memref<4096xi32, #tpu.memory_space<vmem>>) semaphore(%arg17 : memref<!tpu.dma_semaphore, #tpu.memory_space<semaphore_mem>>) {add = true}
    }
    %scan3A_195 = arith.constant 8 : i32
    %dma_wait3A = arith.constant 0 : i32
    %dma_wait3A_196 = tpu.memref_slice %arg4[%dma_wait3A] : memref<20000xf32, #tpu.memory_space<vmem_shared>> -> memref<20000xf32, #tpu.memory_space<vmem_shared>>
    tpu.wait_indirect_dma semaphore(%arg16 : memref<!tpu.dma_semaphore, #tpu.memory_space<semaphore_mem>>) src(%arg8 : memref<4096xf32, #tpu.memory_space<vmem>>) dst(%dma_wait3A_196 : memref<20000xf32, #tpu.memory_space<vmem_shared>>)
    %dma_wait3A_197 = arith.constant 0 : i32
    %dma_wait3A_198 = tpu.memref_slice %arg4[%dma_wait3A_197] : memref<20000xf32, #tpu.memory_space<vmem_shared>> -> memref<20000xf32, #tpu.memory_space<vmem_shared>>
    tpu.wait_indirect_dma semaphore(%arg17 : memref<!tpu.dma_semaphore, #tpu.memory_space<semaphore_mem>>) src(%arg10 : memref<4096xf32, #tpu.memory_space<vmem>>) dst(%dma_wait3A_198 : memref<20000xf32, #tpu.memory_space<vmem_shared>>)
    %barrier3A_199 = arith.constant 0 : index
    tpu.barrier barrier_id(%barrier3A_199)
    "tpu.trace_start"() <{level = 10 : i32, message = "p2_table"}> : () -> ()
    "tpu.region"() ({
      %run_scoped3A = tpu.sem_alloc : memref<!tpu.dma_semaphore, #tpu.memory_space<semaphore_mem>>
      tpu.enqueue_dma source(%arg4 : memref<20000xf32, #tpu.memory_space<vmem_shared>>) target(%arg11 : memref<20000xf32, #tpu.memory_space<vmem>>) target_semaphore(%run_scoped3A : memref<!tpu.dma_semaphore, #tpu.memory_space<semaphore_mem>>)
      tpu.wait_dma2 semaphore(%run_scoped3A : memref<!tpu.dma_semaphore, #tpu.memory_space<semaphore_mem>>) src(%arg4 : memref<20000xf32, #tpu.memory_space<vmem_shared>>) dst(%arg11 : memref<20000xf32, #tpu.memory_space<vmem>>)
      tpu.yield
    }) : () -> ()
    %broadcast_in_dim3A_200 = arith.constant 0.000000e+00 : f32
    %broadcast_in_dim3A_201 = vector.broadcast %broadcast_in_dim3A_200 : f32 to vector<16xf32>
    %scan3A_202 = arith.constant 0 : i32
    %scan3A_203 = arith.constant 1248 : i32
    %scan3A_204 = arith.addi %scan3A_202, %scan3A_203 : i32
    %scan3A_205 = arith.constant 4 : i32
    %scan3A_206 = scf.for %scan3A_510 = %scan3A_202 to %scan3A_204 step %scan3A_205 iter_args(%scan3A_511 = %broadcast_in_dim3A_201) -> (vector<16xf32>)  : i32 {
      %mul3A_512 = arith.constant 16 : i32
      %mul3A_513 = arith.muli %scan3A_510, %mul3A_512 : i32
      %get3A_514 = arith.index_cast %mul3A_513 : i32 to index
      %get3A_515 = tpu.vector_load %arg11[%get3A_514] {strides = array<i32>} : memref<20000xf32, #tpu.memory_space<vmem>>, vector<16xf32>,
      %gt3A_516 = arith.constant 0.000000e+00 : f32
      %gt3A_517 = vector.broadcast %gt3A_516 : f32 to vector<16xf32>
      %gt3A_518 = arith.cmpf ogt, %get3A_515, %gt3A_517 : vector<16xf32>
      %jit3A_519 = arith.constant 1.000000e+00 : f32
      %jit3A_520 = arith.constant 0.000000e+00 : f32
      %broadcast_in_dim3A_521 = vector.broadcast %jit3A_519 : f32 to vector<16xf32>
      %broadcast_in_dim3A_522 = vector.broadcast %jit3A_520 : f32 to vector<16xf32>
      %select_n3A_523 = arith.select %gt3A_518, %broadcast_in_dim3A_521, %broadcast_in_dim3A_522 : vector<16xi1>, vector<16xf32>
      %add3A_524 = arith.addf %scan3A_511, %select_n3A_523 : vector<16xf32>
      %scan3A_525 = arith.constant 1 : i32
      %scan3A_526 = arith.addi %scan3A_510, %scan3A_525 : i32
      %mul3A_527 = arith.constant 16 : i32
      %mul3A_528 = arith.muli %scan3A_526, %mul3A_527 : i32
      %get3A_529 = arith.index_cast %mul3A_528 : i32 to index
      %get3A_530 = tpu.vector_load %arg11[%get3A_529] {strides = array<i32>} : memref<20000xf32, #tpu.memory_space<vmem>>, vector<16xf32>,
      %gt3A_531 = arith.constant 0.000000e+00 : f32
      %gt3A_532 = vector.broadcast %gt3A_531 : f32 to vector<16xf32>
      %gt3A_533 = arith.cmpf ogt, %get3A_530, %gt3A_532 : vector<16xf32>
      %jit3A_534 = arith.constant 1.000000e+00 : f32
      %jit3A_535 = arith.constant 0.000000e+00 : f32
      %broadcast_in_dim3A_536 = vector.broadcast %jit3A_534 : f32 to vector<16xf32>
      %broadcast_in_dim3A_537 = vector.broadcast %jit3A_535 : f32 to vector<16xf32>
      %select_n3A_538 = arith.select %gt3A_533, %broadcast_in_dim3A_536, %broadcast_in_dim3A_537 : vector<16xi1>, vector<16xf32>
      %add3A_539 = arith.addf %add3A_524, %select_n3A_538 : vector<16xf32>
      %scan3A_540 = arith.constant 2 : i32
      %scan3A_541 = arith.addi %scan3A_510, %scan3A_540 : i32
      %mul3A_542 = arith.constant 16 : i32
      %mul3A_543 = arith.muli %scan3A_541, %mul3A_542 : i32
      %get3A_544 = arith.index_cast %mul3A_543 : i32 to index
      %get3A_545 = tpu.vector_load %arg11[%get3A_544] {strides = array<i32>} : memref<20000xf32, #tpu.memory_space<vmem>>, vector<16xf32>,
      %gt3A_546 = arith.constant 0.000000e+00 : f32
      %gt3A_547 = vector.broadcast %gt3A_546 : f32 to vector<16xf32>
      %gt3A_548 = arith.cmpf ogt, %get3A_545, %gt3A_547 : vector<16xf32>
      %jit3A_549 = arith.constant 1.000000e+00 : f32
      %jit3A_550 = arith.constant 0.000000e+00 : f32
      %broadcast_in_dim3A_551 = vector.broadcast %jit3A_549 : f32 to vector<16xf32>
      %broadcast_in_dim3A_552 = vector.broadcast %jit3A_550 : f32 to vector<16xf32>
      %select_n3A_553 = arith.select %gt3A_548, %broadcast_in_dim3A_551, %broadcast_in_dim3A_552 : vector<16xi1>, vector<16xf32>
      %add3A_554 = arith.addf %add3A_539, %select_n3A_553 : vector<16xf32>
      %scan3A_555 = arith.constant 3 : i32
      %scan3A_556 = arith.addi %scan3A_510, %scan3A_555 : i32
      %mul3A_557 = arith.constant 16 : i32
      %mul3A_558 = arith.muli %scan3A_556, %mul3A_557 : i32
      %get3A_559 = arith.index_cast %mul3A_558 : i32 to index
      %get3A_560 = tpu.vector_load %arg11[%get3A_559] {strides = array<i32>} : memref<20000xf32, #tpu.memory_space<vmem>>, vector<16xf32>,
      %gt3A_561 = arith.constant 0.000000e+00 : f32
      %gt3A_562 = vector.broadcast %gt3A_561 : f32 to vector<16xf32>
      %gt3A_563 = arith.cmpf ogt, %get3A_560, %gt3A_562 : vector<16xf32>
      %jit3A_564 = arith.constant 1.000000e+00 : f32
      %jit3A_565 = arith.constant 0.000000e+00 : f32
      %broadcast_in_dim3A_566 = vector.broadcast %jit3A_564 : f32 to vector<16xf32>
      %broadcast_in_dim3A_567 = vector.broadcast %jit3A_565 : f32 to vector<16xf32>
      %select_n3A_568 = arith.select %gt3A_563, %broadcast_in_dim3A_566, %broadcast_in_dim3A_567 : vector<16xi1>, vector<16xf32>
      %add3A_569 = arith.addf %add3A_554, %select_n3A_568 : vector<16xf32>
      scf.yield %add3A_569 : vector<16xf32>
    }
    %scan3A_207 = arith.constant 1248 : i32
    %scan3A_208 = arith.addi %scan3A_202, %scan3A_207 : i32
    %mul3A_209 = arith.constant 16 : i32
    %mul3A_210 = arith.muli %scan3A_208, %mul3A_209 : i32
    %get3A = arith.index_cast %mul3A_210 : i32 to index
    %get3A_211 = tpu.vector_load %arg11[%get3A] {strides = array<i32>} : memref<20000xf32, #tpu.memory_space<vmem>>, vector<16xf32>,
    %gt3A = arith.constant 0.000000e+00 : f32
    %gt3A_212 = vector.broadcast %gt3A : f32 to vector<16xf32>
    %gt3A_213 = arith.cmpf ogt, %get3A_211, %gt3A_212 : vector<16xf32>
    %jit3A_214 = arith.constant 1.000000e+00 : f32
    %jit3A_215 = arith.constant 0.000000e+00 : f32
    %broadcast_in_dim3A_216 = vector.broadcast %jit3A_214 : f32 to vector<16xf32>
    %broadcast_in_dim3A_217 = vector.broadcast %jit3A_215 : f32 to vector<16xf32>
    %select_n3A = arith.select %gt3A_213, %broadcast_in_dim3A_216, %broadcast_in_dim3A_217 : vector<16xi1>, vector<16xf32>
    %add3A_218 = arith.addf %scan3A_206, %select_n3A : vector<16xf32>
    %scan3A_219 = arith.constant 1249 : i32
    %scan3A_220 = arith.addi %scan3A_202, %scan3A_219 : i32
    %mul3A_221 = arith.constant 16 : i32
    %mul3A_222 = arith.muli %scan3A_220, %mul3A_221 : i32
    %get3A_223 = arith.index_cast %mul3A_222 : i32 to index
    %get3A_224 = tpu.vector_load %arg11[%get3A_223] {strides = array<i32>} : memref<20000xf32, #tpu.memory_space<vmem>>, vector<16xf32>,
    %gt3A_225 = arith.constant 0.000000e+00 : f32
    %gt3A_226 = vector.broadcast %gt3A_225 : f32 to vector<16xf32>
    %gt3A_227 = arith.cmpf ogt, %get3A_224, %gt3A_226 : vector<16xf32>
    %jit3A_228 = arith.constant 1.000000e+00 : f32
    %jit3A_229 = arith.constant 0.000000e+00 : f32
    %broadcast_in_dim3A_230 = vector.broadcast %jit3A_228 : f32 to vector<16xf32>
    %broadcast_in_dim3A_231 = vector.broadcast %jit3A_229 : f32 to vector<16xf32>
    %select_n3A_232 = arith.select %gt3A_227, %broadcast_in_dim3A_230, %broadcast_in_dim3A_231 : vector<16xi1>, vector<16xf32>
    %add3A_233 = arith.addf %add3A_218, %select_n3A_232 : vector<16xf32>
    %scan3A_234 = arith.constant 1250 : i32
    %broadcast_in_dim3A_235 = arith.constant true
    %broadcast_in_dim3A_236 = vector.broadcast %broadcast_in_dim3A_235 : i1 to vector<16xi1>
    %masked_cumsum3A = tpu.scan <sum>, %add3A_233 masked %broadcast_in_dim3A_236 : vector<16xf32>, vector<16xi1> -> vector<16xf32>
    %slice3A = vector.extract_strided_slice %masked_cumsum3A {offsets = [15], sizes = [1], strides = [1]} : vector<16xf32> to vector<1xf32>
    %squeeze3A = vector.extract %slice3A[0] : f32 from vector<1xf32>
    %scan3A_237 = arith.constant 0 : i32
    %scan3A_238 = arith.constant 0 : i32
    %scan3A_239 = arith.constant 1248 : i32
    %scan3A_240 = arith.addi %scan3A_238, %scan3A_239 : i32
    %scan3A_241 = arith.constant 4 : i32
    scf.for %scan3A_510 = %scan3A_238 to %scan3A_240 step %scan3A_241  : i32 {
      %mul3A_511 = arith.constant 16 : i32
      %mul3A_512 = arith.muli %scan3A_510, %mul3A_511 : i32
      %get3A_513 = arith.index_cast %mul3A_512 : i32 to index
      %get3A_514 = tpu.vector_load %arg11[%get3A_513] {strides = array<i32>} : memref<20000xf32, #tpu.memory_space<vmem>>, vector<16xf32>,
      %gt3A_515 = arith.constant 0.000000e+00 : f32
      %gt3A_516 = vector.broadcast %gt3A_515 : f32 to vector<16xf32>
      %gt3A_517 = arith.cmpf ogt, %get3A_514, %gt3A_516 : vector<16xf32>
      %mul3A_518 = vector.broadcast %squeeze3A : f32 to vector<16xf32>
      %mul3A_519 = arith.mulf %get3A_514, %mul3A_518 : vector<16xf32>
      %div3A_520 = arith.constant 1.000000e+00 : f32
      %div3A_521 = vector.broadcast %div3A_520 : f32 to vector<16xf32>
      %div3A_522 = arith.divf %div3A_521, %mul3A_519 : vector<16xf32>
      %jit3A_523 = arith.constant 0.000000e+00 : f32
      %broadcast_in_dim3A_524 = vector.broadcast %jit3A_523 : f32 to vector<16xf32>
      %select_n3A_525 = arith.select %gt3A_517, %div3A_522, %broadcast_in_dim3A_524 : vector<16xi1>, vector<16xf32>
      %mul3A_526 = arith.constant 16 : i32
      %mul3A_527 = arith.muli %scan3A_510, %mul3A_526 : i32
      %swap3A_528 = arith.index_cast %mul3A_527 : i32 to index
      %swap3A_529 = tpu.vector_load %arg11[%swap3A_528] {strides = array<i32>} : memref<20000xf32, #tpu.memory_space<vmem>>, vector<16xf32>,
      tpu.vector_store %arg11[%swap3A_528], %select_n3A_525 {strides = array<i32>} : memref<20000xf32, #tpu.memory_space<vmem>>, vector<16xf32>,
      %scan3A_530 = arith.constant 1 : i32
      %scan3A_531 = arith.addi %scan3A_510, %scan3A_530 : i32
      %mul3A_532 = arith.constant 16 : i32
      %mul3A_533 = arith.muli %scan3A_531, %mul3A_532 : i32
      %get3A_534 = arith.index_cast %mul3A_533 : i32 to index
      %get3A_535 = tpu.vector_load %arg11[%get3A_534] {strides = array<i32>} : memref<20000xf32, #tpu.memory_space<vmem>>, vector<16xf32>,
      %gt3A_536 = arith.constant 0.000000e+00 : f32
      %gt3A_537 = vector.broadcast %gt3A_536 : f32 to vector<16xf32>
      %gt3A_538 = arith.cmpf ogt, %get3A_535, %gt3A_537 : vector<16xf32>
      %mul3A_539 = vector.broadcast %squeeze3A : f32 to vector<16xf32>
      %mul3A_540 = arith.mulf %get3A_535, %mul3A_539 : vector<16xf32>
      %div3A_541 = arith.constant 1.000000e+00 : f32
      %div3A_542 = vector.broadcast %div3A_541 : f32 to vector<16xf32>
      %div3A_543 = arith.divf %div3A_542, %mul3A_540 : vector<16xf32>
      %jit3A_544 = arith.constant 0.000000e+00 : f32
      %broadcast_in_dim3A_545 = vector.broadcast %jit3A_544 : f32 to vector<16xf32>
      %select_n3A_546 = arith.select %gt3A_538, %div3A_543, %broadcast_in_dim3A_545 : vector<16xi1>, vector<16xf32>
      %mul3A_547 = arith.constant 16 : i32
      %mul3A_548 = arith.muli %scan3A_531, %mul3A_547 : i32
      %swap3A_549 = arith.index_cast %mul3A_548 : i32 to index
      %swap3A_550 = tpu.vector_load %arg11[%swap3A_549] {strides = array<i32>} : memref<20000xf32, #tpu.memory_space<vmem>>, vector<16xf32>,
      tpu.vector_store %arg11[%swap3A_549], %select_n3A_546 {strides = array<i32>} : memref<20000xf32, #tpu.memory_space<vmem>>, vector<16xf32>,
      %scan3A_551 = arith.constant 2 : i32
      %scan3A_552 = arith.addi %scan3A_510, %scan3A_551 : i32
      %mul3A_553 = arith.constant 16 : i32
      %mul3A_554 = arith.muli %scan3A_552, %mul3A_553 : i32
      %get3A_555 = arith.index_cast %mul3A_554 : i32 to index
      %get3A_556 = tpu.vector_load %arg11[%get3A_555] {strides = array<i32>} : memref<20000xf32, #tpu.memory_space<vmem>>, vector<16xf32>,
      %gt3A_557 = arith.constant 0.000000e+00 : f32
      %gt3A_558 = vector.broadcast %gt3A_557 : f32 to vector<16xf32>
      %gt3A_559 = arith.cmpf ogt, %get3A_556, %gt3A_558 : vector<16xf32>
      %mul3A_560 = vector.broadcast %squeeze3A : f32 to vector<16xf32>
      %mul3A_561 = arith.mulf %get3A_556, %mul3A_560 : vector<16xf32>
      %div3A_562 = arith.constant 1.000000e+00 : f32
      %div3A_563 = vector.broadcast %div3A_562 : f32 to vector<16xf32>
      %div3A_564 = arith.divf %div3A_563, %mul3A_561 : vector<16xf32>
      %jit3A_565 = arith.constant 0.000000e+00 : f32
      %broadcast_in_dim3A_566 = vector.broadcast %jit3A_565 : f32 to vector<16xf32>
      %select_n3A_567 = arith.select %gt3A_559, %div3A_564, %broadcast_in_dim3A_566 : vector<16xi1>, vector<16xf32>
      %mul3A_568 = arith.constant 16 : i32
      %mul3A_569 = arith.muli %scan3A_552, %mul3A_568 : i32
      %swap3A_570 = arith.index_cast %mul3A_569 : i32 to index
      %swap3A_571 = tpu.vector_load %arg11[%swap3A_570] {strides = array<i32>} : memref<20000xf32, #tpu.memory_space<vmem>>, vector<16xf32>,
      tpu.vector_store %arg11[%swap3A_570], %select_n3A_567 {strides = array<i32>} : memref<20000xf32, #tpu.memory_space<vmem>>, vector<16xf32>,
      %scan3A_572 = arith.constant 3 : i32
      %scan3A_573 = arith.addi %scan3A_510, %scan3A_572 : i32
      %mul3A_574 = arith.constant 16 : i32
      %mul3A_575 = arith.muli %scan3A_573, %mul3A_574 : i32
      %get3A_576 = arith.index_cast %mul3A_575 : i32 to index
      %get3A_577 = tpu.vector_load %arg11[%get3A_576] {strides = array<i32>} : memref<20000xf32, #tpu.memory_space<vmem>>, vector<16xf32>,
      %gt3A_578 = arith.constant 0.000000e+00 : f32
      %gt3A_579 = vector.broadcast %gt3A_578 : f32 to vector<16xf32>
      %gt3A_580 = arith.cmpf ogt, %get3A_577, %gt3A_579 : vector<16xf32>
      %mul3A_581 = vector.broadcast %squeeze3A : f32 to vector<16xf32>
      %mul3A_582 = arith.mulf %get3A_577, %mul3A_581 : vector<16xf32>
      %div3A_583 = arith.constant 1.000000e+00 : f32
      %div3A_584 = vector.broadcast %div3A_583 : f32 to vector<16xf32>
      %div3A_585 = arith.divf %div3A_584, %mul3A_582 : vector<16xf32>
      %jit3A_586 = arith.constant 0.000000e+00 : f32
      %broadcast_in_dim3A_587 = vector.broadcast %jit3A_586 : f32 to vector<16xf32>
      %select_n3A_588 = arith.select %gt3A_580, %div3A_585, %broadcast_in_dim3A_587 : vector<16xi1>, vector<16xf32>
      %mul3A_589 = arith.constant 16 : i32
      %mul3A_590 = arith.muli %scan3A_573, %mul3A_589 : i32
      %swap3A_591 = arith.index_cast %mul3A_590 : i32 to index
      %swap3A_592 = tpu.vector_load %arg11[%swap3A_591] {strides = array<i32>} : memref<20000xf32, #tpu.memory_space<vmem>>, vector<16xf32>,
      tpu.vector_store %arg11[%swap3A_591], %select_n3A_588 {strides = array<i32>} : memref<20000xf32, #tpu.memory_space<vmem>>, vector<16xf32>,
    }
    %scan3A_242 = arith.constant 1248 : i32
    %scan3A_243 = arith.addi %scan3A_238, %scan3A_242 : i32
    %mul3A_244 = arith.constant 16 : i32
    %mul3A_245 = arith.muli %scan3A_243, %mul3A_244 : i32
    %get3A_246 = arith.index_cast %mul3A_245 : i32 to index
    %get3A_247 = tpu.vector_load %arg11[%get3A_246] {strides = array<i32>} : memref<20000xf32, #tpu.memory_space<vmem>>, vector<16xf32>,
    %gt3A_248 = arith.constant 0.000000e+00 : f32
    %gt3A_249 = vector.broadcast %gt3A_248 : f32 to vector<16xf32>
    %gt3A_250 = arith.cmpf ogt, %get3A_247, %gt3A_249 : vector<16xf32>
    %mul3A_251 = vector.broadcast %squeeze3A : f32 to vector<16xf32>
    %mul3A_252 = arith.mulf %get3A_247, %mul3A_251 : vector<16xf32>
    %div3A = arith.constant 1.000000e+00 : f32
    %div3A_253 = vector.broadcast %div3A : f32 to vector<16xf32>
    %div3A_254 = arith.divf %div3A_253, %mul3A_252 : vector<16xf32>
    %jit3A_255 = arith.constant 0.000000e+00 : f32
    %broadcast_in_dim3A_256 = vector.broadcast %jit3A_255 : f32 to vector<16xf32>
    %select_n3A_257 = arith.select %gt3A_250, %div3A_254, %broadcast_in_dim3A_256 : vector<16xi1>, vector<16xf32>
    %mul3A_258 = arith.constant 16 : i32
    %mul3A_259 = arith.muli %scan3A_243, %mul3A_258 : i32
    %swap3A_260 = arith.index_cast %mul3A_259 : i32 to index
    %swap3A_261 = tpu.vector_load %arg11[%swap3A_260] {strides = array<i32>} : memref<20000xf32, #tpu.memory_space<vmem>>, vector<16xf32>,
    tpu.vector_store %arg11[%swap3A_260], %select_n3A_257 {strides = array<i32>} : memref<20000xf32, #tpu.memory_space<vmem>>, vector<16xf32>,
    %scan3A_262 = arith.constant 1249 : i32
    %scan3A_263 = arith.addi %scan3A_238, %scan3A_262 : i32
    %mul3A_264 = arith.constant 16 : i32
    %mul3A_265 = arith.muli %scan3A_263, %mul3A_264 : i32
    %get3A_266 = arith.index_cast %mul3A_265 : i32 to index
    %get3A_267 = tpu.vector_load %arg11[%get3A_266] {strides = array<i32>} : memref<20000xf32, #tpu.memory_space<vmem>>, vector<16xf32>,
    %gt3A_268 = arith.constant 0.000000e+00 : f32
    %gt3A_269 = vector.broadcast %gt3A_268 : f32 to vector<16xf32>
    %gt3A_270 = arith.cmpf ogt, %get3A_267, %gt3A_269 : vector<16xf32>
    %mul3A_271 = vector.broadcast %squeeze3A : f32 to vector<16xf32>
    %mul3A_272 = arith.mulf %get3A_267, %mul3A_271 : vector<16xf32>
    %div3A_273 = arith.constant 1.000000e+00 : f32
    %div3A_274 = vector.broadcast %div3A_273 : f32 to vector<16xf32>
    %div3A_275 = arith.divf %div3A_274, %mul3A_272 : vector<16xf32>
    %jit3A_276 = arith.constant 0.000000e+00 : f32
    %broadcast_in_dim3A_277 = vector.broadcast %jit3A_276 : f32 to vector<16xf32>
    %select_n3A_278 = arith.select %gt3A_270, %div3A_275, %broadcast_in_dim3A_277 : vector<16xi1>, vector<16xf32>
    %mul3A_279 = arith.constant 16 : i32
    %mul3A_280 = arith.muli %scan3A_263, %mul3A_279 : i32
    %swap3A_281 = arith.index_cast %mul3A_280 : i32 to index
    %swap3A_282 = tpu.vector_load %arg11[%swap3A_281] {strides = array<i32>} : memref<20000xf32, #tpu.memory_space<vmem>>, vector<16xf32>,
    tpu.vector_store %arg11[%swap3A_281], %select_n3A_278 {strides = array<i32>} : memref<20000xf32, #tpu.memory_space<vmem>>, vector<16xf32>,
    %scan3A_283 = arith.constant 1250 : i32
    "tpu.trace_stop"() : () -> ()
    %mul3A_284 = arith.constant 500000 : i32
    %mul3A_285 = arith.muli %arg0, %mul3A_284 : i32
    %mul3A_286 = arith.constant 31256 : i32
    %mul3A_287 = arith.muli %arg1, %mul3A_286 : i32
    %add3A_288 = arith.addi %mul3A_285, %mul3A_287 : i32
    %multiple_of3A_289 = tpu.assume_multiple %add3A_288, 8 : i32
    "tpu.trace_start"() <{level = 10 : i32, message = "p3_gather"}> : () -> ()
    %add3A_290 = arith.constant 0 : i32
    %add3A_291 = arith.addi %multiple_of3A_289, %add3A_290 : i32
    %dma_start3A_292 = arith.constant 16 : i32
    %dma_start3A_293 = tpu.memref_slice %arg5[%dma_start3A_292] : memref<8192xi32, #tpu.memory_space<vmem>> -> memref<4096xi32, #tpu.memory_space<vmem>>
    %dma_start3A_294 = tpu.memref_slice %arg2[%add3A_291] : memref<1000000xi32, #tpu.memory_space<hbm>> -> memref<4096xi32, #tpu.memory_space<hbm>>
    %dma_start3A_295 = arith.constant 16 : i32
    %dma_start3A_296 = tpu.memref_slice %arg5[%dma_start3A_295] : memref<8192xi32, #tpu.memory_space<vmem>> -> memref<4096xi32, #tpu.memory_space<vmem>>
    %dma_start3A_297 = tpu.memref_slice %arg2[%add3A_291] : memref<1000000xi32, #tpu.memory_space<hbm>> -> memref<4096xi32, #tpu.memory_space<hbm>>
    tpu.enqueue_dma source(%dma_start3A_297 : memref<4096xi32, #tpu.memory_space<hbm>>) target(%dma_start3A_296 : memref<4096xi32, #tpu.memory_space<vmem>>) target_semaphore(%arg14 : memref<!tpu.dma_semaphore, #tpu.memory_space<semaphore_mem>>)
    %add3A_298 = arith.constant 0 : i32
    %add3A_299 = arith.addi %multiple_of3A_289, %add3A_298 : i32
    %dma_wait3A_300 = arith.constant 16 : i32
    %dma_wait3A_301 = tpu.memref_slice %arg5[%dma_wait3A_300] : memref<8192xi32, #tpu.memory_space<vmem>> -> memref<4096xi32, #tpu.memory_space<vmem>>
    %dma_wait3A_302 = tpu.memref_slice %arg2[%add3A_299] : memref<1000000xi32, #tpu.memory_space<hbm>> -> memref<4096xi32, #tpu.memory_space<hbm>>
    %dma_wait3A_303 = arith.constant 16 : i32
    %dma_wait3A_304 = tpu.memref_slice %arg5[%dma_wait3A_303] : memref<8192xi32, #tpu.memory_space<vmem>> -> memref<4096xi32, #tpu.memory_space<vmem>>
    %dma_wait3A_305 = tpu.memref_slice %arg2[%add3A_299] : memref<1000000xi32, #tpu.memory_space<hbm>> -> memref<4096xi32, #tpu.memory_space<hbm>>
    tpu.wait_dma2 semaphore(%arg14 : memref<!tpu.dma_semaphore, #tpu.memory_space<semaphore_mem>>) src(%dma_wait3A_305 : memref<4096xi32, #tpu.memory_space<hbm>>) dst(%dma_wait3A_304 : memref<4096xi32, #tpu.memory_space<vmem>>)
    %add3A_306 = arith.constant 4096 : i32
    %add3A_307 = arith.addi %multiple_of3A_289, %add3A_306 : i32
    %dma_start3A_308 = arith.constant 16 : i32
    %dma_start3A_309 = tpu.memref_slice %arg6[%dma_start3A_308] : memref<8192xi32, #tpu.memory_space<vmem>> -> memref<4096xi32, #tpu.memory_space<vmem>>
    %dma_start3A_310 = tpu.memref_slice %arg2[%add3A_307] : memref<1000000xi32, #tpu.memory_space<hbm>> -> memref<4096xi32, #tpu.memory_space<hbm>>
    %dma_start3A_311 = arith.constant 16 : i32
    %dma_start3A_312 = tpu.memref_slice %arg6[%dma_start3A_311] : memref<8192xi32, #tpu.memory_space<vmem>> -> memref<4096xi32, #tpu.memory_space<vmem>>
    %dma_start3A_313 = tpu.memref_slice %arg2[%add3A_307] : memref<1000000xi32, #tpu.memory_space<hbm>> -> memref<4096xi32, #tpu.memory_space<hbm>>
    tpu.enqueue_dma source(%dma_start3A_313 : memref<4096xi32, #tpu.memory_space<hbm>>) target(%dma_start3A_312 : memref<4096xi32, #tpu.memory_space<vmem>>) target_semaphore(%arg15 : memref<!tpu.dma_semaphore, #tpu.memory_space<semaphore_mem>>)
    %scan3A_314 = arith.constant 0 : i32
    %scan3A_315 = arith.constant 0 : i32
    %scan3A_316 = arith.constant 256 : i32
    %scan3A_317 = arith.addi %scan3A_315, %scan3A_316 : i32
    %scan3A_318 = arith.constant 4 : i32
    scf.for %scan3A_510 = %scan3A_315 to %scan3A_317 step %scan3A_318  : i32 {
      %mul3A_511 = arith.constant 16 : i32
      %mul3A_512 = arith.muli %scan3A_510, %mul3A_511 : i32
      %add3A_513 = arith.constant 16 : i32
      %add3A_514 = arith.addi %add3A_513, %mul3A_512 : i32
      %get3A_515 = arith.index_cast %add3A_514 : i32 to index
      %get3A_516 = tpu.vector_load %arg5[%get3A_515] {strides = array<i32>} : memref<8192xi32, #tpu.memory_space<vmem>>, vector<16xi32>,
      %gather3A = tpu.vector_load_idx %arg11[%get3A_516] : memref<20000xf32, #tpu.memory_space<vmem>>[vector<16xi32>], vector<16xf32>,
      %mul3A_517 = arith.constant 16 : i32
      %mul3A_518 = arith.muli %scan3A_510, %mul3A_517 : i32
      %swap3A_519 = arith.index_cast %mul3A_518 : i32 to index
      %swap3A_520 = tpu.vector_load %arg12[%swap3A_519] {strides = array<i32>} : memref<4096xf32, #tpu.memory_space<vmem>>, vector<16xf32>,
      tpu.vector_store %arg12[%swap3A_519], %gather3A {strides = array<i32>} : memref<4096xf32, #tpu.memory_space<vmem>>, vector<16xf32>,
      %scan3A_521 = arith.constant 1 : i32
      %scan3A_522 = arith.addi %scan3A_510, %scan3A_521 : i32
      %mul3A_523 = arith.constant 16 : i32
      %mul3A_524 = arith.muli %scan3A_522, %mul3A_523 : i32
      %add3A_525 = arith.constant 16 : i32
      %add3A_526 = arith.addi %add3A_525, %mul3A_524 : i32
      %get3A_527 = arith.index_cast %add3A_526 : i32 to index
      %get3A_528 = tpu.vector_load %arg5[%get3A_527] {strides = array<i32>} : memref<8192xi32, #tpu.memory_space<vmem>>, vector<16xi32>,
      %gather3A_529 = tpu.vector_load_idx %arg11[%get3A_528] : memref<20000xf32, #tpu.memory_space<vmem>>[vector<16xi32>], vector<16xf32>,
      %mul3A_530 = arith.constant 16 : i32
      %mul3A_531 = arith.muli %scan3A_522, %mul3A_530 : i32
      %swap3A_532 = arith.index_cast %mul3A_531 : i32 to index
      %swap3A_533 = tpu.vector_load %arg12[%swap3A_532] {strides = array<i32>} : memref<4096xf32, #tpu.memory_space<vmem>>, vector<16xf32>,
      tpu.vector_store %arg12[%swap3A_532], %gather3A_529 {strides = array<i32>} : memref<4096xf32, #tpu.memory_space<vmem>>, vector<16xf32>,
      %scan3A_534 = arith.constant 2 : i32
      %scan3A_535 = arith.addi %scan3A_510, %scan3A_534 : i32
      %mul3A_536 = arith.constant 16 : i32
      %mul3A_537 = arith.muli %scan3A_535, %mul3A_536 : i32
      %add3A_538 = arith.constant 16 : i32
      %add3A_539 = arith.addi %add3A_538, %mul3A_537 : i32
      %get3A_540 = arith.index_cast %add3A_539 : i32 to index
      %get3A_541 = tpu.vector_load %arg5[%get3A_540] {strides = array<i32>} : memref<8192xi32, #tpu.memory_space<vmem>>, vector<16xi32>,
      %gather3A_542 = tpu.vector_load_idx %arg11[%get3A_541] : memref<20000xf32, #tpu.memory_space<vmem>>[vector<16xi32>], vector<16xf32>,
      %mul3A_543 = arith.constant 16 : i32
      %mul3A_544 = arith.muli %scan3A_535, %mul3A_543 : i32
      %swap3A_545 = arith.index_cast %mul3A_544 : i32 to index
      %swap3A_546 = tpu.vector_load %arg12[%swap3A_545] {strides = array<i32>} : memref<4096xf32, #tpu.memory_space<vmem>>, vector<16xf32>,
      tpu.vector_store %arg12[%swap3A_545], %gather3A_542 {strides = array<i32>} : memref<4096xf32, #tpu.memory_space<vmem>>, vector<16xf32>,
      %scan3A_547 = arith.constant 3 : i32
      %scan3A_548 = arith.addi %scan3A_510, %scan3A_547 : i32
      %mul3A_549 = arith.constant 16 : i32
      %mul3A_550 = arith.muli %scan3A_548, %mul3A_549 : i32
      %add3A_551 = arith.constant 16 : i32
      %add3A_552 = arith.addi %add3A_551, %mul3A_550 : i32
      %get3A_553 = arith.index_cast %add3A_552 : i32 to index
      %get3A_554 = tpu.vector_load %arg5[%get3A_553] {strides = array<i32>} : memref<8192xi32, #tpu.memory_space<vmem>>, vector<16xi32>,
      %gather3A_555 = tpu.vector_load_idx %arg11[%get3A_554] : memref<20000xf32, #tpu.memory_space<vmem>>[vector<16xi32>], vector<16xf32>,
      %mul3A_556 = arith.constant 16 : i32
      %mul3A_557 = arith.muli %scan3A_548, %mul3A_556 : i32
      %swap3A_558 = arith.index_cast %mul3A_557 : i32 to index
      %swap3A_559 = tpu.vector_load %arg12[%swap3A_558] {strides = array<i32>} : memref<4096xf32, #tpu.memory_space<vmem>>, vector<16xf32>,
      tpu.vector_store %arg12[%swap3A_558], %gather3A_555 {strides = array<i32>} : memref<4096xf32, #tpu.memory_space<vmem>>, vector<16xf32>,
    }
    %scan3A_319 = arith.constant 256 : i32
    %add3A_320 = arith.constant 0 : i32
    %add3A_321 = arith.addi %multiple_of3A_289, %add3A_320 : i32
    %dma_start3A_322 = tpu.memref_slice %arg3[%add3A_321] : memref<1000000xf32, #tpu.memory_space<hbm>> -> memref<4096xf32, #tpu.memory_space<hbm>>
    %dma_start3A_323 = tpu.memref_slice %arg3[%add3A_321] : memref<1000000xf32, #tpu.memory_space<hbm>> -> memref<4096xf32, #tpu.memory_space<hbm>>
    tpu.enqueue_dma source(%arg12 : memref<4096xf32, #tpu.memory_space<vmem>>) target(%dma_start3A_323 : memref<4096xf32, #tpu.memory_space<hbm>>) target_semaphore(%arg18 : memref<!tpu.dma_semaphore, #tpu.memory_space<semaphore_mem>>)
    %add3A_324 = arith.constant 4096 : i32
    %add3A_325 = arith.addi %multiple_of3A_289, %add3A_324 : i32
    %dma_wait3A_326 = arith.constant 16 : i32
    %dma_wait3A_327 = tpu.memref_slice %arg6[%dma_wait3A_326] : memref<8192xi32, #tpu.memory_space<vmem>> -> memref<4096xi32, #tpu.memory_space<vmem>>
    %dma_wait3A_328 = tpu.memref_slice %arg2[%add3A_325] : memref<1000000xi32, #tpu.memory_space<hbm>> -> memref<4096xi32, #tpu.memory_space<hbm>>
    %dma_wait3A_329 = arith.constant 16 : i32
    %dma_wait3A_330 = tpu.memref_slice %arg6[%dma_wait3A_329] : memref<8192xi32, #tpu.memory_space<vmem>> -> memref<4096xi32, #tpu.memory_space<vmem>>
    %dma_wait3A_331 = tpu.memref_slice %arg2[%add3A_325] : memref<1000000xi32, #tpu.memory_space<hbm>> -> memref<4096xi32, #tpu.memory_space<hbm>>
    tpu.wait_dma2 semaphore(%arg15 : memref<!tpu.dma_semaphore, #tpu.memory_space<semaphore_mem>>) src(%dma_wait3A_331 : memref<4096xi32, #tpu.memory_space<hbm>>) dst(%dma_wait3A_330 : memref<4096xi32, #tpu.memory_space<vmem>>)
    %add3A_332 = arith.constant 8192 : i32
    %add3A_333 = arith.addi %multiple_of3A_289, %add3A_332 : i32
    %dma_start3A_334 = arith.constant 16 : i32
    %dma_start3A_335 = tpu.memref_slice %arg5[%dma_start3A_334] : memref<8192xi32, #tpu.memory_space<vmem>> -> memref<4096xi32, #tpu.memory_space<vmem>>
    %dma_start3A_336 = tpu.memref_slice %arg2[%add3A_333] : memref<1000000xi32, #tpu.memory_space<hbm>> -> memref<4096xi32, #tpu.memory_space<hbm>>
    %dma_start3A_337 = arith.constant 16 : i32
    %dma_start3A_338 = tpu.memref_slice %arg5[%dma_start3A_337] : memref<8192xi32, #tpu.memory_space<vmem>> -> memref<4096xi32, #tpu.memory_space<vmem>>
    %dma_start3A_339 = tpu.memref_slice %arg2[%add3A_333] : memref<1000000xi32, #tpu.memory_space<hbm>> -> memref<4096xi32, #tpu.memory_space<hbm>>
    tpu.enqueue_dma source(%dma_start3A_339 : memref<4096xi32, #tpu.memory_space<hbm>>) target(%dma_start3A_338 : memref<4096xi32, #tpu.memory_space<vmem>>) target_semaphore(%arg14 : memref<!tpu.dma_semaphore, #tpu.memory_space<semaphore_mem>>)
    %scan3A_340 = arith.constant 0 : i32
    %scan3A_341 = arith.constant 0 : i32
    %scan3A_342 = arith.constant 256 : i32
    %scan3A_343 = arith.addi %scan3A_341, %scan3A_342 : i32
    %scan3A_344 = arith.constant 4 : i32
    scf.for %scan3A_510 = %scan3A_341 to %scan3A_343 step %scan3A_344  : i32 {
      %mul3A_511 = arith.constant 16 : i32
      %mul3A_512 = arith.muli %scan3A_510, %mul3A_511 : i32
      %add3A_513 = arith.constant 16 : i32
      %add3A_514 = arith.addi %add3A_513, %mul3A_512 : i32
      %get3A_515 = arith.index_cast %add3A_514 : i32 to index
      %get3A_516 = tpu.vector_load %arg6[%get3A_515] {strides = array<i32>} : memref<8192xi32, #tpu.memory_space<vmem>>, vector<16xi32>,
      %gather3A = tpu.vector_load_idx %arg11[%get3A_516] : memref<20000xf32, #tpu.memory_space<vmem>>[vector<16xi32>], vector<16xf32>,
      %mul3A_517 = arith.constant 16 : i32
      %mul3A_518 = arith.muli %scan3A_510, %mul3A_517 : i32
      %swap3A_519 = arith.index_cast %mul3A_518 : i32 to index
      %swap3A_520 = tpu.vector_load %arg13[%swap3A_519] {strides = array<i32>} : memref<4096xf32, #tpu.memory_space<vmem>>, vector<16xf32>,
      tpu.vector_store %arg13[%swap3A_519], %gather3A {strides = array<i32>} : memref<4096xf32, #tpu.memory_space<vmem>>, vector<16xf32>,
      %scan3A_521 = arith.constant 1 : i32
      %scan3A_522 = arith.addi %scan3A_510, %scan3A_521 : i32
      %mul3A_523 = arith.constant 16 : i32
      %mul3A_524 = arith.muli %scan3A_522, %mul3A_523 : i32
      %add3A_525 = arith.constant 16 : i32
      %add3A_526 = arith.addi %add3A_525, %mul3A_524 : i32
      %get3A_527 = arith.index_cast %add3A_526 : i32 to index
      %get3A_528 = tpu.vector_load %arg6[%get3A_527] {strides = array<i32>} : memref<8192xi32, #tpu.memory_space<vmem>>, vector<16xi32>,
      %gather3A_529 = tpu.vector_load_idx %arg11[%get3A_528] : memref<20000xf32, #tpu.memory_space<vmem>>[vector<16xi32>], vector<16xf32>,
      %mul3A_530 = arith.constant 16 : i32
      %mul3A_531 = arith.muli %scan3A_522, %mul3A_530 : i32
      %swap3A_532 = arith.index_cast %mul3A_531 : i32 to index
      %swap3A_533 = tpu.vector_load %arg13[%swap3A_532] {strides = array<i32>} : memref<4096xf32, #tpu.memory_space<vmem>>, vector<16xf32>,
      tpu.vector_store %arg13[%swap3A_532], %gather3A_529 {strides = array<i32>} : memref<4096xf32, #tpu.memory_space<vmem>>, vector<16xf32>,
      %scan3A_534 = arith.constant 2 : i32
      %scan3A_535 = arith.addi %scan3A_510, %scan3A_534 : i32
      %mul3A_536 = arith.constant 16 : i32
      %mul3A_537 = arith.muli %scan3A_535, %mul3A_536 : i32
      %add3A_538 = arith.constant 16 : i32
      %add3A_539 = arith.addi %add3A_538, %mul3A_537 : i32
      %get3A_540 = arith.index_cast %add3A_539 : i32 to index
      %get3A_541 = tpu.vector_load %arg6[%get3A_540] {strides = array<i32>} : memref<8192xi32, #tpu.memory_space<vmem>>, vector<16xi32>,
      %gather3A_542 = tpu.vector_load_idx %arg11[%get3A_541] : memref<20000xf32, #tpu.memory_space<vmem>>[vector<16xi32>], vector<16xf32>,
      %mul3A_543 = arith.constant 16 : i32
      %mul3A_544 = arith.muli %scan3A_535, %mul3A_543 : i32
      %swap3A_545 = arith.index_cast %mul3A_544 : i32 to index
      %swap3A_546 = tpu.vector_load %arg13[%swap3A_545] {strides = array<i32>} : memref<4096xf32, #tpu.memory_space<vmem>>, vector<16xf32>,
      tpu.vector_store %arg13[%swap3A_545], %gather3A_542 {strides = array<i32>} : memref<4096xf32, #tpu.memory_space<vmem>>, vector<16xf32>,
      %scan3A_547 = arith.constant 3 : i32
      %scan3A_548 = arith.addi %scan3A_510, %scan3A_547 : i32
      %mul3A_549 = arith.constant 16 : i32
      %mul3A_550 = arith.muli %scan3A_548, %mul3A_549 : i32
      %add3A_551 = arith.constant 16 : i32
      %add3A_552 = arith.addi %add3A_551, %mul3A_550 : i32
      %get3A_553 = arith.index_cast %add3A_552 : i32 to index
      %get3A_554 = tpu.vector_load %arg6[%get3A_553] {strides = array<i32>} : memref<8192xi32, #tpu.memory_space<vmem>>, vector<16xi32>,
      %gather3A_555 = tpu.vector_load_idx %arg11[%get3A_554] : memref<20000xf32, #tpu.memory_space<vmem>>[vector<16xi32>], vector<16xf32>,
      %mul3A_556 = arith.constant 16 : i32
      %mul3A_557 = arith.muli %scan3A_548, %mul3A_556 : i32
      %swap3A_558 = arith.index_cast %mul3A_557 : i32 to index
      %swap3A_559 = tpu.vector_load %arg13[%swap3A_558] {strides = array<i32>} : memref<4096xf32, #tpu.memory_space<vmem>>, vector<16xf32>,
      tpu.vector_store %arg13[%swap3A_558], %gather3A_555 {strides = array<i32>} : memref<4096xf32, #tpu.memory_space<vmem>>, vector<16xf32>,
    }
    %scan3A_345 = arith.constant 256 : i32
    %add3A_346 = arith.constant 4096 : i32
    %add3A_347 = arith.addi %multiple_of3A_289, %add3A_346 : i32
    %dma_start3A_348 = tpu.memref_slice %arg3[%add3A_347] : memref<1000000xf32, #tpu.memory_space<hbm>> -> memref<4096xf32, #tpu.memory_space<hbm>>
    %dma_start3A_349 = tpu.memref_slice %arg3[%add3A_347] : memref<1000000xf32, #tpu.memory_space<hbm>> -> memref<4096xf32, #tpu.memory_space<hbm>>
    tpu.enqueue_dma source(%arg13 : memref<4096xf32, #tpu.memory_space<vmem>>) target(%dma_start3A_349 : memref<4096xf32, #tpu.memory_space<hbm>>) target_semaphore(%arg19 : memref<!tpu.dma_semaphore, #tpu.memory_space<semaphore_mem>>)
    %add3A_350 = arith.constant 8192 : i32
    %add3A_351 = arith.addi %multiple_of3A_289, %add3A_350 : i32
    %dma_wait3A_352 = arith.constant 16 : i32
    %dma_wait3A_353 = tpu.memref_slice %arg5[%dma_wait3A_352] : memref<8192xi32, #tpu.memory_space<vmem>> -> memref<4096xi32, #tpu.memory_space<vmem>>
    %dma_wait3A_354 = tpu.memref_slice %arg2[%add3A_351] : memref<1000000xi32, #tpu.memory_space<hbm>> -> memref<4096xi32, #tpu.memory_space<hbm>>
    %dma_wait3A_355 = arith.constant 16 : i32
    %dma_wait3A_356 = tpu.memref_slice %arg5[%dma_wait3A_355] : memref<8192xi32, #tpu.memory_space<vmem>> -> memref<4096xi32, #tpu.memory_space<vmem>>
    %dma_wait3A_357 = tpu.memref_slice %arg2[%add3A_351] : memref<1000000xi32, #tpu.memory_space<hbm>> -> memref<4096xi32, #tpu.memory_space<hbm>>
    tpu.wait_dma2 semaphore(%arg14 : memref<!tpu.dma_semaphore, #tpu.memory_space<semaphore_mem>>) src(%dma_wait3A_357 : memref<4096xi32, #tpu.memory_space<hbm>>) dst(%dma_wait3A_356 : memref<4096xi32, #tpu.memory_space<vmem>>)
    %add3A_358 = arith.constant 12288 : i32
    %add3A_359 = arith.addi %multiple_of3A_289, %add3A_358 : i32
    %dma_start3A_360 = arith.constant 16 : i32
    %dma_start3A_361 = tpu.memref_slice %arg6[%dma_start3A_360] : memref<8192xi32, #tpu.memory_space<vmem>> -> memref<4096xi32, #tpu.memory_space<vmem>>
    %dma_start3A_362 = tpu.memref_slice %arg2[%add3A_359] : memref<1000000xi32, #tpu.memory_space<hbm>> -> memref<4096xi32, #tpu.memory_space<hbm>>
    %dma_start3A_363 = arith.constant 16 : i32
    %dma_start3A_364 = tpu.memref_slice %arg6[%dma_start3A_363] : memref<8192xi32, #tpu.memory_space<vmem>> -> memref<4096xi32, #tpu.memory_space<vmem>>
    %dma_start3A_365 = tpu.memref_slice %arg2[%add3A_359] : memref<1000000xi32, #tpu.memory_space<hbm>> -> memref<4096xi32, #tpu.memory_space<hbm>>
    tpu.enqueue_dma source(%dma_start3A_365 : memref<4096xi32, #tpu.memory_space<hbm>>) target(%dma_start3A_364 : memref<4096xi32, #tpu.memory_space<vmem>>) target_semaphore(%arg15 : memref<!tpu.dma_semaphore, #tpu.memory_space<semaphore_mem>>)
    %add3A_366 = arith.constant 0 : i32
    %add3A_367 = arith.addi %multiple_of3A_289, %add3A_366 : i32
    %dma_wait3A_368 = tpu.memref_slice %arg3[%add3A_367] : memref<1000000xf32, #tpu.memory_space<hbm>> -> memref<4096xf32, #tpu.memory_space<hbm>>
    %dma_wait3A_369 = tpu.memref_slice %arg3[%add3A_367] : memref<1000000xf32, #tpu.memory_space<hbm>> -> memref<4096xf32, #tpu.memory_space<hbm>>
    tpu.wait_dma2 semaphore(%arg18 : memref<!tpu.dma_semaphore, #tpu.memory_space<semaphore_mem>>) src(%arg12 : memref<4096xf32, #tpu.memory_space<vmem>>) dst(%dma_wait3A_369 : memref<4096xf32, #tpu.memory_space<hbm>>)
    %scan3A_370 = arith.constant 0 : i32
    %scan3A_371 = arith.constant 0 : i32
    %scan3A_372 = arith.constant 256 : i32
    %scan3A_373 = arith.addi %scan3A_371, %scan3A_372 : i32
    %scan3A_374 = arith.constant 4 : i32
    scf.for %scan3A_510 = %scan3A_371 to %scan3A_373 step %scan3A_374  : i32 {
      %mul3A_511 = arith.constant 16 : i32
      %mul3A_512 = arith.muli %scan3A_510, %mul3A_511 : i32
      %add3A_513 = arith.constant 16 : i32
      %add3A_514 = arith.addi %add3A_513, %mul3A_512 : i32
      %get3A_515 = arith.index_cast %add3A_514 : i32 to index
      %get3A_516 = tpu.vector_load %arg5[%get3A_515] {strides = array<i32>} : memref<8192xi32, #tpu.memory_space<vmem>>, vector<16xi32>,
      %gather3A = tpu.vector_load_idx %arg11[%get3A_516] : memref<20000xf32, #tpu.memory_space<vmem>>[vector<16xi32>], vector<16xf32>,
      %mul3A_517 = arith.constant 16 : i32
      %mul3A_518 = arith.muli %scan3A_510, %mul3A_517 : i32
      %swap3A_519 = arith.index_cast %mul3A_518 : i32 to index
      %swap3A_520 = tpu.vector_load %arg12[%swap3A_519] {strides = array<i32>} : memref<4096xf32, #tpu.memory_space<vmem>>, vector<16xf32>,
      tpu.vector_store %arg12[%swap3A_519], %gather3A {strides = array<i32>} : memref<4096xf32, #tpu.memory_space<vmem>>, vector<16xf32>,
      %scan3A_521 = arith.constant 1 : i32
      %scan3A_522 = arith.addi %scan3A_510, %scan3A_521 : i32
      %mul3A_523 = arith.constant 16 : i32
      %mul3A_524 = arith.muli %scan3A_522, %mul3A_523 : i32
      %add3A_525 = arith.constant 16 : i32
      %add3A_526 = arith.addi %add3A_525, %mul3A_524 : i32
      %get3A_527 = arith.index_cast %add3A_526 : i32 to index
      %get3A_528 = tpu.vector_load %arg5[%get3A_527] {strides = array<i32>} : memref<8192xi32, #tpu.memory_space<vmem>>, vector<16xi32>,
      %gather3A_529 = tpu.vector_load_idx %arg11[%get3A_528] : memref<20000xf32, #tpu.memory_space<vmem>>[vector<16xi32>], vector<16xf32>,
      %mul3A_530 = arith.constant 16 : i32
      %mul3A_531 = arith.muli %scan3A_522, %mul3A_530 : i32
      %swap3A_532 = arith.index_cast %mul3A_531 : i32 to index
      %swap3A_533 = tpu.vector_load %arg12[%swap3A_532] {strides = array<i32>} : memref<4096xf32, #tpu.memory_space<vmem>>, vector<16xf32>,
      tpu.vector_store %arg12[%swap3A_532], %gather3A_529 {strides = array<i32>} : memref<4096xf32, #tpu.memory_space<vmem>>, vector<16xf32>,
      %scan3A_534 = arith.constant 2 : i32
      %scan3A_535 = arith.addi %scan3A_510, %scan3A_534 : i32
      %mul3A_536 = arith.constant 16 : i32
      %mul3A_537 = arith.muli %scan3A_535, %mul3A_536 : i32
      %add3A_538 = arith.constant 16 : i32
      %add3A_539 = arith.addi %add3A_538, %mul3A_537 : i32
      %get3A_540 = arith.index_cast %add3A_539 : i32 to index
      %get3A_541 = tpu.vector_load %arg5[%get3A_540] {strides = array<i32>} : memref<8192xi32, #tpu.memory_space<vmem>>, vector<16xi32>,
      %gather3A_542 = tpu.vector_load_idx %arg11[%get3A_541] : memref<20000xf32, #tpu.memory_space<vmem>>[vector<16xi32>], vector<16xf32>,
      %mul3A_543 = arith.constant 16 : i32
      %mul3A_544 = arith.muli %scan3A_535, %mul3A_543 : i32
      %swap3A_545 = arith.index_cast %mul3A_544 : i32 to index
      %swap3A_546 = tpu.vector_load %arg12[%swap3A_545] {strides = array<i32>} : memref<4096xf32, #tpu.memory_space<vmem>>, vector<16xf32>,
      tpu.vector_store %arg12[%swap3A_545], %gather3A_542 {strides = array<i32>} : memref<4096xf32, #tpu.memory_space<vmem>>, vector<16xf32>,
      %scan3A_547 = arith.constant 3 : i32
      %scan3A_548 = arith.addi %scan3A_510, %scan3A_547 : i32
      %mul3A_549 = arith.constant 16 : i32
      %mul3A_550 = arith.muli %scan3A_548, %mul3A_549 : i32
      %add3A_551 = arith.constant 16 : i32
      %add3A_552 = arith.addi %add3A_551, %mul3A_550 : i32
      %get3A_553 = arith.index_cast %add3A_552 : i32 to index
      %get3A_554 = tpu.vector_load %arg5[%get3A_553] {strides = array<i32>} : memref<8192xi32, #tpu.memory_space<vmem>>, vector<16xi32>,
      %gather3A_555 = tpu.vector_load_idx %arg11[%get3A_554] : memref<20000xf32, #tpu.memory_space<vmem>>[vector<16xi32>], vector<16xf32>,
      %mul3A_556 = arith.constant 16 : i32
      %mul3A_557 = arith.muli %scan3A_548, %mul3A_556 : i32
      %swap3A_558 = arith.index_cast %mul3A_557 : i32 to index
      %swap3A_559 = tpu.vector_load %arg12[%swap3A_558] {strides = array<i32>} : memref<4096xf32, #tpu.memory_space<vmem>>, vector<16xf32>,
      tpu.vector_store %arg12[%swap3A_558], %gather3A_555 {strides = array<i32>} : memref<4096xf32, #tpu.memory_space<vmem>>, vector<16xf32>,
    }
    %scan3A_375 = arith.constant 256 : i32
    %add3A_376 = arith.constant 8192 : i32
    %add3A_377 = arith.addi %multiple_of3A_289, %add3A_376 : i32
    %dma_start3A_378 = tpu.memref_slice %arg3[%add3A_377] : memref<1000000xf32, #tpu.memory_space<hbm>> -> memref<4096xf32, #tpu.memory_space<hbm>>
    %dma_start3A_379 = tpu.memref_slice %arg3[%add3A_377] : memref<1000000xf32, #tpu.memory_space<hbm>> -> memref<4096xf32, #tpu.memory_space<hbm>>
    tpu.enqueue_dma source(%arg12 : memref<4096xf32, #tpu.memory_space<vmem>>) target(%dma_start3A_379 : memref<4096xf32, #tpu.memory_space<hbm>>) target_semaphore(%arg18 : memref<!tpu.dma_semaphore, #tpu.memory_space<semaphore_mem>>)
    %add3A_380 = arith.constant 12288 : i32
    %add3A_381 = arith.addi %multiple_of3A_289, %add3A_380 : i32
    %dma_wait3A_382 = arith.constant 16 : i32
    %dma_wait3A_383 = tpu.memref_slice %arg6[%dma_wait3A_382] : memref<8192xi32, #tpu.memory_space<vmem>> -> memref<4096xi32, #tpu.memory_space<vmem>>
    %dma_wait3A_384 = tpu.memref_slice %arg2[%add3A_381] : memref<1000000xi32, #tpu.memory_space<hbm>> -> memref<4096xi32, #tpu.memory_space<hbm>>
    %dma_wait3A_385 = arith.constant 16 : i32
    %dma_wait3A_386 = tpu.memref_slice %arg6[%dma_wait3A_385] : memref<8192xi32, #tpu.memory_space<vmem>> -> memref<4096xi32, #tpu.memory_space<vmem>>
    %dma_wait3A_387 = tpu.memref_slice %arg2[%add3A_381] : memref<1000000xi32, #tpu.memory_space<hbm>> -> memref<4096xi32, #tpu.memory_space<hbm>>
    tpu.wait_dma2 semaphore(%arg15 : memref<!tpu.dma_semaphore, #tpu.memory_space<semaphore_mem>>) src(%dma_wait3A_387 : memref<4096xi32, #tpu.memory_space<hbm>>) dst(%dma_wait3A_386 : memref<4096xi32, #tpu.memory_space<vmem>>)
    %add3A_388 = arith.constant 16384 : i32
    %add3A_389 = arith.addi %multiple_of3A_289, %add3A_388 : i32
    %dma_start3A_390 = arith.constant 16 : i32
    %dma_start3A_391 = tpu.memref_slice %arg5[%dma_start3A_390] : memref<8192xi32, #tpu.memory_space<vmem>> -> memref<4096xi32, #tpu.memory_space<vmem>>
    %dma_start3A_392 = tpu.memref_slice %arg2[%add3A_389] : memref<1000000xi32, #tpu.memory_space<hbm>> -> memref<4096xi32, #tpu.memory_space<hbm>>
    %dma_start3A_393 = arith.constant 16 : i32
    %dma_start3A_394 = tpu.memref_slice %arg5[%dma_start3A_393] : memref<8192xi32, #tpu.memory_space<vmem>> -> memref<4096xi32, #tpu.memory_space<vmem>>
    %dma_start3A_395 = tpu.memref_slice %arg2[%add3A_389] : memref<1000000xi32, #tpu.memory_space<hbm>> -> memref<4096xi32, #tpu.memory_space<hbm>>
    tpu.enqueue_dma source(%dma_start3A_395 : memref<4096xi32, #tpu.memory_space<hbm>>) target(%dma_start3A_394 : memref<4096xi32, #tpu.memory_space<vmem>>) target_semaphore(%arg14 : memref<!tpu.dma_semaphore, #tpu.memory_space<semaphore_mem>>)
    %add3A_396 = arith.constant 4096 : i32
    %add3A_397 = arith.addi %multiple_of3A_289, %add3A_396 : i32
    %dma_wait3A_398 = tpu.memref_slice %arg3[%add3A_397] : memref<1000000xf32, #tpu.memory_space<hbm>> -> memref<4096xf32, #tpu.memory_space<hbm>>
    %dma_wait3A_399 = tpu.memref_slice %arg3[%add3A_397] : memref<1000000xf32, #tpu.memory_space<hbm>> -> memref<4096xf32, #tpu.memory_space<hbm>>
    tpu.wait_dma2 semaphore(%arg19 : memref<!tpu.dma_semaphore, #tpu.memory_space<semaphore_mem>>) src(%arg13 : memref<4096xf32, #tpu.memory_space<vmem>>) dst(%dma_wait3A_399 : memref<4096xf32, #tpu.memory_space<hbm>>)
    %scan3A_400 = arith.constant 0 : i32
    %scan3A_401 = arith.constant 0 : i32
    %scan3A_402 = arith.constant 256 : i32
    %scan3A_403 = arith.addi %scan3A_401, %scan3A_402 : i32
    %scan3A_404 = arith.constant 4 : i32
    scf.for %scan3A_510 = %scan3A_401 to %scan3A_403 step %scan3A_404  : i32 {
      %mul3A_511 = arith.constant 16 : i32
      %mul3A_512 = arith.muli %scan3A_510, %mul3A_511 : i32
      %add3A_513 = arith.constant 16 : i32
      %add3A_514 = arith.addi %add3A_513, %mul3A_512 : i32
      %get3A_515 = arith.index_cast %add3A_514 : i32 to index
      %get3A_516 = tpu.vector_load %arg6[%get3A_515] {strides = array<i32>} : memref<8192xi32, #tpu.memory_space<vmem>>, vector<16xi32>,
      %gather3A = tpu.vector_load_idx %arg11[%get3A_516] : memref<20000xf32, #tpu.memory_space<vmem>>[vector<16xi32>], vector<16xf32>,
      %mul3A_517 = arith.constant 16 : i32
      %mul3A_518 = arith.muli %scan3A_510, %mul3A_517 : i32
      %swap3A_519 = arith.index_cast %mul3A_518 : i32 to index
      %swap3A_520 = tpu.vector_load %arg13[%swap3A_519] {strides = array<i32>} : memref<4096xf32, #tpu.memory_space<vmem>>, vector<16xf32>,
      tpu.vector_store %arg13[%swap3A_519], %gather3A {strides = array<i32>} : memref<4096xf32, #tpu.memory_space<vmem>>, vector<16xf32>,
      %scan3A_521 = arith.constant 1 : i32
      %scan3A_522 = arith.addi %scan3A_510, %scan3A_521 : i32
      %mul3A_523 = arith.constant 16 : i32
      %mul3A_524 = arith.muli %scan3A_522, %mul3A_523 : i32
      %add3A_525 = arith.constant 16 : i32
      %add3A_526 = arith.addi %add3A_525, %mul3A_524 : i32
      %get3A_527 = arith.index_cast %add3A_526 : i32 to index
      %get3A_528 = tpu.vector_load %arg6[%get3A_527] {strides = array<i32>} : memref<8192xi32, #tpu.memory_space<vmem>>, vector<16xi32>,
      %gather3A_529 = tpu.vector_load_idx %arg11[%get3A_528] : memref<20000xf32, #tpu.memory_space<vmem>>[vector<16xi32>], vector<16xf32>,
      %mul3A_530 = arith.constant 16 : i32
      %mul3A_531 = arith.muli %scan3A_522, %mul3A_530 : i32
      %swap3A_532 = arith.index_cast %mul3A_531 : i32 to index
      %swap3A_533 = tpu.vector_load %arg13[%swap3A_532] {strides = array<i32>} : memref<4096xf32, #tpu.memory_space<vmem>>, vector<16xf32>,
      tpu.vector_store %arg13[%swap3A_532], %gather3A_529 {strides = array<i32>} : memref<4096xf32, #tpu.memory_space<vmem>>, vector<16xf32>,
      %scan3A_534 = arith.constant 2 : i32
      %scan3A_535 = arith.addi %scan3A_510, %scan3A_534 : i32
      %mul3A_536 = arith.constant 16 : i32
      %mul3A_537 = arith.muli %scan3A_535, %mul3A_536 : i32
      %add3A_538 = arith.constant 16 : i32
      %add3A_539 = arith.addi %add3A_538, %mul3A_537 : i32
      %get3A_540 = arith.index_cast %add3A_539 : i32 to index
      %get3A_541 = tpu.vector_load %arg6[%get3A_540] {strides = array<i32>} : memref<8192xi32, #tpu.memory_space<vmem>>, vector<16xi32>,
      %gather3A_542 = tpu.vector_load_idx %arg11[%get3A_541] : memref<20000xf32, #tpu.memory_space<vmem>>[vector<16xi32>], vector<16xf32>,
      %mul3A_543 = arith.constant 16 : i32
      %mul3A_544 = arith.muli %scan3A_535, %mul3A_543 : i32
      %swap3A_545 = arith.index_cast %mul3A_544 : i32 to index
      %swap3A_546 = tpu.vector_load %arg13[%swap3A_545] {strides = array<i32>} : memref<4096xf32, #tpu.memory_space<vmem>>, vector<16xf32>,
      tpu.vector_store %arg13[%swap3A_545], %gather3A_542 {strides = array<i32>} : memref<4096xf32, #tpu.memory_space<vmem>>, vector<16xf32>,
      %scan3A_547 = arith.constant 3 : i32
      %scan3A_548 = arith.addi %scan3A_510, %scan3A_547 : i32
      %mul3A_549 = arith.constant 16 : i32
      %mul3A_550 = arith.muli %scan3A_548, %mul3A_549 : i32
      %add3A_551 = arith.constant 16 : i32
      %add3A_552 = arith.addi %add3A_551, %mul3A_550 : i32
      %get3A_553 = arith.index_cast %add3A_552 : i32 to index
      %get3A_554 = tpu.vector_load %arg6[%get3A_553] {strides = array<i32>} : memref<8192xi32, #tpu.memory_space<vmem>>, vector<16xi32>,
      %gather3A_555 = tpu.vector_load_idx %arg11[%get3A_554] : memref<20000xf32, #tpu.memory_space<vmem>>[vector<16xi32>], vector<16xf32>,
      %mul3A_556 = arith.constant 16 : i32
      %mul3A_557 = arith.muli %scan3A_548, %mul3A_556 : i32
      %swap3A_558 = arith.index_cast %mul3A_557 : i32 to index
      %swap3A_559 = tpu.vector_load %arg13[%swap3A_558] {strides = array<i32>} : memref<4096xf32, #tpu.memory_space<vmem>>, vector<16xf32>,
      tpu.vector_store %arg13[%swap3A_558], %gather3A_555 {strides = array<i32>} : memref<4096xf32, #tpu.memory_space<vmem>>, vector<16xf32>,
    }
    %scan3A_405 = arith.constant 256 : i32
    %add3A_406 = arith.constant 12288 : i32
    %add3A_407 = arith.addi %multiple_of3A_289, %add3A_406 : i32
    %dma_start3A_408 = tpu.memref_slice %arg3[%add3A_407] : memref<1000000xf32, #tpu.memory_space<hbm>> -> memref<4096xf32, #tpu.memory_space<hbm>>
    %dma_start3A_409 = tpu.memref_slice %arg3[%add3A_407] : memref<1000000xf32, #tpu.memory_space<hbm>> -> memref<4096xf32, #tpu.memory_space<hbm>>
    tpu.enqueue_dma source(%arg13 : memref<4096xf32, #tpu.memory_space<vmem>>) target(%dma_start3A_409 : memref<4096xf32, #tpu.memory_space<hbm>>) target_semaphore(%arg19 : memref<!tpu.dma_semaphore, #tpu.memory_space<semaphore_mem>>)
    %add3A_410 = arith.constant 16384 : i32
    %add3A_411 = arith.addi %multiple_of3A_289, %add3A_410 : i32
    %dma_wait3A_412 = arith.constant 16 : i32
    %dma_wait3A_413 = tpu.memref_slice %arg5[%dma_wait3A_412] : memref<8192xi32, #tpu.memory_space<vmem>> -> memref<4096xi32, #tpu.memory_space<vmem>>
    %dma_wait3A_414 = tpu.memref_slice %arg2[%add3A_411] : memref<1000000xi32, #tpu.memory_space<hbm>> -> memref<4096xi32, #tpu.memory_space<hbm>>
    %dma_wait3A_415 = arith.constant 16 : i32
    %dma_wait3A_416 = tpu.memref_slice %arg5[%dma_wait3A_415] : memref<8192xi32, #tpu.memory_space<vmem>> -> memref<4096xi32, #tpu.memory_space<vmem>>
    %dma_wait3A_417 = tpu.memref_slice %arg2[%add3A_411] : memref<1000000xi32, #tpu.memory_space<hbm>> -> memref<4096xi32, #tpu.memory_space<hbm>>
    tpu.wait_dma2 semaphore(%arg14 : memref<!tpu.dma_semaphore, #tpu.memory_space<semaphore_mem>>) src(%dma_wait3A_417 : memref<4096xi32, #tpu.memory_space<hbm>>) dst(%dma_wait3A_416 : memref<4096xi32, #tpu.memory_space<vmem>>)
    %add3A_418 = arith.constant 20480 : i32
    %add3A_419 = arith.addi %multiple_of3A_289, %add3A_418 : i32
    %dma_start3A_420 = arith.constant 16 : i32
    %dma_start3A_421 = tpu.memref_slice %arg6[%dma_start3A_420] : memref<8192xi32, #tpu.memory_space<vmem>> -> memref<4096xi32, #tpu.memory_space<vmem>>
    %dma_start3A_422 = tpu.memref_slice %arg2[%add3A_419] : memref<1000000xi32, #tpu.memory_space<hbm>> -> memref<4096xi32, #tpu.memory_space<hbm>>
    %dma_start3A_423 = arith.constant 16 : i32
    %dma_start3A_424 = tpu.memref_slice %arg6[%dma_start3A_423] : memref<8192xi32, #tpu.memory_space<vmem>> -> memref<4096xi32, #tpu.memory_space<vmem>>
    %dma_start3A_425 = tpu.memref_slice %arg2[%add3A_419] : memref<1000000xi32, #tpu.memory_space<hbm>> -> memref<4096xi32, #tpu.memory_space<hbm>>
    tpu.enqueue_dma source(%dma_start3A_425 : memref<4096xi32, #tpu.memory_space<hbm>>) target(%dma_start3A_424 : memref<4096xi32, #tpu.memory_space<vmem>>) target_semaphore(%arg15 : memref<!tpu.dma_semaphore, #tpu.memory_space<semaphore_mem>>)
    %add3A_426 = arith.constant 8192 : i32
    %add3A_427 = arith.addi %multiple_of3A_289, %add3A_426 : i32
    %dma_wait3A_428 = tpu.memref_slice %arg3[%add3A_427] : memref<1000000xf32, #tpu.memory_space<hbm>> -> memref<4096xf32, #tpu.memory_space<hbm>>
    %dma_wait3A_429 = tpu.memref_slice %arg3[%add3A_427] : memref<1000000xf32, #tpu.memory_space<hbm>> -> memref<4096xf32, #tpu.memory_space<hbm>>
    tpu.wait_dma2 semaphore(%arg18 : memref<!tpu.dma_semaphore, #tpu.memory_space<semaphore_mem>>) src(%arg12 : memref<4096xf32, #tpu.memory_space<vmem>>) dst(%dma_wait3A_429 : memref<4096xf32, #tpu.memory_space<hbm>>)
    %scan3A_430 = arith.constant 0 : i32
    %scan3A_431 = arith.constant 0 : i32
    %scan3A_432 = arith.constant 256 : i32
    %scan3A_433 = arith.addi %scan3A_431, %scan3A_432 : i32
    %scan3A_434 = arith.constant 4 : i32
    scf.for %scan3A_510 = %scan3A_431 to %scan3A_433 step %scan3A_434  : i32 {
      %mul3A_511 = arith.constant 16 : i32
      %mul3A_512 = arith.muli %scan3A_510, %mul3A_511 : i32
      %add3A_513 = arith.constant 16 : i32
      %add3A_514 = arith.addi %add3A_513, %mul3A_512 : i32
      %get3A_515 = arith.index_cast %add3A_514 : i32 to index
      %get3A_516 = tpu.vector_load %arg5[%get3A_515] {strides = array<i32>} : memref<8192xi32, #tpu.memory_space<vmem>>, vector<16xi32>,
      %gather3A = tpu.vector_load_idx %arg11[%get3A_516] : memref<20000xf32, #tpu.memory_space<vmem>>[vector<16xi32>], vector<16xf32>,
      %mul3A_517 = arith.constant 16 : i32
      %mul3A_518 = arith.muli %scan3A_510, %mul3A_517 : i32
      %swap3A_519 = arith.index_cast %mul3A_518 : i32 to index
      %swap3A_520 = tpu.vector_load %arg12[%swap3A_519] {strides = array<i32>} : memref<4096xf32, #tpu.memory_space<vmem>>, vector<16xf32>,
      tpu.vector_store %arg12[%swap3A_519], %gather3A {strides = array<i32>} : memref<4096xf32, #tpu.memory_space<vmem>>, vector<16xf32>,
      %scan3A_521 = arith.constant 1 : i32
      %scan3A_522 = arith.addi %scan3A_510, %scan3A_521 : i32
      %mul3A_523 = arith.constant 16 : i32
      %mul3A_524 = arith.muli %scan3A_522, %mul3A_523 : i32
      %add3A_525 = arith.constant 16 : i32
      %add3A_526 = arith.addi %add3A_525, %mul3A_524 : i32
      %get3A_527 = arith.index_cast %add3A_526 : i32 to index
      %get3A_528 = tpu.vector_load %arg5[%get3A_527] {strides = array<i32>} : memref<8192xi32, #tpu.memory_space<vmem>>, vector<16xi32>,
      %gather3A_529 = tpu.vector_load_idx %arg11[%get3A_528] : memref<20000xf32, #tpu.memory_space<vmem>>[vector<16xi32>], vector<16xf32>,
      %mul3A_530 = arith.constant 16 : i32
      %mul3A_531 = arith.muli %scan3A_522, %mul3A_530 : i32
      %swap3A_532 = arith.index_cast %mul3A_531 : i32 to index
      %swap3A_533 = tpu.vector_load %arg12[%swap3A_532] {strides = array<i32>} : memref<4096xf32, #tpu.memory_space<vmem>>, vector<16xf32>,
      tpu.vector_store %arg12[%swap3A_532], %gather3A_529 {strides = array<i32>} : memref<4096xf32, #tpu.memory_space<vmem>>, vector<16xf32>,
      %scan3A_534 = arith.constant 2 : i32
      %scan3A_535 = arith.addi %scan3A_510, %scan3A_534 : i32
      %mul3A_536 = arith.constant 16 : i32
      %mul3A_537 = arith.muli %scan3A_535, %mul3A_536 : i32
      %add3A_538 = arith.constant 16 : i32
      %add3A_539 = arith.addi %add3A_538, %mul3A_537 : i32
      %get3A_540 = arith.index_cast %add3A_539 : i32 to index
      %get3A_541 = tpu.vector_load %arg5[%get3A_540] {strides = array<i32>} : memref<8192xi32, #tpu.memory_space<vmem>>, vector<16xi32>,
      %gather3A_542 = tpu.vector_load_idx %arg11[%get3A_541] : memref<20000xf32, #tpu.memory_space<vmem>>[vector<16xi32>], vector<16xf32>,
      %mul3A_543 = arith.constant 16 : i32
      %mul3A_544 = arith.muli %scan3A_535, %mul3A_543 : i32
      %swap3A_545 = arith.index_cast %mul3A_544 : i32 to index
      %swap3A_546 = tpu.vector_load %arg12[%swap3A_545] {strides = array<i32>} : memref<4096xf32, #tpu.memory_space<vmem>>, vector<16xf32>,
      tpu.vector_store %arg12[%swap3A_545], %gather3A_542 {strides = array<i32>} : memref<4096xf32, #tpu.memory_space<vmem>>, vector<16xf32>,
      %scan3A_547 = arith.constant 3 : i32
      %scan3A_548 = arith.addi %scan3A_510, %scan3A_547 : i32
      %mul3A_549 = arith.constant 16 : i32
      %mul3A_550 = arith.muli %scan3A_548, %mul3A_549 : i32
      %add3A_551 = arith.constant 16 : i32
      %add3A_552 = arith.addi %add3A_551, %mul3A_550 : i32
      %get3A_553 = arith.index_cast %add3A_552 : i32 to index
      %get3A_554 = tpu.vector_load %arg5[%get3A_553] {strides = array<i32>} : memref<8192xi32, #tpu.memory_space<vmem>>, vector<16xi32>,
      %gather3A_555 = tpu.vector_load_idx %arg11[%get3A_554] : memref<20000xf32, #tpu.memory_space<vmem>>[vector<16xi32>], vector<16xf32>,
      %mul3A_556 = arith.constant 16 : i32
      %mul3A_557 = arith.muli %scan3A_548, %mul3A_556 : i32
      %swap3A_558 = arith.index_cast %mul3A_557 : i32 to index
      %swap3A_559 = tpu.vector_load %arg12[%swap3A_558] {strides = array<i32>} : memref<4096xf32, #tpu.memory_space<vmem>>, vector<16xf32>,
      tpu.vector_store %arg12[%swap3A_558], %gather3A_555 {strides = array<i32>} : memref<4096xf32, #tpu.memory_space<vmem>>, vector<16xf32>,
    }
    %scan3A_435 = arith.constant 256 : i32
    %add3A_436 = arith.constant 16384 : i32
    %add3A_437 = arith.addi %multiple_of3A_289, %add3A_436 : i32
    %dma_start3A_438 = tpu.memref_slice %arg3[%add3A_437] : memref<1000000xf32, #tpu.memory_space<hbm>> -> memref<4096xf32, #tpu.memory_space<hbm>>
    %dma_start3A_439 = tpu.memref_slice %arg3[%add3A_437] : memref<1000000xf32, #tpu.memory_space<hbm>> -> memref<4096xf32, #tpu.memory_space<hbm>>
    tpu.enqueue_dma source(%arg12 : memref<4096xf32, #tpu.memory_space<vmem>>) target(%dma_start3A_439 : memref<4096xf32, #tpu.memory_space<hbm>>) target_semaphore(%arg18 : memref<!tpu.dma_semaphore, #tpu.memory_space<semaphore_mem>>)
    %add3A_440 = arith.constant 20480 : i32
    %add3A_441 = arith.addi %multiple_of3A_289, %add3A_440 : i32
    %dma_wait3A_442 = arith.constant 16 : i32
    %dma_wait3A_443 = tpu.memref_slice %arg6[%dma_wait3A_442] : memref<8192xi32, #tpu.memory_space<vmem>> -> memref<4096xi32, #tpu.memory_space<vmem>>
    %dma_wait3A_444 = tpu.memref_slice %arg2[%add3A_441] : memref<1000000xi32, #tpu.memory_space<hbm>> -> memref<4096xi32, #tpu.memory_space<hbm>>
    %dma_wait3A_445 = arith.constant 16 : i32
    %dma_wait3A_446 = tpu.memref_slice %arg6[%dma_wait3A_445] : memref<8192xi32, #tpu.memory_space<vmem>> -> memref<4096xi32, #tpu.memory_space<vmem>>
    %dma_wait3A_447 = tpu.memref_slice %arg2[%add3A_441] : memref<1000000xi32, #tpu.memory_space<hbm>> -> memref<4096xi32, #tpu.memory_space<hbm>>
    tpu.wait_dma2 semaphore(%arg15 : memref<!tpu.dma_semaphore, #tpu.memory_space<semaphore_mem>>) src(%dma_wait3A_447 : memref<4096xi32, #tpu.memory_space<hbm>>) dst(%dma_wait3A_446 : memref<4096xi32, #tpu.memory_space<vmem>>)
    %add3A_448 = arith.constant 24576 : i32
    %add3A_449 = arith.addi %multiple_of3A_289, %add3A_448 : i32
    %dma_start3A_450 = arith.constant 16 : i32
    %dma_start3A_451 = tpu.memref_slice %arg5[%dma_start3A_450] : memref<8192xi32, #tpu.memory_space<vmem>> -> memref<4096xi32, #tpu.memory_space<vmem>>
    %dma_start3A_452 = tpu.memref_slice %arg2[%add3A_449] : memref<1000000xi32, #tpu.memory_space<hbm>> -> memref<4096xi32, #tpu.memory_space<hbm>>
    %dma_start3A_453 = arith.constant 16 : i32
    %dma_start3A_454 = tpu.memref_slice %arg5[%dma_start3A_453] : memref<8192xi32, #tpu.memory_space<vmem>> -> memref<4096xi32, #tpu.memory_space<vmem>>
    %dma_start3A_455 = tpu.memref_slice %arg2[%add3A_449] : memref<1000000xi32, #tpu.memory_space<hbm>> -> memref<4096xi32, #tpu.memory_space<hbm>>
    tpu.enqueue_dma source(%dma_start3A_455 : memref<4096xi32, #tpu.memory_space<hbm>>) target(%dma_start3A_454 : memref<4096xi32, #tpu.memory_space<vmem>>) target_semaphore(%arg14 : memref<!tpu.dma_semaphore, #tpu.memory_space<semaphore_mem>>)
    %add3A_456 = arith.constant 12288 : i32
    %add3A_457 = arith.addi %multiple_of3A_289, %add3A_456 : i32
    %dma_wait3A_458 = tpu.memref_slice %arg3[%add3A_457] : memref<1000000xf32, #tpu.memory_space<hbm>> -> memref<4096xf32, #tpu.memory_space<hbm>>
    %dma_wait3A_459 = tpu.memref_slice %arg3[%add3A_457] : memref<1000000xf32, #tpu.memory_space<hbm>> -> memref<4096xf32, #tpu.memory_space<hbm>>
    tpu.wait_dma2 semaphore(%arg19 : memref<!tpu.dma_semaphore, #tpu.memory_space<semaphore_mem>>) src(%arg13 : memref<4096xf32, #tpu.memory_space<vmem>>) dst(%dma_wait3A_459 : memref<4096xf32, #tpu.memory_space<hbm>>)
    %scan3A_460 = arith.constant 0 : i32
    %scan3A_461 = arith.constant 0 : i32
    %scan3A_462 = arith.constant 256 : i32
    %scan3A_463 = arith.addi %scan3A_461, %scan3A_462 : i32
    %scan3A_464 = arith.constant 4 : i32
    scf.for %scan3A_510 = %scan3A_461 to %scan3A_463 step %scan3A_464  : i32 {
      %mul3A_511 = arith.constant 16 : i32
      %mul3A_512 = arith.muli %scan3A_510, %mul3A_511 : i32
      %add3A_513 = arith.constant 16 : i32
      %add3A_514 = arith.addi %add3A_513, %mul3A_512 : i32
      %get3A_515 = arith.index_cast %add3A_514 : i32 to index
      %get3A_516 = tpu.vector_load %arg6[%get3A_515] {strides = array<i32>} : memref<8192xi32, #tpu.memory_space<vmem>>, vector<16xi32>,
      %gather3A = tpu.vector_load_idx %arg11[%get3A_516] : memref<20000xf32, #tpu.memory_space<vmem>>[vector<16xi32>], vector<16xf32>,
      %mul3A_517 = arith.constant 16 : i32
      %mul3A_518 = arith.muli %scan3A_510, %mul3A_517 : i32
      %swap3A_519 = arith.index_cast %mul3A_518 : i32 to index
      %swap3A_520 = tpu.vector_load %arg13[%swap3A_519] {strides = array<i32>} : memref<4096xf32, #tpu.memory_space<vmem>>, vector<16xf32>,
      tpu.vector_store %arg13[%swap3A_519], %gather3A {strides = array<i32>} : memref<4096xf32, #tpu.memory_space<vmem>>, vector<16xf32>,
      %scan3A_521 = arith.constant 1 : i32
      %scan3A_522 = arith.addi %scan3A_510, %scan3A_521 : i32
      %mul3A_523 = arith.constant 16 : i32
      %mul3A_524 = arith.muli %scan3A_522, %mul3A_523 : i32
      %add3A_525 = arith.constant 16 : i32
      %add3A_526 = arith.addi %add3A_525, %mul3A_524 : i32
      %get3A_527 = arith.index_cast %add3A_526 : i32 to index
      %get3A_528 = tpu.vector_load %arg6[%get3A_527] {strides = array<i32>} : memref<8192xi32, #tpu.memory_space<vmem>>, vector<16xi32>,
      %gather3A_529 = tpu.vector_load_idx %arg11[%get3A_528] : memref<20000xf32, #tpu.memory_space<vmem>>[vector<16xi32>], vector<16xf32>,
      %mul3A_530 = arith.constant 16 : i32
      %mul3A_531 = arith.muli %scan3A_522, %mul3A_530 : i32
      %swap3A_532 = arith.index_cast %mul3A_531 : i32 to index
      %swap3A_533 = tpu.vector_load %arg13[%swap3A_532] {strides = array<i32>} : memref<4096xf32, #tpu.memory_space<vmem>>, vector<16xf32>,
      tpu.vector_store %arg13[%swap3A_532], %gather3A_529 {strides = array<i32>} : memref<4096xf32, #tpu.memory_space<vmem>>, vector<16xf32>,
      %scan3A_534 = arith.constant 2 : i32
      %scan3A_535 = arith.addi %scan3A_510, %scan3A_534 : i32
      %mul3A_536 = arith.constant 16 : i32
      %mul3A_537 = arith.muli %scan3A_535, %mul3A_536 : i32
      %add3A_538 = arith.constant 16 : i32
      %add3A_539 = arith.addi %add3A_538, %mul3A_537 : i32
      %get3A_540 = arith.index_cast %add3A_539 : i32 to index
      %get3A_541 = tpu.vector_load %arg6[%get3A_540] {strides = array<i32>} : memref<8192xi32, #tpu.memory_space<vmem>>, vector<16xi32>,
      %gather3A_542 = tpu.vector_load_idx %arg11[%get3A_541] : memref<20000xf32, #tpu.memory_space<vmem>>[vector<16xi32>], vector<16xf32>,
      %mul3A_543 = arith.constant 16 : i32
      %mul3A_544 = arith.muli %scan3A_535, %mul3A_543 : i32
      %swap3A_545 = arith.index_cast %mul3A_544 : i32 to index
      %swap3A_546 = tpu.vector_load %arg13[%swap3A_545] {strides = array<i32>} : memref<4096xf32, #tpu.memory_space<vmem>>, vector<16xf32>,
      tpu.vector_store %arg13[%swap3A_545], %gather3A_542 {strides = array<i32>} : memref<4096xf32, #tpu.memory_space<vmem>>, vector<16xf32>,
      %scan3A_547 = arith.constant 3 : i32
      %scan3A_548 = arith.addi %scan3A_510, %scan3A_547 : i32
      %mul3A_549 = arith.constant 16 : i32
      %mul3A_550 = arith.muli %scan3A_548, %mul3A_549 : i32
      %add3A_551 = arith.constant 16 : i32
      %add3A_552 = arith.addi %add3A_551, %mul3A_550 : i32
      %get3A_553 = arith.index_cast %add3A_552 : i32 to index
      %get3A_554 = tpu.vector_load %arg6[%get3A_553] {strides = array<i32>} : memref<8192xi32, #tpu.memory_space<vmem>>, vector<16xi32>,
      %gather3A_555 = tpu.vector_load_idx %arg11[%get3A_554] : memref<20000xf32, #tpu.memory_space<vmem>>[vector<16xi32>], vector<16xf32>,
      %mul3A_556 = arith.constant 16 : i32
      %mul3A_557 = arith.muli %scan3A_548, %mul3A_556 : i32
      %swap3A_558 = arith.index_cast %mul3A_557 : i32 to index
      %swap3A_559 = tpu.vector_load %arg13[%swap3A_558] {strides = array<i32>} : memref<4096xf32, #tpu.memory_space<vmem>>, vector<16xf32>,
      tpu.vector_store %arg13[%swap3A_558], %gather3A_555 {strides = array<i32>} : memref<4096xf32, #tpu.memory_space<vmem>>, vector<16xf32>,
    }
    %scan3A_465 = arith.constant 256 : i32
    %add3A_466 = arith.constant 20480 : i32
    %add3A_467 = arith.addi %multiple_of3A_289, %add3A_466 : i32
    %dma_start3A_468 = tpu.memref_slice %arg3[%add3A_467] : memref<1000000xf32, #tpu.memory_space<hbm>> -> memref<4096xf32, #tpu.memory_space<hbm>>
    %dma_start3A_469 = tpu.memref_slice %arg3[%add3A_467] : memref<1000000xf32, #tpu.memory_space<hbm>> -> memref<4096xf32, #tpu.memory_space<hbm>>
    tpu.enqueue_dma source(%arg13 : memref<4096xf32, #tpu.memory_space<vmem>>) target(%dma_start3A_469 : memref<4096xf32, #tpu.memory_space<hbm>>) target_semaphore(%arg19 : memref<!tpu.dma_semaphore, #tpu.memory_space<semaphore_mem>>)
    %add3A_470 = arith.constant 24576 : i32
    %add3A_471 = arith.addi %multiple_of3A_289, %add3A_470 : i32
    %dma_wait3A_472 = arith.constant 16 : i32
    %dma_wait3A_473 = tpu.memref_slice %arg5[%dma_wait3A_472] : memref<8192xi32, #tpu.memory_space<vmem>> -> memref<4096xi32, #tpu.memory_space<vmem>>
    %dma_wait3A_474 = tpu.memref_slice %arg2[%add3A_471] : memref<1000000xi32, #tpu.memory_space<hbm>> -> memref<4096xi32, #tpu.memory_space<hbm>>
    %dma_wait3A_475 = arith.constant 16 : i32
    %dma_wait3A_476 = tpu.memref_slice %arg5[%dma_wait3A_475] : memref<8192xi32, #tpu.memory_space<vmem>> -> memref<4096xi32, #tpu.memory_space<vmem>>
    %dma_wait3A_477 = tpu.memref_slice %arg2[%add3A_471] : memref<1000000xi32, #tpu.memory_space<hbm>> -> memref<4096xi32, #tpu.memory_space<hbm>>
    tpu.wait_dma2 semaphore(%arg14 : memref<!tpu.dma_semaphore, #tpu.memory_space<semaphore_mem>>) src(%dma_wait3A_477 : memref<4096xi32, #tpu.memory_space<hbm>>) dst(%dma_wait3A_476 : memref<4096xi32, #tpu.memory_space<vmem>>)
    %add3A_478 = arith.constant 16384 : i32
    %add3A_479 = arith.addi %multiple_of3A_289, %add3A_478 : i32
    %dma_wait3A_480 = tpu.memref_slice %arg3[%add3A_479] : memref<1000000xf32, #tpu.memory_space<hbm>> -> memref<4096xf32, #tpu.memory_space<hbm>>
    %dma_wait3A_481 = tpu.memref_slice %arg3[%add3A_479] : memref<1000000xf32, #tpu.memory_space<hbm>> -> memref<4096xf32, #tpu.memory_space<hbm>>
    tpu.wait_dma2 semaphore(%arg18 : memref<!tpu.dma_semaphore, #tpu.memory_space<semaphore_mem>>) src(%arg12 : memref<4096xf32, #tpu.memory_space<vmem>>) dst(%dma_wait3A_481 : memref<4096xf32, #tpu.memory_space<hbm>>)
    %scan3A_482 = arith.constant 0 : i32
    %scan3A_483 = arith.constant 0 : i32
    %scan3A_484 = arith.constant 256 : i32
    %scan3A_485 = arith.addi %scan3A_483, %scan3A_484 : i32
    %scan3A_486 = arith.constant 4 : i32
    scf.for %scan3A_510 = %scan3A_483 to %scan3A_485 step %scan3A_486  : i32 {
      %mul3A_511 = arith.constant 16 : i32
      %mul3A_512 = arith.muli %scan3A_510, %mul3A_511 : i32
      %add3A_513 = arith.constant 16 : i32
      %add3A_514 = arith.addi %add3A_513, %mul3A_512 : i32
      %get3A_515 = arith.index_cast %add3A_514 : i32 to index
      %get3A_516 = tpu.vector_load %arg5[%get3A_515] {strides = array<i32>} : memref<8192xi32, #tpu.memory_space<vmem>>, vector<16xi32>,
      %gather3A = tpu.vector_load_idx %arg11[%get3A_516] : memref<20000xf32, #tpu.memory_space<vmem>>[vector<16xi32>], vector<16xf32>,
      %mul3A_517 = arith.constant 16 : i32
      %mul3A_518 = arith.muli %scan3A_510, %mul3A_517 : i32
      %swap3A_519 = arith.index_cast %mul3A_518 : i32 to index
      %swap3A_520 = tpu.vector_load %arg12[%swap3A_519] {strides = array<i32>} : memref<4096xf32, #tpu.memory_space<vmem>>, vector<16xf32>,
      tpu.vector_store %arg12[%swap3A_519], %gather3A {strides = array<i32>} : memref<4096xf32, #tpu.memory_space<vmem>>, vector<16xf32>,
      %scan3A_521 = arith.constant 1 : i32
      %scan3A_522 = arith.addi %scan3A_510, %scan3A_521 : i32
      %mul3A_523 = arith.constant 16 : i32
      %mul3A_524 = arith.muli %scan3A_522, %mul3A_523 : i32
      %add3A_525 = arith.constant 16 : i32
      %add3A_526 = arith.addi %add3A_525, %mul3A_524 : i32
      %get3A_527 = arith.index_cast %add3A_526 : i32 to index
      %get3A_528 = tpu.vector_load %arg5[%get3A_527] {strides = array<i32>} : memref<8192xi32, #tpu.memory_space<vmem>>, vector<16xi32>,
      %gather3A_529 = tpu.vector_load_idx %arg11[%get3A_528] : memref<20000xf32, #tpu.memory_space<vmem>>[vector<16xi32>], vector<16xf32>,
      %mul3A_530 = arith.constant 16 : i32
      %mul3A_531 = arith.muli %scan3A_522, %mul3A_530 : i32
      %swap3A_532 = arith.index_cast %mul3A_531 : i32 to index
      %swap3A_533 = tpu.vector_load %arg12[%swap3A_532] {strides = array<i32>} : memref<4096xf32, #tpu.memory_space<vmem>>, vector<16xf32>,
      tpu.vector_store %arg12[%swap3A_532], %gather3A_529 {strides = array<i32>} : memref<4096xf32, #tpu.memory_space<vmem>>, vector<16xf32>,
      %scan3A_534 = arith.constant 2 : i32
      %scan3A_535 = arith.addi %scan3A_510, %scan3A_534 : i32
      %mul3A_536 = arith.constant 16 : i32
      %mul3A_537 = arith.muli %scan3A_535, %mul3A_536 : i32
      %add3A_538 = arith.constant 16 : i32
      %add3A_539 = arith.addi %add3A_538, %mul3A_537 : i32
      %get3A_540 = arith.index_cast %add3A_539 : i32 to index
      %get3A_541 = tpu.vector_load %arg5[%get3A_540] {strides = array<i32>} : memref<8192xi32, #tpu.memory_space<vmem>>, vector<16xi32>,
      %gather3A_542 = tpu.vector_load_idx %arg11[%get3A_541] : memref<20000xf32, #tpu.memory_space<vmem>>[vector<16xi32>], vector<16xf32>,
      %mul3A_543 = arith.constant 16 : i32
      %mul3A_544 = arith.muli %scan3A_535, %mul3A_543 : i32
      %swap3A_545 = arith.index_cast %mul3A_544 : i32 to index
      %swap3A_546 = tpu.vector_load %arg12[%swap3A_545] {strides = array<i32>} : memref<4096xf32, #tpu.memory_space<vmem>>, vector<16xf32>,
      tpu.vector_store %arg12[%swap3A_545], %gather3A_542 {strides = array<i32>} : memref<4096xf32, #tpu.memory_space<vmem>>, vector<16xf32>,
      %scan3A_547 = arith.constant 3 : i32
      %scan3A_548 = arith.addi %scan3A_510, %scan3A_547 : i32
      %mul3A_549 = arith.constant 16 : i32
      %mul3A_550 = arith.muli %scan3A_548, %mul3A_549 : i32
      %add3A_551 = arith.constant 16 : i32
      %add3A_552 = arith.addi %add3A_551, %mul3A_550 : i32
      %get3A_553 = arith.index_cast %add3A_552 : i32 to index
      %get3A_554 = tpu.vector_load %arg5[%get3A_553] {strides = array<i32>} : memref<8192xi32, #tpu.memory_space<vmem>>, vector<16xi32>,
      %gather3A_555 = tpu.vector_load_idx %arg11[%get3A_554] : memref<20000xf32, #tpu.memory_space<vmem>>[vector<16xi32>], vector<16xf32>,
      %mul3A_556 = arith.constant 16 : i32
      %mul3A_557 = arith.muli %scan3A_548, %mul3A_556 : i32
      %swap3A_558 = arith.index_cast %mul3A_557 : i32 to index
      %swap3A_559 = tpu.vector_load %arg12[%swap3A_558] {strides = array<i32>} : memref<4096xf32, #tpu.memory_space<vmem>>, vector<16xf32>,
      tpu.vector_store %arg12[%swap3A_558], %gather3A_555 {strides = array<i32>} : memref<4096xf32, #tpu.memory_space<vmem>>, vector<16xf32>,
    }
    %scan3A_487 = arith.constant 256 : i32
    %add3A_488 = arith.constant 24576 : i32
    %add3A_489 = arith.addi %multiple_of3A_289, %add3A_488 : i32
    %dma_start3A_490 = tpu.memref_slice %arg3[%add3A_489] : memref<1000000xf32, #tpu.memory_space<hbm>> -> memref<4096xf32, #tpu.memory_space<hbm>>
    %dma_start3A_491 = tpu.memref_slice %arg3[%add3A_489] : memref<1000000xf32, #tpu.memory_space<hbm>> -> memref<4096xf32, #tpu.memory_space<hbm>>
    tpu.enqueue_dma source(%arg12 : memref<4096xf32, #tpu.memory_space<vmem>>) target(%dma_start3A_491 : memref<4096xf32, #tpu.memory_space<hbm>>) target_semaphore(%arg18 : memref<!tpu.dma_semaphore, #tpu.memory_space<semaphore_mem>>)
    %add3A_492 = arith.constant 20480 : i32
    %add3A_493 = arith.addi %multiple_of3A_289, %add3A_492 : i32
    %dma_wait3A_494 = tpu.memref_slice %arg3[%add3A_493] : memref<1000000xf32, #tpu.memory_space<hbm>> -> memref<4096xf32, #tpu.memory_space<hbm>>
    %dma_wait3A_495 = tpu.memref_slice %arg3[%add3A_493] : memref<1000000xf32, #tpu.memory_space<hbm>> -> memref<4096xf32, #tpu.memory_space<hbm>>
    tpu.wait_dma2 semaphore(%arg19 : memref<!tpu.dma_semaphore, #tpu.memory_space<semaphore_mem>>) src(%arg13 : memref<4096xf32, #tpu.memory_space<vmem>>) dst(%dma_wait3A_495 : memref<4096xf32, #tpu.memory_space<hbm>>)
    %add3A_496 = arith.constant 24576 : i32
    %add3A_497 = arith.addi %multiple_of3A_289, %add3A_496 : i32
    %dma_wait3A_498 = tpu.memref_slice %arg3[%add3A_497] : memref<1000000xf32, #tpu.memory_space<hbm>> -> memref<4096xf32, #tpu.memory_space<hbm>>
    %dma_wait3A_499 = tpu.memref_slice %arg3[%add3A_497] : memref<1000000xf32, #tpu.memory_space<hbm>> -> memref<4096xf32, #tpu.memory_space<hbm>>
    tpu.wait_dma2 semaphore(%arg18 : memref<!tpu.dma_semaphore, #tpu.memory_space<semaphore_mem>>) src(%arg12 : memref<4096xf32, #tpu.memory_space<vmem>>) dst(%dma_wait3A_499 : memref<4096xf32, #tpu.memory_space<hbm>>)
    %lt3A_500 = arith.constant 15 : i32
    %lt3A_501 = arith.cmpi slt, %arg1, %lt3A_500 : i32
    %convert_element_type3A_502 = arith.extui %lt3A_501 : i1 to i32
    %cond3A_503 = arith.constant 0 : i32
    %cond3A_504 = arith.cmpi ne, %convert_element_type3A_502, %cond3A_503 : i32
    scf.if %cond3A_504 {
      %add3A_510 = arith.constant 28672 : i32
      %add3A_511 = arith.addi %multiple_of3A_289, %add3A_510 : i32
      %multiple_of3A_512 = tpu.assume_multiple %add3A_511, 8 : i32
      "tpu.region"() ({
        %run_scoped3A = tpu.sem_alloc : memref<!tpu.dma_semaphore, #tpu.memory_space<semaphore_mem>>
        %dma_start3A_531 = arith.constant 16 : i32
        %dma_start3A_532 = tpu.memref_slice %arg5[%dma_start3A_531] : memref<8192xi32, #tpu.memory_space<vmem>> -> memref<2584xi32, #tpu.memory_space<vmem>>
        %dma_start3A_533 = tpu.memref_slice %arg2[%multiple_of3A_512] : memref<1000000xi32, #tpu.memory_space<hbm>> -> memref<2584xi32, #tpu.memory_space<hbm>>
        %dma_start3A_534 = arith.constant 16 : i32
        %dma_start3A_535 = tpu.memref_slice %arg5[%dma_start3A_534] : memref<8192xi32, #tpu.memory_space<vmem>> -> memref<2584xi32, #tpu.memory_space<vmem>>
        %dma_start3A_536 = tpu.memref_slice %arg2[%multiple_of3A_512] : memref<1000000xi32, #tpu.memory_space<hbm>> -> memref<2584xi32, #tpu.memory_space<hbm>>
        tpu.enqueue_dma source(%dma_start3A_536 : memref<2584xi32, #tpu.memory_space<hbm>>) target(%dma_start3A_535 : memref<2584xi32, #tpu.memory_space<vmem>>) target_semaphore(%run_scoped3A : memref<!tpu.dma_semaphore, #tpu.memory_space<semaphore_mem>>)
        %dma_wait3A_537 = arith.constant 16 : i32
        %dma_wait3A_538 = tpu.memref_slice %arg5[%dma_wait3A_537] : memref<8192xi32, #tpu.memory_space<vmem>> -> memref<2584xi32, #tpu.memory_space<vmem>>
        %dma_wait3A_539 = tpu.memref_slice %arg2[%multiple_of3A_512] : memref<1000000xi32, #tpu.memory_space<hbm>> -> memref<2584xi32, #tpu.memory_space<hbm>>
        %dma_wait3A_540 = arith.constant 16 : i32
        %dma_wait3A_541 = tpu.memref_slice %arg5[%dma_wait3A_540] : memref<8192xi32, #tpu.memory_space<vmem>> -> memref<2584xi32, #tpu.memory_space<vmem>>
        %dma_wait3A_542 = tpu.memref_slice %arg2[%multiple_of3A_512] : memref<1000000xi32, #tpu.memory_space<hbm>> -> memref<2584xi32, #tpu.memory_space<hbm>>
        tpu.wait_dma2 semaphore(%run_scoped3A : memref<!tpu.dma_semaphore, #tpu.memory_space<semaphore_mem>>) src(%dma_wait3A_542 : memref<2584xi32, #tpu.memory_space<hbm>>) dst(%dma_wait3A_541 : memref<2584xi32, #tpu.memory_space<vmem>>)
        tpu.yield
      }) : () -> ()
      %scan3A_513 = arith.constant 0 : i32
      %scan3A_514 = arith.constant 0 : i32
      %scan3A_515 = arith.constant 160 : i32
      %scan3A_516 = arith.addi %scan3A_514, %scan3A_515 : i32
      %scan3A_517 = arith.constant 4 : i32
      scf.for %scan3A_531 = %scan3A_514 to %scan3A_516 step %scan3A_517  : i32 {
        %mul3A_532 = arith.constant 16 : i32
        %mul3A_533 = arith.muli %scan3A_531, %mul3A_532 : i32
        %add3A_534 = arith.constant 16 : i32
        %add3A_535 = arith.addi %add3A_534, %mul3A_533 : i32
        %get3A_536 = arith.index_cast %add3A_535 : i32 to index
        %get3A_537 = tpu.vector_load %arg5[%get3A_536] {strides = array<i32>} : memref<8192xi32, #tpu.memory_space<vmem>>, vector<16xi32>,
        %gather3A_538 = tpu.vector_load_idx %arg11[%get3A_537] : memref<20000xf32, #tpu.memory_space<vmem>>[vector<16xi32>], vector<16xf32>,
        %mul3A_539 = arith.constant 16 : i32
        %mul3A_540 = arith.muli %scan3A_531, %mul3A_539 : i32
        %swap3A_541 = arith.index_cast %mul3A_540 : i32 to index
        %swap3A_542 = tpu.vector_load %arg12[%swap3A_541] {strides = array<i32>} : memref<4096xf32, #tpu.memory_space<vmem>>, vector<16xf32>,
        tpu.vector_store %arg12[%swap3A_541], %gather3A_538 {strides = array<i32>} : memref<4096xf32, #tpu.memory_space<vmem>>, vector<16xf32>,
        %scan3A_543 = arith.constant 1 : i32
        %scan3A_544 = arith.addi %scan3A_531, %scan3A_543 : i32
        %mul3A_545 = arith.constant 16 : i32
        %mul3A_546 = arith.muli %scan3A_544, %mul3A_545 : i32
        %add3A_547 = arith.constant 16 : i32
        %add3A_548 = arith.addi %add3A_547, %mul3A_546 : i32
        %get3A_549 = arith.index_cast %add3A_548 : i32 to index
        %get3A_550 = tpu.vector_load %arg5[%get3A_549] {strides = array<i32>} : memref<8192xi32, #tpu.memory_space<vmem>>, vector<16xi32>,
        %gather3A_551 = tpu.vector_load_idx %arg11[%get3A_550] : memref<20000xf32, #tpu.memory_space<vmem>>[vector<16xi32>], vector<16xf32>,
        %mul3A_552 = arith.constant 16 : i32
        %mul3A_553 = arith.muli %scan3A_544, %mul3A_552 : i32
        %swap3A_554 = arith.index_cast %mul3A_553 : i32 to index
        %swap3A_555 = tpu.vector_load %arg12[%swap3A_554] {strides = array<i32>} : memref<4096xf32, #tpu.memory_space<vmem>>, vector<16xf32>,
        tpu.vector_store %arg12[%swap3A_554], %gather3A_551 {strides = array<i32>} : memref<4096xf32, #tpu.memory_space<vmem>>, vector<16xf32>,
        %scan3A_556 = arith.constant 2 : i32
        %scan3A_557 = arith.addi %scan3A_531, %scan3A_556 : i32
        %mul3A_558 = arith.constant 16 : i32
        %mul3A_559 = arith.muli %scan3A_557, %mul3A_558 : i32
        %add3A_560 = arith.constant 16 : i32
        %add3A_561 = arith.addi %add3A_560, %mul3A_559 : i32
        %get3A_562 = arith.index_cast %add3A_561 : i32 to index
        %get3A_563 = tpu.vector_load %arg5[%get3A_562] {strides = array<i32>} : memref<8192xi32, #tpu.memory_space<vmem>>, vector<16xi32>,
        %gather3A_564 = tpu.vector_load_idx %arg11[%get3A_563] : memref<20000xf32, #tpu.memory_space<vmem>>[vector<16xi32>], vector<16xf32>,
        %mul3A_565 = arith.constant 16 : i32
        %mul3A_566 = arith.muli %scan3A_557, %mul3A_565 : i32
        %swap3A_567 = arith.index_cast %mul3A_566 : i32 to index
        %swap3A_568 = tpu.vector_load %arg12[%swap3A_567] {strides = array<i32>} : memref<4096xf32, #tpu.memory_space<vmem>>, vector<16xf32>,
        tpu.vector_store %arg12[%swap3A_567], %gather3A_564 {strides = array<i32>} : memref<4096xf32, #tpu.memory_space<vmem>>, vector<16xf32>,
        %scan3A_569 = arith.constant 3 : i32
        %scan3A_570 = arith.addi %scan3A_531, %scan3A_569 : i32
        %mul3A_571 = arith.constant 16 : i32
        %mul3A_572 = arith.muli %scan3A_570, %mul3A_571 : i32
        %add3A_573 = arith.constant 16 : i32
        %add3A_574 = arith.addi %add3A_573, %mul3A_572 : i32
        %get3A_575 = arith.index_cast %add3A_574 : i32 to index
        %get3A_576 = tpu.vector_load %arg5[%get3A_575] {strides = array<i32>} : memref<8192xi32, #tpu.memory_space<vmem>>, vector<16xi32>,
        %gather3A_577 = tpu.vector_load_idx %arg11[%get3A_576] : memref<20000xf32, #tpu.memory_space<vmem>>[vector<16xi32>], vector<16xf32>,
        %mul3A_578 = arith.constant 16 : i32
        %mul3A_579 = arith.muli %scan3A_570, %mul3A_578 : i32
        %swap3A_580 = arith.index_cast %mul3A_579 : i32 to index
        %swap3A_581 = tpu.vector_load %arg12[%swap3A_580] {strides = array<i32>} : memref<4096xf32, #tpu.memory_space<vmem>>, vector<16xf32>,
        tpu.vector_store %arg12[%swap3A_580], %gather3A_577 {strides = array<i32>} : memref<4096xf32, #tpu.memory_space<vmem>>, vector<16xf32>,
      }
      %scan3A_518 = arith.constant 160 : i32
      %scan3A_519 = arith.addi %scan3A_514, %scan3A_518 : i32
      %mul3A_520 = arith.constant 16 : i32
      %mul3A_521 = arith.muli %scan3A_519, %mul3A_520 : i32
      %add3A_522 = arith.constant 16 : i32
      %add3A_523 = arith.addi %add3A_522, %mul3A_521 : i32
      %get3A_524 = arith.index_cast %add3A_523 : i32 to index
      %get3A_525 = tpu.vector_load %arg5[%get3A_524] {strides = array<i32>} : memref<8192xi32, #tpu.memory_space<vmem>>, vector<16xi32>,
      %gather3A = tpu.vector_load_idx %arg11[%get3A_525] : memref<20000xf32, #tpu.memory_space<vmem>>[vector<16xi32>], vector<16xf32>,
      %mul3A_526 = arith.constant 16 : i32
      %mul3A_527 = arith.muli %scan3A_519, %mul3A_526 : i32
      %swap3A_528 = arith.index_cast %mul3A_527 : i32 to index
      %swap3A_529 = tpu.vector_load %arg12[%swap3A_528] {strides = array<i32>} : memref<4096xf32, #tpu.memory_space<vmem>>, vector<16xf32>,
      tpu.vector_store %arg12[%swap3A_528], %gather3A {strides = array<i32>} : memref<4096xf32, #tpu.memory_space<vmem>>, vector<16xf32>,
      %scan3A_530 = arith.constant 161 : i32
      "tpu.region"() ({
        %run_scoped3A = tpu.sem_alloc : memref<!tpu.dma_semaphore, #tpu.memory_space<semaphore_mem>>
        %dma_start3A_531 = arith.constant 0 : i32
        %dma_start3A_532 = tpu.memref_slice %arg12[%dma_start3A_531] : memref<4096xf32, #tpu.memory_space<vmem>> -> memref<2584xf32, #tpu.memory_space<vmem>>
        %dma_start3A_533 = tpu.memref_slice %arg3[%multiple_of3A_512] : memref<1000000xf32, #tpu.memory_space<hbm>> -> memref<2584xf32, #tpu.memory_space<hbm>>
        %dma_start3A_534 = tpu.memref_slice %arg3[%multiple_of3A_512] : memref<1000000xf32, #tpu.memory_space<hbm>> -> memref<2584xf32, #tpu.memory_space<hbm>>
        %dma_start3A_535 = arith.constant 0 : i32
        %dma_start3A_536 = tpu.memref_slice %arg12[%dma_start3A_535] : memref<4096xf32, #tpu.memory_space<vmem>> -> memref<2584xf32, #tpu.memory_space<vmem>>
        tpu.enqueue_dma source(%dma_start3A_536 : memref<2584xf32, #tpu.memory_space<vmem>>) target(%dma_start3A_534 : memref<2584xf32, #tpu.memory_space<hbm>>) target_semaphore(%run_scoped3A : memref<!tpu.dma_semaphore, #tpu.memory_space<semaphore_mem>>)
        %dma_wait3A_537 = arith.constant 0 : i32
        %dma_wait3A_538 = tpu.memref_slice %arg12[%dma_wait3A_537] : memref<4096xf32, #tpu.memory_space<vmem>> -> memref<2584xf32, #tpu.memory_space<vmem>>
        %dma_wait3A_539 = tpu.memref_slice %arg3[%multiple_of3A_512] : memref<1000000xf32, #tpu.memory_space<hbm>> -> memref<2584xf32, #tpu.memory_space<hbm>>
        %dma_wait3A_540 = tpu.memref_slice %arg3[%multiple_of3A_512] : memref<1000000xf32, #tpu.memory_space<hbm>> -> memref<2584xf32, #tpu.memory_space<hbm>>
        %dma_wait3A_541 = arith.constant 0 : i32
        %dma_wait3A_542 = tpu.memref_slice %arg12[%dma_wait3A_541] : memref<4096xf32, #tpu.memory_space<vmem>> -> memref<2584xf32, #tpu.memory_space<vmem>>
        tpu.wait_dma2 semaphore(%run_scoped3A : memref<!tpu.dma_semaphore, #tpu.memory_space<semaphore_mem>>) src(%dma_wait3A_542 : memref<2584xf32, #tpu.memory_space<vmem>>) dst(%dma_wait3A_540 : memref<2584xf32, #tpu.memory_space<hbm>>)
        tpu.yield
      }) : () -> ()
    } else {
    }
    %eq3A_505 = arith.constant 15 : i32
    %eq3A_506 = arith.cmpi eq, %arg1, %eq3A_505 : i32
    %convert_element_type3A_507 = arith.extui %eq3A_506 : i1 to i32
    %cond3A_508 = arith.constant 0 : i32
    %cond3A_509 = arith.cmpi ne, %convert_element_type3A_507, %cond3A_508 : i32
    scf.if %cond3A_509 {
      %add3A_510 = arith.constant 28672 : i32
      %add3A_511 = arith.addi %multiple_of3A_289, %add3A_510 : i32
      %multiple_of3A_512 = tpu.assume_multiple %add3A_511, 8 : i32
      "tpu.region"() ({
        %run_scoped3A = tpu.sem_alloc : memref<!tpu.dma_semaphore, #tpu.memory_space<semaphore_mem>>
        %dma_start3A_557 = arith.constant 16 : i32
        %dma_start3A_558 = tpu.memref_slice %arg5[%dma_start3A_557] : memref<8192xi32, #tpu.memory_space<vmem>> -> memref<2488xi32, #tpu.memory_space<vmem>>
        %dma_start3A_559 = tpu.memref_slice %arg2[%multiple_of3A_512] : memref<1000000xi32, #tpu.memory_space<hbm>> -> memref<2488xi32, #tpu.memory_space<hbm>>
        %dma_start3A_560 = arith.constant 16 : i32
        %dma_start3A_561 = tpu.memref_slice %arg5[%dma_start3A_560] : memref<8192xi32, #tpu.memory_space<vmem>> -> memref<2488xi32, #tpu.memory_space<vmem>>
        %dma_start3A_562 = tpu.memref_slice %arg2[%multiple_of3A_512] : memref<1000000xi32, #tpu.memory_space<hbm>> -> memref<2488xi32, #tpu.memory_space<hbm>>
        tpu.enqueue_dma source(%dma_start3A_562 : memref<2488xi32, #tpu.memory_space<hbm>>) target(%dma_start3A_561 : memref<2488xi32, #tpu.memory_space<vmem>>) target_semaphore(%run_scoped3A : memref<!tpu.dma_semaphore, #tpu.memory_space<semaphore_mem>>)
        %dma_wait3A_563 = arith.constant 16 : i32
        %dma_wait3A_564 = tpu.memref_slice %arg5[%dma_wait3A_563] : memref<8192xi32, #tpu.memory_space<vmem>> -> memref<2488xi32, #tpu.memory_space<vmem>>
        %dma_wait3A_565 = tpu.memref_slice %arg2[%multiple_of3A_512] : memref<1000000xi32, #tpu.memory_space<hbm>> -> memref<2488xi32, #tpu.memory_space<hbm>>
        %dma_wait3A_566 = arith.constant 16 : i32
        %dma_wait3A_567 = tpu.memref_slice %arg5[%dma_wait3A_566] : memref<8192xi32, #tpu.memory_space<vmem>> -> memref<2488xi32, #tpu.memory_space<vmem>>
        %dma_wait3A_568 = tpu.memref_slice %arg2[%multiple_of3A_512] : memref<1000000xi32, #tpu.memory_space<hbm>> -> memref<2488xi32, #tpu.memory_space<hbm>>
        tpu.wait_dma2 semaphore(%run_scoped3A : memref<!tpu.dma_semaphore, #tpu.memory_space<semaphore_mem>>) src(%dma_wait3A_568 : memref<2488xi32, #tpu.memory_space<hbm>>) dst(%dma_wait3A_567 : memref<2488xi32, #tpu.memory_space<vmem>>)
        tpu.yield
      }) : () -> ()
      %scan3A_513 = arith.constant 0 : i32
      %scan3A_514 = arith.constant 0 : i32
      %scan3A_515 = arith.constant 152 : i32
      %scan3A_516 = arith.addi %scan3A_514, %scan3A_515 : i32
      %scan3A_517 = arith.constant 4 : i32
      scf.for %scan3A_557 = %scan3A_514 to %scan3A_516 step %scan3A_517  : i32 {
        %mul3A_558 = arith.constant 16 : i32
        %mul3A_559 = arith.muli %scan3A_557, %mul3A_558 : i32
        %add3A_560 = arith.constant 16 : i32
        %add3A_561 = arith.addi %add3A_560, %mul3A_559 : i32
        %get3A_562 = arith.index_cast %add3A_561 : i32 to index
        %get3A_563 = tpu.vector_load %arg5[%get3A_562] {strides = array<i32>} : memref<8192xi32, #tpu.memory_space<vmem>>, vector<16xi32>,
        %gather3A_564 = tpu.vector_load_idx %arg11[%get3A_563] : memref<20000xf32, #tpu.memory_space<vmem>>[vector<16xi32>], vector<16xf32>,
        %mul3A_565 = arith.constant 16 : i32
        %mul3A_566 = arith.muli %scan3A_557, %mul3A_565 : i32
        %swap3A_567 = arith.index_cast %mul3A_566 : i32 to index
        %swap3A_568 = tpu.vector_load %arg12[%swap3A_567] {strides = array<i32>} : memref<4096xf32, #tpu.memory_space<vmem>>, vector<16xf32>,
        tpu.vector_store %arg12[%swap3A_567], %gather3A_564 {strides = array<i32>} : memref<4096xf32, #tpu.memory_space<vmem>>, vector<16xf32>,
        %scan3A_569 = arith.constant 1 : i32
        %scan3A_570 = arith.addi %scan3A_557, %scan3A_569 : i32
        %mul3A_571 = arith.constant 16 : i32
        %mul3A_572 = arith.muli %scan3A_570, %mul3A_571 : i32
        %add3A_573 = arith.constant 16 : i32
        %add3A_574 = arith.addi %add3A_573, %mul3A_572 : i32
        %get3A_575 = arith.index_cast %add3A_574 : i32 to index
        %get3A_576 = tpu.vector_load %arg5[%get3A_575] {strides = array<i32>} : memref<8192xi32, #tpu.memory_space<vmem>>, vector<16xi32>,
        %gather3A_577 = tpu.vector_load_idx %arg11[%get3A_576] : memref<20000xf32, #tpu.memory_space<vmem>>[vector<16xi32>], vector<16xf32>,
        %mul3A_578 = arith.constant 16 : i32
        %mul3A_579 = arith.muli %scan3A_570, %mul3A_578 : i32
        %swap3A_580 = arith.index_cast %mul3A_579 : i32 to index
        %swap3A_581 = tpu.vector_load %arg12[%swap3A_580] {strides = array<i32>} : memref<4096xf32, #tpu.memory_space<vmem>>, vector<16xf32>,
        tpu.vector_store %arg12[%swap3A_580], %gather3A_577 {strides = array<i32>} : memref<4096xf32, #tpu.memory_space<vmem>>, vector<16xf32>,
        %scan3A_582 = arith.constant 2 : i32
        %scan3A_583 = arith.addi %scan3A_557, %scan3A_582 : i32
        %mul3A_584 = arith.constant 16 : i32
        %mul3A_585 = arith.muli %scan3A_583, %mul3A_584 : i32
        %add3A_586 = arith.constant 16 : i32
        %add3A_587 = arith.addi %add3A_586, %mul3A_585 : i32
        %get3A_588 = arith.index_cast %add3A_587 : i32 to index
        %get3A_589 = tpu.vector_load %arg5[%get3A_588] {strides = array<i32>} : memref<8192xi32, #tpu.memory_space<vmem>>, vector<16xi32>,
        %gather3A_590 = tpu.vector_load_idx %arg11[%get3A_589] : memref<20000xf32, #tpu.memory_space<vmem>>[vector<16xi32>], vector<16xf32>,
        %mul3A_591 = arith.constant 16 : i32
        %mul3A_592 = arith.muli %scan3A_583, %mul3A_591 : i32
        %swap3A_593 = arith.index_cast %mul3A_592 : i32 to index
        %swap3A_594 = tpu.vector_load %arg12[%swap3A_593] {strides = array<i32>} : memref<4096xf32, #tpu.memory_space<vmem>>, vector<16xf32>,
        tpu.vector_store %arg12[%swap3A_593], %gather3A_590 {strides = array<i32>} : memref<4096xf32, #tpu.memory_space<vmem>>, vector<16xf32>,
        %scan3A_595 = arith.constant 3 : i32
        %scan3A_596 = arith.addi %scan3A_557, %scan3A_595 : i32
        %mul3A_597 = arith.constant 16 : i32
        %mul3A_598 = arith.muli %scan3A_596, %mul3A_597 : i32
        %add3A_599 = arith.constant 16 : i32
        %add3A_600 = arith.addi %add3A_599, %mul3A_598 : i32
        %get3A_601 = arith.index_cast %add3A_600 : i32 to index
        %get3A_602 = tpu.vector_load %arg5[%get3A_601] {strides = array<i32>} : memref<8192xi32, #tpu.memory_space<vmem>>, vector<16xi32>,
        %gather3A_603 = tpu.vector_load_idx %arg11[%get3A_602] : memref<20000xf32, #tpu.memory_space<vmem>>[vector<16xi32>], vector<16xf32>,
        %mul3A_604 = arith.constant 16 : i32
        %mul3A_605 = arith.muli %scan3A_596, %mul3A_604 : i32
        %swap3A_606 = arith.index_cast %mul3A_605 : i32 to index
        %swap3A_607 = tpu.vector_load %arg12[%swap3A_606] {strides = array<i32>} : memref<4096xf32, #tpu.memory_space<vmem>>, vector<16xf32>,
        tpu.vector_store %arg12[%swap3A_606], %gather3A_603 {strides = array<i32>} : memref<4096xf32, #tpu.memory_space<vmem>>, vector<16xf32>,
      }
      %scan3A_518 = arith.constant 152 : i32
      %scan3A_519 = arith.addi %scan3A_514, %scan3A_518 : i32
      %mul3A_520 = arith.constant 16 : i32
      %mul3A_521 = arith.muli %scan3A_519, %mul3A_520 : i32
      %add3A_522 = arith.constant 16 : i32
      %add3A_523 = arith.addi %add3A_522, %mul3A_521 : i32
      %get3A_524 = arith.index_cast %add3A_523 : i32 to index
      %get3A_525 = tpu.vector_load %arg5[%get3A_524] {strides = array<i32>} : memref<8192xi32, #tpu.memory_space<vmem>>, vector<16xi32>,
      %gather3A = tpu.vector_load_idx %arg11[%get3A_525] : memref<20000xf32, #tpu.memory_space<vmem>>[vector<16xi32>], vector<16xf32>,
      %mul3A_526 = arith.constant 16 : i32
      %mul3A_527 = arith.muli %scan3A_519, %mul3A_526 : i32
      %swap3A_528 = arith.index_cast %mul3A_527 : i32 to index
      %swap3A_529 = tpu.vector_load %arg12[%swap3A_528] {strides = array<i32>} : memref<4096xf32, #tpu.memory_space<vmem>>, vector<16xf32>,
      tpu.vector_store %arg12[%swap3A_528], %gather3A {strides = array<i32>} : memref<4096xf32, #tpu.memory_space<vmem>>, vector<16xf32>,
      %scan3A_530 = arith.constant 153 : i32
      %scan3A_531 = arith.addi %scan3A_514, %scan3A_530 : i32
      %mul3A_532 = arith.constant 16 : i32
      %mul3A_533 = arith.muli %scan3A_531, %mul3A_532 : i32
      %add3A_534 = arith.constant 16 : i32
      %add3A_535 = arith.addi %add3A_534, %mul3A_533 : i32
      %get3A_536 = arith.index_cast %add3A_535 : i32 to index
      %get3A_537 = tpu.vector_load %arg5[%get3A_536] {strides = array<i32>} : memref<8192xi32, #tpu.memory_space<vmem>>, vector<16xi32>,
      %gather3A_538 = tpu.vector_load_idx %arg11[%get3A_537] : memref<20000xf32, #tpu.memory_space<vmem>>[vector<16xi32>], vector<16xf32>,
      %mul3A_539 = arith.constant 16 : i32
      %mul3A_540 = arith.muli %scan3A_531, %mul3A_539 : i32
      %swap3A_541 = arith.index_cast %mul3A_540 : i32 to index
      %swap3A_542 = tpu.vector_load %arg12[%swap3A_541] {strides = array<i32>} : memref<4096xf32, #tpu.memory_space<vmem>>, vector<16xf32>,
      tpu.vector_store %arg12[%swap3A_541], %gather3A_538 {strides = array<i32>} : memref<4096xf32, #tpu.memory_space<vmem>>, vector<16xf32>,
      %scan3A_543 = arith.constant 154 : i32
      %scan3A_544 = arith.addi %scan3A_514, %scan3A_543 : i32
      %mul3A_545 = arith.constant 16 : i32
      %mul3A_546 = arith.muli %scan3A_544, %mul3A_545 : i32
      %add3A_547 = arith.constant 16 : i32
      %add3A_548 = arith.addi %add3A_547, %mul3A_546 : i32
      %get3A_549 = arith.index_cast %add3A_548 : i32 to index
      %get3A_550 = tpu.vector_load %arg5[%get3A_549] {strides = array<i32>} : memref<8192xi32, #tpu.memory_space<vmem>>, vector<16xi32>,
      %gather3A_551 = tpu.vector_load_idx %arg11[%get3A_550] : memref<20000xf32, #tpu.memory_space<vmem>>[vector<16xi32>], vector<16xf32>,
      %mul3A_552 = arith.constant 16 : i32
      %mul3A_553 = arith.muli %scan3A_544, %mul3A_552 : i32
      %swap3A_554 = arith.index_cast %mul3A_553 : i32 to index
      %swap3A_555 = tpu.vector_load %arg12[%swap3A_554] {strides = array<i32>} : memref<4096xf32, #tpu.memory_space<vmem>>, vector<16xf32>,
      tpu.vector_store %arg12[%swap3A_554], %gather3A_551 {strides = array<i32>} : memref<4096xf32, #tpu.memory_space<vmem>>, vector<16xf32>,
      %scan3A_556 = arith.constant 155 : i32
      "tpu.region"() ({
        %run_scoped3A = tpu.sem_alloc : memref<!tpu.dma_semaphore, #tpu.memory_space<semaphore_mem>>
        %dma_start3A_557 = arith.constant 0 : i32
        %dma_start3A_558 = tpu.memref_slice %arg12[%dma_start3A_557] : memref<4096xf32, #tpu.memory_space<vmem>> -> memref<2488xf32, #tpu.memory_space<vmem>>
        %dma_start3A_559 = tpu.memref_slice %arg3[%multiple_of3A_512] : memref<1000000xf32, #tpu.memory_space<hbm>> -> memref<2488xf32, #tpu.memory_space<hbm>>
        %dma_start3A_560 = tpu.memref_slice %arg3[%multiple_of3A_512] : memref<1000000xf32, #tpu.memory_space<hbm>> -> memref<2488xf32, #tpu.memory_space<hbm>>
        %dma_start3A_561 = arith.constant 0 : i32
        %dma_start3A_562 = tpu.memref_slice %arg12[%dma_start3A_561] : memref<4096xf32, #tpu.memory_space<vmem>> -> memref<2488xf32, #tpu.memory_space<vmem>>
        tpu.enqueue_dma source(%dma_start3A_562 : memref<2488xf32, #tpu.memory_space<vmem>>) target(%dma_start3A_560 : memref<2488xf32, #tpu.memory_space<hbm>>) target_semaphore(%run_scoped3A : memref<!tpu.dma_semaphore, #tpu.memory_space<semaphore_mem>>)
        %dma_wait3A_563 = arith.constant 0 : i32
        %dma_wait3A_564 = tpu.memref_slice %arg12[%dma_wait3A_563] : memref<4096xf32, #tpu.memory_space<vmem>> -> memref<2488xf32, #tpu.memory_space<vmem>>
        %dma_wait3A_565 = tpu.memref_slice %arg3[%multiple_of3A_512] : memref<1000000xf32, #tpu.memory_space<hbm>> -> memref<2488xf32, #tpu.memory_space<hbm>>
        %dma_wait3A_566 = tpu.memref_slice %arg3[%multiple_of3A_512] : memref<1000000xf32, #tpu.memory_space<hbm>> -> memref<2488xf32, #tpu.memory_space<hbm>>
        %dma_wait3A_567 = arith.constant 0 : i32
        %dma_wait3A_568 = tpu.memref_slice %arg12[%dma_wait3A_567] : memref<4096xf32, #tpu.memory_space<vmem>> -> memref<2488xf32, #tpu.memory_space<vmem>>
        tpu.wait_dma2 semaphore(%run_scoped3A : memref<!tpu.dma_semaphore, #tpu.memory_space<semaphore_mem>>) src(%dma_wait3A_568 : memref<2488xf32, #tpu.memory_space<vmem>>) dst(%dma_wait3A_566 : memref<2488xf32, #tpu.memory_space<hbm>>)
        tpu.yield
      }) : () -> ()
    } else {
    }
    "tpu.trace_stop"() : () -> ()
    return
  }
}

module attributes {stable_mosaic.version = 14 : i64} {
  func.func @_tc_loss_kernel(%arg0: i32, %arg1: memref<1x3x32768xf32, #tpu.memory_space<vmem>>, %arg2: memref<1x3x32768xf32, #tpu.memory_space<vmem>>, %arg3: memref<1x3x32768xf32, #tpu.memory_space<vmem>>, %arg4: memref<1x3x32768xf32, #tpu.memory_space<vmem>>, %arg5: memref<3x32768xf32, #tpu.memory_space<vmem>>, %arg6: memref<32768xf32, #tpu.memory_space<vmem>>, %arg7: memref<1x1xf32, #tpu.memory_space<vmem>>, %arg8: memref<3x32768xf32, #tpu.memory_space<vmem>>) attributes {dimension_semantics = [#tpu.dimension_semantics<arbitrary>], iteration_bounds = array<i64: 31>, scalar_prefetch = 0 : i64, scratch_operands = 1 : i64, tpu.core_type = #tpu.core_type<tc>, window_params = [{transform_indices = @transform_0, window_bounds = array<i64: 1, 3, 32768>}, {transform_indices = @transform_1, window_bounds = array<i64: 1, 3, 32768>}, {transform_indices = @transform_2, window_bounds = array<i64: 1, 3, 32768>}, {transform_indices = @transform_3, window_bounds = array<i64: 1, 3, 32768>}, {transform_indices = @transform_4, window_bounds = array<i64: 3, 32768>}, {transform_indices = @transform_5, window_bounds = array<i64: 32768>}, {pipeline_mode = #tpu.pipeline_mode<synchronous>, transform_indices = @transform_6, window_bounds = array<i64: 1, 1>}]} {
    %get3A = arith.constant 0 : index
    %get3A_0 = arith.constant 0 : index
    %get3A_1 = vector.load %arg5[%get3A, %get3A_0] : memref<3x32768xf32, #tpu.memory_space<vmem>>, vector<3x32768xf32>
    %get3A_2 = arith.constant 0 : index
    %get3A_3 = arith.constant 0 : index
    %get3A_4 = arith.constant 0 : index
    %get3A_5 = vector.load %arg1[%get3A_2, %get3A_3, %get3A_4] : memref<1x3x32768xf32, #tpu.memory_space<vmem>>, vector<1x3x32768xf32>
    %reshape3A = vector.shape_cast %get3A_5 : vector<1x3x32768xf32> to vector<3x32768xf32>
    %sub3A = arith.subf %reshape3A, %get3A_1 : vector<3x32768xf32>
    %square3A = arith.mulf %sub3A, %sub3A : vector<3x32768xf32>
    %mul3A = arith.constant 0.135412559 : f32
    %mul3A_6 = vector.broadcast %mul3A : f32 to vector<3x32768xf32>
    %mul3A_7 = arith.mulf %mul3A_6, %square3A : vector<3x32768xf32>
    %get3A_8 = arith.constant 0 : index
    %get3A_9 = arith.constant 0 : index
    %get3A_10 = arith.constant 0 : index
    %get3A_11 = vector.load %arg2[%get3A_8, %get3A_9, %get3A_10] : memref<1x3x32768xf32, #tpu.memory_space<vmem>>, vector<1x3x32768xf32>
    %reshape3A_12 = vector.shape_cast %get3A_11 : vector<1x3x32768xf32> to vector<3x32768xf32>
    %sub3A_13 = arith.subf %reshape3A_12, %get3A_1 : vector<3x32768xf32>
    %square3A_14 = arith.mulf %sub3A_13, %sub3A_13 : vector<3x32768xf32>
    %mul3A_15 = arith.constant 0.193446502 : f32
    %mul3A_16 = vector.broadcast %mul3A_15 : f32 to vector<3x32768xf32>
    %mul3A_17 = arith.mulf %mul3A_16, %square3A_14 : vector<3x32768xf32>
    %add3A = arith.addf %mul3A_7, %mul3A_17 : vector<3x32768xf32>
    %get3A_18 = arith.constant 0 : index
    %get3A_19 = arith.constant 0 : index
    %get3A_20 = arith.constant 0 : index
    %get3A_21 = vector.load %arg3[%get3A_18, %get3A_19, %get3A_20] : memref<1x3x32768xf32, #tpu.memory_space<vmem>>, vector<1x3x32768xf32>
    %reshape3A_22 = vector.shape_cast %get3A_21 : vector<1x3x32768xf32> to vector<3x32768xf32>
    %sub3A_23 = arith.subf %reshape3A_22, %get3A_1 : vector<3x32768xf32>
    %square3A_24 = arith.mulf %sub3A_23, %sub3A_23 : vector<3x32768xf32>
    %mul3A_25 = arith.constant 0.276352137 : f32
    %mul3A_26 = vector.broadcast %mul3A_25 : f32 to vector<3x32768xf32>
    %mul3A_27 = arith.mulf %mul3A_26, %square3A_24 : vector<3x32768xf32>
    %add3A_28 = arith.addf %add3A, %mul3A_27 : vector<3x32768xf32>
    %get3A_29 = arith.constant 0 : index
    %get3A_30 = arith.constant 0 : index
    %get3A_31 = arith.constant 0 : index
    %get3A_32 = vector.load %arg4[%get3A_29, %get3A_30, %get3A_31] : memref<1x3x32768xf32, #tpu.memory_space<vmem>>, vector<1x3x32768xf32>
    %reshape3A_33 = vector.shape_cast %get3A_32 : vector<1x3x32768xf32> to vector<3x32768xf32>
    %sub3A_34 = arith.subf %reshape3A_33, %get3A_1 : vector<3x32768xf32>
    %square3A_35 = arith.mulf %sub3A_34, %sub3A_34 : vector<3x32768xf32>
    %mul3A_36 = arith.constant 0.394788802 : f32
    %mul3A_37 = vector.broadcast %mul3A_36 : f32 to vector<3x32768xf32>
    %mul3A_38 = arith.mulf %mul3A_37, %square3A_35 : vector<3x32768xf32>
    %add3A_39 = arith.addf %add3A_28, %mul3A_38 : vector<3x32768xf32>
    %get3A_40 = arith.constant 0 : index
    %get3A_41 = vector.load %arg6[%get3A_40] : memref<32768xf32, #tpu.memory_space<vmem>>, vector<32768xf32>
    %reshape3A_42 = vector.shape_cast %get3A_41 : vector<32768xf32> to vector<1x32768xf32>
    %mul3A_43 = vector.broadcast %reshape3A_42 : vector<1x32768xf32> to vector<3x32768xf32>
    %mul3A_44 = arith.mulf %add3A_39, %mul3A_43 : vector<3x32768xf32>
    %eq3A = arith.constant 0 : i32
    %eq3A_45 = arith.cmpi eq, %arg0, %eq3A : i32
    %convert_element_type3A = arith.extui %eq3A_45 : i1 to i32
    %cond3A = arith.constant 0 : i32
    %cond3A_46 = arith.cmpi ne, %convert_element_type3A, %cond3A : i32
    scf.if %cond3A_46 {
      %broadcast_in_dim3A = arith.constant 0.000000e+00 : f32
      %broadcast_in_dim3A_56 = vector.broadcast %broadcast_in_dim3A : f32 to vector<3x32768xf32>
      %swap3A = arith.constant 0 : index
      %swap3A_57 = arith.constant 0 : index
      %swap3A_58 = vector.load %arg8[%swap3A, %swap3A_57] : memref<3x32768xf32, #tpu.memory_space<vmem>>, vector<3x32768xf32>
      tpu.vector_store %arg8[%swap3A, %swap3A_57], %broadcast_in_dim3A_56 {strides = array<i32>} : memref<3x32768xf32, #tpu.memory_space<vmem>>, vector<3x32768xf32>,
    } else {
    }
    %lt3A = arith.constant 30 : i32
    %lt3A_47 = arith.cmpi slt, %arg0, %lt3A : i32
    %convert_element_type3A_48 = arith.extui %lt3A_47 : i1 to i32
    %cond3A_49 = arith.constant 0 : i32
    %cond3A_50 = arith.cmpi ne, %convert_element_type3A_48, %cond3A_49 : i32
    scf.if %cond3A_50 {
      %get3A_56 = arith.constant 0 : index
      %get3A_57 = arith.constant 0 : index
      %get3A_58 = vector.load %arg8[%get3A_56, %get3A_57] : memref<3x32768xf32, #tpu.memory_space<vmem>>, vector<3x32768xf32>
      %add3A_59 = arith.addf %get3A_58, %mul3A_44 : vector<3x32768xf32>
      %swap3A = arith.constant 0 : index
      %swap3A_60 = arith.constant 0 : index
      %swap3A_61 = vector.load %arg8[%swap3A, %swap3A_60] : memref<3x32768xf32, #tpu.memory_space<vmem>>, vector<3x32768xf32>
      tpu.vector_store %arg8[%swap3A, %swap3A_60], %add3A_59 {strides = array<i32>} : memref<3x32768xf32, #tpu.memory_space<vmem>>, vector<3x32768xf32>,
    } else {
    }
    %eq3A_51 = arith.constant 30 : i32
    %eq3A_52 = arith.cmpi eq, %arg0, %eq3A_51 : i32
    %convert_element_type3A_53 = arith.extui %eq3A_52 : i1 to i32
    %cond3A_54 = arith.constant 0 : i32
    %cond3A_55 = arith.cmpi ne, %convert_element_type3A_53, %cond3A_54 : i32
    scf.if %cond3A_55 {
      %mul3A_56 = arith.constant 32768 : i32
      %mul3A_57 = arith.muli %arg0, %mul3A_56 : i32
      %iota3A = tpu.iota {dimensions = array<i32: 1>} : vector<1x32768xi32>
      %add3A_58 = vector.broadcast %mul3A_57 : i32 to vector<1x32768xi32>
      %add3A_59 = arith.addi %add3A_58, %iota3A : vector<1x32768xi32>
      %get3A_60 = arith.constant 0 : index
      %get3A_61 = arith.constant 0 : index
      %get3A_62 = vector.load %arg8[%get3A_60, %get3A_61] : memref<3x32768xf32, #tpu.memory_space<vmem>>, vector<3x32768xf32>
      %lt3A_63 = arith.constant 1000000 : i32
      %lt3A_64 = vector.broadcast %lt3A_63 : i32 to vector<1x32768xi32>
      %lt3A_65 = arith.cmpi slt, %add3A_59, %lt3A_64 : vector<1x32768xi32>
      %jit3A = arith.constant 0.000000e+00 : f32
      %broadcast_in_dim3A = vector.shape_cast %lt3A_65 : vector<1x32768xi1> to vector<1x32768xi1>
      %broadcast_in_dim3A_66 = vector.broadcast %broadcast_in_dim3A : vector<1x32768xi1> to vector<3x32768xi1>
      %broadcast_in_dim3A_67 = vector.broadcast %jit3A : f32 to vector<3x32768xf32>
      %select_n3A = arith.select %broadcast_in_dim3A_66, %mul3A_44, %broadcast_in_dim3A_67 : vector<3x32768xi1>, vector<3x32768xf32>
      %add3A_68 = arith.addf %get3A_62, %select_n3A : vector<3x32768xf32>
      %swap3A = arith.constant 0 : index
      %swap3A_69 = arith.constant 0 : index
      %swap3A_70 = vector.load %arg8[%swap3A, %swap3A_69] : memref<3x32768xf32, #tpu.memory_space<vmem>>, vector<3x32768xf32>
      tpu.vector_store %arg8[%swap3A, %swap3A_69], %add3A_68 {strides = array<i32>} : memref<3x32768xf32, #tpu.memory_space<vmem>>, vector<3x32768xf32>,
      %get3A_71 = arith.constant 0 : index
      %get3A_72 = arith.constant 0 : index
      %get3A_73 = vector.load %arg8[%get3A_71, %get3A_72] : memref<3x32768xf32, #tpu.memory_space<vmem>>, vector<3x32768xf32>
      %reduce_sum3A = vector.shape_cast %get3A_73 : vector<3x32768xf32> to vector<1x3x32768xf32>
      %reduce_sum3A_74 = arith.constant dense<0.000000e+00> : vector<1xf32>
      %reduce_sum3A_75 = vector.multi_reduction <add>, %reduce_sum3A, %reduce_sum3A_74 [1, 2] : vector<1x3x32768xf32> to vector<1xf32>
      %reduce_sum3A_76 = vector.shape_cast %reduce_sum3A_75 : vector<1xf32> to vector<1x1x1xf32>
      %reduce_sum3A_77 = vector.extract %reduce_sum3A_76[0, 0, 0] : f32 from vector<1x1x1xf32>
      %reshape3A_78 = vector.broadcast %reduce_sum3A_77 : f32 to vector<1x1xf32>
      %swap3A_79 = arith.constant 0 : index
      %swap3A_80 = arith.constant 0 : index
      %swap3A_81 = vector.load %arg7[%swap3A_79, %swap3A_80] : memref<1x1xf32, #tpu.memory_space<vmem>>, vector<1x1xf32>
      tpu.vector_store %arg7[%swap3A_79, %swap3A_80], %reshape3A_78 {strides = array<i32>} : memref<1x1xf32, #tpu.memory_space<vmem>>, vector<1x1xf32>,
    } else {
    }
    return
  }
  func.func @transform_0(%arg0: i32) -> (i32, i32, i32) {
    %c1_i32 = arith.constant 1 : i32
    %c0_i32 = arith.constant 0 : i32
    %c0_i32_0 = arith.constant 0 : i32
    return %c1_i32, %c0_i32, %arg0 : i32, i32, i32
  }
  func.func @transform_1(%arg0: i32) -> (i32, i32, i32) {
    %c2_i32 = arith.constant 2 : i32
    %c0_i32 = arith.constant 0 : i32
    %c0_i32_0 = arith.constant 0 : i32
    return %c2_i32, %c0_i32, %arg0 : i32, i32, i32
  }
  func.func @transform_2(%arg0: i32) -> (i32, i32, i32) {
    %c3_i32 = arith.constant 3 : i32
    %c0_i32 = arith.constant 0 : i32
    %c0_i32_0 = arith.constant 0 : i32
    return %c3_i32, %c0_i32, %arg0 : i32, i32, i32
  }
  func.func @transform_3(%arg0: i32) -> (i32, i32, i32) {
    %c4_i32 = arith.constant 4 : i32
    %c0_i32 = arith.constant 0 : i32
    %c0_i32_0 = arith.constant 0 : i32
    return %c4_i32, %c0_i32, %arg0 : i32, i32, i32
  }
  func.func @transform_4(%arg0: i32) -> (i32, i32) {
    %c0_i32 = arith.constant 0 : i32
    %c0_i32_0 = arith.constant 0 : i32
    return %c0_i32, %arg0 : i32, i32
  }
  func.func @transform_5(%arg0: i32) -> i32 {
    %c0_i32 = arith.constant 0 : i32
    return %arg0 : i32
  }
  func.func @transform_6(%arg0: i32) -> (i32, i32) {
    %c0_i32 = arith.constant 0 : i32
    %c0_i32_0 = arith.constant 0 : i32
    %c0_i32_1 = arith.constant 0 : i32
    return %c0_i32, %c0_i32_0 : i32, i32
  }
}

</mosaic_0001>

<sc_bundles>
// kernel: kernel.4.cloned.1.call-start
scs
__scs_entry_jumppad:
0x0: {  	(pc) =	sbr.rel $0x88, $3  }
0x1: {  	(tag) =	ssettag $0x0;
	lr =	simm.s32 $0x1  }
0x2: {  	[smem:$0x3F9E] =	sst lr;
	_ =	strace $0xD0000000  }
0x3: {  	_ = 	snop  }
0x4: {  	_ = 	snop  }
0x5: {  	_ = 	snop  }
0x6: {  	_ = 	snop  }
0x7: {  	_ = 	snop  }
__scs_overlays_trampoline_lowered:
0x8: {  	[smem:$0x3FAD] =	sst s0  }
0x9: {  	[smem:$0x3FAE] =	sst s1  }
0xa: {  	[smem:$0x3FAF] =	sst s2  }
0xb: {  	[smem:$0x3FB0] =	sst s3  }
0xc: {  	[smem:$0x3FB1] =	sst s4  }
0xd: {  	[smem:$0x3FB2] =	sst s5  }
0xe: {  	[smem:$0x3FB3] =	sst s6  }
0xf: {  	[smem:$0x3FB4] =	sst s7  }
0x10: {  	[smem:$0x3FB5] =	sst s8  }
0x11: {  	[smem:$0x3FB6] =	sst s9;
	s0 =	simm.s32 @!p0 $0x0  }
0x12: {  	s1 =	sld [smem:$0x3F9C];
	s0 =	simm.s32 @p0 $0x1  }
0x13: {  	[smem:$0x3FB7] =	sst s0;
	s0 =	simm.s32 @!p1 $0x0  }
0x14: {  	s2 =	sld [smem:$0x3F9B];
	s0 =	simm.s32 @p1 $0x1  }
0x15: {  	[smem:$0x3FB8] =	sst s0;
	s0 =	simm.s32 @!p2 $0x0  }
0x16: {  	s3 =	sld [smem:$0x3FDB];
	s0 =	simm.s32 @p2 $0x1  }
0x17: {  	s4 =	simm.s32 $0x1BF5;
	[smem:$0x3FBA] =	sst s0  }
0x18: {  	s0 =	sld [smem:$0x3F9D];
	_ =	swait.ge [sflag:s4], $0x0  }
0x19: {  	s7 =	sld [smem:$0x3F9E]  }
0x1a: {  	s8 =	sadd.s32 $0xFFFFE003, lr  }
0x1b: {  	s9 =	sadd.s32 $0xFFFFFEF7, lr;
	s5 =	simm.s32 $0xFFFFFFFF;
	p2 =	slt.u32 s8, $0xFFFFF086  }
0x1c: {  	p1 =	slt.u32 s9, $0xF7A;
	s5 =	simm.s32 @!p2 $0x0  }
0x1d: {  	s5 =	simm.s32 @p1 $0x1;
	p0 =	seq.s32 s7, s2  }
0x1e: {  	s7 =	smul.u32 @!p0 $0xF7A, s2;
	p2 =	seq.s32 @!p0 s5, $0x0  }
0x1f: {  	s9 =	smul.u32 $0xF7A, s1;
	s8 =	simm.s32 @!p0 $0x1BF5;
	p2 =	por !p2, p0  }
0x20: {  	[sflag:s8] =	ssyncset.s32 @!p0 $0xFFFFF086;
	s6 =	sadd.s32 @!p0 s3, s7;
	s7 =	simm.s32 @!p0 $0x108  }
0x21: {  	s3 =	sadd.s32 s3, s9;
	s6 =	sadd.s32 @!p0 $0x88, s6;
	s7 =	simm.s32 @p2 $0x1082  }
0x22: {  	[simem:s7], [sflag:s8] =	dma.local @!p0 [hbm:s6], $0xF7A  }
0x23: {  	s9 =	sor.u32 $0xD0000000, s2;
	s6 =	simm.s32 $0x108;
	_ =	swait.ge @!p0 [sflag:s8], $0x0  }
0x24: {  	s3 =	sadd.s32 $0x88, s3;
	s6 =	simm.s32 @!p1 $0x1082;
	[sflag:s4] =	ssyncset.s32 $0xFFFFF086  }
0x25: {  	[simem:s6], [sflag:s4] =	dma.local [hbm:s3], $0xF7A  }
0x26: {  	[smem:$0x3F9E] =	sst s1;
	(tag) =	ssettag s2;
	_ =	strace s9  }
0x27: {  	s1 =	sld [smem:$0x3FAE]  }
0x28: {  	s2 =	sld [smem:$0x3FAF]  }
0x29: {  	s4 =	sld [smem:$0x3FB1]  }
0x2a: {  	p0 =	seq.s32 s5, $0x0;
	s5 =	sld [smem:$0x3FB2]  }
0x2b: {  	s6 =	sld [smem:$0x3FB3]  }
0x2c: {  	s7 =	sld [smem:$0x3FB4]  }
0x2d: {  	s3 =	simm.s32 $0x108;
	s8 =	sld [smem:$0x3FB5]  }
0x2e: {  	s3 =	simm.s32 @!p0 $0x1082;
	s9 =	sld [smem:$0x3FB6]  }
0x2f: {  	lr =	sadd.s32 s0, s3;
	s0 =	sld [smem:$0x3FAD]  }
0x30: {  	s3 =	sld [smem:$0x3FB0]  }
0x31: {  	[smem:$0x3FB9] =	sst s10  }
0x32: {  	s10 =	sld [smem:$0x3FB7];
	_ =	sdelay $0x3  }
0x33: {  	p0 =	seq.s32 s10, $0x1;
	s10 =	sld [smem:$0x3FB9];
	_ =	sdelay $0x3  }
0x34: {  	[smem:$0x3FB9] =	sst s10  }
0x35: {  	s10 =	sld [smem:$0x3FB8];
	_ =	sdelay $0x3  }
0x36: {  	p1 =	seq.s32 s10, $0x1;
	s10 =	sld [smem:$0x3FB9];
	_ =	sdelay $0x3  }
0x37: {  	[smem:$0x3FB9] =	sst s10  }
0x38: {  	s10 =	sld [smem:$0x3FBA]  }
0x39: {  	_ = 	snop;
	(pc) =	sbr.ind lr, $3  }
0x3a: {  	_ = 	snop  }
0x3b: {  	_ = 	snop  }
0x3c: {  	p2 =	seq.s32 s10, $0x1;
	s10 =	sld [smem:$0x3FB9]  }
0x3d: {  	_ =	shalt  }
0x3e: {  	_ =	shalt  }
0x3f: {  	_ =	shalt  }
0x40: {  	_ =	shalt  }
0x41: {  	_ =	shalt  }
0x42: {  	_ =	shalt  }
0x43: {  	_ =	shalt  }
0x44: {  	_ =	shalt  }
0x45: {  	_ =	shalt  }
0x46: {  	_ =	shalt  }
0x47: {  	_ =	shalt  }
0x48: {  	_ =	shalt  }
0x49: {  	_ =	shalt  }
0x4a: {  	_ =	shalt  }
0x4b: {  	_ =	shalt  }
0x4c: {  	_ =	shalt  }
0x4d: {  	_ =	shalt  }
0x4e: {  	_ =	shalt  }
0x4f: {  	_ =	shalt  }
0x50: {  	_ =	shalt  }
0x51: {  	_ =	shalt  }
0x52: {  	_ =	shalt  }
0x53: {  	_ =	shalt  }
0x54: {  	_ =	shalt  }
0x55: {  	_ =	shalt  }
0x56: {  	_ =	shalt  }
0x57: {  	_ =	shalt  }
0x58: {  	_ =	shalt  }
0x59: {  	_ =	shalt  }
0x5a: {  	_ =	shalt  }
0x5b: {  	_ =	shalt  }
0x5c: {  	_ =	shalt  }
0x5d: {  	_ =	shalt  }
0x5e: {  	_ =	shalt  }
0x5f: {  	_ =	shalt  }
0x60: {  	_ =	shalt  }
0x61: {  	_ =	shalt  }
0x62: {  	_ =	shalt  }
0x63: {  	_ =	shalt  }
0x64: {  	_ =	shalt  }
0x65: {  	_ =	shalt  }
0x66: {  	_ =	shalt  }
0x67: {  	_ =	shalt  }
0x68: {  	_ =	shalt  }
0x69: {  	_ =	shalt  }
0x6a: {  	_ =	shalt  }
0x6b: {  	_ =	shalt  }
0x6c: {  	_ =	shalt  }
0x6d: {  	_ =	shalt  }
0x6e: {  	_ =	shalt  }
0x6f: {  	_ =	shalt  }
0x70: {  	_ =	shalt  }
0x71: {  	_ =	shalt  }
0x72: {  	_ =	shalt  }
0x73: {  	_ =	shalt  }
0x74: {  	_ =	shalt  }
0x75: {  	_ =	shalt  }
0x76: {  	_ =	shalt  }
0x77: {  	_ =	shalt  }
0x78: {  	_ =	shalt  }
0x79: {  	_ =	shalt  }
0x7a: {  	_ =	shalt  }
0x7b: {  	_ =	shalt  }
0x7c: {  	_ =	shalt  }
0x7d: {  	_ =	shalt  }
0x7e: {  	_ =	shalt  }
0x7f: {  	_ =	shalt  }
0x80: {  	_ =	shalt  }
0x81: {  	_ =	shalt  }
0x82: {  	_ =	shalt  }
0x83: {  	_ =	shalt  }
0x84: {  	_ =	shalt  }
0x85: {  	_ =	shalt  }
0x86: {  	_ =	shalt  }
0x87: {  	_ =	shalt  }
.Lfunc_end0:
.L_simem_size_0:
called_computation_lowered:
.L_overlay_start_0:
0x88: {  	s2 =	sld [smem:$0x3FD9]  }
0x89: {  	s3 =	sld [smem:$0x3FFE];
	_ =	sdelay $0x1  }
0x8a: {  	s1 =	srdreg.scid  }
0x8b: {  	s0 =	sand.u32 $0x1, s1  }
0x8c: {  	s17 =	sshll.u32 s0, $0xA;
	s2 =	sadd.s32 s3, s2  }
0x8d: {  	s2 =	sadd.s32 s2, s17  }
0x8e: {  	[smem:$0x3FC5] =	sst s2  }
0x8f: {  	_ = 	snop  }
0x90: {  	s2 =	sld [smem:$0x3FC7];
	(tm) =	ssettm $0x1  }
0x91: {  	s18 =	sld [smem:$0x3FFB];
	_ =	sdelay $0x3  }
0x92: {  	_ =	strace s18  }
0x93: {  	s3 =	sld [smem:$0x3FFC];
	_ =	sdelay $0x3  }
0x94: {  	_ =	strace s3  }
0x95: {  	s3 =	sld [smem:$0x3FFD];
	_ =	sdelay $0x3  }
0x96: {  	_ =	strace s3  }
0x97: {  	_ =	strace $0x8FFFFFFF  }
0x98: {  	s19 =	sld [smem:$0x3FDB];
	_ =	sdelay $0x1  }
0x99: {  	s4 =	simm.s32 $_scs_section_size  }
0x9a: {  	s5 =	simm.s32 $_size__tile_overlayer_lowered;
	s6 =	simm.s32 $_tile_overlayer_lowered  }
0x9b: {  	s22 =	simm.s32 $0x1BFF;
	s21 =	sshll.u32 s6, $0x1;
	s3 =	sadd.s32 s4, s19  }
0x9c: {  	s7 =	simm.s32 $0x0;
	s20 =	sshll.u32 s5, $0x1;
	s5 =	sadd.s32 s21, s3  }
0x9d: {  	[timem:s7], [sflag:s22] =	dma.local [hbm:s5], s20  }
0x9e: {  	_ =	swait.ge [sflag:s22], s20  }
0x9f: {  	s4 =	ssub.s32 $0x0, s20;
	[sflag:s22] =	ssyncset.done $0x0  }
0xa0: {  	[sflag:s22] =	ssyncadd.s32 s4;
	_ =	sdelay $0x1  }
0xa1: {  	s23 =	simm.s32 $0x1B8B  }
0xa2: {  	_ =	swait.ge [sflag:s23], $0x1  }
0xa3: {  	[sflag:s23] =	ssyncset.done $0x0  }
0xa4: {  	s25 =	simm.s32 $0x1B8E;
	s24 =	sld [smem:$0x3FFE];
	[sflag:s23] =	ssyncadd.s32 $0xFFFFFFFF  }
0xa5: {  	s26 =	simm.s32 $execute0_lowered;
	[smem:$0x3FD2] =	sst s25  }
0xa6: {  	s5 =	sshll.u32 s26, $0x1;
	_ =	strace $0x80000046;
	[dreg:$0x1] =	wrdreg $0xFFFFFFFF  }
0xa7: {  	s28 =	simm.s32 $_size_execute0_lowered;
	s3 =	sadd.s32 s3, s5;
	[dreg:$0x0] =	wrdreg $0x0  }
0xa8: {  	s5 =	sshll.u32 s28, $0x1;
	[dreg:$0x2] =	wrdreg s3  }
0xa9: {  	[dreg:$0x3] =	wrdreg s5  }
0xaa: {  	[dreg:$0x4] =	wrdreg $0xC0  }
0xab: {  	_ =	task [dreg:s7], $0x5FFFF  }
0xac: {  	[dreg:$0x1] =	wrdreg $0xFFFFFFFF  }
0xad: {  	[dreg:$0x0] =	wrdreg $0x60  }
0xae: {  	[dreg:$0x2] =	wrdreg s2  }
0xaf: {  	[dreg:$0x3] =	wrdreg s24  }
0xb0: {  	[dreg:$0x4] =	wrdreg $0x0  }
0xb1: {  	[dreg:$0x5] =	wrdreg $0x9  }
0xb2: {  	_ =	task.clear_ibuf [dreg:s7], $0x6FFFF;
	_ =	strace $0x90000046  }
0xb3: {  	s29 =	simm.s32 $0x9;
	_ =	strace $0x8000004A  }
0xb4: {  	_ =	swait.ge [sflag:s29], $0x1  }
0xb5: {  	[sflag:s29] =	ssyncadd.s32 $0xFFFFFFFF  }
0xb6: {  	_ =	strace $0x9000004A  }
0xb7: {  	_ =	sfence  }
0xb8: {  	s30 =	sld [smem:$0x0];
	_ =	sdelay $0x2  }
0xb9: {  	s31 =	sshll.u32 s1, $0xD;
	s1 =	sshrl.u32 s1, $0x2  }
0xba: {  	s3 =	sand.u32 $0x4000, s31;
	s1 =	sadd.s32 s1, s30  }
0xbb: {  	s0 =	sor.u32 s3, s0;
	s1 =	sshll.u32 s1, $0x11  }
0xbc: {  	s0 =	sor.u32 s1, s0  }
0xbd: {  	s0 =	sadd.s32 $0x8F2B, s0  }
0xbe: {  	[sflag:s0] =	ssyncadd.remote.s32 $0x1  }
0xbf: {  	_ =	sfence.sel $0xFFFF  }
0xc0: {  	[dreg:$0x0] =	wrdreg $0xFFFFFFFF;
	(pc) =	sbr.abs _section_cstart, $3  }
0xc1: {  	[dreg:$0x1] =	wrdreg $0xFFFFFFFF  }
0xc2: {  	_ =	task.clear_ibuf [dreg:s7], $0x2FFFF;
	_ =	strace $0x9FFFFFFF  }
0xc3: {  	(tm) =	ssettm $0x7FFFFFFF  }
tec
execute0_lowered:
.L_overlay_start_1:
0x0: {  	(tag) =	ssettag $0x1  }
0x1: {  	s10 =	rddreg [dreg:$0x0];
	s6 =	stileid.u32  }
0x2: {  	s0 =	rddreg [dreg:$0x1];
	s2 =	smul.u32 $0x1380, s6  }
0x3: {  	s13 =	rddreg [dreg:$0x2];
	s7 =	smul.u32 $0xF428, s6  }
0x4: {  	s21 =	simm.s32 $0x0;
	s1 =	srdreg.scid;
	s5 =	smul.u32 $0x7A18, s6  }
0x5: {  	[smem:$0x7FF] =	sst s21;
	s1 =	sand.u32 $0x1, s1;
	s22 =	smul.u32 $0x3D0A0, s6  }
0x6: {  	_ =	strace $0x80000047;
	s3 =	ssub.s32 $0x2, s1;
	s1 =	smul.u32 $0x7A120, s1  }
0x7: {  	s4 =	sshrl.u32 s3, $0x1;
	s2 =	sshrl.u32 s2, $0x2;
	s28 =	smax.u32 s7, $0x8  }
0x8: {  	s29 =	smin.u32 s7, $0xE4E18;
	s26 =	sshrl.u32 s22, $0x2;
	[dreg:$0x4] =	wrdreg s7  }
0x9: {  	s3 =	ssub.s32 s3, s4;
	s2 =	sadd.s32 s2, s13;
	s1 =	sadd.s32 s5, s1  }
0xa: {  	s4 =	sadd.s32 $0xF428, s29;
	s29 =	sadd.s32 $0x2000, s7;
	[dreg:$0x5] =	wrdreg s2  }
0xb: {  	s2 =	sadd.s32 $0xFFFFFFF8, s28;
	s25 =	smax.u32 s3, $0x1;
	[dreg:$0x1a] =	wrdreg s29  }
0xc: {  	s1 =	sshrl.u32 s1, $0x3;
	s28 =	sadd.s32 $0x4E8, s26;
	[dreg:$0x17] =	wrdreg s25  }
0xd: {  	s0 =	sadd.s32 $0x800, s0;
	s30 =	sadd.s32 s10, s1;
	[dreg:$0x18] =	wrdreg s28  }
0xe: {  	s2 =	sshrl.u32 s2, $0x3;
	s11 =	sadd.s32 s0, s1;
	[dreg:$0x7] =	wrdreg s30  }
0xf: {  	s31 =	sadd.s32 $0x200, s1;
	s2 =	sadd.s32 s10, s2;
	[dreg:$0x9] =	wrdreg s11  }
0x10: {  	s12 =	sadd.s32 $0x400, s1;
	s9 =	sadd.s32 s10, s31;
	[dreg:$0x6] =	wrdreg s2  }
0x11: {  	s14 =	sadd.s32 $0x600, s1;
	s8 =	sadd.s32 s10, s12;
	[dreg:$0x8] =	wrdreg s9  }
0x12: {  	s15 =	sadd.s32 s10, s14;
	[dreg:$0xa] =	wrdreg s8  }
0x13: {  	s16 =	sadd.s32 $0x800, s1;
	s5 =	sadd.s32 s0, s12;
	[dreg:$0xc] =	wrdreg s15  }
0x14: {  	s18 =	sadd.s32 $0xA00, s1;
	s17 =	sadd.s32 s10, s16;
	[dreg:$0xd] =	wrdreg s5  }
0x15: {  	s20 =	sadd.s32 $0xC00, s1;
	s19 =	sadd.s32 s10, s18;
	[dreg:$0xe] =	wrdreg s17  }
0x16: {  	s1 =	sadd.s32 $0xE00, s1;
	s23 =	sadd.s32 s10, s20;
	[dreg:$0x10] =	wrdreg s19  }
0x17: {  	s24 =	sadd.s32 s10, s1;
	[dreg:$0x13] =	wrdreg s23  }
0x18: {  	s30 =	sadd.s32 $0x70, s7;
	[dreg:$0x16] =	wrdreg s24  }
0x19: {  	s2 =	sadd.s32 s0, s31;
	[dreg:$0x1b] =	wrdreg s30  }
0x1a: {  	s5 =	sadd.s32 s0, s16;
	[dreg:$0xb] =	wrdreg s2  }
0x1b: {  	s31 =	sadd.s32 $0x1000, s7;
	[dreg:$0x11] =	wrdreg s5  }
0x1c: {  	s2 =	sadd.s32 s0, s14;
	[dreg:$0x1c] =	wrdreg s31  }
.Ltmp0:
0x1d: {  	s5 =	sadd.s32 s0, s20;
	[dreg:$0xf] =	wrdreg s2;
	(pc) =	sbr.rel .LBB2_1-.Ltmp0, $4  }
0x1e: {  	s2 =	sadd.s32 s0, s18;
	[dreg:$0x14] =	wrdreg s5  }
0x1f: {  	p0 =	seq.s32 s6, $0xF;
	s0 =	sadd.s32 s0, s1;
	[dreg:$0x12] =	wrdreg s2  }
0x20: {  	v1 =	vlaneseq.u32;
	v2 =	vimm.f32 $0.0e+00;
	s24 =	simm.s32 $0x1000;
	[dreg:$0x15] =	wrdreg s0;
	s0 =	sadd.s32 $0x24E8, s26  }
0x21: {  	v3 =	vimm.s32 $0xFFFFFFFF;
	v4 =	vadd.s32 $0x1, v1;
	v0 =	vmov s4;
	s15 =	simm.s32 $0x84E8;
	s1 =	simm.s32 $0x0;
	[dreg:$0x19] =	wrdreg s0  }
.LBB2_35:
0x22: {  	s1 =	sadd.s32 $0x1, s1;
	s0 =	rddreg [dreg:$0x17]  }
0x23: {  	p1 =	sne.s32 s1, s0  }
.Ltmp1:
0x24: {  	_ = 	snop;
	(pc) =	sbr.rel @!p1 .LBB2_36-.Ltmp1, $2  }
0x25: {  	_ =	sdelay $0x2  }
0x26: {  	_ =	strace $0x90000049  }
.LBB2_1:
0x27: {  	[tilespmem:$0xD368] =	vst v2  }
0x28: {  	[tilespmem:$0xD378] =	vst v2  }
0x29: {  	[tilespmem:$0xD388] =	vst v2  }
0x2a: {  	[tilespmem:$0xD398] =	vst v2  }
0x2b: {  	[tilespmem:$0xD3A8] =	vst v2  }
0x2c: {  	[tilespmem:$0xD3B8] =	vst v2  }
0x2d: {  	[tilespmem:$0xD3C8] =	vst v2  }
0x2e: {  	[tilespmem:$0xD3D8] =	vst v2  }
0x2f: {  	[tilespmem:$0xD3E8] =	vst v2  }
0x30: {  	[tilespmem:$0xD3F8] =	vst v2  }
0x31: {  	[tilespmem:$0xD408] =	vst v2  }
0x32: {  	[tilespmem:$0xD418] =	vst v2  }
0x33: {  	[tilespmem:$0xD428] =	vst v2  }
0x34: {  	[tilespmem:$0xD438] =	vst v2  }
0x35: {  	[tilespmem:$0xD448] =	vst v2  }
0x36: {  	[tilespmem:$0xD458] =	vst v2  }
0x37: {  	[tilespmem:$0xD468] =	vst v2  }
0x38: {  	[tilespmem:$0xD478] =	vst v2  }
0x39: {  	[tilespmem:$0xD488] =	vst v2  }
0x3a: {  	[tilespmem:$0xD498] =	vst v2  }
0x3b: {  	[tilespmem:$0xD4A8] =	vst v2  }
0x3c: {  	[tilespmem:$0xD4B8] =	vst v2  }
0x3d: {  	[tilespmem:$0xD4C8] =	vst v2  }
0x3e: {  	[tilespmem:$0xD4D8] =	vst v2  }
0x3f: {  	[tilespmem:$0xD4E8] =	vst v2  }
0x40: {  	[tilespmem:$0xD4F8] =	vst v2  }
0x41: {  	[tilespmem:$0xD508] =	vst v2  }
0x42: {  	[tilespmem:$0xD518] =	vst v2  }
0x43: {  	[tilespmem:$0xD528] =	vst v2  }
0x44: {  	[tilespmem:$0xD538] =	vst v2  }
0x45: {  	[tilespmem:$0xD548] =	vst v2  }
0x46: {  	[tilespmem:$0xD558] =	vst v2  }
0x47: {  	[tilespmem:$0xD568] =	vst v2  }
0x48: {  	[tilespmem:$0xD578] =	vst v2  }
0x49: {  	[tilespmem:$0xD588] =	vst v2  }
0x4a: {  	[tilespmem:$0xD598] =	vst v2  }
0x4b: {  	[tilespmem:$0xD5A8] =	vst v2  }
0x4c: {  	[tilespmem:$0xD5B8] =	vst v2  }
0x4d: {  	[tilespmem:$0xD5C8] =	vst v2  }
0x4e: {  	[tilespmem:$0xD5D8] =	vst v2  }
0x4f: {  	[tilespmem:$0xD5E8] =	vst v2  }
0x50: {  	[tilespmem:$0xD5F8] =	vst v2  }
0x51: {  	[tilespmem:$0xD608] =	vst v2  }
0x52: {  	[tilespmem:$0xD618] =	vst v2  }
0x53: {  	[tilespmem:$0xD628] =	vst v2  }
0x54: {  	[tilespmem:$0xD638] =	vst v2  }
0x55: {  	[tilespmem:$0xD648] =	vst v2  }
0x56: {  	[tilespmem:$0xD658] =	vst v2  }
0x57: {  	[tilespmem:$0xD668] =	vst v2  }
0x58: {  	[tilespmem:$0xD678] =	vst v2  }
0x59: {  	[tilespmem:$0xD688] =	vst v2  }
0x5a: {  	[tilespmem:$0xD698] =	vst v2  }
0x5b: {  	[tilespmem:$0xD6A8] =	vst v2  }
0x5c: {  	[tilespmem:$0xD6B8] =	vst v2  }
0x5d: {  	[tilespmem:$0xD6C8] =	vst v2  }
0x5e: {  	[tilespmem:$0xD6D8] =	vst v2  }
0x5f: {  	[tilespmem:$0xD6E8] =	vst v2  }
0x60: {  	[tilespmem:$0xD6F8] =	vst v2  }
0x61: {  	[tilespmem:$0xD708] =	vst v2  }
0x62: {  	[tilespmem:$0xD718] =	vst v2  }
0x63: {  	[tilespmem:$0xD728] =	vst v2  }
0x64: {  	[tilespmem:$0xD738] =	vst v2  }
0x65: {  	[tilespmem:$0xD748] =	vst v2  }
0x66: {  	[tilespmem:$0xD758] =	vst v2  }
0x67: {  	[tilespmem:$0xD768] =	vst v2  }
0x68: {  	[tilespmem:$0xD778] =	vst v2  }
0x69: {  	[tilespmem:$0xD788] =	vst v2  }
0x6a: {  	[tilespmem:$0xD798] =	vst v2  }
0x6b: {  	[tilespmem:$0xD7A8] =	vst v2  }
0x6c: {  	[tilespmem:$0xD7B8] =	vst v2  }
0x6d: {  	[tilespmem:$0xD7C8] =	vst v2  }
0x6e: {  	[tilespmem:$0xD7D8] =	vst v2  }
0x6f: {  	[tilespmem:$0xD7E8] =	vst v2  }
0x70: {  	[tilespmem:$0xD7F8] =	vst v2  }
0x71: {  	[tilespmem:$0xD808] =	vst v2  }
0x72: {  	[tilespmem:$0xD818] =	vst v2  }
0x73: {  	[tilespmem:$0xD828] =	vst v2  }
0x74: {  	[tilespmem:$0xD838] =	vst v2  }
0x75: {  	[dreg:$0x1d] =	wrdreg s1;
	[tilespmem:$0xD848] =	vst v2  }
0x76: {  	[tilespmem:$0xD858] =	vst v2;
	s0 =	simm.s32 @p0 $0xD368;
	s1 =	rddreg [dreg:$0x5]  }
0x77: {  	[spmem:s1] =	stream.linear.scatter @p0 [tilespmem:s0], [sflag:$0x7], $0x500, $0x38;
	[tilespmem:$0xF368] =	vst v63  }
0x78: {  	s0 =	simm.s32 @p0 $0x7  }
0x79: {  	_ =	swait.ge @p0 [sflag:s0], $0x500  }
0x7a: {  	[sflag:s0] =	ssyncset.done @p0 $0x0  }
0x7b: {  	[sflag:s0] =	ssyncadd.s32 @p0 $0xFFFFFB00;
	s0 =	simm.s32 @!p0 $0xD368  }
0x7c: {  	[spmem:s1] =	stream.linear.scatter @!p0 [tilespmem:s0], [sflag:$0x7], $0x4E0, $0x38;
	[tilespmem:$0xF368] =	vst v63  }
0x7d: {  	s0 =	simm.s32 @!p0 $0x7  }
0x7e: {  	_ =	swait.ge @!p0 [sflag:s0], $0x4E0  }
0x7f: {  	[sflag:s0] =	ssyncset.done @!p0 $0x0  }
0x80: {  	[sflag:s0] =	ssyncadd.s32 @!p0 $0xFFFFFB20  }
0x81: {  	[tilespmem:$0x4E8] =	vst v3  }
0x82: {  	[tilespmem:$0x24E8] =	vst v3  }
0x83: {  	[tilespmem:$0x1508] =	vst v3  }
0x84: {  	[tilespmem:$0x3508] =	vst v3  }
0x85: {  	[bflag:$0x0] =	sbarrier.arrive $0xFFFF  }
0x86: {  	s30 =	rddreg [dreg:$0x6]  }
0x87: {  	s3 =	rddreg [dreg:$0x19]  }
0x88: {  	s9 =	rddreg [dreg:$0x1c]  }
0x89: {  	s29 =	rddreg [dreg:$0x1b]  }
0x8a: {  	s4 =	rddreg [dreg:$0x4]  }
0x8b: {  	s31 =	simm.s32 $0x4F8;
	s22 =	simm.s32 $0x0;
	s5 =	rddreg [dreg:$0x18]  }
0x8c: {  	[tilespmem:s31], [sflag:$0x1] =	stream.linear.gather [hbm4b:s30+s21], $0x1010, $0x38;
	[tilespmem:$0xF368] =	vst v63  }
.LBB2_2:
0x8d: {  	s14 =	sshll.u32 s22, $0xD  }
0x8e: {  	p1 =	sgt.s32 s4, $0x8;
	s0 =	smov.u32 s4;
	s1 =	rddreg [dreg:$0x4]  }
0x8f: {  	s2 =	simm.s32 $0x1;
	s1 =	sadd.s32 s14, s1;
	s0 =	simm.s32 @!p1 $0x8  }
0x90: {  	s11 =	simm.s32 $0x24F8;
	s18 =	sadd.s32 $0x1000, s1;
	s0 =	sshll.u32 s0, $0x2  }
0x91: {  	_ =	swait.ge [sflag:s2], $0x1010;
	s1 =	smin.u32 s18, $0xF3238;
	s0 =	ssub.s32 $0x0, s0  }
0x92: {  	p1 =	seq.s32 s22, $0x0;
	s6 =	sadd.s32 $0xFFFFFFF8, s1;
	s0 =	sshra.s32 s0, $0x2  }
0x93: {  	[sflag:s2] =	ssyncset.done $0x0;
	s1 =	sshrl.u32 s6, $0x3;
	s0 =	sadd.s32 s0, s5  }
0x94: {  	[sflag:s2] =	ssyncadd.s32 $0xFFFFEFF0;
	s1 =	sadd.s32 s10, s1;
	v5 =	vmov s0;
	s0 =	simm.s32 @!p1 $0x3  }
0x95: {  	[tilespmem:s11], [sflag:$0x2] =	stream.linear.gather [hbm4b:s1+s21], $0x1010, $0x38;
	[tilespmem:$0xF368] =	vst v63  }
0x96: {  	_ =	swait.ge @!p1 [sflag:s0], $0x1000  }
0x97: {  	[sflag:s0] =	ssyncset.done @!p1 $0x0  }
0x98: {  	s17 =	simm.s32 $0x0;
	[sflag:s0] =	ssyncadd.s32 @!p1 $0xFFFFF000  }
0x99: {  	v6 =	vld.idx.msk [tilespmem:v5+s17+$0x19 ss:$0x1], $0xffff  }
0x9a: {  	v7 =	vld.idx.msk [tilespmem:v5+s17+$0x18 ss:$0x1], $0xffff  }
0x9b: {  	v8 =	vld.idx.msk [tilespmem:v5+s17+$0x17 ss:$0x1], $0xffff;
	_ =	sdelay $0x2  }
0x9c: {  	s12 =	sadd.s32 $0xFFFFFF90, s29  }
0x9d: {  	v9 =	vadd.s32 s12, v1  }
0x9e: {  	vm0 =	veq.s32 v7, v6;
	v6 =	vadd.s32 s12, v4;
	vm1 =	veq.s32 v7, v8  }
0x9f: {  	v6 =	vsel vm0, $0x0, v6;
	v8 =	vsel vm1, $0x0, v9  }
0xa0: {  	v6 =	vsub.s32 v6, v8  }
0xa1: {  	v6 =	vcvt.s32.f32 v6  }
0xa2: {  	[tilespmem:s17+$0x44E8] =	vst v7  }
0xa3: {  	[tilespmem:s17+$0x54E8] =	vst v6  }
0xa4: {  	v6 =	vld.idx.msk [tilespmem:v5+s17+$0x28 ss:$0x1], $0xffff  }
0xa5: {  	v7 =	vld.idx.msk [tilespmem:v5+s17+$0x27 ss:$0x1], $0xffff  }
0xa6: {  	v8 =	vld.idx.msk [tilespmem:v5+s17+$0x29 ss:$0x1], $0xffff;
	_ =	sdelay $0x3  }
0xa7: {  	s16 =	sadd.s32 $0xFFFFFFA0, s29;
	vm4 =	veq.s32 v6, v7  }
0xa8: {  	v7 =	vadd.s32 s16, v1;
	vm5 =	veq.s32 v6, v8;
	v8 =	vadd.s32 s16, v4  }
0xa9: {  	v8 =	vsel vm5, $0x0, v8;
	v7 =	vsel vm4, $0x0, v7  }
0xaa: {  	v7 =	vsub.s32 v8, v7  }
0xab: {  	v7 =	vcvt.s32.f32 v7  }
0xac: {  	[tilespmem:s17+$0x44F8] =	vst v6  }
0xad: {  	[tilespmem:s17+$0x54F8] =	vst v7  }
0xae: {  	v6 =	vld.idx.msk [tilespmem:v5+s17+$0x38 ss:$0x1], $0xffff  }
0xaf: {  	v7 =	vld.idx.msk [tilespmem:v5+s17+$0x37 ss:$0x1], $0xffff  }
0xb0: {  	v8 =	vld.idx.msk [tilespmem:v5+s17+$0x39 ss:$0x1], $0xffff;
	_ =	sdelay $0x2  }
0xb1: {  	s19 =	sadd.s32 $0xFFFFFFB0, s29  }
0xb2: {  	v60 =	vadd.s32 s19, v1  }
0xb3: {  	vm6 =	veq.s32 v6, v7;
	vm7 =	veq.s32 v6, v8;
	v7 =	vadd.s32 s19, v4  }
0xb4: {  	v8 =	vsel vm6, $0x0, v60;
	v7 =	vsel vm7, $0x0, v7  }
0xb5: {  	v7 =	vsub.s32 v7, v8  }
0xb6: {  	v7 =	vcvt.s32.f32 v7  }
0xb7: {  	[tilespmem:s17+$0x4508] =	vst v6  }
0xb8: {  	[tilespmem:s17+$0x5508] =	vst v7  }
0xb9: {  	v6 =	vld.idx.msk [tilespmem:v5+s17+$0x47 ss:$0x1], $0xffff  }
0xba: {  	v7 =	vld.idx.msk [tilespmem:v5+s17+$0x48 ss:$0x1], $0xffff  }
0xbb: {  	v8 =	vld.idx.msk [tilespmem:v5+s17+$0x49 ss:$0x1], $0xffff;
	_ =	sdelay $0x2  }
0xbc: {  	s20 =	sadd.s32 $0xFFFFFFC0, s29  }
0xbd: {  	v61 =	vadd.s32 s20, v1  }
0xbe: {  	vm8 =	veq.s32 v7, v6;
	vm9 =	veq.s32 v7, v8;
	v6 =	vadd.s32 s20, v4  }
0xbf: {  	v8 =	vsel vm8, $0x0, v61;
	v6 =	vsel vm9, $0x0, v6  }
0xc0: {  	v6 =	vsub.s32 v6, v8  }
0xc1: {  	v6 =	vcvt.s32.f32 v6  }
0xc2: {  	[tilespmem:s17+$0x4518] =	vst v7  }
0xc3: {  	[tilespmem:s17+$0x5518] =	vst v6  }
0xc4: {  	v6 =	vld.idx.msk [tilespmem:v5+s17+$0x59 ss:$0x1], $0xffff  }
0xc5: {  	v7 =	vld.idx.msk [tilespmem:v5+s17+$0x58 ss:$0x1], $0xffff  }
0xc6: {  	v8 =	vld.idx.msk [tilespmem:v5+s17+$0x57 ss:$0x1], $0xffff;
	_ =	sdelay $0x2  }
0xc7: {  	s23 =	sadd.s32 $0xFFFFFFD0, s29  }
0xc8: {  	v62 =	vadd.s32 s23, v1  }
0xc9: {  	vm10 =	veq.s32 v7, v6;
	v6 =	vadd.s32 s23, v4;
	vm11 =	veq.s32 v7, v8  }
0xca: {  	v6 =	vsel vm10, $0x0, v6;
	v8 =	vsel vm11, $0x0, v62  }
0xcb: {  	v6 =	vsub.s32 v6, v8  }
0xcc: {  	v6 =	vcvt.s32.f32 v6  }
0xcd: {  	[tilespmem:s17+$0x4528] =	vst v7  }
0xce: {  	[tilespmem:s17+$0x5528] =	vst v6  }
0xcf: {  	v6 =	vld.idx.msk [tilespmem:v5+s17+$0x68 ss:$0x1], $0xffff  }
0xd0: {  	v7 =	vld.idx.msk [tilespmem:v5+s17+$0x67 ss:$0x1], $0xffff  }
0xd1: {  	v8 =	vld.idx.msk [tilespmem:v5+s17+$0x69 ss:$0x1], $0xffff;
	_ =	sdelay $0x3  }
0xd2: {  	s25 =	sadd.s32 $0xFFFFFFE0, s29;
	vm12 =	veq.s32 v6, v7  }
0xd3: {  	v7 =	vadd.s32 s25, v1;
	vm13 =	veq.s32 v6, v8;
	v8 =	vadd.s32 s25, v4  }
0xd4: {  	v8 =	vsel vm13, $0x0, v8;
	v7 =	vsel vm12, $0x0, v7  }
0xd5: {  	v7 =	vsub.s32 v8, v7  }
0xd6: {  	v7 =	vcvt.s32.f32 v7  }
0xd7: {  	[tilespmem:s17+$0x4538] =	vst v6  }
0xd8: {  	[tilespmem:s17+$0x5538] =	vst v7  }
0xd9: {  	v6 =	vld.idx.msk [tilespmem:v5+s17+$0x79 ss:$0x1], $0xffff  }
0xda: {  	v7 =	vld.idx.msk [tilespmem:v5+s17+$0x78 ss:$0x1], $0xffff  }
0xdb: {  	v8 =	vld.idx.msk [tilespmem:v5+s17+$0x77 ss:$0x1], $0xffff;
	_ =	sdelay $0x1  }
0xdc: {  	s26 =	smin.u32 s9, $0xF3238  }
0xdd: {  	s30 =	sadd.s32 $0xFFFFFFF0, s29;
	s28 =	sshll.u32 s26, $0x2  }
0xde: {  	v63 =	vadd.s32 s30, v1;
	s1 =	ssub.s32 $0x0, s28  }
0xdf: {  	s31 =	sshra.s32 s1, $0x2;
	vm14 =	veq.s32 v7, v6;
	v6 =	vadd.s32 s30, v4;
	vm15 =	veq.s32 v7, v8  }
0xe0: {  	s8 =	smov.u32 s29;
	s11 =	sadd.s32 s31, s3;
	s16 =	simm.s32 $0x0;
	v6 =	vsel vm14, $0x0, v6;
	v8 =	vsel vm15, $0x0, v63  }
0xe1: {  	s19 =	simm.s32 $0x0;
	s20 =	smov.u32 s29;
	s23 =	ssub.s32 $0x1018, s26;
	[tilespmem:s17+$0x4548] =	vst v7;
	v6 =	vsub.s32 v6, v8  }
.LBB2_3:
0xe2: {  	s19 =	sadd.s32 $0x8, s19;
	v6 =	vcvt.s32.f32 v6;
	s16 =	sadd.s32 $0x200, s16;
	s20 =	sadd.s32 $0x80, s20  }
0xe3: {  	p2 =	slt.u32 s19, $0xF8  }
0xe4: {  	[tilespmem:s17+$0x5548] =	vst v6  }
0xe5: {  	v6 =	vld.idx.msk [tilespmem:v5+s17+$0x88 ss:$0x1], $0xffff  }
0xe6: {  	v7 =	vld.idx.msk [tilespmem:v5+s17+$0x89 ss:$0x1], $0xffff  }
0xe7: {  	v8 =	vld.idx.msk [tilespmem:v5+s17+$0x87 ss:$0x1], $0xffff;
	_ =	sdelay $0x3  }
0xe8: {  	v9 =	vadd.s32 s8, v4;
	[tilespmem:s17+$0x4558] =	vst v6  }
0xe9: {  	v10 =	vadd.s32 s8, v1;
	s8 =	smov.u32 s20;
	vm0 =	veq.s32 v6, v7  }
0xea: {  	vm1 =	veq.s32 v6, v8;
	v6 =	vsel vm0, $0x0, v9  }
0xeb: {  	v7 =	vsel vm1, $0x0, v10  }
0xec: {  	v6 =	vsub.s32 v6, v7  }
0xed: {  	v6 =	vcvt.s32.f32 v6;
	_ =	sdelay $0x1  }
0xee: {  	[tilespmem:s17+$0x5558] =	vst v6;
	s17 =	sshra.s32 s16, $0x2  }
0xef: {  	v6 =	vld.idx.msk [tilespmem:v5+s17+$0x19 ss:$0x1], $0xffff  }
0xf0: {  	v7 =	vld.idx.msk [tilespmem:v5+s17+$0x18 ss:$0x1], $0xffff  }
0xf1: {  	v8 =	vld.idx.msk [tilespmem:v5+s17+$0x17 ss:$0x1], $0xffff;
	_ =	sdelay $0x3  }
0xf2: {  	s0 =	sadd.s32 $0xFFFFFF90, s20  }
0xf3: {  	vm0 =	veq.s32 v7, v6;
	v6 =	vadd.s32 s0, v4  }
0xf4: {  	v9 =	vadd.s32 s0, v1;
	vm1 =	veq.s32 v7, v8;
	v6 =	vsel vm0, $0x0, v6  }
0xf5: {  	v8 =	vsel vm1, $0x0, v9  }
0xf6: {  	v6 =	vsub.s32 v6, v8  }
0xf7: {  	v6 =	vcvt.s32.f32 v6  }
0xf8: {  	[tilespmem:s17+$0x44E8] =	vst v7  }
0xf9: {  	[tilespmem:s17+$0x54E8] =	vst v6  }
0xfa: {  	v6 =	vld.idx.msk [tilespmem:v5+s17+$0x28 ss:$0x1], $0xffff  }
0xfb: {  	v7 =	vld.idx.msk [tilespmem:v5+s17+$0x27 ss:$0x1], $0xffff  }
0xfc: {  	v8 =	vld.idx.msk [tilespmem:v5+s17+$0x29 ss:$0x1], $0xffff;
	_ =	sdelay $0x4  }
0xfd: {  	s0 =	sadd.s32 $0xFFFFFFA0, s20;
	vm0 =	veq.s32 v6, v7  }
0xfe: {  	v7 =	vadd.s32 s0, v1;
	vm1 =	veq.s32 v6, v8;
	v8 =	vadd.s32 s0, v4  }
0xff: {  	v7 =	vsel vm0, $0x0, v7;
	v8 =	vsel vm1, $0x0, v8  }
0x100: {  	v7 =	vsub.s32 v8, v7  }
0x101: {  	v7 =	vcvt.s32.f32 v7  }
0x102: {  	[tilespmem:s17+$0x44F8] =	vst v6  }
0x103: {  	[tilespmem:s17+$0x54F8] =	vst v7  }
0x104: {  	v6 =	vld.idx.msk [tilespmem:v5+s17+$0x38 ss:$0x1], $0xffff  }
0x105: {  	v7 =	vld.idx.msk [tilespmem:v5+s17+$0x37 ss:$0x1], $0xffff  }
0x106: {  	v8 =	vld.idx.msk [tilespmem:v5+s17+$0x39 ss:$0x1], $0xffff;
	_ =	sdelay $0x3  }
0x107: {  	s0 =	sadd.s32 $0xFFFFFFB0, s20  }
0x108: {  	v9 =	vadd.s32 s0, v1;
	vm0 =	veq.s32 v6, v7  }
0x109: {  	v7 =	vadd.s32 s0, v4;
	vm1 =	veq.s32 v6, v8;
	v8 =	vsel vm0, $0x0, v9  }
0x10a: {  	v7 =	vsel vm1, $0x0, v7  }
0x10b: {  	v7 =	vsub.s32 v7, v8  }
0x10c: {  	v7 =	vcvt.s32.f32 v7  }
0x10d: {  	[tilespmem:s17+$0x4508] =	vst v6  }
0x10e: {  	[tilespmem:s17+$0x5508] =	vst v7  }
0x10f: {  	v6 =	vld.idx.msk [tilespmem:v5+s17+$0x47 ss:$0x1], $0xffff  }
0x110: {  	v7 =	vld.idx.msk [tilespmem:v5+s17+$0x48 ss:$0x1], $0xffff  }
0x111: {  	v8 =	vld.idx.msk [tilespmem:v5+s17+$0x49 ss:$0x1], $0xffff;
	_ =	sdelay $0x3  }
0x112: {  	s0 =	sadd.s32 $0xFFFFFFC0, s20  }
0x113: {  	v9 =	vadd.s32 s0, v1;
	vm0 =	veq.s32 v7, v6;
	[tilespmem:s17+$0x4518] =	vst v7  }
0x114: {  	v6 =	vadd.s32 s0, v4;
	vm1 =	veq.s32 v7, v8;
	v7 =	vsel vm0, $0x0, v9  }
0x115: {  	v6 =	vsel vm1, $0x0, v6  }
0x116: {  	v6 =	vsub.s32 v6, v7  }
0x117: {  	v6 =	vcvt.s32.f32 v6;
	_ =	sdelay $0x1  }
0x118: {  	[tilespmem:s17+$0x5518] =	vst v6  }
0x119: {  	v6 =	vld.idx.msk [tilespmem:v5+s17+$0x59 ss:$0x1], $0xffff  }
0x11a: {  	v7 =	vld.idx.msk [tilespmem:v5+s17+$0x58 ss:$0x1], $0xffff  }
0x11b: {  	v8 =	vld.idx.msk [tilespmem:v5+s17+$0x57 ss:$0x1], $0xffff;
	_ =	sdelay $0x3  }
0x11c: {  	s0 =	sadd.s32 $0xFFFFFFD0, s20  }
0x11d: {  	vm0 =	veq.s32 v7, v6;
	v6 =	vadd.s32 s0, v4;
	[tilespmem:s17+$0x4528] =	vst v7  }
0x11e: {  	v9 =	vadd.s32 s0, v1;
	vm1 =	veq.s32 v7, v8;
	v6 =	vsel vm0, $0x0, v6  }
0x11f: {  	v7 =	vsel vm1, $0x0, v9  }
0x120: {  	v6 =	vsub.s32 v6, v7  }
0x121: {  	v6 =	vcvt.s32.f32 v6;
	_ =	sdelay $0x1  }
0x122: {  	[tilespmem:s17+$0x5528] =	vst v6  }
0x123: {  	v6 =	vld.idx.msk [tilespmem:v5+s17+$0x68 ss:$0x1], $0xffff  }
0x124: {  	v7 =	vld.idx.msk [tilespmem:v5+s17+$0x67 ss:$0x1], $0xffff  }
0x125: {  	v8 =	vld.idx.msk [tilespmem:v5+s17+$0x69 ss:$0x1], $0xffff;
	_ =	sdelay $0x3  }
0x126: {  	[tilespmem:s17+$0x4538] =	vst v6  }
0x127: {  	s0 =	sadd.s32 $0xFFFFFFE0, s20;
	vm0 =	veq.s32 v6, v7  }
0x128: {  	v7 =	vadd.s32 s0, v1;
	vm1 =	veq.s32 v6, v8;
	v6 =	vadd.s32 s0, v4  }
0x129: {  	v7 =	vsel vm0, $0x0, v7;
	v6 =	vsel vm1, $0x0, v6  }
0x12a: {  	v6 =	vsub.s32 v6, v7  }
0x12b: {  	v6 =	vcvt.s32.f32 v6;
	_ =	sdelay $0x1  }
0x12c: {  	[tilespmem:s17+$0x5538] =	vst v6  }
0x12d: {  	v6 =	vld.idx.msk [tilespmem:v5+s17+$0x79 ss:$0x1], $0xffff  }
0x12e: {  	v7 =	vld.idx.msk [tilespmem:v5+s17+$0x78 ss:$0x1], $0xffff  }
0x12f: {  	v8 =	vld.idx.msk [tilespmem:v5+s17+$0x77 ss:$0x1], $0xffff;
	_ =	sdelay $0x3  }
.Ltmp2:
0x130: {  	s0 =	sadd.s32 $0xFFFFFFF0, s20;
	(pc) =	sbr.rel @p2 .LBB2_3-.Ltmp2, $4  }
0x131: {  	vm0 =	veq.s32 v7, v6;
	v6 =	vadd.s32 s0, v4;
	[tilespmem:s17+$0x4548] =	vst v7  }
0x132: {  	v9 =	vadd.s32 s0, v1;
	vm1 =	veq.s32 v7, v8;
	v6 =	vsel vm0, $0x0, v6  }
0x133: {  	v7 =	vsel vm1, $0x0, v9  }
0x134: {  	v6 =	vsub.s32 v6, v7  }
0x135: {  	_ = 	snop  }
0x136: {  	v6 =	vcvt.s32.f32 v6;
	_ =	sdelay $0x1  }
0x137: {  	[tilespmem:s17+$0x5548] =	vst v6  }
0x138: {  	v6 =	vld.idx.msk [tilespmem:v5+s17+$0x88 ss:$0x1], $0xffff  }
0x139: {  	v7 =	vld.idx.msk [tilespmem:v5+s17+$0x89 ss:$0x1], $0xffff  }
0x13a: {  	v5 =	vld.idx.msk [tilespmem:v5+s17+$0x87 ss:$0x1], $0xffff;
	_ =	sdelay $0x3  }
0x13b: {  	v8 =	vadd.s32 s8, v4  }
0x13c: {  	v9 =	vadd.s32 s8, v1;
	vm0 =	veq.s32 v6, v7;
	vm1 =	veq.s32 v6, v5  }
0x13d: {  	v5 =	vsel vm0, $0x0, v8;
	v7 =	vsel vm1, $0x0, v9  }
0x13e: {  	v5 =	vsub.s32 v5, v7  }
0x13f: {  	v5 =	vcvt.s32.f32 v5  }
0x140: {  	s0 =	simm.s32 $0x44E8;
	p2 =	sne.s32 s22, $0x7;
	[tilespmem:s17+$0x4558] =	vst v6  }
.Ltmp3:
0x141: {  	s1 =	simm.s32 $0x54E8;
	s30 =	simm.s32 $0x2;
	[tilespmem:s17+$0x5558] =	vst v5;
	(pc) =	sbr.rel @!p2 .LBB2_5-.Ltmp3, $4  }
0x142: {  	[spmem:s13] =	stream.indirect.scatter.add.f32 [tilespmem:s1], [sflag:$0x3], $0x1, s0, s24, $0xb8;
	[tilespmem:$0xF368] =	vst v63  }
0x143: {  	_ =	swait.ge [sflag:s30], $0x1010  }
0x144: {  	s31 =	ssub.s32 s18, s6;
	[sflag:s30] =	ssyncset.done $0x0  }
0x145: {  	s0 =	sadd.s32 $0x10, s31;
	[sflag:s30] =	ssyncadd.s32 $0xFFFFEFF0  }
0x146: {  	s1 =	rddreg [dreg:$0x1a]  }
0x147: {  	s1 =	sadd.s32 s14, s1  }
0x148: {  	s1 =	smin.u32 s1, $0xF3238  }
0x149: {  	[smem:$0x7FD] =	sst s5;
	s1 =	sadd.s32 $0xFFFFFFF8, s1  }
0x14a: {  	[dreg:$0x1f] =	wrdreg s4;
	s0 =	sand.u32 $0x78, s0;
	s1 =	sshrl.u32 s1, $0x3  }
0x14b: {  	s2 =	simm.s32 $0x4F8;
	s0 =	sadd.s32 $0x24E8, s0;
	s1 =	sadd.s32 s10, s1  }
0x14c: {  	v5 =	vmov s11;
	[tilespmem:s2], [sflag:$0x1] =	stream.linear.gather [hbm4b:s1+s21], $0x1010, $0x38;
	[tilespmem:$0xF368] =	vst v63  }
0x14d: {  	[dreg:$0x1e] =	wrdreg s3;
	v6 =	vmov s0;
	s1 =	simm.s32 @!p1 $0x4  }
0x14e: {  	_ =	swait.ge @!p1 [sflag:s1], $0x1000  }
0x14f: {  	s18 =	sadd.s32 s9, s23;
	[sflag:s1] =	ssyncset.done @!p1 $0x0  }
0x150: {  	s19 =	sadd.s32 $0xFFFFF000, s18;
	s14 =	simm.s32 $0x0;
	[sflag:s1] =	ssyncadd.s32 @!p1 $0xFFFFF000  }
0x151: {  	s1 =	sand.u32 $0xFFFFFF80, s19;
	v7 =	vld.idx.msk [tilespmem:v5+s14+$0x1017 ss:$0x1], $0xffff  }
0x152: {  	v8 =	vld.idx.msk [tilespmem:v6+s1+$0x0 ss:$0x1], $0xffff  }
0x153: {  	v9 =	vld.idx.msk [tilespmem:v6+s1+$0x1 ss:$0x1], $0xffff;
	_ =	sdelay $0x3  }
0x154: {  	v10 =	vadd.s32 s9, v1  }
0x155: {  	v11 =	vadd.s32 s9, v4;
	vm0 =	veq.s32 v8, v7;
	vm1 =	veq.s32 v8, v9  }
0x156: {  	v7 =	vsel vm0, $0x0, v10;
	v9 =	vsel vm1, $0x0, v11  }
0x157: {  	v7 =	vsub.s32 v9, v7  }
0x158: {  	v7 =	vcvt.s32.f32 v7  }
0x159: {  	[tilespmem:s14+$0x64E8] =	vst v8  }
0x15a: {  	s20 =	sadd.s32 $0xFFFFF010, s18;
	[tilespmem:s14+$0x74E8] =	vst v7  }
0x15b: {  	s1 =	sor.u32 $0x1, s20;
	v7 =	vld.idx.msk [tilespmem:v5+s14+$0x1028 ss:$0x1], $0xffff  }
0x15c: {  	v8 =	vld [tilespmem:s1+$0x24E8]  }
0x15d: {  	v9 =	vld.idx.msk [tilespmem:v5+s14+$0x1027 ss:$0x1], $0xffff;
	_ =	sdelay $0x2  }
0x15e: {  	s21 =	sadd.s32 $0x10, s9  }
0x15f: {  	v10 =	vadd.s32 s21, v4  }
0x160: {  	v11 =	vadd.s32 s21, v1;
	vm14 =	veq.s32 v7, v8;
	vm15 =	veq.s32 v7, v9  }
0x161: {  	v8 =	vsel vm14, $0x0, v10;
	v9 =	vsel vm15, $0x0, v11  }
0x162: {  	v8 =	vsub.s32 v8, v9  }
0x163: {  	s8 =	simm.s32 $0x0;
	s16 =	sadd.s32 $0x50, s9;
	s17 =	sadd.s32 $0x60, s9;
	v8 =	vcvt.s32.f32 v8  }
0x164: {  	s6 =	sadd.s32 $0x70, s9;
	s31 =	sadd.s32 $0x20, s9;
	s7 =	sadd.s32 $0x30, s9;
	[tilespmem:s14+$0x64F8] =	vst v7  }
0x165: {  	s30 =	smov.u32 s9;
	s24 =	sadd.s32 $0xFFFFF020, s18;
	s25 =	sadd.s32 $0xFFFFF030, s18;
	[tilespmem:s14+$0x74F8] =	vst v8  }
0x166: {  	s26 =	sadd.s32 $0xFFFFF040, s18;
	s11 =	sadd.s32 $0xFFFFF060, s18;
	s28 =	sor.u32 $0x1, s25;
	v10 =	vld.idx.msk [tilespmem:v5+s14+$0x1038 ss:$0x1], $0xffff  }
0x167: {  	v12 =	vadd.s32 s31, v4;
	s13 =	sor.u32 $0x1, s26;
	s19 =	sadd.s32 $0x40, s9;
	s1 =	sor.u32 $0x1, s24;
	v11 =	vld.idx.msk [tilespmem:v5+s14+$0x1037 ss:$0x1], $0xffff  }
0x168: {  	s20 =	sadd.s32 $0xFFFFF050, s18;
	s18 =	sadd.s32 $0xFFFFF070, s18;
	s21 =	simm.s32 $0x0;
	v7 =	vadd.s32 s7, v1;
	v9 =	vadd.s32 s7, v4;
	v8 =	vadd.s32 s31, v1;
	v13 =	vld [tilespmem:s1+$0x24E8]  }
.LBB2_30:
0x169: {  	_ =	sdelay $0x2  }
0x16a: {  	s8 =	sadd.s32 $0x8, s8;
	s30 =	sadd.s32 $0x80, s30;
	s21 =	sadd.s32 $0x200, s21  }
0x16b: {  	s26 =	sadd.s32 $0x40, s30;
	s24 =	sadd.s32 $0x50, s30;
	p1 =	slt.u32 s8, $0xF8;
	vm0 =	veq.s32 v10, v11;
	vm1 =	veq.s32 v10, v13  }
0x16c: {  	s7 =	sadd.s32 $0x60, s30;
	s12 =	sadd.s32 $0x70, s30;
	v8 =	vsel vm0, $0x0, v8;
	v11 =	vsel vm1, $0x0, v12  }
0x16d: {  	v8 =	vsub.s32 v11, v8  }
0x16e: {  	v8 =	vcvt.s32.f32 v8  }
0x16f: {  	[tilespmem:s14+$0x6508] =	vst v10  }
0x170: {  	[tilespmem:s14+$0x7508] =	vst v8  }
0x171: {  	v8 =	vld [tilespmem:s28+$0x24E8]  }
0x172: {  	v10 =	vld.idx.msk [tilespmem:v5+s14+$0x1047 ss:$0x1], $0xffff;
	_ =	sdelay $0x1  }
0x173: {  	s1 =	sadd.s32 s30, s23;
	v11 =	vld.idx.msk [tilespmem:v5+s14+$0x1048 ss:$0x1], $0xffff  }
0x174: {  	s2 =	sadd.s32 $0xFFFFF000, s1;
	s25 =	sadd.s32 $0xFFFFF010, s1;
	s0 =	sadd.s32 $0xFFFFF020, s1  }
0x175: {  	s31 =	sshra.s32 s21, $0x2;
	s2 =	sand.u32 $0xFFFFFF80, s2;
	s28 =	sadd.s32 $0xFFFFF030, s1  }
0x176: {  	s3 =	sadd.s32 $0xFFFFF040, s1;
	s5 =	sadd.s32 $0xFFFFF050, s1;
	s10 =	sadd.s32 $0xFFFFF060, s1  }
0x177: {  	s4 =	sadd.s32 $0xFFFFF070, s1;
	_ =	sdelay $0x1  }
0x178: {  	vm0 =	veq.s32 v11, v10;
	vm1 =	veq.s32 v11, v8;
	[tilespmem:s14+$0x6518] =	vst v11  }
0x179: {  	v8 =	vsel vm1, $0x0, v9;
	v7 =	vsel vm0, $0x0, v7  }
0x17a: {  	v7 =	vsub.s32 v8, v7  }
0x17b: {  	v7 =	vcvt.s32.f32 v7  }
0x17c: {  	v10 =	vadd.s32 s30, v1  }
0x17d: {  	v11 =	vadd.s32 s30, v4;
	[tilespmem:s14+$0x7518] =	vst v7  }
0x17e: {  	v7 =	vld.idx.msk [tilespmem:v5+s14+$0x1057 ss:$0x1], $0xffff  }
0x17f: {  	v8 =	vld.idx.msk [tilespmem:v5+s14+$0x1058 ss:$0x1], $0xffff  }
0x180: {  	v9 =	vld [tilespmem:s13+$0x24E8];
	_ =	sdelay $0x1  }
0x181: {  	s1 =	sor.u32 $0x1, s25;
	_ =	sdelay $0x1  }
0x182: {  	v12 =	vadd.s32 s19, v4  }
0x183: {  	v13 =	vadd.s32 s19, v1;
	s19 =	smov.u32 s26;
	vm0 =	veq.s32 v8, v7;
	vm1 =	veq.s32 v8, v9;
	[tilespmem:s14+$0x6528] =	vst v8  }
0x184: {  	v8 =	vsel vm0, $0x0, v13;
	v7 =	vsel vm1, $0x0, v12  }
0x185: {  	v7 =	vsub.s32 v7, v8  }
0x186: {  	v7 =	vcvt.s32.f32 v7  }
0x187: {  	s13 =	sadd.s32 $0x10, s30  }
0x188: {  	v14 =	vadd.s32 s13, v4;
	[tilespmem:s14+$0x7528] =	vst v7  }
0x189: {  	v13 =	vadd.s32 s13, v1;
	v7 =	vld.idx.msk [tilespmem:v5+s14+$0x1067 ss:$0x1], $0xffff  }
0x18a: {  	s13 =	sor.u32 $0x1, s20;
	s20 =	smov.u32 s5;
	v8 =	vld.idx.msk [tilespmem:v5+s14+$0x1068 ss:$0x1], $0xffff  }
0x18b: {  	v9 =	vld [tilespmem:s13+$0x24E8];
	_ =	sdelay $0x3  }
0x18c: {  	v12 =	vadd.s32 s16, v4  }
0x18d: {  	v15 =	vadd.s32 s16, v1;
	s16 =	smov.u32 s24;
	vm0 =	veq.s32 v8, v7;
	vm1 =	veq.s32 v8, v9;
	[tilespmem:s14+$0x6538] =	vst v8  }
0x18e: {  	s24 =	sor.u32 $0x1, s0;
	v8 =	vsel vm0, $0x0, v15;
	v7 =	vsel vm1, $0x0, v12  }
0x18f: {  	v7 =	vsub.s32 v7, v8  }
0x190: {  	v7 =	vcvt.s32.f32 v7;
	_ =	sdelay $0x1  }
0x191: {  	s0 =	sadd.s32 $0x20, s30;
	[tilespmem:s14+$0x7538] =	vst v7  }
0x192: {  	v8 =	vadd.s32 s0, v1;
	v7 =	vld.idx.msk [tilespmem:v5+s14+$0x1077 ss:$0x1], $0xffff  }
0x193: {  	v12 =	vadd.s32 s0, v4;
	s0 =	sor.u32 $0x1, s11;
	s11 =	smov.u32 s10;
	v9 =	vld.idx.msk [tilespmem:v5+s14+$0x1078 ss:$0x1], $0xffff  }
0x194: {  	v15 =	vld [tilespmem:s0+$0x24E8];
	_ =	sdelay $0x3  }
0x195: {  	v16 =	vadd.s32 s17, v4  }
0x196: {  	v17 =	vadd.s32 s17, v1;
	s17 =	smov.u32 s7;
	vm0 =	veq.s32 v9, v7;
	vm1 =	veq.s32 v9, v15;
	[tilespmem:s14+$0x6548] =	vst v9  }
0x197: {  	s28 =	sor.u32 $0x1, s28;
	v9 =	vsel vm0, $0x0, v17;
	v7 =	vsel vm1, $0x0, v16  }
0x198: {  	v7 =	vsub.s32 v7, v9  }
0x199: {  	v7 =	vcvt.s32.f32 v7;
	_ =	sdelay $0x1  }
0x19a: {  	[tilespmem:s14+$0x7548] =	vst v7  }
0x19b: {  	s0 =	sadd.s32 $0x30, s30;
	v15 =	vld.idx.msk [tilespmem:v5+s14+$0x1087 ss:$0x1], $0xffff  }
0x19c: {  	s5 =	sor.u32 $0x1, s18;
	s18 =	smov.u32 s4;
	v7 =	vadd.s32 s0, v1;
	v16 =	vld.idx.msk [tilespmem:v5+s14+$0x1088 ss:$0x1], $0xffff  }
0x19d: {  	v9 =	vadd.s32 s0, v4;
	v17 =	vld [tilespmem:s5+$0x24E8];
	_ =	sdelay $0x3  }
0x19e: {  	v18 =	vadd.s32 s6, v4  }
0x19f: {  	v19 =	vadd.s32 s6, v1;
	s6 =	smov.u32 s12;
	vm0 =	veq.s32 v16, v15;
	vm1 =	veq.s32 v16, v17;
	[tilespmem:s14+$0x6558] =	vst v16  }
0x1a0: {  	s13 =	sor.u32 $0x1, s3;
	v16 =	vsel vm0, $0x0, v19;
	v15 =	vsel vm1, $0x0, v18  }
0x1a1: {  	v15 =	vsub.s32 v15, v16  }
0x1a2: {  	v15 =	vcvt.s32.f32 v15;
	_ =	sdelay $0x1  }
0x1a3: {  	[tilespmem:s14+$0x7558] =	vst v15;
	s14 =	smov.u32 s31  }
0x1a4: {  	v15 =	vld.idx.msk [tilespmem:v5+s14+$0x1017 ss:$0x1], $0xffff  }
0x1a5: {  	v16 =	vld.idx.msk [tilespmem:v6+s2+$0x0 ss:$0x1], $0xffff  }
0x1a6: {  	v17 =	vld.idx.msk [tilespmem:v6+s2+$0x1 ss:$0x1], $0xffff;
	_ =	sdelay $0x4  }
0x1a7: {  	vm0 =	veq.s32 v16, v15;
	[tilespmem:s14+$0x64E8] =	vst v16  }
0x1a8: {  	vm1 =	veq.s32 v16, v17;
	v10 =	vsel vm0, $0x0, v10  }
0x1a9: {  	v11 =	vsel vm1, $0x0, v11  }
0x1aa: {  	v10 =	vsub.s32 v11, v10  }
0x1ab: {  	v10 =	vcvt.s32.f32 v10;
	_ =	sdelay $0x1  }
0x1ac: {  	[tilespmem:s14+$0x74E8] =	vst v10  }
0x1ad: {  	v10 =	vld.idx.msk [tilespmem:v5+s14+$0x1028 ss:$0x1], $0xffff  }
0x1ae: {  	v11 =	vld [tilespmem:s1+$0x24E8]  }
0x1af: {  	v15 =	vld.idx.msk [tilespmem:v5+s14+$0x1027 ss:$0x1], $0xffff;
	_ =	sdelay $0x3  }
0x1b0: {  	vm0 =	veq.s32 v10, v11  }
0x1b1: {  	v11 =	vsel vm0, $0x0, v14  }
0x1b2: {  	vm0 =	veq.s32 v10, v15  }
0x1b3: {  	v13 =	vsel vm0, $0x0, v13  }
0x1b4: {  	v11 =	vsub.s32 v11, v13  }
0x1b5: {  	v11 =	vcvt.s32.f32 v11  }
.Ltmp4:
0x1b6: {  	[tilespmem:s14+$0x64F8] =	vst v10;
	(pc) =	sbr.rel @p1 .LBB2_30-.Ltmp4, $4  }
0x1b7: {  	[tilespmem:s14+$0x74F8] =	vst v11  }
0x1b8: {  	v10 =	vld.idx.msk [tilespmem:v5+s14+$0x1038 ss:$0x1], $0xffff  }
0x1b9: {  	v11 =	vld.idx.msk [tilespmem:v5+s14+$0x1037 ss:$0x1], $0xffff  }
0x1ba: {  	v13 =	vld [tilespmem:s24+$0x24E8]  }
0x1bb: {  	_ =	sdelay $0x3  }
0x1bc: {  	vm0 =	veq.s32 v10, v11;
	vm1 =	veq.s32 v10, v13  }
0x1bd: {  	v8 =	vsel vm0, $0x0, v8;
	v6 =	vsel vm1, $0x0, v12  }
0x1be: {  	v6 =	vsub.s32 v6, v8  }
0x1bf: {  	v6 =	vcvt.s32.f32 v6  }
0x1c0: {  	[tilespmem:s14+$0x6508] =	vst v10  }
0x1c1: {  	[tilespmem:s14+$0x7508] =	vst v6  }
0x1c2: {  	v6 =	vld [tilespmem:s28+$0x24E8]  }
0x1c3: {  	v49 =	vld.idx.msk [tilespmem:v5+s14+$0x1047 ss:$0x1], $0xffff  }
0x1c4: {  	v10 =	vld.idx.msk [tilespmem:v5+s14+$0x1048 ss:$0x1], $0xffff;
	_ =	sdelay $0x4  }
0x1c5: {  	vm6 =	veq.s32 v10, v49;
	vm7 =	veq.s32 v10, v6  }
0x1c6: {  	v6 =	vsel vm7, $0x0, v9;
	v7 =	vsel vm6, $0x0, v7  }
0x1c7: {  	v6 =	vsub.s32 v6, v7  }
0x1c8: {  	v6 =	vcvt.s32.f32 v6  }
0x1c9: {  	[tilespmem:s14+$0x6518] =	vst v10  }
0x1ca: {  	[tilespmem:s14+$0x7518] =	vst v6  }
0x1cb: {  	v6 =	vld.idx.msk [tilespmem:v5+s14+$0x1057 ss:$0x1], $0xffff  }
0x1cc: {  	v7 =	vld.idx.msk [tilespmem:v5+s14+$0x1058 ss:$0x1], $0xffff  }
0x1cd: {  	v50 =	vld [tilespmem:s13+$0x24E8];
	_ =	sdelay $0x3  }
0x1ce: {  	v51 =	vadd.s32 s19, v4  }
0x1cf: {  	v52 =	vadd.s32 s19, v1;
	vm8 =	veq.s32 v7, v6;
	vm9 =	veq.s32 v7, v50  }
0x1d0: {  	v6 =	vsel vm9, $0x0, v51;
	v53 =	vsel vm8, $0x0, v52  }
0x1d1: {  	v6 =	vsub.s32 v6, v53  }
0x1d2: {  	v6 =	vcvt.s32.f32 v6  }
0x1d3: {  	[tilespmem:s14+$0x6528] =	vst v7  }
0x1d4: {  	[tilespmem:s14+$0x7528] =	vst v6  }
0x1d5: {  	v6 =	vld.idx.msk [tilespmem:v5+s14+$0x1067 ss:$0x1], $0xffff  }
0x1d6: {  	s0 =	sor.u32 $0x1, s20;
	v7 =	vld.idx.msk [tilespmem:v5+s14+$0x1068 ss:$0x1], $0xffff  }
0x1d7: {  	v54 =	vld [tilespmem:s0+$0x24E8];
	_ =	sdelay $0x3  }
0x1d8: {  	v55 =	vadd.s32 s16, v4  }
0x1d9: {  	v56 =	vadd.s32 s16, v1;
	vm10 =	veq.s32 v7, v6;
	vm11 =	veq.s32 v7, v54  }
0x1da: {  	v6 =	vsel vm11, $0x0, v55;
	v57 =	vsel vm10, $0x0, v56  }
0x1db: {  	v6 =	vsub.s32 v6, v57  }
0x1dc: {  	v6 =	vcvt.s32.f32 v6  }
0x1dd: {  	[tilespmem:s14+$0x6538] =	vst v7  }
0x1de: {  	[tilespmem:s14+$0x7538] =	vst v6  }
0x1df: {  	v6 =	vld.idx.msk [tilespmem:v5+s14+$0x1077 ss:$0x1], $0xffff  }
0x1e0: {  	s28 =	sor.u32 $0x1, s11;
	v7 =	vld.idx.msk [tilespmem:v5+s14+$0x1078 ss:$0x1], $0xffff  }
0x1e1: {  	v58 =	vld [tilespmem:s28+$0x24E8];
	_ =	sdelay $0x3  }
0x1e2: {  	v59 =	vadd.s32 s17, v4  }
0x1e3: {  	v60 =	vadd.s32 s17, v1;
	vm12 =	veq.s32 v7, v6;
	vm13 =	veq.s32 v7, v58  }
0x1e4: {  	v6 =	vsel vm13, $0x0, v59;
	v61 =	vsel vm12, $0x0, v60  }
0x1e5: {  	v6 =	vsub.s32 v6, v61  }
0x1e6: {  	v6 =	vcvt.s32.f32 v6  }
0x1e7: {  	[tilespmem:s14+$0x6548] =	vst v7  }
0x1e8: {  	[tilespmem:s14+$0x7548] =	vst v6  }
0x1e9: {  	v6 =	vld.idx.msk [tilespmem:v5+s14+$0x1087 ss:$0x1], $0xffff  }
0x1ea: {  	s30 =	sor.u32 $0x1, s18;
	v5 =	vld.idx.msk [tilespmem:v5+s14+$0x1088 ss:$0x1], $0xffff  }
0x1eb: {  	v7 =	vld [tilespmem:s30+$0x24E8];
	_ =	sdelay $0x3  }
0x1ec: {  	v62 =	vadd.s32 s6, v4  }
0x1ed: {  	v63 =	vadd.s32 s6, v1;
	s24 =	simm.s32 $0x1000;
	vm14 =	veq.s32 v5, v6;
	vm15 =	veq.s32 v5, v7  }
0x1ee: {  	s31 =	simm.s32 $0x64E8;
	s1 =	simm.s32 $0x74E8;
	s5 =	sld [smem:$0x7FD];
	v6 =	vsel vm15, $0x0, v62;
	v7 =	vsel vm14, $0x0, v63  }
.Ltmp5:
0x1ef: {  	s22 =	sadd.s32 $0x1, s22;
	s4 =	rddreg [dreg:$0x1f];
	v6 =	vsub.s32 v6, v7;
	(pc) =	sbr.rel .LBB2_2-.Ltmp5, $4  }
0x1f0: {  	s29 =	sadd.s32 $0x2000, s29;
	s9 =	sadd.s32 $0x2000, s9;
	s3 =	rddreg [dreg:$0x1e];
	v6 =	vcvt.s32.f32 v6  }
0x1f1: {  	s10 =	rddreg [dreg:$0x0];
	s21 =	simm.s32 $0x0;
	s4 =	sadd.s32 $0x2000, s4;
	[tilespmem:s14+$0x6558] =	vst v5  }
0x1f2: {  	s3 =	sadd.s32 $0x2000, s3;
	s5 =	sadd.s32 $0x2000, s5;
	s13 =	rddreg [dreg:$0x2];
	[tilespmem:s14+$0x7558] =	vst v6  }
0x1f3: {  	[spmem:s13] =	stream.indirect.scatter.add.f32 [tilespmem:s1], [sflag:$0x4], $0x1, s31, s24, $0xb8;
	[tilespmem:$0xF368] =	vst v63  }
.LBB2_5:
0x1f4: {  	s0 =	sand.u32 $0x78, s0  }
0x1f5: {  	v5 =	vmov s11;
	s0 =	sadd.s32 $0x24E8, s0  }
0x1f6: {  	s16 =	simm.s32 $0x4;
	v6 =	vmov s0  }
0x1f7: {  	_ =	swait.ge [sflag:s16], $0x1000  }
0x1f8: {  	s1 =	sadd.s32 s9, s23;
	[sflag:s16] =	ssyncset.done $0x0  }
0x1f9: {  	s5 =	simm.s32 $0x0;
	s8 =	sadd.s32 $0xFFFFF000, s1;
	[sflag:s16] =	ssyncadd.s32 $0xFFFFF000  }
0x1fa: {  	s0 =	sand.u32 $0xFFFFFF80, s8;
	v7 =	vld.idx.msk [tilespmem:v5+s5+$0x1017 ss:$0x1], $0xffff  }
0x1fb: {  	v8 =	vld.idx.msk [tilespmem:v6+s0+$0x0 ss:$0x1], $0xffff  }
0x1fc: {  	v9 =	vld.idx.msk [tilespmem:v6+s0+$0x1 ss:$0x1], $0xffff;
	_ =	sdelay $0x3  }
0x1fd: {  	v10 =	vadd.s32 s9, v1  }
0x1fe: {  	vm0 =	veq.s32 v8, v7;
	v7 =	vadd.s32 s9, v4;
	vm1 =	veq.s32 v8, v9  }
0x1ff: {  	v9 =	vsel vm0, $0x0, v10;
	v7 =	vsel vm1, $0x0, v7  }
0x200: {  	vm9 =	vlt.u32 v10, v0;
	v7 =	vsub.s32 v7, v9  }
0x201: {  	v7 =	vnsel vm9, $0x0, v7  }
0x202: {  	v8 =	vnsel vm9, $0x0, v8;
	v7 =	vcvt.s32.f32 v7  }
0x203: {  	s11 =	sadd.s32 $0xFFFFF010, s1;
	[tilespmem:s5+$0x64E8] =	vst v8  }
0x204: {  	s0 =	sor.u32 $0x1, s11;
	[tilespmem:s5+$0x74E8] =	vst v7  }
0x205: {  	v7 =	vld [tilespmem:s0+$0x24E8]  }
0x206: {  	v8 =	vld.idx.msk [tilespmem:v5+s5+$0x1028 ss:$0x1], $0xffff  }
0x207: {  	v9 =	vld.idx.msk [tilespmem:v5+s5+$0x1027 ss:$0x1], $0xffff;
	_ =	sdelay $0x2  }
0x208: {  	s12 =	sadd.s32 $0x10, s9  }
0x209: {  	v10 =	vadd.s32 s12, v1  }
0x20a: {  	vm10 =	veq.s32 v8, v7;
	v7 =	vadd.s32 s12, v4;
	vm11 =	veq.s32 v8, v9  }
0x20b: {  	v7 =	vsel vm10, $0x0, v7;
	v9 =	vsel vm11, $0x0, v10  }
0x20c: {  	vm12 =	vlt.u32 v10, v0;
	v7 =	vsub.s32 v7, v9  }
0x20d: {  	v7 =	vnsel vm12, $0x0, v7  }
0x20e: {  	v8 =	vnsel vm12, $0x0, v8;
	v7 =	vcvt.s32.f32 v7  }
0x20f: {  	[tilespmem:s5+$0x64F8] =	vst v8  }
0x210: {  	[tilespmem:s5+$0x74F8] =	vst v7  }
0x211: {  	s14 =	sadd.s32 $0xFFFFF020, s1;
	v7 =	vld.idx.msk [tilespmem:v5+s5+$0x1038 ss:$0x1], $0xffff  }
0x212: {  	s0 =	sor.u32 $0x1, s14;
	v8 =	vld.idx.msk [tilespmem:v5+s5+$0x1037 ss:$0x1], $0xffff  }
0x213: {  	v9 =	vld [tilespmem:s0+$0x24E8];
	_ =	sdelay $0x2  }
0x214: {  	s17 =	sadd.s32 $0x20, s9  }
0x215: {  	v10 =	vadd.s32 s17, v1  }
0x216: {  	vm13 =	veq.s32 v7, v8;
	vm14 =	veq.s32 v7, v9;
	v8 =	vadd.s32 s17, v4  }
0x217: {  	v8 =	vsel vm14, $0x0, v8;
	v9 =	vsel vm13, $0x0, v10  }
0x218: {  	vm15 =	vlt.u32 v10, v0;
	v8 =	vsub.s32 v8, v9  }
0x219: {  	v8 =	vnsel vm15, $0x0, v8  }
0x21a: {  	v7 =	vnsel vm15, $0x0, v7;
	v8 =	vcvt.s32.f32 v8  }
0x21b: {  	s18 =	sadd.s32 $0xFFFFF030, s1;
	[tilespmem:s5+$0x6508] =	vst v7  }
0x21c: {  	s0 =	sor.u32 $0x1, s18;
	[tilespmem:s5+$0x7508] =	vst v8  }
0x21d: {  	v7 =	vld [tilespmem:s0+$0x24E8]  }
0x21e: {  	v8 =	vld.idx.msk [tilespmem:v5+s5+$0x1048 ss:$0x1], $0xffff  }
0x21f: {  	v9 =	vld.idx.msk [tilespmem:v5+s5+$0x1047 ss:$0x1], $0xffff;
	_ =	sdelay $0x2  }
0x220: {  	s19 =	sadd.s32 $0x30, s9  }
0x221: {  	v10 =	vadd.s32 s19, v1  }
0x222: {  	vm4 =	veq.s32 v8, v7;
	v7 =	vadd.s32 s19, v4;
	vm5 =	veq.s32 v8, v9  }
0x223: {  	v7 =	vsel vm4, $0x0, v7;
	v9 =	vsel vm5, $0x0, v10  }
0x224: {  	vm6 =	vlt.u32 v10, v0;
	v7 =	vsub.s32 v7, v9  }
0x225: {  	v7 =	vnsel vm6, $0x0, v7  }
0x226: {  	v8 =	vnsel vm6, $0x0, v8;
	v7 =	vcvt.s32.f32 v7  }
0x227: {  	[tilespmem:s5+$0x6518] =	vst v8  }
0x228: {  	[tilespmem:s5+$0x7518] =	vst v7  }
0x229: {  	s20 =	sadd.s32 $0xFFFFF040, s1;
	v7 =	vld.idx.msk [tilespmem:v5+s5+$0x1057 ss:$0x1], $0xffff  }
0x22a: {  	s0 =	sor.u32 $0x1, s20;
	v8 =	vld.idx.msk [tilespmem:v5+s5+$0x1058 ss:$0x1], $0xffff  }
0x22b: {  	v9 =	vld [tilespmem:s0+$0x24E8];
	_ =	sdelay $0x2  }
0x22c: {  	s25 =	sadd.s32 $0x40, s9  }
0x22d: {  	v11 =	vadd.s32 s25, v4  }
0x22e: {  	v10 =	vadd.s32 s25, v1;
	vm7 =	veq.s32 v8, v7;
	vm8 =	veq.s32 v8, v9  }
0x22f: {  	v7 =	vsel vm8, $0x0, v11;
	v9 =	vsel vm7, $0x0, v10  }
0x230: {  	vm9 =	vlt.u32 v10, v0;
	v7 =	vsub.s32 v7, v9  }
0x231: {  	v7 =	vnsel vm9, $0x0, v7  }
0x232: {  	v8 =	vnsel vm9, $0x0, v8;
	v7 =	vcvt.s32.f32 v7  }
0x233: {  	[tilespmem:s5+$0x6528] =	vst v8  }
0x234: {  	[tilespmem:s5+$0x7528] =	vst v7  }
0x235: {  	s26 =	sadd.s32 $0xFFFFF050, s1;
	v7 =	vld.idx.msk [tilespmem:v5+s5+$0x1068 ss:$0x1], $0xffff  }
0x236: {  	s0 =	sor.u32 $0x1, s26;
	v8 =	vld.idx.msk [tilespmem:v5+s5+$0x1067 ss:$0x1], $0xffff  }
0x237: {  	v9 =	vld [tilespmem:s0+$0x24E8];
	_ =	sdelay $0x2  }
0x238: {  	s28 =	sadd.s32 $0x50, s9  }
0x239: {  	v10 =	vadd.s32 s28, v1  }
0x23a: {  	vm10 =	veq.s32 v7, v8;
	vm11 =	veq.s32 v7, v9;
	v8 =	vadd.s32 s28, v4  }
0x23b: {  	v8 =	vsel vm11, $0x0, v8;
	v9 =	vsel vm10, $0x0, v10  }
0x23c: {  	vm12 =	vlt.u32 v10, v0;
	v8 =	vsub.s32 v8, v9  }
0x23d: {  	v8 =	vnsel vm12, $0x0, v8  }
0x23e: {  	v7 =	vnsel vm12, $0x0, v7;
	v8 =	vcvt.s32.f32 v8  }
0x23f: {  	s29 =	sadd.s32 $0xFFFFF060, s1;
	[tilespmem:s5+$0x6538] =	vst v7  }
0x240: {  	s0 =	sor.u32 $0x1, s29;
	[tilespmem:s5+$0x7538] =	vst v8  }
0x241: {  	v7 =	vld [tilespmem:s0+$0x24E8]  }
0x242: {  	v8 =	vld.idx.msk [tilespmem:v5+s5+$0x1078 ss:$0x1], $0xffff  }
0x243: {  	v9 =	vld.idx.msk [tilespmem:v5+s5+$0x1077 ss:$0x1], $0xffff;
	_ =	sdelay $0x2  }
0x244: {  	s30 =	sadd.s32 $0x60, s9  }
0x245: {  	v10 =	vadd.s32 s30, v1  }
0x246: {  	vm13 =	veq.s32 v8, v7;
	v7 =	vadd.s32 s30, v4;
	vm14 =	veq.s32 v8, v9  }
0x247: {  	v7 =	vsel vm13, $0x0, v7;
	v9 =	vsel vm14, $0x0, v10  }
0x248: {  	vm15 =	vlt.u32 v10, v0;
	v7 =	vsub.s32 v7, v9  }
0x249: {  	v7 =	vnsel vm15, $0x0, v7  }
0x24a: {  	v8 =	vnsel vm15, $0x0, v8;
	v7 =	vcvt.s32.f32 v7  }
0x24b: {  	s31 =	sadd.s32 $0xFFFFF070, s1;
	[tilespmem:s5+$0x6548] =	vst v8  }
0x24c: {  	s0 =	sor.u32 $0x1, s31;
	[tilespmem:s5+$0x7548] =	vst v7  }
0x24d: {  	v8 =	vld [tilespmem:s0+$0x24E8]  }
0x24e: {  	s22 =	simm.s32 $0x0;
	s6 =	sadd.s32 $0x70, s9;
	s11 =	simm.s32 $0x0;
	v7 =	vld.idx.msk [tilespmem:v5+s5+$0x1088 ss:$0x1], $0xffff  }
.LBB2_6:
0x24f: {  	s11 =	sadd.s32 $0x8, s11;
	v9 =	vld.idx.msk [tilespmem:v5+s5+$0x1087 ss:$0x1], $0xffff;
	s9 =	sadd.s32 $0x80, s9;
	s22 =	sadd.s32 $0x200, s22  }
0x250: {  	s0 =	sadd.s32 $0x70, s9;
	p1 =	slt.u32 s11, $0xF8;
	_ =	sdelay $0x1  }
0x251: {  	v10 =	vadd.s32 s6, v1  }
0x252: {  	vm0 =	vlt.u32 v10, v0  }
0x253: {  	vm1 =	veq.s32 v7, v8;
	v8 =	vadd.s32 s6, v4;
	v11 =	vnsel vm0, $0x0, v7;
	s6 =	smov.u32 s0  }
0x254: {  	vm2 =	veq.s32 v7, v9;
	v7 =	vsel vm1, $0x0, v8;
	[tilespmem:s5+$0x6558] =	vst v11  }
0x255: {  	v8 =	vsel vm2, $0x0, v10  }
0x256: {  	v7 =	vsub.s32 v7, v8  }
0x257: {  	v7 =	vnsel vm0, $0x0, v7  }
0x258: {  	v7 =	vcvt.s32.f32 v7  }
0x259: {  	s3 =	sadd.s32 s9, s23  }
0x25a: {  	s4 =	sadd.s32 $0xFFFFF010, s3;
	s0 =	sadd.s32 $0xFFFFF000, s3;
	[tilespmem:s5+$0x7558] =	vst v7;
	s5 =	sshra.s32 s22, $0x2  }
0x25b: {  	s2 =	sadd.s32 $0xFFFFF030, s3;
	s7 =	sand.u32 $0xFFFFFF80, s0;
	s0 =	sadd.s32 $0xFFFFF020, s3;
	v7 =	vld.idx.msk [tilespmem:v5+s5+$0x1017 ss:$0x1], $0xffff  }
0x25c: {  	s1 =	sadd.s32 $0xFFFFF040, s3;
	s12 =	sadd.s32 $0xFFFFF050, s3;
	s14 =	sadd.s32 $0xFFFFF060, s3;
	v8 =	vld.idx.msk [tilespmem:v6+s7+$0x0 ss:$0x1], $0xffff  }
0x25d: {  	s8 =	sadd.s32 $0xFFFFF070, s3;
	v9 =	vld.idx.msk [tilespmem:v6+s7+$0x1 ss:$0x1], $0xffff;
	_ =	sdelay $0x2  }
0x25e: {  	v10 =	vadd.s32 s9, v1  }
0x25f: {  	vm0 =	vlt.u32 v10, v0  }
0x260: {  	vm1 =	veq.s32 v8, v7;
	v7 =	vadd.s32 s9, v4;
	v11 =	vnsel vm0, $0x0, v8  }
0x261: {  	vm2 =	veq.s32 v8, v9;
	v8 =	vsel vm1, $0x0, v10  }
0x262: {  	v7 =	vsel vm2, $0x0, v7  }
0x263: {  	v7 =	vsub.s32 v7, v8  }
0x264: {  	v7 =	vnsel vm0, $0x0, v7  }
0x265: {  	v7 =	vcvt.s32.f32 v7  }
0x266: {  	[tilespmem:s5+$0x64E8] =	vst v11  }
0x267: {  	s3 =	sor.u32 $0x1, s4;
	[tilespmem:s5+$0x74E8] =	vst v7  }
0x268: {  	v7 =	vld [tilespmem:s3+$0x24E8]  }
0x269: {  	v8 =	vld.idx.msk [tilespmem:v5+s5+$0x1028 ss:$0x1], $0xffff  }
0x26a: {  	v9 =	vld.idx.msk [tilespmem:v5+s5+$0x1027 ss:$0x1], $0xffff;
	_ =	sdelay $0x1  }
0x26b: {  	s3 =	sadd.s32 $0x10, s9  }
0x26c: {  	v10 =	vadd.s32 s3, v1  }
0x26d: {  	vm0 =	vlt.u32 v10, v0  }
0x26e: {  	vm1 =	veq.s32 v8, v7;
	v7 =	vadd.s32 s3, v4;
	v11 =	vnsel vm0, $0x0, v8  }
0x26f: {  	vm2 =	veq.s32 v8, v9;
	v7 =	vsel vm1, $0x0, v7  }
0x270: {  	v8 =	vsel vm2, $0x0, v10  }
0x271: {  	v7 =	vsub.s32 v7, v8  }
0x272: {  	v7 =	vnsel vm0, $0x0, v7  }
0x273: {  	v7 =	vcvt.s32.f32 v7  }
0x274: {  	[tilespmem:s5+$0x64F8] =	vst v11  }
0x275: {  	[tilespmem:s5+$0x74F8] =	vst v7  }
0x276: {  	v7 =	vld.idx.msk [tilespmem:v5+s5+$0x1038 ss:$0x1], $0xffff  }
0x277: {  	s0 =	sor.u32 $0x1, s0;
	v8 =	vld.idx.msk [tilespmem:v5+s5+$0x1037 ss:$0x1], $0xffff  }
0x278: {  	v9 =	vld [tilespmem:s0+$0x24E8]  }
0x279: {  	s0 =	sadd.s32 $0x20, s9  }
0x27a: {  	v10 =	vadd.s32 s0, v1  }
0x27b: {  	vm0 =	vlt.u32 v10, v0  }
0x27c: {  	v11 =	vnsel vm0, $0x0, v7  }
0x27d: {  	vm1 =	veq.s32 v7, v8;
	vm2 =	veq.s32 v7, v9;
	v7 =	vadd.s32 s0, v4  }
0x27e: {  	v8 =	vsel vm1, $0x0, v10;
	v7 =	vsel vm2, $0x0, v7  }
0x27f: {  	v7 =	vsub.s32 v7, v8  }
0x280: {  	v7 =	vnsel vm0, $0x0, v7  }
0x281: {  	v7 =	vcvt.s32.f32 v7  }
0x282: {  	[tilespmem:s5+$0x6508] =	vst v11  }
0x283: {  	s0 =	sor.u32 $0x1, s2;
	[tilespmem:s5+$0x7508] =	vst v7  }
0x284: {  	v7 =	vld [tilespmem:s0+$0x24E8]  }
0x285: {  	v8 =	vld.idx.msk [tilespmem:v5+s5+$0x1048 ss:$0x1], $0xffff  }
0x286: {  	v9 =	vld.idx.msk [tilespmem:v5+s5+$0x1047 ss:$0x1], $0xffff;
	_ =	sdelay $0x1  }
0x287: {  	s0 =	sadd.s32 $0x30, s9  }
0x288: {  	v10 =	vadd.s32 s0, v1  }
0x289: {  	vm0 =	vlt.u32 v10, v0  }
0x28a: {  	vm1 =	veq.s32 v8, v7;
	v7 =	vadd.s32 s0, v4;
	v11 =	vnsel vm0, $0x0, v8  }
0x28b: {  	vm2 =	veq.s32 v8, v9;
	v7 =	vsel vm1, $0x0, v7;
	[tilespmem:s5+$0x6518] =	vst v11  }
0x28c: {  	v8 =	vsel vm2, $0x0, v10  }
0x28d: {  	v7 =	vsub.s32 v7, v8  }
0x28e: {  	v7 =	vnsel vm0, $0x0, v7  }
0x28f: {  	v7 =	vcvt.s32.f32 v7;
	_ =	sdelay $0x1  }
0x290: {  	[tilespmem:s5+$0x7518] =	vst v7  }
0x291: {  	v7 =	vld.idx.msk [tilespmem:v5+s5+$0x1057 ss:$0x1], $0xffff  }
0x292: {  	s0 =	sor.u32 $0x1, s1;
	v8 =	vld.idx.msk [tilespmem:v5+s5+$0x1058 ss:$0x1], $0xffff  }
0x293: {  	v9 =	vld [tilespmem:s0+$0x24E8];
	_ =	sdelay $0x1  }
0x294: {  	s0 =	sadd.s32 $0x40, s9  }
0x295: {  	v10 =	vadd.s32 s0, v1  }
0x296: {  	v11 =	vadd.s32 s0, v4;
	vm0 =	vlt.u32 v10, v0  }
0x297: {  	vm1 =	veq.s32 v8, v7;
	v7 =	vnsel vm0, $0x0, v8;
	vm2 =	veq.s32 v8, v9  }
0x298: {  	v9 =	vsel vm1, $0x0, v10;
	v8 =	vsel vm2, $0x0, v11;
	[tilespmem:s5+$0x6528] =	vst v7  }
0x299: {  	v7 =	vsub.s32 v8, v9  }
0x29a: {  	v7 =	vnsel vm0, $0x0, v7  }
0x29b: {  	v7 =	vcvt.s32.f32 v7;
	_ =	sdelay $0x1  }
0x29c: {  	[tilespmem:s5+$0x7528] =	vst v7  }
0x29d: {  	v7 =	vld.idx.msk [tilespmem:v5+s5+$0x1068 ss:$0x1], $0xffff  }
0x29e: {  	s0 =	sor.u32 $0x1, s12;
	v8 =	vld.idx.msk [tilespmem:v5+s5+$0x1067 ss:$0x1], $0xffff  }
0x29f: {  	v9 =	vld [tilespmem:s0+$0x24E8]  }
0x2a0: {  	s0 =	sadd.s32 $0x50, s9  }
0x2a1: {  	v10 =	vadd.s32 s0, v1  }
0x2a2: {  	vm0 =	vlt.u32 v10, v0  }
0x2a3: {  	v11 =	vnsel vm0, $0x0, v7  }
0x2a4: {  	vm1 =	veq.s32 v7, v8;
	vm2 =	veq.s32 v7, v9;
	v7 =	vadd.s32 s0, v4;
	[tilespmem:s5+$0x6538] =	vst v11  }
0x2a5: {  	v8 =	vsel vm1, $0x0, v10;
	v7 =	vsel vm2, $0x0, v7  }
0x2a6: {  	v7 =	vsub.s32 v7, v8  }
0x2a7: {  	v7 =	vnsel vm0, $0x0, v7  }
0x2a8: {  	v7 =	vcvt.s32.f32 v7;
	_ =	sdelay $0x1  }
0x2a9: {  	s0 =	sor.u32 $0x1, s14;
	[tilespmem:s5+$0x7538] =	vst v7  }
0x2aa: {  	v7 =	vld [tilespmem:s0+$0x24E8]  }
0x2ab: {  	v8 =	vld.idx.msk [tilespmem:v5+s5+$0x1078 ss:$0x1], $0xffff  }
0x2ac: {  	v9 =	vld.idx.msk [tilespmem:v5+s5+$0x1077 ss:$0x1], $0xffff;
	_ =	sdelay $0x1  }
0x2ad: {  	s0 =	sadd.s32 $0x60, s9  }
0x2ae: {  	v10 =	vadd.s32 s0, v1  }
0x2af: {  	vm0 =	vlt.u32 v10, v0  }
0x2b0: {  	vm1 =	veq.s32 v8, v7;
	v7 =	vadd.s32 s0, v4;
	v11 =	vnsel vm0, $0x0, v8  }
0x2b1: {  	vm2 =	veq.s32 v8, v9;
	v7 =	vsel vm1, $0x0, v7;
	[tilespmem:s5+$0x6548] =	vst v11  }
0x2b2: {  	v8 =	vsel vm2, $0x0, v10  }
0x2b3: {  	v7 =	vsub.s32 v7, v8  }
0x2b4: {  	v7 =	vnsel vm0, $0x0, v7  }
.Ltmp6:
0x2b5: {  	v7 =	vcvt.s32.f32 v7;
	(pc) =	sbr.rel @p1 .LBB2_6-.Ltmp6, $4  }
0x2b6: {  	_ = 	snop  }
0x2b7: {  	s0 =	sor.u32 $0x1, s8;
	[tilespmem:s5+$0x7548] =	vst v7  }
0x2b8: {  	v8 =	vld [tilespmem:s0+$0x24E8]  }
0x2b9: {  	v7 =	vld.idx.msk [tilespmem:v5+s5+$0x1088 ss:$0x1], $0xffff  }
0x2ba: {  	_ =	sdelay $0x3  }
0x2bb: {  	v5 =	vld.idx.msk [tilespmem:v5+s5+$0x1087 ss:$0x1], $0xffff;
	_ =	sdelay $0x3  }
0x2bc: {  	v6 =	vadd.s32 s6, v1  }
0x2bd: {  	vm0 =	veq.s32 v7, v8;
	v8 =	vadd.s32 s6, v4;
	vm1 =	veq.s32 v7, v5  }
0x2be: {  	v5 =	vsel vm0, $0x0, v8;
	v8 =	vsel vm1, $0x0, v6  }
0x2bf: {  	vm0 =	vlt.u32 v6, v0;
	v5 =	vsub.s32 v5, v8  }
0x2c0: {  	v5 =	vnsel vm0, $0x0, v5  }
0x2c1: {  	v6 =	vnsel vm0, $0x0, v7;
	v5 =	vcvt.s32.f32 v5  }
0x2c2: {  	[tilespmem:s5+$0x6558] =	vst v6  }
0x2c3: {  	s0 =	simm.s32 $0x64E8;
	s1 =	simm.s32 $0x74E8;
	s30 =	simm.s32 $0x3;
	[tilespmem:s5+$0x7558] =	vst v5  }
0x2c4: {  	[spmem:s13] =	stream.indirect.scatter.add.f32 [tilespmem:s1], [sflag:$0x4], $0x1, s0, s24, $0xb8;
	[tilespmem:$0xF368] =	vst v63  }
0x2c5: {  	_ =	swait.ge [sflag:s30], $0x1000  }
0x2c6: {  	[sflag:s30] =	ssyncset.done $0x0  }
0x2c7: {  	[sflag:s30] =	ssyncadd.s32 $0xFFFFF000  }
0x2c8: {  	_ =	swait.ge [sflag:s16], $0x1000  }
0x2c9: {  	[sflag:s16] =	ssyncset.done $0x0  }
0x2ca: {  	[sflag:s16] =	ssyncadd.s32 $0xFFFFF000  }
0x2cb: {  	[bflag:$0x0] =	sbarrier.arrive $0xFFFF  }
0x2cc: {  	s3 =	simm.s32 $0x7;
	_ =	strace $0x80000048  }
0x2cd: {  	[tilespmem:s15], [sflag:$0x7] =	stream.linear.gather [spmem:s13], $0x4E80, $0x200038;
	[tilespmem:$0xF368] =	vst v63  }
0x2ce: {  	_ =	swait.ge [sflag:s3], $0x4E80  }
0x2cf: {  	[sflag:s3] =	ssyncset.done $0x0  }
0x2d0: {  	s31 =	simm.s32 $0x8508;
	[sflag:s3] =	ssyncadd.s32 $0xFFFFB180  }
0x2d1: {  	v5 =	vld [tilespmem:s31+$0xFFFFFFE0];
	_ =	sdelay $0x2  }
0x2d2: {  	v8 =	vld [tilespmem:s31+$0xFFFFFFF0];
	_ =	sdelay $0x1  }
0x2d3: {  	vm0 =	vgt.f32 v5, $0.0e+00;
	v5 =	vld [tilespmem:s31+$0x0];
	_ =	sdelay $0x1  }
0x2d4: {  	s4 =	simm.s32 $0xD368;
	s7 =	simm.s32 $0x6;
	s6 =	simm.s32 $0x5;
	v7 =	vimm.f32 $0.0e+00;
	v6 =	vld [tilespmem:s31+$0x10];
	v9 =	vsel vm0, $0x3F800000, v2  }
0x2d5: {  	s5 =	simm.s32 $0xE368;
	s0 =	simm.s32 $0x0;
	s1 =	simm.s32 $0x8548;
	vm0 =	vgt.f32 v8, $0.0e+00;
	v7 =	vadd.f32 v9, v7  }
.LBB2_8:
0x2d6: {  	v8 =	vld [tilespmem:s1+$0xFFFFFFE0];
	s0 =	sadd.s32 $0x4, s0;
	v9 =	vsel vm0, $0x3F800000, v2  }
0x2d7: {  	p1 =	slt.u32 s0, $0x4DC;
	v7 =	vadd.f32 v9, v7;
	vm0 =	vgt.f32 v5, $0.0e+00  }
0x2d8: {  	v9 =	vld [tilespmem:s1+$0xFFFFFFF0];
	v5 =	vsel vm0, $0x3F800000, v2  }
.Ltmp7:
0x2d9: {  	v7 =	vadd.f32 v5, v7;
	vm0 =	vgt.f32 v6, $0.0e+00;
	(pc) =	sbr.rel @p1 .LBB2_8-.Ltmp7, $4  }
0x2da: {  	v5 =	vld [tilespmem:s1+$0x0];
	v6 =	vsel vm0, $0x3F800000, v2  }
0x2db: {  	vm0 =	vgt.f32 v8, $0.0e+00;
	v7 =	vadd.f32 v6, v7  }
0x2dc: {  	v8 =	vsel vm0, $0x3F800000, v2;
	v6 =	vld [tilespmem:s1+$0x10]  }
0x2dd: {  	s1 =	sadd.s32 $0x40, s1;
	v7 =	vadd.f32 v8, v7;
	vm0 =	vgt.f32 v9, $0.0e+00  }
0x2de: {  	v8 =	vsel vm0, $0x3F800000, v2;
	v9 =	vld [tilespmem:$0xD2E8]  }
0x2df: {  	v7 =	vadd.f32 v8, v7;
	vm0 =	vgt.f32 v5, $0.0e+00  }
0x2e0: {  	v8 =	vld [tilespmem:$0xD2F8];
	v5 =	vsel vm0, $0x3F800000, v2  }
0x2e1: {  	v5 =	vadd.f32 v5, v7;
	vm0 =	vgt.f32 v6, $0.0e+00  }
0x2e2: {  	v6 =	vsel vm0, $0x3F800000, v2  }
0x2e3: {  	v5 =	vadd.f32 v6, v5;
	vm0 =	vgt.f32 v9, $0.0e+00  }
0x2e4: {  	v6 =	vsel vm0, $0x3F800000, v2  }
0x2e5: {  	vm0 =	vgt.f32 v8, $0.0e+00;
	v5 =	vadd.f32 v6, v5  }
0x2e6: {  	v6 =	vsel vm0, $0x3F800000, v2  }
0x2e7: {  	v5 =	vadd.f32 v6, v5;
	_ =	sdelay $0x1  }
0x2e8: {  	(xrf2) =	vadd.scan.msk.f32 $0xffff, v5;
	_ =	sdelay $0x6  }
0x2e9: {  	s1 =	simm.s32 $0x8508  }
0x2ea: {  	v6 =	vld [tilespmem:s1+$0xFFFFFFE0];
	_ =	sdelay $0x1  }
0x2eb: {  	v5, _, _ =	vpop (xrf2)  }
0x2ec: {  	v5 =	vbroadcast v5, $0xF;
	_ =	sdelay $0x1  }
0x2ed: {  	v61 =	vmul.f32 v6, v5;
	_ =	sdelay $0x1  }
0x2ee: {  	v7 =	vld [tilespmem:s1+$0x0];
	(erf) = vrcp.f32 v61  }
0x2ef: {  	v8 =	vld [tilespmem:s1+$0x10]  }
0x2f0: {  	v62 =	vld [tilespmem:s1+$0xFFFFFFF0];
	_ =	sdelay $0x2  }
0x2f1: {  	v10 =	vmul.f32 v7, v5  }
0x2f2: {  	v11 =	vmul.f32 v8, v5  }
0x2f3: {  	v63 =	vmul.f32 v62, v5;
	(erf) = vrcp.f32 v10  }
0x2f4: {  	(erf) = vrcp.f32 v11  }
0x2f5: {  	vm1 =	vgt.f32 v6, $0.0e+00;
	v6 =	vpop (erf);
	(erf) = vrcp.f32 v63;
	_ =	sdelay $0x6  }
0x2f6: {  	v6 =	vnsel vm1, $0x0, v6;
	vm1 =	vgt.f32 v7, $0.0e+00;
	v7 =	vpop (erf)  }
0x2f7: {  	s0 =	simm.s32 $0x0;
	s2 =	simm.s32 $0x8548;
	vm0 =	vgt.f32 v62, $0.0e+00;
	[tilespmem:s1+$0xFFFFFFE0] =	vst v6;
	v6 =	vnsel vm1, $0x0, v7;
	vm1 =	vgt.f32 v8, $0.0e+00;
	v7 =	vpop (erf)  }
.LBB2_10:
0x2f8: {  	v8 =	vld [tilespmem:s2+$0xFFFFFFE0];
	[tilespmem:s1+$0x0] =	vst v6;
	v6 =	vnsel vm1, $0x0, v7;
	v7 =	vpop (erf)  }
0x2f9: {  	v9 =	vld [tilespmem:s2+$0x0];
	v7 =	vnsel vm0, $0x0, v7;
	[tilespmem:s1+$0x10] =	vst v6  }
0x2fa: {  	s0 =	sadd.s32 $0x4, s0;
	v10 =	vld [tilespmem:s2+$0x10];
	[tilespmem:s1+$0xFFFFFFF0] =	vst v7;
	s1 =	smov.u32 s2  }
0x2fb: {  	p1 =	slt.u32 s0, $0x4DC;
	v6 =	vld [tilespmem:s2+$0xFFFFFFF0];
	_ =	sdelay $0x1  }
0x2fc: {  	v7 =	vmul.f32 v8, v5  }
0x2fd: {  	v11 =	vmul.f32 v9, v5  }
0x2fe: {  	v12 =	vmul.f32 v10, v5;
	(erf) = vrcp.f32 v7  }
0x2ff: {  	vm0 =	vgt.f32 v6, $0.0e+00;
	v6 =	vmul.f32 v6, v5;
	(erf) = vrcp.f32 v11  }
0x300: {  	(erf) = vrcp.f32 v12  }
0x301: {  	(erf) = vrcp.f32 v6;
	_ =	sdelay $0x3  }
.Ltmp8:
0x302: {  	(pc) =	sbr.rel @p1 .LBB2_10-.Ltmp8, $4  }
0x303: {  	_ = 	snop  }
0x304: {  	vm1 =	vgt.f32 v8, $0.0e+00;
	v6 =	vpop (erf)  }
0x305: {  	v6 =	vnsel vm1, $0x0, v6;
	vm1 =	vgt.f32 v9, $0.0e+00;
	v7 =	vpop (erf)  }
0x306: {  	s2 =	sadd.s32 $0x40, s2;
	[tilespmem:s1+$0xFFFFFFE0] =	vst v6;
	v6 =	vnsel vm1, $0x0, v7;
	vm1 =	vgt.f32 v10, $0.0e+00;
	v7 =	vpop (erf)  }
0x307: {  	[tilespmem:s1+$0x0] =	vst v6;
	v6 =	vnsel vm1, $0x0, v7;
	v7 =	vpop (erf)  }
0x308: {  	v7 =	vnsel vm0, $0x0, v7;
	[tilespmem:s1+$0x10] =	vst v6  }
0x309: {  	[tilespmem:s1+$0xFFFFFFF0] =	vst v7  }
0x30a: {  	v6 =	vld [tilespmem:$0xD2E8]  }
0x30b: {  	v7 =	vld [tilespmem:$0xD2F8];
	_ =	sdelay $0x3  }
0x30c: {  	v8 =	vmul.f32 v6, v5  }
0x30d: {  	v5 =	vmul.f32 v7, v5  }
0x30e: {  	(erf) = vrcp.f32 v8  }
0x30f: {  	(erf) = vrcp.f32 v5;
	_ =	sdelay $0x7  }
0x310: {  	vm14 =	vgt.f32 v6, $0.0e+00;
	v5 =	vpop (erf)  }
0x311: {  	vm15 =	vgt.f32 v7, $0.0e+00;
	v5 =	vnsel vm14, $0x0, v5;
	v6 =	vpop (erf)  }
0x312: {  	[tilespmem:$0xD2E8] =	vst v5;
	v5 =	vnsel vm15, $0x0, v6  }
0x313: {  	[tilespmem:$0xD2F8] =	vst v5  }
0x314: {  	_ =	strace $0x90000048  }
0x315: {  	_ =	strace $0x80000049  }
0x316: {  	s28 =	simm.s32 $0x4F8;
	s29 =	simm.s32 $0x1;
	s0 =	rddreg [dreg:$0x7]  }
0x317: {  	[tilespmem:s28], [sflag:$0x1] =	stream.linear.gather [hbm4b:s0+s21], $0x1000, $0x200038;
	[tilespmem:$0xF368] =	vst v63  }
0x318: {  	s31 =	simm.s32 $0x24F8;
	_ =	swait.ge [sflag:s29], $0x1000  }
0x319: {  	s2 =	simm.s32 $0xD388;
	s1 =	simm.s32 $0x528;
	[sflag:s29] =	ssyncset.done $0x0  }
0x31a: {  	s0 =	simm.s32 $0xFFFFFFFC;
	s30 =	rddreg [dreg:$0x8];
	[sflag:s29] =	ssyncadd.s32 $0xFFFFF000  }
0x31b: {  	[tilespmem:s31], [sflag:$0x2] =	stream.linear.gather [hbm4b:s30+s21], $0x1000, $0x200038;
	[tilespmem:$0xF368] =	vst v63  }
.LBB2_12:
0x31c: {  	v5 =	vld [tilespmem:s1+$0xFFFFFFD0];
	_ =	sdelay $0x7  }
0x31d: {  	v5 =	vld.idx.msk [tilespmem:v5+s15+$0x0], $0xffff;
	_ =	sdelay $0x4  }
0x31e: {  	[tilespmem:s2+$0xFFFFFFE0] =	vst v5  }
0x31f: {  	v5 =	vld [tilespmem:s1+$0xFFFFFFE0];
	_ =	sdelay $0x7  }
0x320: {  	v5 =	vld.idx.msk [tilespmem:v5+s15+$0x0], $0xffff;
	_ =	sdelay $0x4  }
0x321: {  	[tilespmem:s2+$0xFFFFFFF0] =	vst v5  }
0x322: {  	v5 =	vld [tilespmem:s1+$0xFFFFFFF0];
	_ =	sdelay $0x7  }
0x323: {  	v5 =	vld.idx.msk [tilespmem:v5+s15+$0x0], $0xffff;
	_ =	sdelay $0x4  }
0x324: {  	[tilespmem:s2+$0x0] =	vst v5  }
0x325: {  	v5 =	vld [tilespmem:s1+$0x0];
	_ =	sdelay $0x6  }
0x326: {  	s0 =	sadd.s32 $0x4, s0  }
0x327: {  	p1 =	slt.u32 s0, $0xFC;
	v5 =	vld.idx.msk [tilespmem:v5+s15+$0x0], $0xffff  }
.Ltmp9:
0x328: {  	_ = 	snop;
	(pc) =	sbr.rel @p1 .LBB2_12-.Ltmp9, $2  }
0x329: {  	_ =	sdelay $0x2  }
0x32a: {  	s1 =	sadd.s32 $0x40, s1;
	[tilespmem:s2+$0x10] =	vst v5;
	s2 =	sadd.s32 $0x40, s2  }
0x32b: {  	s0 =	rddreg [dreg:$0x9];
	s30 =	simm.s32 $0x2  }
0x32c: {  	[hbm4b:s0+s21] =	stream.linear.scatter [tilespmem:s4], [sflag:$0x5], $0x1000, $0x200038;
	[tilespmem:$0xF368] =	vst v63  }
0x32d: {  	_ =	swait.ge [sflag:s30], $0x1000  }
0x32e: {  	[sflag:s30] =	ssyncset.done $0x0  }
0x32f: {  	s1 =	simm.s32 $0x4F8;
	s31 =	rddreg [dreg:$0xa];
	[sflag:s30] =	ssyncadd.s32 $0xFFFFF000  }
0x330: {  	[tilespmem:s1], [sflag:$0x1] =	stream.linear.gather [hbm4b:s31+s21], $0x1000, $0x200038;
	[tilespmem:$0xF368] =	vst v63  }
0x331: {  	s2 =	simm.s32 $0xE388;
	s0 =	simm.s32 $0xFFFFFFFC;
	s1 =	simm.s32 $0x2528  }
.LBB2_14:
0x332: {  	v5 =	vld [tilespmem:s1+$0xFFFFFFD0];
	_ =	sdelay $0x7  }
0x333: {  	v5 =	vld.idx.msk [tilespmem:v5+s15+$0x0], $0xffff;
	_ =	sdelay $0x4  }
0x334: {  	[tilespmem:s2+$0xFFFFFFE0] =	vst v5  }
0x335: {  	v5 =	vld [tilespmem:s1+$0xFFFFFFE0];
	_ =	sdelay $0x7  }
0x336: {  	v5 =	vld.idx.msk [tilespmem:v5+s15+$0x0], $0xffff;
	_ =	sdelay $0x4  }
0x337: {  	[tilespmem:s2+$0xFFFFFFF0] =	vst v5  }
0x338: {  	v5 =	vld [tilespmem:s1+$0xFFFFFFF0];
	_ =	sdelay $0x7  }
0x339: {  	v5 =	vld.idx.msk [tilespmem:v5+s15+$0x0], $0xffff;
	_ =	sdelay $0x4  }
0x33a: {  	[tilespmem:s2+$0x0] =	vst v5  }
0x33b: {  	v5 =	vld [tilespmem:s1+$0x0];
	_ =	sdelay $0x6  }
0x33c: {  	s0 =	sadd.s32 $0x4, s0  }
0x33d: {  	p1 =	slt.u32 s0, $0xFC;
	v5 =	vld.idx.msk [tilespmem:v5+s15+$0x0], $0xffff  }
.Ltmp10:
0x33e: {  	_ = 	snop;
	(pc) =	sbr.rel @p1 .LBB2_14-.Ltmp10, $2  }
0x33f: {  	_ =	sdelay $0x2  }
0x340: {  	s1 =	sadd.s32 $0x40, s1;
	[tilespmem:s2+$0x10] =	vst v5;
	s2 =	sadd.s32 $0x40, s2  }
0x341: {  	s0 =	rddreg [dreg:$0xb];
	s30 =	simm.s32 $0x1  }
0x342: {  	[hbm4b:s0+s21] =	stream.linear.scatter [tilespmem:s5], [sflag:$0x6], $0x1000, $0x200038;
	[tilespmem:$0xF368] =	vst v63  }
0x343: {  	_ =	swait.ge [sflag:s30], $0x1000  }
0x344: {  	[sflag:s30] =	ssyncset.done $0x0  }
0x345: {  	s1 =	simm.s32 $0x24F8;
	s31 =	rddreg [dreg:$0xc];
	[sflag:s30] =	ssyncadd.s32 $0xFFFFF000  }
0x346: {  	[tilespmem:s1], [sflag:$0x2] =	stream.linear.gather [hbm4b:s31+s21], $0x1000, $0x200038;
	[tilespmem:$0xF368] =	vst v63  }
0x347: {  	_ =	swait.ge [sflag:s6], $0x1000  }
0x348: {  	s2 =	simm.s32 $0xD388;
	[sflag:s6] =	ssyncset.done $0x0  }
0x349: {  	s0 =	simm.s32 $0xFFFFFFFC;
	s1 =	simm.s32 $0x528;
	[sflag:s6] =	ssyncadd.s32 $0xFFFFF000  }
.LBB2_16:
0x34a: {  	v5 =	vld [tilespmem:s1+$0xFFFFFFD0];
	_ =	sdelay $0x7  }
0x34b: {  	v5 =	vld.idx.msk [tilespmem:v5+s15+$0x0], $0xffff;
	_ =	sdelay $0x4  }
0x34c: {  	[tilespmem:s2+$0xFFFFFFE0] =	vst v5  }
0x34d: {  	v5 =	vld [tilespmem:s1+$0xFFFFFFE0];
	_ =	sdelay $0x7  }
0x34e: {  	v5 =	vld.idx.msk [tilespmem:v5+s15+$0x0], $0xffff;
	_ =	sdelay $0x4  }
0x34f: {  	[tilespmem:s2+$0xFFFFFFF0] =	vst v5  }
0x350: {  	v5 =	vld [tilespmem:s1+$0xFFFFFFF0];
	_ =	sdelay $0x7  }
0x351: {  	v5 =	vld.idx.msk [tilespmem:v5+s15+$0x0], $0xffff;
	_ =	sdelay $0x4  }
0x352: {  	[tilespmem:s2+$0x0] =	vst v5  }
0x353: {  	v5 =	vld [tilespmem:s1+$0x0];
	_ =	sdelay $0x6  }
0x354: {  	s0 =	sadd.s32 $0x4, s0  }
0x355: {  	p1 =	slt.u32 s0, $0xFC;
	v5 =	vld.idx.msk [tilespmem:v5+s15+$0x0], $0xffff  }
.Ltmp11:
0x356: {  	_ = 	snop;
	(pc) =	sbr.rel @p1 .LBB2_16-.Ltmp11, $2  }
0x357: {  	_ =	sdelay $0x2  }
0x358: {  	s1 =	sadd.s32 $0x40, s1;
	[tilespmem:s2+$0x10] =	vst v5;
	s2 =	sadd.s32 $0x40, s2  }
0x359: {  	s0 =	rddreg [dreg:$0xd];
	s30 =	simm.s32 $0x2  }
0x35a: {  	[hbm4b:s0+s21] =	stream.linear.scatter [tilespmem:s4], [sflag:$0x5], $0x1000, $0x200038;
	[tilespmem:$0xF368] =	vst v63  }
0x35b: {  	_ =	swait.ge [sflag:s30], $0x1000  }
0x35c: {  	[sflag:s30] =	ssyncset.done $0x0  }
0x35d: {  	s1 =	simm.s32 $0x4F8;
	s31 =	rddreg [dreg:$0xe];
	[sflag:s30] =	ssyncadd.s32 $0xFFFFF000  }
0x35e: {  	[tilespmem:s1], [sflag:$0x1] =	stream.linear.gather [hbm4b:s31+s21], $0x1000, $0x200038;
	[tilespmem:$0xF368] =	vst v63  }
0x35f: {  	_ =	swait.ge [sflag:s7], $0x1000  }
0x360: {  	s2 =	simm.s32 $0xE388;
	[sflag:s7] =	ssyncset.done $0x0  }
0x361: {  	s0 =	simm.s32 $0xFFFFFFFC;
	s1 =	simm.s32 $0x2528;
	[sflag:s7] =	ssyncadd.s32 $0xFFFFF000  }
.LBB2_18:
0x362: {  	v5 =	vld [tilespmem:s1+$0xFFFFFFD0];
	_ =	sdelay $0x7  }
0x363: {  	v5 =	vld.idx.msk [tilespmem:v5+s15+$0x0], $0xffff;
	_ =	sdelay $0x4  }
0x364: {  	[tilespmem:s2+$0xFFFFFFE0] =	vst v5  }
0x365: {  	v5 =	vld [tilespmem:s1+$0xFFFFFFE0];
	_ =	sdelay $0x7  }
0x366: {  	v5 =	vld.idx.msk [tilespmem:v5+s15+$0x0], $0xffff;
	_ =	sdelay $0x4  }
0x367: {  	[tilespmem:s2+$0xFFFFFFF0] =	vst v5  }
0x368: {  	v5 =	vld [tilespmem:s1+$0xFFFFFFF0];
	_ =	sdelay $0x7  }
0x369: {  	v5 =	vld.idx.msk [tilespmem:v5+s15+$0x0], $0xffff;
	_ =	sdelay $0x4  }
0x36a: {  	[tilespmem:s2+$0x0] =	vst v5  }
0x36b: {  	v5 =	vld [tilespmem:s1+$0x0];
	_ =	sdelay $0x6  }
0x36c: {  	s0 =	sadd.s32 $0x4, s0  }
0x36d: {  	p1 =	slt.u32 s0, $0xFC;
	v5 =	vld.idx.msk [tilespmem:v5+s15+$0x0], $0xffff  }
.Ltmp12:
0x36e: {  	_ = 	snop;
	(pc) =	sbr.rel @p1 .LBB2_18-.Ltmp12, $2  }
0x36f: {  	_ =	sdelay $0x2  }
0x370: {  	s1 =	sadd.s32 $0x40, s1;
	[tilespmem:s2+$0x10] =	vst v5;
	s2 =	sadd.s32 $0x40, s2  }
0x371: {  	s0 =	rddreg [dreg:$0xf];
	s30 =	simm.s32 $0x1  }
0x372: {  	[hbm4b:s0+s21] =	stream.linear.scatter [tilespmem:s5], [sflag:$0x6], $0x1000, $0x200038;
	[tilespmem:$0xF368] =	vst v63  }
0x373: {  	_ =	swait.ge [sflag:s30], $0x1000  }
0x374: {  	[sflag:s30] =	ssyncset.done $0x0  }
0x375: {  	s1 =	simm.s32 $0x24F8;
	s31 =	rddreg [dreg:$0x10];
	[sflag:s30] =	ssyncadd.s32 $0xFFFFF000  }
0x376: {  	[tilespmem:s1], [sflag:$0x2] =	stream.linear.gather [hbm4b:s31+s21], $0x1000, $0x200038;
	[tilespmem:$0xF368] =	vst v63  }
0x377: {  	_ =	swait.ge [sflag:s6], $0x1000  }
0x378: {  	s2 =	simm.s32 $0xD388;
	[sflag:s6] =	ssyncset.done $0x0  }
0x379: {  	s0 =	simm.s32 $0xFFFFFFFC;
	s1 =	simm.s32 $0x528;
	[sflag:s6] =	ssyncadd.s32 $0xFFFFF000  }
.LBB2_20:
0x37a: {  	v5 =	vld [tilespmem:s1+$0xFFFFFFD0];
	_ =	sdelay $0x7  }
0x37b: {  	v5 =	vld.idx.msk [tilespmem:v5+s15+$0x0], $0xffff;
	_ =	sdelay $0x4  }
0x37c: {  	[tilespmem:s2+$0xFFFFFFE0] =	vst v5  }
0x37d: {  	v5 =	vld [tilespmem:s1+$0xFFFFFFE0];
	_ =	sdelay $0x7  }
0x37e: {  	v5 =	vld.idx.msk [tilespmem:v5+s15+$0x0], $0xffff;
	_ =	sdelay $0x4  }
0x37f: {  	[tilespmem:s2+$0xFFFFFFF0] =	vst v5  }
0x380: {  	v5 =	vld [tilespmem:s1+$0xFFFFFFF0];
	_ =	sdelay $0x7  }
0x381: {  	v5 =	vld.idx.msk [tilespmem:v5+s15+$0x0], $0xffff;
	_ =	sdelay $0x4  }
0x382: {  	[tilespmem:s2+$0x0] =	vst v5  }
0x383: {  	v5 =	vld [tilespmem:s1+$0x0];
	_ =	sdelay $0x6  }
0x384: {  	s0 =	sadd.s32 $0x4, s0  }
0x385: {  	p1 =	slt.u32 s0, $0xFC;
	v5 =	vld.idx.msk [tilespmem:v5+s15+$0x0], $0xffff  }
.Ltmp13:
0x386: {  	_ = 	snop;
	(pc) =	sbr.rel @p1 .LBB2_20-.Ltmp13, $2  }
0x387: {  	_ =	sdelay $0x2  }
0x388: {  	s1 =	sadd.s32 $0x40, s1;
	[tilespmem:s2+$0x10] =	vst v5;
	s2 =	sadd.s32 $0x40, s2  }
0x389: {  	s0 =	rddreg [dreg:$0x11];
	s30 =	simm.s32 $0x2  }
0x38a: {  	[hbm4b:s0+s21] =	stream.linear.scatter [tilespmem:s4], [sflag:$0x5], $0x1000, $0x200038;
	[tilespmem:$0xF368] =	vst v63  }
0x38b: {  	_ =	swait.ge [sflag:s30], $0x1000  }
0x38c: {  	[sflag:s30] =	ssyncset.done $0x0  }
0x38d: {  	s1 =	simm.s32 $0x4F8;
	s31 =	rddreg [dreg:$0x13];
	[sflag:s30] =	ssyncadd.s32 $0xFFFFF000  }
0x38e: {  	[tilespmem:s1], [sflag:$0x1] =	stream.linear.gather [hbm4b:s31+s21], $0x1000, $0x200038;
	[tilespmem:$0xF368] =	vst v63  }
0x38f: {  	_ =	swait.ge [sflag:s7], $0x1000  }
0x390: {  	s2 =	simm.s32 $0xE388;
	[sflag:s7] =	ssyncset.done $0x0  }
0x391: {  	s0 =	simm.s32 $0xFFFFFFFC;
	s1 =	simm.s32 $0x2528;
	[sflag:s7] =	ssyncadd.s32 $0xFFFFF000  }
.LBB2_22:
0x392: {  	v5 =	vld [tilespmem:s1+$0xFFFFFFD0];
	_ =	sdelay $0x7  }
0x393: {  	v5 =	vld.idx.msk [tilespmem:v5+s15+$0x0], $0xffff;
	_ =	sdelay $0x4  }
0x394: {  	[tilespmem:s2+$0xFFFFFFE0] =	vst v5  }
0x395: {  	v5 =	vld [tilespmem:s1+$0xFFFFFFE0];
	_ =	sdelay $0x7  }
0x396: {  	v5 =	vld.idx.msk [tilespmem:v5+s15+$0x0], $0xffff;
	_ =	sdelay $0x4  }
0x397: {  	[tilespmem:s2+$0xFFFFFFF0] =	vst v5  }
0x398: {  	v5 =	vld [tilespmem:s1+$0xFFFFFFF0];
	_ =	sdelay $0x7  }
0x399: {  	v5 =	vld.idx.msk [tilespmem:v5+s15+$0x0], $0xffff;
	_ =	sdelay $0x4  }
0x39a: {  	[tilespmem:s2+$0x0] =	vst v5  }
0x39b: {  	v5 =	vld [tilespmem:s1+$0x0];
	_ =	sdelay $0x6  }
0x39c: {  	s0 =	sadd.s32 $0x4, s0  }
0x39d: {  	p1 =	slt.u32 s0, $0xFC;
	v5 =	vld.idx.msk [tilespmem:v5+s15+$0x0], $0xffff  }
.Ltmp14:
0x39e: {  	_ = 	snop;
	(pc) =	sbr.rel @p1 .LBB2_22-.Ltmp14, $2  }
0x39f: {  	_ =	sdelay $0x2  }
0x3a0: {  	s1 =	sadd.s32 $0x40, s1;
	[tilespmem:s2+$0x10] =	vst v5;
	s2 =	sadd.s32 $0x40, s2  }
0x3a1: {  	s0 =	rddreg [dreg:$0x12];
	s31 =	simm.s32 $0x1  }
0x3a2: {  	[hbm4b:s0+s21] =	stream.linear.scatter [tilespmem:s5], [sflag:$0x6], $0x1000, $0x200038;
	[tilespmem:$0xF368] =	vst v63  }
0x3a3: {  	_ =	swait.ge [sflag:s31], $0x1000  }
0x3a4: {  	[sflag:s31] =	ssyncset.done $0x0  }
0x3a5: {  	[sflag:s31] =	ssyncadd.s32 $0xFFFFF000  }
0x3a6: {  	_ =	swait.ge [sflag:s6], $0x1000  }
0x3a7: {  	s1 =	simm.s32 $0x528;
	[sflag:s6] =	ssyncset.done $0x0  }
0x3a8: {  	s2 =	simm.s32 $0xD388;
	s0 =	simm.s32 $0xFFFFFFFC;
	[sflag:s6] =	ssyncadd.s32 $0xFFFFF000  }
.LBB2_24:
0x3a9: {  	v5 =	vld [tilespmem:s1+$0xFFFFFFD0];
	_ =	sdelay $0x7  }
0x3aa: {  	v5 =	vld.idx.msk [tilespmem:v5+s15+$0x0], $0xffff;
	_ =	sdelay $0x4  }
0x3ab: {  	[tilespmem:s2+$0xFFFFFFE0] =	vst v5  }
0x3ac: {  	v5 =	vld [tilespmem:s1+$0xFFFFFFE0];
	_ =	sdelay $0x7  }
0x3ad: {  	v5 =	vld.idx.msk [tilespmem:v5+s15+$0x0], $0xffff;
	_ =	sdelay $0x4  }
0x3ae: {  	[tilespmem:s2+$0xFFFFFFF0] =	vst v5  }
0x3af: {  	v5 =	vld [tilespmem:s1+$0xFFFFFFF0];
	_ =	sdelay $0x7  }
0x3b0: {  	v5 =	vld.idx.msk [tilespmem:v5+s15+$0x0], $0xffff;
	_ =	sdelay $0x4  }
0x3b1: {  	[tilespmem:s2+$0x0] =	vst v5  }
0x3b2: {  	v5 =	vld [tilespmem:s1+$0x0];
	_ =	sdelay $0x6  }
0x3b3: {  	s0 =	sadd.s32 $0x4, s0  }
0x3b4: {  	p1 =	slt.u32 s0, $0xFC;
	v5 =	vld.idx.msk [tilespmem:v5+s15+$0x0], $0xffff  }
.Ltmp15:
0x3b5: {  	_ = 	snop;
	(pc) =	sbr.rel @p1 .LBB2_24-.Ltmp15, $2  }
0x3b6: {  	_ =	sdelay $0x2  }
0x3b7: {  	s1 =	sadd.s32 $0x40, s1;
	[tilespmem:s2+$0x10] =	vst v5;
	s2 =	sadd.s32 $0x40, s2  }
0x3b8: {  	s0 =	rddreg [dreg:$0x14]  }
0x3b9: {  	[hbm4b:s0+s21] =	stream.linear.scatter [tilespmem:s4], [sflag:$0x5], $0x1000, $0x200038;
	[tilespmem:$0xF368] =	vst v63  }
0x3ba: {  	_ =	swait.ge [sflag:s7], $0x1000  }
.Ltmp16:
0x3bb: {  	[sflag:s7] =	ssyncset.done $0x0;
	(pc) =	sbr.rel @!p0 .LBB2_26-.Ltmp16, $4  }
0x3bc: {  	[sflag:s7] =	ssyncadd.s32 $0xFFFFF000  }
0x3bd: {  	_ =	swait.ge [sflag:s6], $0x1000  }
0x3be: {  	[sflag:s6] =	ssyncset.done $0x0  }
0x3bf: {  	[sflag:s6] =	ssyncadd.s32 $0xFFFFF000  }
0x3c0: {  	s0 =	rddreg [dreg:$0x16];
	s1 =	simm.s32 $0x4F8  }
0x3c1: {  	[tilespmem:s1], [sflag:$0x7] =	stream.linear.gather [hbm4b:s0+s21], $0x9B8, $0x200038;
	[tilespmem:$0xF368] =	vst v63  }
0x3c2: {  	_ =	swait.ge [sflag:s3], $0x9B8  }
0x3c3: {  	s2 =	simm.s32 $0xD388;
	[sflag:s3] =	ssyncset.done $0x0  }
0x3c4: {  	s0 =	simm.s32 $0xFFFFFFFC;
	s1 =	simm.s32 $0x528;
	[sflag:s3] =	ssyncadd.s32 $0xFFFFF648  }
.LBB2_33:
0x3c5: {  	v5 =	vld [tilespmem:s1+$0xFFFFFFD0];
	_ =	sdelay $0x7  }
0x3c6: {  	v5 =	vld.idx.msk [tilespmem:v5+s15+$0x0], $0xffff;
	_ =	sdelay $0x4  }
0x3c7: {  	[tilespmem:s2+$0xFFFFFFE0] =	vst v5  }
0x3c8: {  	v5 =	vld [tilespmem:s1+$0xFFFFFFE0];
	_ =	sdelay $0x7  }
0x3c9: {  	v5 =	vld.idx.msk [tilespmem:v5+s15+$0x0], $0xffff;
	_ =	sdelay $0x4  }
0x3ca: {  	[tilespmem:s2+$0xFFFFFFF0] =	vst v5  }
0x3cb: {  	v5 =	vld [tilespmem:s1+$0xFFFFFFF0];
	_ =	sdelay $0x7  }
0x3cc: {  	v5 =	vld.idx.msk [tilespmem:v5+s15+$0x0], $0xffff;
	_ =	sdelay $0x4  }
0x3cd: {  	[tilespmem:s2+$0x0] =	vst v5  }
0x3ce: {  	v5 =	vld [tilespmem:s1+$0x0];
	_ =	sdelay $0x6  }
0x3cf: {  	s0 =	sadd.s32 $0x4, s0  }
0x3d0: {  	p1 =	slt.u32 s0, $0x94;
	v5 =	vld.idx.msk [tilespmem:v5+s15+$0x0], $0xffff  }
.Ltmp17:
0x3d1: {  	_ = 	snop;
	(pc) =	sbr.rel @p1 .LBB2_33-.Ltmp17, $2  }
0x3d2: {  	_ =	sdelay $0x2  }
0x3d3: {  	s1 =	sadd.s32 $0x40, s1;
	[tilespmem:s2+$0x10] =	vst v5;
	s2 =	sadd.s32 $0x40, s2  }
0x3d4: {  	v5 =	vld [tilespmem:$0xE78];
	_ =	sdelay $0x5  }
0x3d5: {  	v6 =	vld [tilespmem:$0xE88];
	_ =	sdelay $0x1  }
0x3d6: {  	v5 =	vld.idx.msk [tilespmem:v5+s15+$0x0], $0xffff;
	_ =	sdelay $0x3  }
0x3d7: {  	v7 =	vld [tilespmem:$0xE98]  }
0x3d8: {  	[tilespmem:$0xDCE8] =	vst v5  }
0x3d9: {  	v5 =	vld.idx.msk [tilespmem:v6+s15+$0x0], $0xffff;
	_ =	sdelay $0x4  }
0x3da: {  	[tilespmem:$0xDCF8] =	vst v5  }
0x3db: {  	v5 =	vld.idx.msk [tilespmem:v7+s15+$0x0], $0xffff;
	_ =	sdelay $0x4  }
.Ltmp18:
0x3dc: {  	s0 =	rddreg [dreg:$0x15];
	[tilespmem:$0xDD08] =	vst v5;
	(pc) =	sbr.rel .LBB2_35-.Ltmp18, $4  }
0x3dd: {  	[hbm4b:s0+s21] =	stream.linear.scatter [tilespmem:s4], [sflag:$0x7], $0x9B8, $0x200038;
	[tilespmem:$0xF368] =	vst v63  }
0x3de: {  	_ =	swait.ge [sflag:s3], $0x9B8  }
0x3df: {  	[sflag:s3] =	ssyncset.done $0x0  }
0x3e0: {  	s1 =	rddreg [dreg:$0x1d];
	[sflag:s3] =	ssyncadd.s32 $0xFFFFF648  }
.LBB2_26:
0x3e1: {  	s0 =	rddreg [dreg:$0x16];
	s1 =	simm.s32 $0x4F8  }
0x3e2: {  	[tilespmem:s1], [sflag:$0x7] =	stream.linear.gather [hbm4b:s0+s21], $0xA18, $0x200038;
	[tilespmem:$0xF368] =	vst v63  }
0x3e3: {  	_ =	swait.ge [sflag:s3], $0xA18  }
0x3e4: {  	s2 =	simm.s32 $0xD388;
	[sflag:s3] =	ssyncset.done $0x0  }
0x3e5: {  	s0 =	simm.s32 $0xFFFFFFFC;
	s1 =	simm.s32 $0x528;
	[sflag:s3] =	ssyncadd.s32 $0xFFFFF5E8  }
.LBB2_27:
0x3e6: {  	v5 =	vld [tilespmem:s1+$0xFFFFFFD0];
	_ =	sdelay $0x7  }
0x3e7: {  	v5 =	vld.idx.msk [tilespmem:v5+s15+$0x0], $0xffff;
	_ =	sdelay $0x4  }
0x3e8: {  	[tilespmem:s2+$0xFFFFFFE0] =	vst v5  }
0x3e9: {  	v5 =	vld [tilespmem:s1+$0xFFFFFFE0];
	_ =	sdelay $0x7  }
0x3ea: {  	v5 =	vld.idx.msk [tilespmem:v5+s15+$0x0], $0xffff;
	_ =	sdelay $0x4  }
0x3eb: {  	[tilespmem:s2+$0xFFFFFFF0] =	vst v5  }
0x3ec: {  	v5 =	vld [tilespmem:s1+$0xFFFFFFF0];
	_ =	sdelay $0x7  }
0x3ed: {  	v5 =	vld.idx.msk [tilespmem:v5+s15+$0x0], $0xffff;
	_ =	sdelay $0x4  }
0x3ee: {  	[tilespmem:s2+$0x0] =	vst v5  }
0x3ef: {  	v5 =	vld [tilespmem:s1+$0x0];
	_ =	sdelay $0x6  }
0x3f0: {  	s0 =	sadd.s32 $0x4, s0  }
0x3f1: {  	p1 =	slt.u32 s0, $0x9C;
	v5 =	vld.idx.msk [tilespmem:v5+s15+$0x0], $0xffff  }
.Ltmp19:
0x3f2: {  	_ = 	snop;
	(pc) =	sbr.rel @p1 .LBB2_27-.Ltmp19, $2  }
0x3f3: {  	_ =	sdelay $0x2  }
0x3f4: {  	s1 =	sadd.s32 $0x40, s1;
	[tilespmem:s2+$0x10] =	vst v5;
	s2 =	sadd.s32 $0x40, s2  }
0x3f5: {  	v5 =	vld [tilespmem:$0xEF8];
	_ =	sdelay $0x7  }
0x3f6: {  	v5 =	vld.idx.msk [tilespmem:v5+s15+$0x0], $0xffff;
	_ =	sdelay $0x4  }
.Ltmp20:
0x3f7: {  	s0 =	rddreg [dreg:$0x15];
	[tilespmem:$0xDD68] =	vst v5;
	(pc) =	sbr.rel .LBB2_35-.Ltmp20, $4  }
0x3f8: {  	[hbm4b:s0+s21] =	stream.linear.scatter [tilespmem:s4], [sflag:$0x7], $0xA18, $0x200038;
	[tilespmem:$0xF368] =	vst v63  }
0x3f9: {  	_ =	swait.ge [sflag:s3], $0xA18  }
0x3fa: {  	[sflag:s3] =	ssyncset.done $0x0  }
0x3fb: {  	s1 =	rddreg [dreg:$0x1d];
	[sflag:s3] =	ssyncadd.s32 $0xFFFFF5E8  }
.LBB2_36:
0x3fc: {  	_ =	sfence.sel $0x180000  }
0x3fd: {  	[bflag:$0x0] =	sbarrier.arrive $0xFFFF  }
0x3fe: {  	_ =	strace $0x90000047  }
0x3ff: {  	s0 =	stileid.u32;
	[bflag:$0x2] =	sbarrier.arrive $0xFFFF  }
0x400: {  	p0 =	sne.s32 s0, $0x0;
	s0 =	rddreg [dreg:$0x3]  }
0x401: {  	s0 =	sadd.s32 @!p0 $0x100000, s0  }
0x402: {  	[sflag:s0] =	ssyncadd.tile.s32 @!p0 $0x1;
	_ =	shalt  }
.Lfunc_end2:
_tile_overlayer_lowered:
.L_overlay_start_2:
0x403: {  	(tag) =	ssettag $0x2  }
0x404: {  	s0 =	rddreg [dreg:$0x0];
	s2 =	stileid.u32  }
0x405: {  	s1 =	rddreg [dreg:$0x1];
	p0 =	sne.s32 s2, $0x0  }
0x406: {  	s3 =	rddreg [dreg:$0x2];
	[bflag:$0x3] =	sbarrier.arrive $0xFFFF;
	s2 =	simm.s32 @!p0 $0x1C07  }
0x407: {  	[timem:s3], [sflag:s2] =	dma.local @!p0 [hbm:s0], s1  }
0x408: {  	s0 =	simm.s32 @!p0 $0x7  }
0x409: {  	_ =	swait.ge @!p0 [sflag:s0], s1  }
0x40a: {  	s1 =	ssub.s32 @!p0 $0x0, s1;
	[sflag:s0] =	ssyncset.done @!p0 $0x0  }
0x40b: {  	[sflag:s0] =	ssyncadd.s32 @!p0 s1  }
0x40c: {  	[bflag:$0x3] =	sbarrier.arrive $0xFFFF  }
0x40d: {  	_ =	shalt  }

</sc_bundles>
